<compile_context>
chip_gen: v7x
topology: tpu7x:2x2x1
jax: 0.10.2.dev20260603
libtpu: 0.0.44.dev20260713+nightly
codegen_flags: <defaults>
</compile_context>

<pallas_src>
import functools

import jax
import jax.numpy as jnp
from jax import lax
from jax.experimental import pallas as pl
from jax.experimental.pallas import tpu as pltpu
from jax.experimental.pallas import tpu_sc as plsc

KCAP = 4
DD = 32
D = 128
NB = 128
C = 2048
BIGC = 4
BIG = BIGC * C
ROUTE_ITERS = 6
SC_G = 512
SC_WORKERS = 32


def _sel(i, j):
    return (i == j).astype(jnp.float32)


def _mk_consts():
    w1 = _sel(lax.broadcasted_iota(jnp.int32, (D, D), 0) // KCAP,
              lax.broadcasted_iota(jnp.int32, (D, D), 1) % DD)
    g = _sel(lax.broadcasted_iota(jnp.int32, (D, KCAP), 0) // DD,
             lax.broadcasted_iota(jnp.int32, (D, KCAP), 1))
    gt = _sel(lax.broadcasted_iota(jnp.int32, (KCAP, D), 0),
              lax.broadcasted_iota(jnp.int32, (KCAP, D), 1) // DD)
    return w1, g, gt


def _group_normalize(v, g, gt):
    nrm2 = jnp.dot(v * v, g, preferred_element_type=jnp.float32)
    inv = 1.0 / jnp.maximum(jnp.sqrt(nrm2), 1e-12)
    return v * jnp.dot(inv, gt, preferred_element_type=jnp.float32)


def _norm_body(x_ref, o_ref):
    _, g, gt = _mk_consts()
    o_ref[...] = _group_normalize(x_ref[...], g, gt)


def _normalize(x_pad):
    return pl.pallas_call(
        _norm_body,
        out_shape=jax.ShapeDtypeStruct(x_pad.shape, jnp.float32),
    )(x_pad)


def _gather_rows(table, idx):
    mpad = idx.shape[0]
    per_w = mpad // SC_WORKERS
    nchunk = per_w // SC_G
    mesh = plsc.VectorSubcoreMesh(core_axis_name="c", subcore_axis_name="s")

    @functools.partial(
        pl.kernel,
        mesh=mesh,
        out_type=jax.ShapeDtypeStruct((mpad, D), jnp.float32),
        scratch_types=[
            pltpu.VMEM((SC_G,), jnp.int32),
            pltpu.VMEM((SC_G, D), jnp.float32),
            pltpu.SemaphoreType.DMA,
        ],
    )
    def sc_gather(table_hbm, idx_hbm, out_hbm, idx_v, rows_v, sem):
        wid = lax.axis_index("s") * 2 + lax.axis_index("c")
        base = wid * per_w

        @pl.loop(0, nchunk)
        def _(i):
            off = base + i * SC_G
            pltpu.sync_copy(idx_hbm.at[pl.ds(off, SC_G)], idx_v)
            pltpu.async_copy(table_hbm.at[idx_v], rows_v, sem).wait()
            pltpu.sync_copy(rows_v, out_hbm.at[pl.ds(off, SC_G)])

    return sc_gather(table, idx)


def _gsum(vt):
    return jnp.concatenate(
        [jnp.sum(vt[k * DD:(k + 1) * DD, :], axis=0, keepdims=True)
         for k in range(KCAP)], axis=0)


def _gexpand(v4):
    return jnp.concatenate(
        [jnp.broadcast_to(v4[k:k + 1, :], (DD, v4.shape[1]))
         for k in range(KCAP)], axis=0)


def _routing_body(starts_ref, xn_ref, z_hbm, trg_hbm, out_ref,
                  z_land, trg_land, s_land, strg_land,
                  z_buf, z16_buf, ot16_buf, dma_sem, pre_sem):
    b = pl.program_id(0)
    nblk = pl.num_programs(0)
    start = pl.multiple_of((starts_ref[b] // NB) * NB, NB)
    n_e = starts_ref[b + 1] - start
    nch = lax.div(n_e + (C - 1), C)
    npair = lax.div(nch + 1, 2)
    fits = n_e <= BIG

    w1t = _sel(lax.broadcasted_iota(jnp.int32, (D, D), 0) % DD,
               lax.broadcasted_iota(jnp.int32, (D, D), 1) // KCAP)
    base_n = b * NB
    iota_n = lax.broadcasted_iota(jnp.int32, (NB, C), 0) + base_n

    def prefetch_copies(bb, pp):
        st = pl.multiple_of((starts_ref[bb] // NB) * NB, NB)
        cps = []
        for i in range(BIGC):
            cps.append(pltpu.make_async_copy(
                z_hbm.at[pl.ds(st + i * C, C), :], z_land.at[pp, i], pre_sem))
            cps.append(pltpu.make_async_copy(
                trg_hbm.at[:, pl.ds(st + i * C, C)], trg_land.at[pp, i],
                pre_sem))
        return cps

    par = lax.rem(b, 2)

    @pl.when(b == 0)
    def _():
        for cp in prefetch_copies(b, par):
            cp.start()

    for cp in prefetch_copies(b, par):
        cp.wait()

    @pl.when(b + 1 < nblk)
    def _():
        for cp in prefetch_copies(b + 1, 1 - par):
            cp.start()

    for i in range(BIGC):
        z_t0 = jnp.transpose(z_land[par, i])
        z_buf[i] = z_t0
        z16_buf[i] = z_t0.astype(jnp.bfloat16)
        ot16_buf[i] = _sel(iota_n, trg_land[par, i]).astype(jnp.bfloat16)

    x_blk_t = jnp.transpose(xn_ref[...])
    c_t = x_blk_t

    for t in range(ROUTE_ITERS):
        cst_t16 = lax.dot_general(
            w1t, c_t, (((1,), (0,)), ((), ())),
            preferred_element_type=jnp.float32).astype(jnp.bfloat16)

        def chunk_math(slot, acc_t):
            z_t = z_buf[slot]
            z16 = z16_buf[slot]
            ot16 = ot16_buf[slot]
            csg_t = lax.dot_general(cst_t16, ot16, (((1,), (0,)), ((), ())),
                                    preferred_element_type=jnp.float32)
            p4 = _gsum(z_t * csg_t)
            e4 = jnp.exp(p4)
            p4n = (e4 / jnp.sum(e4, axis=0, keepdims=True)).astype(jnp.bfloat16)
            w16 = _gexpand(p4n) * z16
            return acc_t + lax.dot_general(
                w16, ot16, (((1,), (1,)), ((), ())),
                preferred_element_type=jnp.float32)

        def pair_body(j, acc_t):
            i0 = 2 * j
            s0 = jnp.where(fits, i0, 0)
            s1 = jnp.where(fits, i0 + 1, 1)

            def stream_dma():
                cps = []
                for li, ii in ((0, i0), (1, i0 + 1)):
                    cps.append(pltpu.make_async_copy(
                        z_hbm.at[pl.ds(start + ii * C, C), :],
                        s_land.at[li], dma_sem))
                    cps.append(pltpu.make_async_copy(
                        trg_hbm.at[:, pl.ds(start + ii * C, C)],
                        strg_land.at[li], dma_sem))
                for cp in cps:
                    cp.start()
                for cp in cps:
                    cp.wait()
                for li, sl in ((0, s0), (1, s1)):
                    z_t = jnp.transpose(s_land[li])
                    z_buf[sl] = z_t
                    z16_buf[sl] = z_t.astype(jnp.bfloat16)
                    ot16_buf[sl] = _sel(iota_n, strg_land[li]).astype(
                        jnp.bfloat16)

            pl.when(jnp.logical_not(fits))(stream_dma)
            acc_t = chunk_math(s0, acc_t)
            return chunk_math(s1, acc_t)

        acc0 = jnp.zeros((D, NB), jnp.float32)
        acc_t = lax.fori_loop(0, npair, pair_body, acc0)
        c_t = x_blk_t + acc_t
        if t < ROUTE_ITERS - 1:
            nrm2 = _gsum(c_t * c_t)
            inv = 1.0 / jnp.maximum(jnp.sqrt(nrm2), 1e-12)
            c_t = c_t * _gexpand(inv)

    out_ref[...] = jnp.transpose(c_t)


def _routing(starts, xn_pad, z, trg_pad2d, npad):
    grid_spec = pltpu.PrefetchScalarGridSpec(
        num_scalar_prefetch=1,
        grid=(npad // NB,),
        in_specs=[
            pl.BlockSpec((NB, D), lambda b, s: (b, 0)),
            pl.BlockSpec(memory_space=pl.ANY),
            pl.BlockSpec(memory_space=pl.ANY),
        ],
        out_specs=pl.BlockSpec((NB, D), lambda b, s: (b, 0)),
        scratch_shapes=[
            pltpu.VMEM((2, BIGC, C, D), jnp.float32),
            pltpu.VMEM((2, BIGC, 1, C), jnp.int32),
            pltpu.VMEM((2, C, D), jnp.float32),
            pltpu.VMEM((2, 1, C), jnp.int32),
            pltpu.VMEM((BIGC, D, C), jnp.float32),
            pltpu.VMEM((BIGC, D, C), jnp.bfloat16),
            pltpu.VMEM((BIGC, NB, C), jnp.bfloat16),
            pltpu.SemaphoreType.DMA,
            pltpu.SemaphoreType.DMA,
        ],
    )
    return pl.pallas_call(
        _routing_body,
        grid_spec=grid_spec,
        out_shape=jax.ShapeDtypeStruct((npad, D), jnp.float32),
        compiler_params=pltpu.CompilerParams(
            dimension_semantics=("arbitrary",)),
    )(starts, xn_pad, z, trg_pad2d)


def kernel(x, edge_index):
    n, d = x.shape
    assert d == D
    src = edge_index[0]
    trg = edge_index[1]
    m = src.shape[0]

    nblk = -(-n // NB)
    npad = nblk * NB
    sc_quant = SC_WORKERS * SC_G
    mpad = -(-(m + BIG) // sc_quant) * sc_quant

    trg_s, src_s = lax.sort((trg, src), num_keys=1, is_stable=False)
    bounds = (jnp.arange(nblk + 1, dtype=jnp.int32) * NB)
    starts = jnp.searchsorted(trg_s, bounds, side="left").astype(jnp.int32)

    pad_m = mpad - m
    src_pad = jnp.concatenate(
        [src_s, (jnp.arange(pad_m, dtype=jnp.int32) % n)])
    trg_pad = jnp.concatenate(
        [trg_s, jnp.full((pad_m,), npad, jnp.int32)]).reshape(1, mpad)

    x_pad = jnp.pad(x, ((0, npad - n), (0, 0)))
    xn_pad = _normalize(x_pad)
    z = _gather_rows(xn_pad, src_pad)
    c = _routing(starts, xn_pad, z, trg_pad, npad)
    return c[:n]

# --- scband reference (transcript-rebuilt; emitter-appended) ---
"""Pipeline reference for scband-routing-layer-63728724738084 (READ-ONLY COPY).

The authoritative reference and input builder live on the scoring server;
editing this copy changes nothing except your own understanding.
"""

import jax, jax.numpy as jnp
import numpy as np

K = 4
ROUTIT = 6
DIM = 128
TAU = 1.0
N_NODES = 10000
N_EDGES = 320000


def _normalize_axis2(v):
    # matches torch.nn.functional.normalize(v, p=2, dim=2, eps=1e-12)
    nrm = jnp.sqrt(jnp.sum(v * v, axis=2, keepdims=True))
    return v / jnp.maximum(nrm, 1e-12)


def setup_inputs(seed: int = 0) -> dict:
    key = jax.random.key(seed)
    k1, k2 = jax.random.split(key)
    x = jax.random.normal(k1, (N_NODES, DIM), dtype=jnp.float32)
    edge_index = jax.random.randint(k2, (2, N_EDGES), 0, N_NODES, dtype=jnp.int32)
    return {"x": x, "edge_index": edge_index}


def reference(x, edge_index):
    src = edge_index[0]
    trg = edge_index[1]
    m = src.shape[0]
    n, d = x.shape
    k = K
    delta_d = d // k
    x = _normalize_axis2(x.reshape(n, k, delta_d)).reshape(n, d)
    z = jnp.take(x, src, axis=0).reshape(m, k, delta_d)
    c = x
    for t in range(ROUTIT):
        # c[trg] is (m, d); raw reshape to (m, delta_d, k) exactly as torch .view
        p = jnp.matmul(z, jnp.take(c, trg, axis=0).reshape(m, delta_d, k)).sum(axis=2)
        p = jax.nn.softmax(p / TAU, axis=1)
        # torch: p.view(-1,1).repeat(1,delta_d).view(m,k,delta_d) == broadcast over last dim
        p = p[:, :, None]
        weight_sum = (p * z).reshape(m, d)
        c = jnp.zeros((n, d), dtype=x.dtype).at[trg].add(weight_sum)
        c = c + x
        if t < ROUTIT - 1:
            c = _normalize_axis2(c.reshape(n, k, delta_d)).reshape(n, d)
    return c

if __name__ == "__main__":
    import jax
    _d = setup_inputs()
    print(jax.jit(kernel)(*tuple(_d.values())))

</pallas_src>

<mosaic_0001>
#map = affine_map<(d0, d1) -> (0, 0)>
#map1 = affine_map<(d0, d1) -> (0)>
module attributes {stable_mosaic.version = 14 : i64} {
  func.func @sc_gather(%arg0: i32, %arg1: i32, %arg2: memref<10112x128xf32, #tpu.memory_space<hbm>>, %arg3: memref<344064xi32, #tpu.memory_space<hbm>>, %arg4: memref<344064x128xf32, #tpu.memory_space<hbm>>, %arg5: memref<512xi32, #tpu.memory_space<vmem>>, %arg6: memref<512x128xf32, #tpu.memory_space<vmem>>, %arg7: memref<!tpu.dma_semaphore, #tpu.memory_space<semaphore_mem>>) attributes {dimension_semantics = [#tpu.dimension_semantics<core_parallel>, #tpu.dimension_semantics<subcore_parallel>], iteration_bounds = array<i64: 2, 16>, scalar_prefetch = 0 : i64, scratch_operands = 3 : i64, tpu.core_type = #tpu.core_type<sc_vector_subcore>, window_params = [{transform_indices = #map}, {transform_indices = #map1}, {transform_indices = #map}]} {
    %mul3A = arith.constant 2 : i32
    %mul3A_0 = arith.muli %arg1, %mul3A : i32
    %add3A = arith.addi %mul3A_0, %arg0 : i32
    %mul3A_1 = arith.constant 10752 : i32
    %mul3A_2 = arith.muli %add3A, %mul3A_1 : i32
    %scan3A = arith.constant 0 : i32
    %scan3A_3 = arith.constant 21 : i32
    %scan3A_4 = arith.addi %scan3A, %scan3A_3 : i32
    %scan3A_5 = arith.constant 1 : i32
    scf.for %scan3A_7 = %scan3A to %scan3A_4 step %scan3A_5  : i32 {
      %mul3A_8 = arith.constant 1 : i32
      %mul3A_9 = arith.muli %scan3A_7, %mul3A_8 : i32
      %add3A_10 = arith.constant 0 : i32
      %add3A_11 = arith.addi %add3A_10, %mul3A_9 : i32
      %mul3A_12 = arith.constant 512 : i32
      %mul3A_13 = arith.muli %add3A_11, %mul3A_12 : i32
      %add3A_14 = arith.addi %mul3A_2, %mul3A_13 : i32
      "tpu.region"() ({
        %run_scoped3A = tpu.sem_alloc : memref<!tpu.dma_semaphore, #tpu.memory_space<semaphore_mem>>
        %dma_start3A_19 = tpu.memref_slice %arg3[%add3A_14] : memref<344064xi32, #tpu.memory_space<hbm>> -> memref<512xi32, #tpu.memory_space<hbm>>
        %dma_start3A_20 = tpu.memref_slice %arg3[%add3A_14] : memref<344064xi32, #tpu.memory_space<hbm>> -> memref<512xi32, #tpu.memory_space<hbm>>
        tpu.enqueue_dma source(%dma_start3A_20 : memref<512xi32, #tpu.memory_space<hbm>>) target(%arg5 : memref<512xi32, #tpu.memory_space<vmem>>) target_semaphore(%run_scoped3A : memref<!tpu.dma_semaphore, #tpu.memory_space<semaphore_mem>>)
        %dma_wait3A_21 = tpu.memref_slice %arg3[%add3A_14] : memref<344064xi32, #tpu.memory_space<hbm>> -> memref<512xi32, #tpu.memory_space<hbm>>
        %dma_wait3A_22 = tpu.memref_slice %arg3[%add3A_14] : memref<344064xi32, #tpu.memory_space<hbm>> -> memref<512xi32, #tpu.memory_space<hbm>>
        tpu.wait_dma2 semaphore(%run_scoped3A : memref<!tpu.dma_semaphore, #tpu.memory_space<semaphore_mem>>) src(%dma_wait3A_22 : memref<512xi32, #tpu.memory_space<hbm>>) dst(%arg5 : memref<512xi32, #tpu.memory_space<vmem>>)
        tpu.yield
      }) : () -> ()
      %dma_start3A = arith.constant 0 : i32
      %dma_start3A_15 = arith.constant 0 : i32
      %dma_start3A_16 = tpu.memref_slice %arg2[%dma_start3A, %dma_start3A_15] : memref<10112x128xf32, #tpu.memory_space<hbm>> -> memref<10112x128xf32, #tpu.memory_space<hbm>>
      tpu.enqueue_indirect_dma source(%dma_start3A_16 : memref<10112x128xf32, #tpu.memory_space<hbm>>) target(%arg6 : memref<512x128xf32, #tpu.memory_space<vmem>>) offsets(%arg5 : memref<512xi32, #tpu.memory_space<vmem>>) semaphore(%arg7 : memref<!tpu.dma_semaphore, #tpu.memory_space<semaphore_mem>>)
      %dma_wait3A = arith.constant 0 : i32
      %dma_wait3A_17 = arith.constant 0 : i32
      %dma_wait3A_18 = tpu.memref_slice %arg2[%dma_wait3A, %dma_wait3A_17] : memref<10112x128xf32, #tpu.memory_space<hbm>> -> memref<10112x128xf32, #tpu.memory_space<hbm>>
      tpu.wait_indirect_dma semaphore(%arg7 : memref<!tpu.dma_semaphore, #tpu.memory_space<semaphore_mem>>) src(%dma_wait3A_18 : memref<10112x128xf32, #tpu.memory_space<hbm>>) dst(%arg6 : memref<512x128xf32, #tpu.memory_space<vmem>>)
      "tpu.region"() ({
        %run_scoped3A = tpu.sem_alloc : memref<!tpu.dma_semaphore, #tpu.memory_space<semaphore_mem>>
        %dma_start3A_19 = arith.constant 0 : i32
        %dma_start3A_20 = tpu.memref_slice %arg4[%add3A_14, %dma_start3A_19] : memref<344064x128xf32, #tpu.memory_space<hbm>> -> memref<512x128xf32, #tpu.memory_space<hbm>>
        %dma_start3A_21 = arith.constant 0 : i32
        %dma_start3A_22 = tpu.memref_slice %arg4[%add3A_14, %dma_start3A_21] : memref<344064x128xf32, #tpu.memory_space<hbm>> -> memref<512x128xf32, #tpu.memory_space<hbm>>
        tpu.enqueue_dma source(%arg6 : memref<512x128xf32, #tpu.memory_space<vmem>>) target(%dma_start3A_22 : memref<512x128xf32, #tpu.memory_space<hbm>>) target_semaphore(%run_scoped3A : memref<!tpu.dma_semaphore, #tpu.memory_space<semaphore_mem>>)
        %dma_wait3A_23 = arith.constant 0 : i32
        %dma_wait3A_24 = tpu.memref_slice %arg4[%add3A_14, %dma_wait3A_23] : memref<344064x128xf32, #tpu.memory_space<hbm>> -> memref<512x128xf32, #tpu.memory_space<hbm>>
        %dma_wait3A_25 = arith.constant 0 : i32
        %dma_wait3A_26 = tpu.memref_slice %arg4[%add3A_14, %dma_wait3A_25] : memref<344064x128xf32, #tpu.memory_space<hbm>> -> memref<512x128xf32, #tpu.memory_space<hbm>>
        tpu.wait_dma2 semaphore(%run_scoped3A : memref<!tpu.dma_semaphore, #tpu.memory_space<semaphore_mem>>) src(%arg6 : memref<512x128xf32, #tpu.memory_space<vmem>>) dst(%dma_wait3A_26 : memref<512x128xf32, #tpu.memory_space<hbm>>)
        tpu.yield
      }) : () -> ()
    }
    %scan3A_6 = arith.constant 21 : i32
    return
  }
}

module attributes {stable_mosaic.version = 14 : i64} {
  func.func @_norm_body(%arg0: memref<10112x128xf32, #tpu.memory_space<vmem>>, %arg1: memref<10112x128xf32, #tpu.memory_space<vmem>>) attributes {dimension_semantics = [], scalar_prefetch = 0 : i64, scratch_operands = 0 : i64, tpu.core_type = #tpu.core_type<tc>} {
    %iota3A = tpu.iota {dimensions = array<i32: 0>} : vector<128x4xi32>
    %jit3A = arith.constant 32 : i32
    %div3A = vector.broadcast %jit3A : i32 to vector<128x4xi32>
    %div3A_0 = arith.divsi %iota3A, %div3A : vector<128x4xi32>
    %sign3A = arith.constant 0 : i32
    %sign3A_1 = vector.broadcast %sign3A : i32 to vector<128x4xi32>
    %sign3A_2 = arith.cmpi sgt, %iota3A, %sign3A_1 : vector<128x4xi32>
    %sign3A_3 = arith.extui %sign3A_2 : vector<128x4xi1> to vector<128x4xi32>
    %sign3A_4 = arith.constant 0 : i32
    %sign3A_5 = vector.broadcast %sign3A_4 : i32 to vector<128x4xi32>
    %sign3A_6 = arith.cmpi slt, %iota3A, %sign3A_5 : vector<128x4xi32>
    %sign3A_7 = arith.extui %sign3A_6 : vector<128x4xi1> to vector<128x4xi32>
    %sign3A_8 = arith.subi %sign3A_3, %sign3A_7 : vector<128x4xi32>
    %sign3A_9 = arith.constant 0 : i32
    %sign3A_10 = arith.cmpi sgt, %jit3A, %sign3A_9 : i32
    %sign3A_11 = arith.extui %sign3A_10 : i1 to i32
    %sign3A_12 = arith.constant 0 : i32
    %sign3A_13 = arith.cmpi slt, %jit3A, %sign3A_12 : i32
    %sign3A_14 = arith.extui %sign3A_13 : i1 to i32
    %sign3A_15 = arith.subi %sign3A_11, %sign3A_14 : i32
    %ne3A = vector.broadcast %sign3A_15 : i32 to vector<128x4xi32>
    %ne3A_16 = arith.cmpi ne, %sign3A_8, %ne3A : vector<128x4xi32>
    %rem3A = vector.broadcast %jit3A : i32 to vector<128x4xi32>
    %rem3A_17 = arith.remsi %iota3A, %rem3A : vector<128x4xi32>
    %ne3A_18 = arith.constant 0 : i32
    %ne3A_19 = vector.broadcast %ne3A_18 : i32 to vector<128x4xi32>
    %ne3A_20 = arith.cmpi ne, %rem3A_17, %ne3A_19 : vector<128x4xi32>
    %and3A = arith.andi %ne3A_16, %ne3A_20 : vector<128x4xi1>
    %sub3A = arith.constant 1 : i32
    %sub3A_21 = vector.broadcast %sub3A : i32 to vector<128x4xi32>
    %sub3A_22 = arith.subi %div3A_0, %sub3A_21 : vector<128x4xi32>
    %select_n3A = arith.select %and3A, %sub3A_22, %div3A_0 : vector<128x4xi1>, vector<128x4xi32>
    %iota3A_23 = tpu.iota {dimensions = array<i32: 1>} : vector<128x4xi32>
    %eq3A = arith.cmpi eq, %select_n3A, %iota3A_23 : vector<128x4xi32>
    %convert_element_type3A = arith.extui %eq3A : vector<128x4xi1> to vector<128x4xi32>
    %convert_element_type3A_24 = arith.sitofp %convert_element_type3A : vector<128x4xi32> to vector<128x4xf32>
    %iota3A_25 = tpu.iota {dimensions = array<i32: 0>} : vector<4x128xi32>
    %iota3A_26 = tpu.iota {dimensions = array<i32: 1>} : vector<4x128xi32>
    %jit3A_27 = arith.constant 32 : i32
    %div3A_28 = vector.broadcast %jit3A_27 : i32 to vector<4x128xi32>
    %div3A_29 = arith.divsi %iota3A_26, %div3A_28 : vector<4x128xi32>
    %sign3A_30 = arith.constant 0 : i32
    %sign3A_31 = vector.broadcast %sign3A_30 : i32 to vector<4x128xi32>
    %sign3A_32 = arith.cmpi sgt, %iota3A_26, %sign3A_31 : vector<4x128xi32>
    %sign3A_33 = arith.extui %sign3A_32 : vector<4x128xi1> to vector<4x128xi32>
    %sign3A_34 = arith.constant 0 : i32
    %sign3A_35 = vector.broadcast %sign3A_34 : i32 to vector<4x128xi32>
    %sign3A_36 = arith.cmpi slt, %iota3A_26, %sign3A_35 : vector<4x128xi32>
    %sign3A_37 = arith.extui %sign3A_36 : vector<4x128xi1> to vector<4x128xi32>
    %sign3A_38 = arith.subi %sign3A_33, %sign3A_37 : vector<4x128xi32>
    %sign3A_39 = arith.constant 0 : i32
    %sign3A_40 = arith.cmpi sgt, %jit3A_27, %sign3A_39 : i32
    %sign3A_41 = arith.extui %sign3A_40 : i1 to i32
    %sign3A_42 = arith.constant 0 : i32
    %sign3A_43 = arith.cmpi slt, %jit3A_27, %sign3A_42 : i32
    %sign3A_44 = arith.extui %sign3A_43 : i1 to i32
    %sign3A_45 = arith.subi %sign3A_41, %sign3A_44 : i32
    %ne3A_46 = vector.broadcast %sign3A_45 : i32 to vector<4x128xi32>
    %ne3A_47 = arith.cmpi ne, %sign3A_38, %ne3A_46 : vector<4x128xi32>
    %rem3A_48 = vector.broadcast %jit3A_27 : i32 to vector<4x128xi32>
    %rem3A_49 = arith.remsi %iota3A_26, %rem3A_48 : vector<4x128xi32>
    %ne3A_50 = arith.constant 0 : i32
    %ne3A_51 = vector.broadcast %ne3A_50 : i32 to vector<4x128xi32>
    %ne3A_52 = arith.cmpi ne, %rem3A_49, %ne3A_51 : vector<4x128xi32>
    %and3A_53 = arith.andi %ne3A_47, %ne3A_52 : vector<4x128xi1>
    %sub3A_54 = arith.constant 1 : i32
    %sub3A_55 = vector.broadcast %sub3A_54 : i32 to vector<4x128xi32>
    %sub3A_56 = arith.subi %div3A_29, %sub3A_55 : vector<4x128xi32>
    %select_n3A_57 = arith.select %and3A_53, %sub3A_56, %div3A_29 : vector<4x128xi1>, vector<4x128xi32>
    %eq3A_58 = arith.cmpi eq, %iota3A_25, %select_n3A_57 : vector<4x128xi32>
    %convert_element_type3A_59 = arith.extui %eq3A_58 : vector<4x128xi1> to vector<4x128xi32>
    %convert_element_type3A_60 = arith.sitofp %convert_element_type3A_59 : vector<4x128xi32> to vector<4x128xf32>
    %get3A = arith.constant 0 : index
    %get3A_61 = arith.constant 0 : index
    %get3A_62 = vector.load %arg0[%get3A, %get3A_61] : memref<10112x128xf32, #tpu.memory_space<vmem>>, vector<10112x128xf32>
    %mul3A = arith.mulf %get3A_62, %get3A_62 : vector<10112x128xf32>
    %dot_general3A = arith.constant dense<0.000000e+00> : vector<10112x4xf32>
    %dot_general3A_63 = tpu.matmul %mul3A, %convert_element_type3A_24, %dot_general3A {dimension_numbers = #tpu.dot_dimension_numbers<[1], [0], [0], [1], [0, 0, 1, 1], [], []>, transpose_lhs_hint = false} : vector<10112x128xf32>, vector<128x4xf32>, vector<10112x4xf32> -> vector<10112x4xf32>
    %sqrt3A = math.sqrt %dot_general3A_63 : vector<10112x4xf32>
    %max3A = arith.constant 9.99999996E-13 : f32
    %max3A_64 = vector.broadcast %max3A : f32 to vector<10112x4xf32>
    %max3A_65 = arith.maximumf %sqrt3A, %max3A_64 : vector<10112x4xf32>
    %div3A_66 = arith.constant 1.000000e+00 : f32
    %div3A_67 = vector.broadcast %div3A_66 : f32 to vector<10112x4xf32>
    %div3A_68 = arith.divf %div3A_67, %max3A_65 : vector<10112x4xf32>
    %dot_general3A_69 = arith.constant dense<0.000000e+00> : vector<10112x128xf32>
    %dot_general3A_70 = tpu.matmul %div3A_68, %convert_element_type3A_60, %dot_general3A_69 {dimension_numbers = #tpu.dot_dimension_numbers<[1], [0], [0], [1], [0, 0, 1, 1], [], []>, transpose_lhs_hint = false} : vector<10112x4xf32>, vector<4x128xf32>, vector<10112x128xf32> -> vector<10112x128xf32>
    %mul3A_71 = arith.mulf %get3A_62, %dot_general3A_70 : vector<10112x128xf32>
    %swap3A = arith.constant 0 : index
    %swap3A_72 = arith.constant 0 : index
    %swap3A_73 = vector.load %arg1[%swap3A, %swap3A_72] : memref<10112x128xf32, #tpu.memory_space<vmem>>, vector<10112x128xf32>
    tpu.vector_store %arg1[%swap3A, %swap3A_72], %mul3A_71 {strides = array<i32>} : memref<10112x128xf32, #tpu.memory_space<vmem>>, vector<10112x128xf32>,
    return
  }
}

module attributes {stable_mosaic.version = 14 : i64} {
  func.func @_routing_body(%arg0: i32, %arg1: memref<80xi32, #tpu.memory_space<smem>>, %arg2: memref<128x128xf32, #tpu.memory_space<vmem>>, %arg3: memref<344064x128xf32, #tpu.memory_space<any>>, %arg4: memref<1x344064xi32, #tpu.memory_space<any>>, %arg5: memref<128x128xf32, #tpu.memory_space<vmem>>, %arg6: memref<2x4x2048x128xf32, #tpu.memory_space<vmem>>, %arg7: memref<2x4x1x2048xi32, #tpu.memory_space<vmem>>, %arg8: memref<2x2048x128xf32, #tpu.memory_space<vmem>>, %arg9: memref<2x1x2048xi32, #tpu.memory_space<vmem>>, %arg10: memref<4x128x2048xf32, #tpu.memory_space<vmem>>, %arg11: memref<4x128x2048xbf16, #tpu.memory_space<vmem>>, %arg12: memref<4x128x2048xbf16, #tpu.memory_space<vmem>>, %arg13: memref<!tpu.dma_semaphore, #tpu.memory_space<semaphore_mem>>, %arg14: memref<!tpu.dma_semaphore, #tpu.memory_space<semaphore_mem>>) attributes {dimension_semantics = [#tpu.dimension_semantics<arbitrary>], iteration_bounds = array<i64: 79>, scalar_prefetch = 1 : i64, scratch_operands = 9 : i64, tpu.core_type = #tpu.core_type<tc>, window_params = [{transform_indices = @transform_0, window_bounds = array<i64: 128, 128>}, {}, {}, {transform_indices = @transform_3, window_bounds = array<i64: 128, 128>}]} {
    %get3A = arith.index_cast %arg0 : i32 to index
    %get3A_0 = memref.load %arg1[%get3A] : memref<80xi32, #tpu.memory_space<smem>>
    %jit3A = arith.constant 128 : i32
    %div3A = arith.divsi %get3A_0, %jit3A : i32
    %sign3A = arith.constant 0 : i32
    %sign3A_1 = arith.cmpi sgt, %get3A_0, %sign3A : i32
    %sign3A_2 = arith.extui %sign3A_1 : i1 to i32
    %sign3A_3 = arith.constant 0 : i32
    %sign3A_4 = arith.cmpi slt, %get3A_0, %sign3A_3 : i32
    %sign3A_5 = arith.extui %sign3A_4 : i1 to i32
    %sign3A_6 = arith.subi %sign3A_2, %sign3A_5 : i32
    %sign3A_7 = arith.constant 0 : i32
    %sign3A_8 = arith.cmpi sgt, %jit3A, %sign3A_7 : i32
    %sign3A_9 = arith.extui %sign3A_8 : i1 to i32
    %sign3A_10 = arith.constant 0 : i32
    %sign3A_11 = arith.cmpi slt, %jit3A, %sign3A_10 : i32
    %sign3A_12 = arith.extui %sign3A_11 : i1 to i32
    %sign3A_13 = arith.subi %sign3A_9, %sign3A_12 : i32
    %ne3A = arith.cmpi ne, %sign3A_6, %sign3A_13 : i32
    %rem3A = arith.remsi %get3A_0, %jit3A : i32
    %ne3A_14 = arith.constant 0 : i32
    %ne3A_15 = arith.cmpi ne, %rem3A, %ne3A_14 : i32
    %and3A = arith.andi %ne3A, %ne3A_15 : i1
    %sub3A = arith.constant 1 : i32
    %sub3A_16 = arith.subi %div3A, %sub3A : i32
    %select_n3A = arith.select %and3A, %sub3A_16, %div3A : i32
    %mul3A = arith.constant 128 : i32
    %mul3A_17 = arith.muli %select_n3A, %mul3A : i32
    %multiple_of3A = tpu.assume_multiple %mul3A_17, 128 : i32
    %add3A = arith.constant 1 : i32
    %add3A_18 = arith.addi %arg0, %add3A : i32
    %get3A_19 = arith.index_cast %add3A_18 : i32 to index
    %get3A_20 = memref.load %arg1[%get3A_19] : memref<80xi32, #tpu.memory_space<smem>>
    %sub3A_21 = arith.subi %get3A_20, %multiple_of3A : i32
    %add3A_22 = arith.constant 2047 : i32
    %add3A_23 = arith.addi %sub3A_21, %add3A_22 : i32
    %div3A_24 = arith.constant 2048 : i32
    %div3A_25 = arith.divsi %add3A_23, %div3A_24 : i32
    %add3A_26 = arith.constant 1 : i32
    %add3A_27 = arith.addi %div3A_25, %add3A_26 : i32
    %div3A_28 = arith.constant 2 : i32
    %div3A_29 = arith.divsi %add3A_27, %div3A_28 : i32
    %le3A = arith.constant 8192 : i32
    %le3A_30 = arith.cmpi sle, %sub3A_21, %le3A : i32
    %iota3A = tpu.iota {dimensions = array<i32: 0>} : vector<128x128xi32>
    %jit3A_31 = arith.constant 32 : i32
    %eq3A = arith.constant 0 : i32
    %eq3A_32 = arith.cmpi eq, %jit3A_31, %eq3A : i32
    %jit3A_33 = arith.constant 1 : i32
    %select_n3A_34 = arith.select %eq3A_32, %jit3A_33, %jit3A_31 : i32
    %rem3A_35 = vector.broadcast %select_n3A_34 : i32 to vector<128x128xi32>
    %rem3A_36 = arith.remsi %iota3A, %rem3A_35 : vector<128x128xi32>
    %ne3A_37 = arith.constant 0 : i32
    %ne3A_38 = vector.broadcast %ne3A_37 : i32 to vector<128x128xi32>
    %ne3A_39 = arith.cmpi ne, %rem3A_36, %ne3A_38 : vector<128x128xi32>
    %lt3A = arith.constant 0 : i32
    %lt3A_40 = vector.broadcast %lt3A : i32 to vector<128x128xi32>
    %lt3A_41 = arith.cmpi slt, %rem3A_36, %lt3A_40 : vector<128x128xi32>
    %lt3A_42 = arith.constant 0 : i32
    %lt3A_43 = arith.cmpi slt, %select_n3A_34, %lt3A_42 : i32
    %ne3A_44 = vector.broadcast %lt3A_43 : i1 to vector<128x128xi1>
    %ne3A_45 = vector.broadcast %ne3A_44 : vector<128x128xi1> to vector<128x128xi1>
    %ne3A_46 = arith.xori %lt3A_41, %ne3A_45 : vector<128x128xi1>
    %and3A_47 = arith.andi %ne3A_46, %ne3A_39 : vector<128x128xi1>
    %add3A_48 = vector.broadcast %select_n3A_34 : i32 to vector<128x128xi32>
    %add3A_49 = arith.addi %rem3A_36, %add3A_48 : vector<128x128xi32>
    %select_n3A_50 = arith.select %and3A_47, %add3A_49, %rem3A_36 : vector<128x128xi1>, vector<128x128xi32>
    %iota3A_51 = tpu.iota {dimensions = array<i32: 1>} : vector<128x128xi32>
    %jit3A_52 = arith.constant 4 : i32
    %div3A_53 = vector.broadcast %jit3A_52 : i32 to vector<128x128xi32>
    %div3A_54 = arith.divsi %iota3A_51, %div3A_53 : vector<128x128xi32>
    %sign3A_55 = arith.constant 0 : i32
    %sign3A_56 = vector.broadcast %sign3A_55 : i32 to vector<128x128xi32>
    %sign3A_57 = arith.cmpi sgt, %iota3A_51, %sign3A_56 : vector<128x128xi32>
    %sign3A_58 = arith.extui %sign3A_57 : vector<128x128xi1> to vector<128x128xi32>
    %sign3A_59 = arith.constant 0 : i32
    %sign3A_60 = vector.broadcast %sign3A_59 : i32 to vector<128x128xi32>
    %sign3A_61 = arith.cmpi slt, %iota3A_51, %sign3A_60 : vector<128x128xi32>
    %sign3A_62 = arith.extui %sign3A_61 : vector<128x128xi1> to vector<128x128xi32>
    %sign3A_63 = arith.subi %sign3A_58, %sign3A_62 : vector<128x128xi32>
    %sign3A_64 = arith.constant 0 : i32
    %sign3A_65 = arith.cmpi sgt, %jit3A_52, %sign3A_64 : i32
    %sign3A_66 = arith.extui %sign3A_65 : i1 to i32
    %sign3A_67 = arith.constant 0 : i32
    %sign3A_68 = arith.cmpi slt, %jit3A_52, %sign3A_67 : i32
    %sign3A_69 = arith.extui %sign3A_68 : i1 to i32
    %sign3A_70 = arith.subi %sign3A_66, %sign3A_69 : i32
    %ne3A_71 = vector.broadcast %sign3A_70 : i32 to vector<128x128xi32>
    %ne3A_72 = arith.cmpi ne, %sign3A_63, %ne3A_71 : vector<128x128xi32>
    %rem3A_73 = vector.broadcast %jit3A_52 : i32 to vector<128x128xi32>
    %rem3A_74 = arith.remsi %iota3A_51, %rem3A_73 : vector<128x128xi32>
    %ne3A_75 = arith.constant 0 : i32
    %ne3A_76 = vector.broadcast %ne3A_75 : i32 to vector<128x128xi32>
    %ne3A_77 = arith.cmpi ne, %rem3A_74, %ne3A_76 : vector<128x128xi32>
    %and3A_78 = arith.andi %ne3A_72, %ne3A_77 : vector<128x128xi1>
    %sub3A_79 = arith.constant 1 : i32
    %sub3A_80 = vector.broadcast %sub3A_79 : i32 to vector<128x128xi32>
    %sub3A_81 = arith.subi %div3A_54, %sub3A_80 : vector<128x128xi32>
    %select_n3A_82 = arith.select %and3A_78, %sub3A_81, %div3A_54 : vector<128x128xi1>, vector<128x128xi32>
    %eq3A_83 = arith.cmpi eq, %select_n3A_50, %select_n3A_82 : vector<128x128xi32>
    %convert_element_type3A = arith.extui %eq3A_83 : vector<128x128xi1> to vector<128x128xi32>
    %convert_element_type3A_84 = arith.sitofp %convert_element_type3A : vector<128x128xi32> to vector<128x128xf32>
    %mul3A_85 = arith.constant 128 : i32
    %mul3A_86 = arith.muli %arg0, %mul3A_85 : i32
    %iota3A_87 = tpu.iota {dimensions = array<i32: 0>} : vector<128x2048xi32>
    %add3A_88 = vector.broadcast %mul3A_86 : i32 to vector<128x2048xi32>
    %add3A_89 = arith.addi %iota3A_87, %add3A_88 : vector<128x2048xi32>
    %rem3A_90 = arith.constant 2 : i32
    %rem3A_91 = arith.remsi %arg0, %rem3A_90 : i32
    %eq3A_92 = arith.constant 0 : i32
    %eq3A_93 = arith.cmpi eq, %arg0, %eq3A_92 : i32
    %convert_element_type3A_94 = arith.extui %eq3A_93 : i1 to i32
    %cond3A = arith.constant 0 : i32
    %cond3A_95 = arith.cmpi ne, %convert_element_type3A_94, %cond3A : i32
    scf.if %cond3A_95 {
      %get3A_646 = arith.index_cast %arg0 : i32 to index
      %get3A_647 = memref.load %arg1[%get3A_646] : memref<80xi32, #tpu.memory_space<smem>>
      %jit3A_648 = arith.constant 128 : i32
      %div3A_649 = arith.divsi %get3A_647, %jit3A_648 : i32
      %sign3A_650 = arith.constant 0 : i32
      %sign3A_651 = arith.cmpi sgt, %get3A_647, %sign3A_650 : i32
      %sign3A_652 = arith.extui %sign3A_651 : i1 to i32
      %sign3A_653 = arith.constant 0 : i32
      %sign3A_654 = arith.cmpi slt, %get3A_647, %sign3A_653 : i32
      %sign3A_655 = arith.extui %sign3A_654 : i1 to i32
      %sign3A_656 = arith.subi %sign3A_652, %sign3A_655 : i32
      %sign3A_657 = arith.constant 0 : i32
      %sign3A_658 = arith.cmpi sgt, %jit3A_648, %sign3A_657 : i32
      %sign3A_659 = arith.extui %sign3A_658 : i1 to i32
      %sign3A_660 = arith.constant 0 : i32
      %sign3A_661 = arith.cmpi slt, %jit3A_648, %sign3A_660 : i32
      %sign3A_662 = arith.extui %sign3A_661 : i1 to i32
      %sign3A_663 = arith.subi %sign3A_659, %sign3A_662 : i32
      %ne3A_664 = arith.cmpi ne, %sign3A_656, %sign3A_663 : i32
      %rem3A_665 = arith.remsi %get3A_647, %jit3A_648 : i32
      %ne3A_666 = arith.constant 0 : i32
      %ne3A_667 = arith.cmpi ne, %rem3A_665, %ne3A_666 : i32
      %and3A_668 = arith.andi %ne3A_664, %ne3A_667 : i1
      %sub3A_669 = arith.constant 1 : i32
      %sub3A_670 = arith.subi %div3A_649, %sub3A_669 : i32
      %select_n3A_671 = arith.select %and3A_668, %sub3A_670, %div3A_649 : i32
      %mul3A_672 = arith.constant 128 : i32
      %mul3A_673 = arith.muli %select_n3A_671, %mul3A_672 : i32
      %multiple_of3A_674 = tpu.assume_multiple %mul3A_673, 128 : i32
      %add3A_675 = arith.constant 0 : i32
      %add3A_676 = arith.addi %multiple_of3A_674, %add3A_675 : i32
      %add3A_677 = arith.constant 0 : i32
      %add3A_678 = arith.addi %multiple_of3A_674, %add3A_677 : i32
      %add3A_679 = arith.constant 2048 : i32
      %add3A_680 = arith.addi %multiple_of3A_674, %add3A_679 : i32
      %add3A_681 = arith.constant 2048 : i32
      %add3A_682 = arith.addi %multiple_of3A_674, %add3A_681 : i32
      %add3A_683 = arith.constant 4096 : i32
      %add3A_684 = arith.addi %multiple_of3A_674, %add3A_683 : i32
      %add3A_685 = arith.constant 4096 : i32
      %add3A_686 = arith.addi %multiple_of3A_674, %add3A_685 : i32
      %add3A_687 = arith.constant 6144 : i32
      %add3A_688 = arith.addi %multiple_of3A_674, %add3A_687 : i32
      %add3A_689 = arith.constant 6144 : i32
      %add3A_690 = arith.addi %multiple_of3A_674, %add3A_689 : i32
      %dma_start3A = arith.constant 0 : i32
      %dma_start3A_691 = arith.constant 0 : i32
      %dma_start3A_692 = arith.constant 0 : i32
      %dma_start3A_693 = tpu.memref_slice %arg6[%rem3A_91, %dma_start3A, %dma_start3A_691, %dma_start3A_692] : memref<2x4x2048x128xf32, #tpu.memory_space<vmem>> -> memref<1x1x2048x128xf32, #tpu.memory_space<vmem>>
      %dma_start3A_694 = tpu.memref_squeeze %dma_start3A_693 : memref<1x1x2048x128xf32, #tpu.memory_space<vmem>> -> memref<2048x128xf32, #tpu.memory_space<vmem>>
      %dma_start3A_695 = arith.constant 0 : i32
      %dma_start3A_696 = tpu.memref_slice %arg3[%add3A_676, %dma_start3A_695] : memref<344064x128xf32, #tpu.memory_space<any>> -> memref<2048x128xf32, #tpu.memory_space<any>>
      tpu.enqueue_dma source(%dma_start3A_696 : memref<2048x128xf32, #tpu.memory_space<any>>) target(%dma_start3A_694 : memref<2048x128xf32, #tpu.memory_space<vmem>>) target_semaphore(%arg14 : memref<!tpu.dma_semaphore, #tpu.memory_space<semaphore_mem>>)
      %dma_start3A_697 = arith.constant 0 : i32
      %dma_start3A_698 = arith.constant 0 : i32
      %dma_start3A_699 = arith.constant 0 : i32
      %dma_start3A_700 = tpu.memref_slice %arg7[%rem3A_91, %dma_start3A_697, %dma_start3A_698, %dma_start3A_699] : memref<2x4x1x2048xi32, #tpu.memory_space<vmem>> -> memref<1x1x1x2048xi32, #tpu.memory_space<vmem>>
      %dma_start3A_701 = tpu.memref_squeeze %dma_start3A_700 : memref<1x1x1x2048xi32, #tpu.memory_space<vmem>> -> memref<1x2048xi32, #tpu.memory_space<vmem>>
      %dma_start3A_702 = arith.constant 0 : i32
      %dma_start3A_703 = tpu.memref_slice %arg4[%dma_start3A_702, %add3A_678] : memref<1x344064xi32, #tpu.memory_space<any>> -> memref<1x2048xi32, #tpu.memory_space<any>>
      tpu.enqueue_dma source(%dma_start3A_703 : memref<1x2048xi32, #tpu.memory_space<any>>) target(%dma_start3A_701 : memref<1x2048xi32, #tpu.memory_space<vmem>>) target_semaphore(%arg14 : memref<!tpu.dma_semaphore, #tpu.memory_space<semaphore_mem>>)
      %dma_start3A_704 = arith.constant 1 : i32
      %dma_start3A_705 = arith.constant 0 : i32
      %dma_start3A_706 = arith.constant 0 : i32
      %dma_start3A_707 = tpu.memref_slice %arg6[%rem3A_91, %dma_start3A_704, %dma_start3A_705, %dma_start3A_706] : memref<2x4x2048x128xf32, #tpu.memory_space<vmem>> -> memref<1x1x2048x128xf32, #tpu.memory_space<vmem>>
      %dma_start3A_708 = tpu.memref_squeeze %dma_start3A_707 : memref<1x1x2048x128xf32, #tpu.memory_space<vmem>> -> memref<2048x128xf32, #tpu.memory_space<vmem>>
      %dma_start3A_709 = arith.constant 0 : i32
      %dma_start3A_710 = tpu.memref_slice %arg3[%add3A_680, %dma_start3A_709] : memref<344064x128xf32, #tpu.memory_space<any>> -> memref<2048x128xf32, #tpu.memory_space<any>>
      tpu.enqueue_dma source(%dma_start3A_710 : memref<2048x128xf32, #tpu.memory_space<any>>) target(%dma_start3A_708 : memref<2048x128xf32, #tpu.memory_space<vmem>>) target_semaphore(%arg14 : memref<!tpu.dma_semaphore, #tpu.memory_space<semaphore_mem>>)
      %dma_start3A_711 = arith.constant 1 : i32
      %dma_start3A_712 = arith.constant 0 : i32
      %dma_start3A_713 = arith.constant 0 : i32
      %dma_start3A_714 = tpu.memref_slice %arg7[%rem3A_91, %dma_start3A_711, %dma_start3A_712, %dma_start3A_713] : memref<2x4x1x2048xi32, #tpu.memory_space<vmem>> -> memref<1x1x1x2048xi32, #tpu.memory_space<vmem>>
      %dma_start3A_715 = tpu.memref_squeeze %dma_start3A_714 : memref<1x1x1x2048xi32, #tpu.memory_space<vmem>> -> memref<1x2048xi32, #tpu.memory_space<vmem>>
      %dma_start3A_716 = arith.constant 0 : i32
      %dma_start3A_717 = tpu.memref_slice %arg4[%dma_start3A_716, %add3A_682] : memref<1x344064xi32, #tpu.memory_space<any>> -> memref<1x2048xi32, #tpu.memory_space<any>>
      tpu.enqueue_dma source(%dma_start3A_717 : memref<1x2048xi32, #tpu.memory_space<any>>) target(%dma_start3A_715 : memref<1x2048xi32, #tpu.memory_space<vmem>>) target_semaphore(%arg14 : memref<!tpu.dma_semaphore, #tpu.memory_space<semaphore_mem>>)
      %dma_start3A_718 = arith.constant 2 : i32
      %dma_start3A_719 = arith.constant 0 : i32
      %dma_start3A_720 = arith.constant 0 : i32
      %dma_start3A_721 = tpu.memref_slice %arg6[%rem3A_91, %dma_start3A_718, %dma_start3A_719, %dma_start3A_720] : memref<2x4x2048x128xf32, #tpu.memory_space<vmem>> -> memref<1x1x2048x128xf32, #tpu.memory_space<vmem>>
      %dma_start3A_722 = tpu.memref_squeeze %dma_start3A_721 : memref<1x1x2048x128xf32, #tpu.memory_space<vmem>> -> memref<2048x128xf32, #tpu.memory_space<vmem>>
      %dma_start3A_723 = arith.constant 0 : i32
      %dma_start3A_724 = tpu.memref_slice %arg3[%add3A_684, %dma_start3A_723] : memref<344064x128xf32, #tpu.memory_space<any>> -> memref<2048x128xf32, #tpu.memory_space<any>>
      tpu.enqueue_dma source(%dma_start3A_724 : memref<2048x128xf32, #tpu.memory_space<any>>) target(%dma_start3A_722 : memref<2048x128xf32, #tpu.memory_space<vmem>>) target_semaphore(%arg14 : memref<!tpu.dma_semaphore, #tpu.memory_space<semaphore_mem>>)
      %dma_start3A_725 = arith.constant 2 : i32
      %dma_start3A_726 = arith.constant 0 : i32
      %dma_start3A_727 = arith.constant 0 : i32
      %dma_start3A_728 = tpu.memref_slice %arg7[%rem3A_91, %dma_start3A_725, %dma_start3A_726, %dma_start3A_727] : memref<2x4x1x2048xi32, #tpu.memory_space<vmem>> -> memref<1x1x1x2048xi32, #tpu.memory_space<vmem>>
      %dma_start3A_729 = tpu.memref_squeeze %dma_start3A_728 : memref<1x1x1x2048xi32, #tpu.memory_space<vmem>> -> memref<1x2048xi32, #tpu.memory_space<vmem>>
      %dma_start3A_730 = arith.constant 0 : i32
      %dma_start3A_731 = tpu.memref_slice %arg4[%dma_start3A_730, %add3A_686] : memref<1x344064xi32, #tpu.memory_space<any>> -> memref<1x2048xi32, #tpu.memory_space<any>>
      tpu.enqueue_dma source(%dma_start3A_731 : memref<1x2048xi32, #tpu.memory_space<any>>) target(%dma_start3A_729 : memref<1x2048xi32, #tpu.memory_space<vmem>>) target_semaphore(%arg14 : memref<!tpu.dma_semaphore, #tpu.memory_space<semaphore_mem>>)
      %dma_start3A_732 = arith.constant 3 : i32
      %dma_start3A_733 = arith.constant 0 : i32
      %dma_start3A_734 = arith.constant 0 : i32
      %dma_start3A_735 = tpu.memref_slice %arg6[%rem3A_91, %dma_start3A_732, %dma_start3A_733, %dma_start3A_734] : memref<2x4x2048x128xf32, #tpu.memory_space<vmem>> -> memref<1x1x2048x128xf32, #tpu.memory_space<vmem>>
      %dma_start3A_736 = tpu.memref_squeeze %dma_start3A_735 : memref<1x1x2048x128xf32, #tpu.memory_space<vmem>> -> memref<2048x128xf32, #tpu.memory_space<vmem>>
      %dma_start3A_737 = arith.constant 0 : i32
      %dma_start3A_738 = tpu.memref_slice %arg3[%add3A_688, %dma_start3A_737] : memref<344064x128xf32, #tpu.memory_space<any>> -> memref<2048x128xf32, #tpu.memory_space<any>>
      tpu.enqueue_dma source(%dma_start3A_738 : memref<2048x128xf32, #tpu.memory_space<any>>) target(%dma_start3A_736 : memref<2048x128xf32, #tpu.memory_space<vmem>>) target_semaphore(%arg14 : memref<!tpu.dma_semaphore, #tpu.memory_space<semaphore_mem>>)
      %dma_start3A_739 = arith.constant 3 : i32
      %dma_start3A_740 = arith.constant 0 : i32
      %dma_start3A_741 = arith.constant 0 : i32
      %dma_start3A_742 = tpu.memref_slice %arg7[%rem3A_91, %dma_start3A_739, %dma_start3A_740, %dma_start3A_741] : memref<2x4x1x2048xi32, #tpu.memory_space<vmem>> -> memref<1x1x1x2048xi32, #tpu.memory_space<vmem>>
      %dma_start3A_743 = tpu.memref_squeeze %dma_start3A_742 : memref<1x1x1x2048xi32, #tpu.memory_space<vmem>> -> memref<1x2048xi32, #tpu.memory_space<vmem>>
      %dma_start3A_744 = arith.constant 0 : i32
      %dma_start3A_745 = tpu.memref_slice %arg4[%dma_start3A_744, %add3A_690] : memref<1x344064xi32, #tpu.memory_space<any>> -> memref<1x2048xi32, #tpu.memory_space<any>>
      tpu.enqueue_dma source(%dma_start3A_745 : memref<1x2048xi32, #tpu.memory_space<any>>) target(%dma_start3A_743 : memref<1x2048xi32, #tpu.memory_space<vmem>>) target_semaphore(%arg14 : memref<!tpu.dma_semaphore, #tpu.memory_space<semaphore_mem>>)
    } else {
    }
    %get3A_96 = arith.index_cast %arg0 : i32 to index
    %get3A_97 = memref.load %arg1[%get3A_96] : memref<80xi32, #tpu.memory_space<smem>>
    %jit3A_98 = arith.constant 128 : i32
    %div3A_99 = arith.divsi %get3A_97, %jit3A_98 : i32
    %sign3A_100 = arith.constant 0 : i32
    %sign3A_101 = arith.cmpi sgt, %get3A_97, %sign3A_100 : i32
    %sign3A_102 = arith.extui %sign3A_101 : i1 to i32
    %sign3A_103 = arith.constant 0 : i32
    %sign3A_104 = arith.cmpi slt, %get3A_97, %sign3A_103 : i32
    %sign3A_105 = arith.extui %sign3A_104 : i1 to i32
    %sign3A_106 = arith.subi %sign3A_102, %sign3A_105 : i32
    %sign3A_107 = arith.constant 0 : i32
    %sign3A_108 = arith.cmpi sgt, %jit3A_98, %sign3A_107 : i32
    %sign3A_109 = arith.extui %sign3A_108 : i1 to i32
    %sign3A_110 = arith.constant 0 : i32
    %sign3A_111 = arith.cmpi slt, %jit3A_98, %sign3A_110 : i32
    %sign3A_112 = arith.extui %sign3A_111 : i1 to i32
    %sign3A_113 = arith.subi %sign3A_109, %sign3A_112 : i32
    %ne3A_114 = arith.cmpi ne, %sign3A_106, %sign3A_113 : i32
    %rem3A_115 = arith.remsi %get3A_97, %jit3A_98 : i32
    %ne3A_116 = arith.constant 0 : i32
    %ne3A_117 = arith.cmpi ne, %rem3A_115, %ne3A_116 : i32
    %and3A_118 = arith.andi %ne3A_114, %ne3A_117 : i1
    %sub3A_119 = arith.constant 1 : i32
    %sub3A_120 = arith.subi %div3A_99, %sub3A_119 : i32
    %select_n3A_121 = arith.select %and3A_118, %sub3A_120, %div3A_99 : i32
    %mul3A_122 = arith.constant 128 : i32
    %mul3A_123 = arith.muli %select_n3A_121, %mul3A_122 : i32
    %multiple_of3A_124 = tpu.assume_multiple %mul3A_123, 128 : i32
    %add3A_125 = arith.constant 0 : i32
    %add3A_126 = arith.addi %multiple_of3A_124, %add3A_125 : i32
    %add3A_127 = arith.constant 0 : i32
    %add3A_128 = arith.addi %multiple_of3A_124, %add3A_127 : i32
    %add3A_129 = arith.constant 2048 : i32
    %add3A_130 = arith.addi %multiple_of3A_124, %add3A_129 : i32
    %add3A_131 = arith.constant 2048 : i32
    %add3A_132 = arith.addi %multiple_of3A_124, %add3A_131 : i32
    %add3A_133 = arith.constant 4096 : i32
    %add3A_134 = arith.addi %multiple_of3A_124, %add3A_133 : i32
    %add3A_135 = arith.constant 4096 : i32
    %add3A_136 = arith.addi %multiple_of3A_124, %add3A_135 : i32
    %add3A_137 = arith.constant 6144 : i32
    %add3A_138 = arith.addi %multiple_of3A_124, %add3A_137 : i32
    %add3A_139 = arith.constant 6144 : i32
    %add3A_140 = arith.addi %multiple_of3A_124, %add3A_139 : i32
    %dma_wait3A = arith.constant 0 : i32
    %dma_wait3A_141 = arith.constant 0 : i32
    %dma_wait3A_142 = arith.constant 0 : i32
    %dma_wait3A_143 = tpu.memref_slice %arg6[%rem3A_91, %dma_wait3A, %dma_wait3A_141, %dma_wait3A_142] : memref<2x4x2048x128xf32, #tpu.memory_space<vmem>> -> memref<1x1x2048x128xf32, #tpu.memory_space<vmem>>
    %dma_wait3A_144 = tpu.memref_squeeze %dma_wait3A_143 : memref<1x1x2048x128xf32, #tpu.memory_space<vmem>> -> memref<2048x128xf32, #tpu.memory_space<vmem>>
    %dma_wait3A_145 = arith.constant 0 : i32
    %dma_wait3A_146 = tpu.memref_slice %arg3[%add3A_126, %dma_wait3A_145] : memref<344064x128xf32, #tpu.memory_space<any>> -> memref<2048x128xf32, #tpu.memory_space<any>>
    tpu.wait_dma2 semaphore(%arg14 : memref<!tpu.dma_semaphore, #tpu.memory_space<semaphore_mem>>) src(%dma_wait3A_146 : memref<2048x128xf32, #tpu.memory_space<any>>) dst(%dma_wait3A_144 : memref<2048x128xf32, #tpu.memory_space<vmem>>)
    %dma_wait3A_147 = arith.constant 0 : i32
    %dma_wait3A_148 = arith.constant 0 : i32
    %dma_wait3A_149 = arith.constant 0 : i32
    %dma_wait3A_150 = tpu.memref_slice %arg7[%rem3A_91, %dma_wait3A_147, %dma_wait3A_148, %dma_wait3A_149] : memref<2x4x1x2048xi32, #tpu.memory_space<vmem>> -> memref<1x1x1x2048xi32, #tpu.memory_space<vmem>>
    %dma_wait3A_151 = tpu.memref_squeeze %dma_wait3A_150 : memref<1x1x1x2048xi32, #tpu.memory_space<vmem>> -> memref<1x2048xi32, #tpu.memory_space<vmem>>
    %dma_wait3A_152 = arith.constant 0 : i32
    %dma_wait3A_153 = tpu.memref_slice %arg4[%dma_wait3A_152, %add3A_128] : memref<1x344064xi32, #tpu.memory_space<any>> -> memref<1x2048xi32, #tpu.memory_space<any>>
    tpu.wait_dma2 semaphore(%arg14 : memref<!tpu.dma_semaphore, #tpu.memory_space<semaphore_mem>>) src(%dma_wait3A_153 : memref<1x2048xi32, #tpu.memory_space<any>>) dst(%dma_wait3A_151 : memref<1x2048xi32, #tpu.memory_space<vmem>>)
    %dma_wait3A_154 = arith.constant 1 : i32
    %dma_wait3A_155 = arith.constant 0 : i32
    %dma_wait3A_156 = arith.constant 0 : i32
    %dma_wait3A_157 = tpu.memref_slice %arg6[%rem3A_91, %dma_wait3A_154, %dma_wait3A_155, %dma_wait3A_156] : memref<2x4x2048x128xf32, #tpu.memory_space<vmem>> -> memref<1x1x2048x128xf32, #tpu.memory_space<vmem>>
    %dma_wait3A_158 = tpu.memref_squeeze %dma_wait3A_157 : memref<1x1x2048x128xf32, #tpu.memory_space<vmem>> -> memref<2048x128xf32, #tpu.memory_space<vmem>>
    %dma_wait3A_159 = arith.constant 0 : i32
    %dma_wait3A_160 = tpu.memref_slice %arg3[%add3A_130, %dma_wait3A_159] : memref<344064x128xf32, #tpu.memory_space<any>> -> memref<2048x128xf32, #tpu.memory_space<any>>
    tpu.wait_dma2 semaphore(%arg14 : memref<!tpu.dma_semaphore, #tpu.memory_space<semaphore_mem>>) src(%dma_wait3A_160 : memref<2048x128xf32, #tpu.memory_space<any>>) dst(%dma_wait3A_158 : memref<2048x128xf32, #tpu.memory_space<vmem>>)
    %dma_wait3A_161 = arith.constant 1 : i32
    %dma_wait3A_162 = arith.constant 0 : i32
    %dma_wait3A_163 = arith.constant 0 : i32
    %dma_wait3A_164 = tpu.memref_slice %arg7[%rem3A_91, %dma_wait3A_161, %dma_wait3A_162, %dma_wait3A_163] : memref<2x4x1x2048xi32, #tpu.memory_space<vmem>> -> memref<1x1x1x2048xi32, #tpu.memory_space<vmem>>
    %dma_wait3A_165 = tpu.memref_squeeze %dma_wait3A_164 : memref<1x1x1x2048xi32, #tpu.memory_space<vmem>> -> memref<1x2048xi32, #tpu.memory_space<vmem>>
    %dma_wait3A_166 = arith.constant 0 : i32
    %dma_wait3A_167 = tpu.memref_slice %arg4[%dma_wait3A_166, %add3A_132] : memref<1x344064xi32, #tpu.memory_space<any>> -> memref<1x2048xi32, #tpu.memory_space<any>>
    tpu.wait_dma2 semaphore(%arg14 : memref<!tpu.dma_semaphore, #tpu.memory_space<semaphore_mem>>) src(%dma_wait3A_167 : memref<1x2048xi32, #tpu.memory_space<any>>) dst(%dma_wait3A_165 : memref<1x2048xi32, #tpu.memory_space<vmem>>)
    %dma_wait3A_168 = arith.constant 2 : i32
    %dma_wait3A_169 = arith.constant 0 : i32
    %dma_wait3A_170 = arith.constant 0 : i32
    %dma_wait3A_171 = tpu.memref_slice %arg6[%rem3A_91, %dma_wait3A_168, %dma_wait3A_169, %dma_wait3A_170] : memref<2x4x2048x128xf32, #tpu.memory_space<vmem>> -> memref<1x1x2048x128xf32, #tpu.memory_space<vmem>>
    %dma_wait3A_172 = tpu.memref_squeeze %dma_wait3A_171 : memref<1x1x2048x128xf32, #tpu.memory_space<vmem>> -> memref<2048x128xf32, #tpu.memory_space<vmem>>
    %dma_wait3A_173 = arith.constant 0 : i32
    %dma_wait3A_174 = tpu.memref_slice %arg3[%add3A_134, %dma_wait3A_173] : memref<344064x128xf32, #tpu.memory_space<any>> -> memref<2048x128xf32, #tpu.memory_space<any>>
    tpu.wait_dma2 semaphore(%arg14 : memref<!tpu.dma_semaphore, #tpu.memory_space<semaphore_mem>>) src(%dma_wait3A_174 : memref<2048x128xf32, #tpu.memory_space<any>>) dst(%dma_wait3A_172 : memref<2048x128xf32, #tpu.memory_space<vmem>>)
    %dma_wait3A_175 = arith.constant 2 : i32
    %dma_wait3A_176 = arith.constant 0 : i32
    %dma_wait3A_177 = arith.constant 0 : i32
    %dma_wait3A_178 = tpu.memref_slice %arg7[%rem3A_91, %dma_wait3A_175, %dma_wait3A_176, %dma_wait3A_177] : memref<2x4x1x2048xi32, #tpu.memory_space<vmem>> -> memref<1x1x1x2048xi32, #tpu.memory_space<vmem>>
    %dma_wait3A_179 = tpu.memref_squeeze %dma_wait3A_178 : memref<1x1x1x2048xi32, #tpu.memory_space<vmem>> -> memref<1x2048xi32, #tpu.memory_space<vmem>>
    %dma_wait3A_180 = arith.constant 0 : i32
    %dma_wait3A_181 = tpu.memref_slice %arg4[%dma_wait3A_180, %add3A_136] : memref<1x344064xi32, #tpu.memory_space<any>> -> memref<1x2048xi32, #tpu.memory_space<any>>
    tpu.wait_dma2 semaphore(%arg14 : memref<!tpu.dma_semaphore, #tpu.memory_space<semaphore_mem>>) src(%dma_wait3A_181 : memref<1x2048xi32, #tpu.memory_space<any>>) dst(%dma_wait3A_179 : memref<1x2048xi32, #tpu.memory_space<vmem>>)
    %dma_wait3A_182 = arith.constant 3 : i32
    %dma_wait3A_183 = arith.constant 0 : i32
    %dma_wait3A_184 = arith.constant 0 : i32
    %dma_wait3A_185 = tpu.memref_slice %arg6[%rem3A_91, %dma_wait3A_182, %dma_wait3A_183, %dma_wait3A_184] : memref<2x4x2048x128xf32, #tpu.memory_space<vmem>> -> memref<1x1x2048x128xf32, #tpu.memory_space<vmem>>
    %dma_wait3A_186 = tpu.memref_squeeze %dma_wait3A_185 : memref<1x1x2048x128xf32, #tpu.memory_space<vmem>> -> memref<2048x128xf32, #tpu.memory_space<vmem>>
    %dma_wait3A_187 = arith.constant 0 : i32
    %dma_wait3A_188 = tpu.memref_slice %arg3[%add3A_138, %dma_wait3A_187] : memref<344064x128xf32, #tpu.memory_space<any>> -> memref<2048x128xf32, #tpu.memory_space<any>>
    tpu.wait_dma2 semaphore(%arg14 : memref<!tpu.dma_semaphore, #tpu.memory_space<semaphore_mem>>) src(%dma_wait3A_188 : memref<2048x128xf32, #tpu.memory_space<any>>) dst(%dma_wait3A_186 : memref<2048x128xf32, #tpu.memory_space<vmem>>)
    %dma_wait3A_189 = arith.constant 3 : i32
    %dma_wait3A_190 = arith.constant 0 : i32
    %dma_wait3A_191 = arith.constant 0 : i32
    %dma_wait3A_192 = tpu.memref_slice %arg7[%rem3A_91, %dma_wait3A_189, %dma_wait3A_190, %dma_wait3A_191] : memref<2x4x1x2048xi32, #tpu.memory_space<vmem>> -> memref<1x1x1x2048xi32, #tpu.memory_space<vmem>>
    %dma_wait3A_193 = tpu.memref_squeeze %dma_wait3A_192 : memref<1x1x1x2048xi32, #tpu.memory_space<vmem>> -> memref<1x2048xi32, #tpu.memory_space<vmem>>
    %dma_wait3A_194 = arith.constant 0 : i32
    %dma_wait3A_195 = tpu.memref_slice %arg4[%dma_wait3A_194, %add3A_140] : memref<1x344064xi32, #tpu.memory_space<any>> -> memref<1x2048xi32, #tpu.memory_space<any>>
    tpu.wait_dma2 semaphore(%arg14 : memref<!tpu.dma_semaphore, #tpu.memory_space<semaphore_mem>>) src(%dma_wait3A_195 : memref<1x2048xi32, #tpu.memory_space<any>>) dst(%dma_wait3A_193 : memref<1x2048xi32, #tpu.memory_space<vmem>>)
    %add3A_196 = arith.constant 1 : i32
    %add3A_197 = arith.addi %arg0, %add3A_196 : i32
    %lt3A_198 = arith.constant 79 : i32
    %lt3A_199 = arith.cmpi slt, %add3A_197, %lt3A_198 : i32
    %convert_element_type3A_200 = arith.extui %lt3A_199 : i1 to i32
    %cond3A_201 = arith.constant 0 : i32
    %cond3A_202 = arith.cmpi ne, %convert_element_type3A_200, %cond3A_201 : i32
    scf.if %cond3A_202 {
      %add3A_646 = arith.constant 1 : i32
      %add3A_647 = arith.addi %arg0, %add3A_646 : i32
      %sub3A_648 = arith.constant 1 : i32
      %sub3A_649 = arith.subi %sub3A_648, %rem3A_91 : i32
      %get3A_650 = arith.index_cast %add3A_647 : i32 to index
      %get3A_651 = memref.load %arg1[%get3A_650] : memref<80xi32, #tpu.memory_space<smem>>
      %jit3A_652 = arith.constant 128 : i32
      %div3A_653 = arith.divsi %get3A_651, %jit3A_652 : i32
      %sign3A_654 = arith.constant 0 : i32
      %sign3A_655 = arith.cmpi sgt, %get3A_651, %sign3A_654 : i32
      %sign3A_656 = arith.extui %sign3A_655 : i1 to i32
      %sign3A_657 = arith.constant 0 : i32
      %sign3A_658 = arith.cmpi slt, %get3A_651, %sign3A_657 : i32
      %sign3A_659 = arith.extui %sign3A_658 : i1 to i32
      %sign3A_660 = arith.subi %sign3A_656, %sign3A_659 : i32
      %sign3A_661 = arith.constant 0 : i32
      %sign3A_662 = arith.cmpi sgt, %jit3A_652, %sign3A_661 : i32
      %sign3A_663 = arith.extui %sign3A_662 : i1 to i32
      %sign3A_664 = arith.constant 0 : i32
      %sign3A_665 = arith.cmpi slt, %jit3A_652, %sign3A_664 : i32
      %sign3A_666 = arith.extui %sign3A_665 : i1 to i32
      %sign3A_667 = arith.subi %sign3A_663, %sign3A_666 : i32
      %ne3A_668 = arith.cmpi ne, %sign3A_660, %sign3A_667 : i32
      %rem3A_669 = arith.remsi %get3A_651, %jit3A_652 : i32
      %ne3A_670 = arith.constant 0 : i32
      %ne3A_671 = arith.cmpi ne, %rem3A_669, %ne3A_670 : i32
      %and3A_672 = arith.andi %ne3A_668, %ne3A_671 : i1
      %sub3A_673 = arith.constant 1 : i32
      %sub3A_674 = arith.subi %div3A_653, %sub3A_673 : i32
      %select_n3A_675 = arith.select %and3A_672, %sub3A_674, %div3A_653 : i32
      %mul3A_676 = arith.constant 128 : i32
      %mul3A_677 = arith.muli %select_n3A_675, %mul3A_676 : i32
      %multiple_of3A_678 = tpu.assume_multiple %mul3A_677, 128 : i32
      %add3A_679 = arith.constant 0 : i32
      %add3A_680 = arith.addi %multiple_of3A_678, %add3A_679 : i32
      %add3A_681 = arith.constant 0 : i32
      %add3A_682 = arith.addi %multiple_of3A_678, %add3A_681 : i32
      %add3A_683 = arith.constant 2048 : i32
      %add3A_684 = arith.addi %multiple_of3A_678, %add3A_683 : i32
      %add3A_685 = arith.constant 2048 : i32
      %add3A_686 = arith.addi %multiple_of3A_678, %add3A_685 : i32
      %add3A_687 = arith.constant 4096 : i32
      %add3A_688 = arith.addi %multiple_of3A_678, %add3A_687 : i32
      %add3A_689 = arith.constant 4096 : i32
      %add3A_690 = arith.addi %multiple_of3A_678, %add3A_689 : i32
      %add3A_691 = arith.constant 6144 : i32
      %add3A_692 = arith.addi %multiple_of3A_678, %add3A_691 : i32
      %add3A_693 = arith.constant 6144 : i32
      %add3A_694 = arith.addi %multiple_of3A_678, %add3A_693 : i32
      %dma_start3A = arith.constant 0 : i32
      %dma_start3A_695 = arith.constant 0 : i32
      %dma_start3A_696 = arith.constant 0 : i32
      %dma_start3A_697 = tpu.memref_slice %arg6[%sub3A_649, %dma_start3A, %dma_start3A_695, %dma_start3A_696] : memref<2x4x2048x128xf32, #tpu.memory_space<vmem>> -> memref<1x1x2048x128xf32, #tpu.memory_space<vmem>>
      %dma_start3A_698 = tpu.memref_squeeze %dma_start3A_697 : memref<1x1x2048x128xf32, #tpu.memory_space<vmem>> -> memref<2048x128xf32, #tpu.memory_space<vmem>>
      %dma_start3A_699 = arith.constant 0 : i32
      %dma_start3A_700 = tpu.memref_slice %arg3[%add3A_680, %dma_start3A_699] : memref<344064x128xf32, #tpu.memory_space<any>> -> memref<2048x128xf32, #tpu.memory_space<any>>
      tpu.enqueue_dma source(%dma_start3A_700 : memref<2048x128xf32, #tpu.memory_space<any>>) target(%dma_start3A_698 : memref<2048x128xf32, #tpu.memory_space<vmem>>) target_semaphore(%arg14 : memref<!tpu.dma_semaphore, #tpu.memory_space<semaphore_mem>>)
      %dma_start3A_701 = arith.constant 0 : i32
      %dma_start3A_702 = arith.constant 0 : i32
      %dma_start3A_703 = arith.constant 0 : i32
      %dma_start3A_704 = tpu.memref_slice %arg7[%sub3A_649, %dma_start3A_701, %dma_start3A_702, %dma_start3A_703] : memref<2x4x1x2048xi32, #tpu.memory_space<vmem>> -> memref<1x1x1x2048xi32, #tpu.memory_space<vmem>>
      %dma_start3A_705 = tpu.memref_squeeze %dma_start3A_704 : memref<1x1x1x2048xi32, #tpu.memory_space<vmem>> -> memref<1x2048xi32, #tpu.memory_space<vmem>>
      %dma_start3A_706 = arith.constant 0 : i32
      %dma_start3A_707 = tpu.memref_slice %arg4[%dma_start3A_706, %add3A_682] : memref<1x344064xi32, #tpu.memory_space<any>> -> memref<1x2048xi32, #tpu.memory_space<any>>
      tpu.enqueue_dma source(%dma_start3A_707 : memref<1x2048xi32, #tpu.memory_space<any>>) target(%dma_start3A_705 : memref<1x2048xi32, #tpu.memory_space<vmem>>) target_semaphore(%arg14 : memref<!tpu.dma_semaphore, #tpu.memory_space<semaphore_mem>>)
      %dma_start3A_708 = arith.constant 1 : i32
      %dma_start3A_709 = arith.constant 0 : i32
      %dma_start3A_710 = arith.constant 0 : i32
      %dma_start3A_711 = tpu.memref_slice %arg6[%sub3A_649, %dma_start3A_708, %dma_start3A_709, %dma_start3A_710] : memref<2x4x2048x128xf32, #tpu.memory_space<vmem>> -> memref<1x1x2048x128xf32, #tpu.memory_space<vmem>>
      %dma_start3A_712 = tpu.memref_squeeze %dma_start3A_711 : memref<1x1x2048x128xf32, #tpu.memory_space<vmem>> -> memref<2048x128xf32, #tpu.memory_space<vmem>>
      %dma_start3A_713 = arith.constant 0 : i32
      %dma_start3A_714 = tpu.memref_slice %arg3[%add3A_684, %dma_start3A_713] : memref<344064x128xf32, #tpu.memory_space<any>> -> memref<2048x128xf32, #tpu.memory_space<any>>
      tpu.enqueue_dma source(%dma_start3A_714 : memref<2048x128xf32, #tpu.memory_space<any>>) target(%dma_start3A_712 : memref<2048x128xf32, #tpu.memory_space<vmem>>) target_semaphore(%arg14 : memref<!tpu.dma_semaphore, #tpu.memory_space<semaphore_mem>>)
      %dma_start3A_715 = arith.constant 1 : i32
      %dma_start3A_716 = arith.constant 0 : i32
      %dma_start3A_717 = arith.constant 0 : i32
      %dma_start3A_718 = tpu.memref_slice %arg7[%sub3A_649, %dma_start3A_715, %dma_start3A_716, %dma_start3A_717] : memref<2x4x1x2048xi32, #tpu.memory_space<vmem>> -> memref<1x1x1x2048xi32, #tpu.memory_space<vmem>>
      %dma_start3A_719 = tpu.memref_squeeze %dma_start3A_718 : memref<1x1x1x2048xi32, #tpu.memory_space<vmem>> -> memref<1x2048xi32, #tpu.memory_space<vmem>>
      %dma_start3A_720 = arith.constant 0 : i32
      %dma_start3A_721 = tpu.memref_slice %arg4[%dma_start3A_720, %add3A_686] : memref<1x344064xi32, #tpu.memory_space<any>> -> memref<1x2048xi32, #tpu.memory_space<any>>
      tpu.enqueue_dma source(%dma_start3A_721 : memref<1x2048xi32, #tpu.memory_space<any>>) target(%dma_start3A_719 : memref<1x2048xi32, #tpu.memory_space<vmem>>) target_semaphore(%arg14 : memref<!tpu.dma_semaphore, #tpu.memory_space<semaphore_mem>>)
      %dma_start3A_722 = arith.constant 2 : i32
      %dma_start3A_723 = arith.constant 0 : i32
      %dma_start3A_724 = arith.constant 0 : i32
      %dma_start3A_725 = tpu.memref_slice %arg6[%sub3A_649, %dma_start3A_722, %dma_start3A_723, %dma_start3A_724] : memref<2x4x2048x128xf32, #tpu.memory_space<vmem>> -> memref<1x1x2048x128xf32, #tpu.memory_space<vmem>>
      %dma_start3A_726 = tpu.memref_squeeze %dma_start3A_725 : memref<1x1x2048x128xf32, #tpu.memory_space<vmem>> -> memref<2048x128xf32, #tpu.memory_space<vmem>>
      %dma_start3A_727 = arith.constant 0 : i32
      %dma_start3A_728 = tpu.memref_slice %arg3[%add3A_688, %dma_start3A_727] : memref<344064x128xf32, #tpu.memory_space<any>> -> memref<2048x128xf32, #tpu.memory_space<any>>
      tpu.enqueue_dma source(%dma_start3A_728 : memref<2048x128xf32, #tpu.memory_space<any>>) target(%dma_start3A_726 : memref<2048x128xf32, #tpu.memory_space<vmem>>) target_semaphore(%arg14 : memref<!tpu.dma_semaphore, #tpu.memory_space<semaphore_mem>>)
      %dma_start3A_729 = arith.constant 2 : i32
      %dma_start3A_730 = arith.constant 0 : i32
      %dma_start3A_731 = arith.constant 0 : i32
      %dma_start3A_732 = tpu.memref_slice %arg7[%sub3A_649, %dma_start3A_729, %dma_start3A_730, %dma_start3A_731] : memref<2x4x1x2048xi32, #tpu.memory_space<vmem>> -> memref<1x1x1x2048xi32, #tpu.memory_space<vmem>>
      %dma_start3A_733 = tpu.memref_squeeze %dma_start3A_732 : memref<1x1x1x2048xi32, #tpu.memory_space<vmem>> -> memref<1x2048xi32, #tpu.memory_space<vmem>>
      %dma_start3A_734 = arith.constant 0 : i32
      %dma_start3A_735 = tpu.memref_slice %arg4[%dma_start3A_734, %add3A_690] : memref<1x344064xi32, #tpu.memory_space<any>> -> memref<1x2048xi32, #tpu.memory_space<any>>
      tpu.enqueue_dma source(%dma_start3A_735 : memref<1x2048xi32, #tpu.memory_space<any>>) target(%dma_start3A_733 : memref<1x2048xi32, #tpu.memory_space<vmem>>) target_semaphore(%arg14 : memref<!tpu.dma_semaphore, #tpu.memory_space<semaphore_mem>>)
      %dma_start3A_736 = arith.constant 3 : i32
      %dma_start3A_737 = arith.constant 0 : i32
      %dma_start3A_738 = arith.constant 0 : i32
      %dma_start3A_739 = tpu.memref_slice %arg6[%sub3A_649, %dma_start3A_736, %dma_start3A_737, %dma_start3A_738] : memref<2x4x2048x128xf32, #tpu.memory_space<vmem>> -> memref<1x1x2048x128xf32, #tpu.memory_space<vmem>>
      %dma_start3A_740 = tpu.memref_squeeze %dma_start3A_739 : memref<1x1x2048x128xf32, #tpu.memory_space<vmem>> -> memref<2048x128xf32, #tpu.memory_space<vmem>>
      %dma_start3A_741 = arith.constant 0 : i32
      %dma_start3A_742 = tpu.memref_slice %arg3[%add3A_692, %dma_start3A_741] : memref<344064x128xf32, #tpu.memory_space<any>> -> memref<2048x128xf32, #tpu.memory_space<any>>
      tpu.enqueue_dma source(%dma_start3A_742 : memref<2048x128xf32, #tpu.memory_space<any>>) target(%dma_start3A_740 : memref<2048x128xf32, #tpu.memory_space<vmem>>) target_semaphore(%arg14 : memref<!tpu.dma_semaphore, #tpu.memory_space<semaphore_mem>>)
      %dma_start3A_743 = arith.constant 3 : i32
      %dma_start3A_744 = arith.constant 0 : i32
      %dma_start3A_745 = arith.constant 0 : i32
      %dma_start3A_746 = tpu.memref_slice %arg7[%sub3A_649, %dma_start3A_743, %dma_start3A_744, %dma_start3A_745] : memref<2x4x1x2048xi32, #tpu.memory_space<vmem>> -> memref<1x1x1x2048xi32, #tpu.memory_space<vmem>>
      %dma_start3A_747 = tpu.memref_squeeze %dma_start3A_746 : memref<1x1x1x2048xi32, #tpu.memory_space<vmem>> -> memref<1x2048xi32, #tpu.memory_space<vmem>>
      %dma_start3A_748 = arith.constant 0 : i32
      %dma_start3A_749 = tpu.memref_slice %arg4[%dma_start3A_748, %add3A_694] : memref<1x344064xi32, #tpu.memory_space<any>> -> memref<1x2048xi32, #tpu.memory_space<any>>
      tpu.enqueue_dma source(%dma_start3A_749 : memref<1x2048xi32, #tpu.memory_space<any>>) target(%dma_start3A_747 : memref<1x2048xi32, #tpu.memory_space<vmem>>) target_semaphore(%arg14 : memref<!tpu.dma_semaphore, #tpu.memory_space<semaphore_mem>>)
    } else {
    }
    %get3A_203 = arith.index_cast %rem3A_91 : i32 to index
    %get3A_204 = arith.constant 0 : index
    %get3A_205 = arith.constant 0 : index
    %get3A_206 = arith.constant 0 : index
    %get3A_207 = vector.load %arg6[%get3A_203, %get3A_204, %get3A_205, %get3A_206] : memref<2x4x2048x128xf32, #tpu.memory_space<vmem>>, vector<1x1x2048x128xf32>
    %get3A_208 = vector.shape_cast %get3A_207 : vector<1x1x2048x128xf32> to vector<2048x128xf32>
    %transpose3A = tpu.transpose %get3A_208, [1, 0] : vector<2048x128xf32> -> vector<128x2048xf32>
    %swap3A = arith.constant 0 : index
    %swap3A_209 = arith.constant 0 : index
    %swap3A_210 = arith.constant 0 : index
    %swap3A_211 = vector.load %arg10[%swap3A, %swap3A_209, %swap3A_210] : memref<4x128x2048xf32, #tpu.memory_space<vmem>>, vector<1x128x2048xf32>
    %swap3A_212 = vector.shape_cast %swap3A_211 : vector<1x128x2048xf32> to vector<128x2048xf32>
    %swap3A_213 = vector.shape_cast %transpose3A : vector<128x2048xf32> to vector<1x128x2048xf32>
    tpu.vector_store %arg10[%swap3A, %swap3A_209, %swap3A_210], %swap3A_213 {strides = array<i32>} : memref<4x128x2048xf32, #tpu.memory_space<vmem>>, vector<1x128x2048xf32>,
    %convert_element_type3A_214 = arith.truncf %transpose3A : vector<128x2048xf32> to vector<128x2048xbf16>
    %swap3A_215 = arith.constant 0 : index
    %swap3A_216 = arith.constant 0 : index
    %swap3A_217 = arith.constant 0 : index
    %swap3A_218 = vector.load %arg11[%swap3A_215, %swap3A_216, %swap3A_217] : memref<4x128x2048xbf16, #tpu.memory_space<vmem>>, vector<1x128x2048xbf16>
    %swap3A_219 = vector.shape_cast %swap3A_218 : vector<1x128x2048xbf16> to vector<128x2048xbf16>
    %swap3A_220 = vector.shape_cast %convert_element_type3A_214 : vector<128x2048xbf16> to vector<1x128x2048xbf16>
    tpu.vector_store %arg11[%swap3A_215, %swap3A_216, %swap3A_217], %swap3A_220 {strides = array<i32>} : memref<4x128x2048xbf16, #tpu.memory_space<vmem>>, vector<1x128x2048xbf16>,
    %get3A_221 = arith.index_cast %rem3A_91 : i32 to index
    %get3A_222 = arith.constant 0 : index
    %get3A_223 = arith.constant 0 : index
    %get3A_224 = arith.constant 0 : index
    %get3A_225 = vector.load %arg7[%get3A_221, %get3A_222, %get3A_223, %get3A_224] : memref<2x4x1x2048xi32, #tpu.memory_space<vmem>>, vector<1x1x1x2048xi32>
    %get3A_226 = vector.shape_cast %get3A_225 : vector<1x1x1x2048xi32> to vector<1x2048xi32>
    %eq3A_227 = vector.broadcast %get3A_226 : vector<1x2048xi32> to vector<128x2048xi32>
    %eq3A_228 = arith.cmpi eq, %add3A_89, %eq3A_227 : vector<128x2048xi32>
    %convert_element_type3A_229 = arith.extui %eq3A_228 : vector<128x2048xi1> to vector<128x2048xi32>
    %convert_element_type3A_230 = arith.sitofp %convert_element_type3A_229 : vector<128x2048xi32> to vector<128x2048xf32>
    %convert_element_type3A_231 = arith.truncf %convert_element_type3A_230 : vector<128x2048xf32> to vector<128x2048xbf16>
    %swap3A_232 = arith.constant 0 : index
    %swap3A_233 = arith.constant 0 : index
    %swap3A_234 = arith.constant 0 : index
    %swap3A_235 = vector.load %arg12[%swap3A_232, %swap3A_233, %swap3A_234] : memref<4x128x2048xbf16, #tpu.memory_space<vmem>>, vector<1x128x2048xbf16>
    %swap3A_236 = vector.shape_cast %swap3A_235 : vector<1x128x2048xbf16> to vector<128x2048xbf16>
    %swap3A_237 = vector.shape_cast %convert_element_type3A_231 : vector<128x2048xbf16> to vector<1x128x2048xbf16>
    tpu.vector_store %arg12[%swap3A_232, %swap3A_233, %swap3A_234], %swap3A_237 {strides = array<i32>} : memref<4x128x2048xbf16, #tpu.memory_space<vmem>>, vector<1x128x2048xbf16>,
    %get3A_238 = arith.index_cast %rem3A_91 : i32 to index
    %get3A_239 = arith.constant 1 : index
    %get3A_240 = arith.constant 0 : index
    %get3A_241 = arith.constant 0 : index
    %get3A_242 = vector.load %arg6[%get3A_238, %get3A_239, %get3A_240, %get3A_241] : memref<2x4x2048x128xf32, #tpu.memory_space<vmem>>, vector<1x1x2048x128xf32>
    %get3A_243 = vector.shape_cast %get3A_242 : vector<1x1x2048x128xf32> to vector<2048x128xf32>
    %transpose3A_244 = tpu.transpose %get3A_243, [1, 0] : vector<2048x128xf32> -> vector<128x2048xf32>
    %swap3A_245 = arith.constant 1 : index
    %swap3A_246 = arith.constant 0 : index
    %swap3A_247 = arith.constant 0 : index
    %swap3A_248 = vector.load %arg10[%swap3A_245, %swap3A_246, %swap3A_247] : memref<4x128x2048xf32, #tpu.memory_space<vmem>>, vector<1x128x2048xf32>
    %swap3A_249 = vector.shape_cast %swap3A_248 : vector<1x128x2048xf32> to vector<128x2048xf32>
    %swap3A_250 = vector.shape_cast %transpose3A_244 : vector<128x2048xf32> to vector<1x128x2048xf32>
    tpu.vector_store %arg10[%swap3A_245, %swap3A_246, %swap3A_247], %swap3A_250 {strides = array<i32>} : memref<4x128x2048xf32, #tpu.memory_space<vmem>>, vector<1x128x2048xf32>,
    %convert_element_type3A_251 = arith.truncf %transpose3A_244 : vector<128x2048xf32> to vector<128x2048xbf16>
    %swap3A_252 = arith.constant 1 : index
    %swap3A_253 = arith.constant 0 : index
    %swap3A_254 = arith.constant 0 : index
    %swap3A_255 = vector.load %arg11[%swap3A_252, %swap3A_253, %swap3A_254] : memref<4x128x2048xbf16, #tpu.memory_space<vmem>>, vector<1x128x2048xbf16>
    %swap3A_256 = vector.shape_cast %swap3A_255 : vector<1x128x2048xbf16> to vector<128x2048xbf16>
    %swap3A_257 = vector.shape_cast %convert_element_type3A_251 : vector<128x2048xbf16> to vector<1x128x2048xbf16>
    tpu.vector_store %arg11[%swap3A_252, %swap3A_253, %swap3A_254], %swap3A_257 {strides = array<i32>} : memref<4x128x2048xbf16, #tpu.memory_space<vmem>>, vector<1x128x2048xbf16>,
    %get3A_258 = arith.index_cast %rem3A_91 : i32 to index
    %get3A_259 = arith.constant 1 : index
    %get3A_260 = arith.constant 0 : index
    %get3A_261 = arith.constant 0 : index
    %get3A_262 = vector.load %arg7[%get3A_258, %get3A_259, %get3A_260, %get3A_261] : memref<2x4x1x2048xi32, #tpu.memory_space<vmem>>, vector<1x1x1x2048xi32>
    %get3A_263 = vector.shape_cast %get3A_262 : vector<1x1x1x2048xi32> to vector<1x2048xi32>
    %eq3A_264 = vector.broadcast %get3A_263 : vector<1x2048xi32> to vector<128x2048xi32>
    %eq3A_265 = arith.cmpi eq, %add3A_89, %eq3A_264 : vector<128x2048xi32>
    %convert_element_type3A_266 = arith.extui %eq3A_265 : vector<128x2048xi1> to vector<128x2048xi32>
    %convert_element_type3A_267 = arith.sitofp %convert_element_type3A_266 : vector<128x2048xi32> to vector<128x2048xf32>
    %convert_element_type3A_268 = arith.truncf %convert_element_type3A_267 : vector<128x2048xf32> to vector<128x2048xbf16>
    %swap3A_269 = arith.constant 1 : index
    %swap3A_270 = arith.constant 0 : index
    %swap3A_271 = arith.constant 0 : index
    %swap3A_272 = vector.load %arg12[%swap3A_269, %swap3A_270, %swap3A_271] : memref<4x128x2048xbf16, #tpu.memory_space<vmem>>, vector<1x128x2048xbf16>
    %swap3A_273 = vector.shape_cast %swap3A_272 : vector<1x128x2048xbf16> to vector<128x2048xbf16>
    %swap3A_274 = vector.shape_cast %convert_element_type3A_268 : vector<128x2048xbf16> to vector<1x128x2048xbf16>
    tpu.vector_store %arg12[%swap3A_269, %swap3A_270, %swap3A_271], %swap3A_274 {strides = array<i32>} : memref<4x128x2048xbf16, #tpu.memory_space<vmem>>, vector<1x128x2048xbf16>,
    %get3A_275 = arith.index_cast %rem3A_91 : i32 to index
    %get3A_276 = arith.constant 2 : index
    %get3A_277 = arith.constant 0 : index
    %get3A_278 = arith.constant 0 : index
    %get3A_279 = vector.load %arg6[%get3A_275, %get3A_276, %get3A_277, %get3A_278] : memref<2x4x2048x128xf32, #tpu.memory_space<vmem>>, vector<1x1x2048x128xf32>
    %get3A_280 = vector.shape_cast %get3A_279 : vector<1x1x2048x128xf32> to vector<2048x128xf32>
    %transpose3A_281 = tpu.transpose %get3A_280, [1, 0] : vector<2048x128xf32> -> vector<128x2048xf32>
    %swap3A_282 = arith.constant 2 : index
    %swap3A_283 = arith.constant 0 : index
    %swap3A_284 = arith.constant 0 : index
    %swap3A_285 = vector.load %arg10[%swap3A_282, %swap3A_283, %swap3A_284] : memref<4x128x2048xf32, #tpu.memory_space<vmem>>, vector<1x128x2048xf32>
    %swap3A_286 = vector.shape_cast %swap3A_285 : vector<1x128x2048xf32> to vector<128x2048xf32>
    %swap3A_287 = vector.shape_cast %transpose3A_281 : vector<128x2048xf32> to vector<1x128x2048xf32>
    tpu.vector_store %arg10[%swap3A_282, %swap3A_283, %swap3A_284], %swap3A_287 {strides = array<i32>} : memref<4x128x2048xf32, #tpu.memory_space<vmem>>, vector<1x128x2048xf32>,
    %convert_element_type3A_288 = arith.truncf %transpose3A_281 : vector<128x2048xf32> to vector<128x2048xbf16>
    %swap3A_289 = arith.constant 2 : index
    %swap3A_290 = arith.constant 0 : index
    %swap3A_291 = arith.constant 0 : index
    %swap3A_292 = vector.load %arg11[%swap3A_289, %swap3A_290, %swap3A_291] : memref<4x128x2048xbf16, #tpu.memory_space<vmem>>, vector<1x128x2048xbf16>
    %swap3A_293 = vector.shape_cast %swap3A_292 : vector<1x128x2048xbf16> to vector<128x2048xbf16>
    %swap3A_294 = vector.shape_cast %convert_element_type3A_288 : vector<128x2048xbf16> to vector<1x128x2048xbf16>
    tpu.vector_store %arg11[%swap3A_289, %swap3A_290, %swap3A_291], %swap3A_294 {strides = array<i32>} : memref<4x128x2048xbf16, #tpu.memory_space<vmem>>, vector<1x128x2048xbf16>,
    %get3A_295 = arith.index_cast %rem3A_91 : i32 to index
    %get3A_296 = arith.constant 2 : index
    %get3A_297 = arith.constant 0 : index
    %get3A_298 = arith.constant 0 : index
    %get3A_299 = vector.load %arg7[%get3A_295, %get3A_296, %get3A_297, %get3A_298] : memref<2x4x1x2048xi32, #tpu.memory_space<vmem>>, vector<1x1x1x2048xi32>
    %get3A_300 = vector.shape_cast %get3A_299 : vector<1x1x1x2048xi32> to vector<1x2048xi32>
    %eq3A_301 = vector.broadcast %get3A_300 : vector<1x2048xi32> to vector<128x2048xi32>
    %eq3A_302 = arith.cmpi eq, %add3A_89, %eq3A_301 : vector<128x2048xi32>
    %convert_element_type3A_303 = arith.extui %eq3A_302 : vector<128x2048xi1> to vector<128x2048xi32>
    %convert_element_type3A_304 = arith.sitofp %convert_element_type3A_303 : vector<128x2048xi32> to vector<128x2048xf32>
    %convert_element_type3A_305 = arith.truncf %convert_element_type3A_304 : vector<128x2048xf32> to vector<128x2048xbf16>
    %swap3A_306 = arith.constant 2 : index
    %swap3A_307 = arith.constant 0 : index
    %swap3A_308 = arith.constant 0 : index
    %swap3A_309 = vector.load %arg12[%swap3A_306, %swap3A_307, %swap3A_308] : memref<4x128x2048xbf16, #tpu.memory_space<vmem>>, vector<1x128x2048xbf16>
    %swap3A_310 = vector.shape_cast %swap3A_309 : vector<1x128x2048xbf16> to vector<128x2048xbf16>
    %swap3A_311 = vector.shape_cast %convert_element_type3A_305 : vector<128x2048xbf16> to vector<1x128x2048xbf16>
    tpu.vector_store %arg12[%swap3A_306, %swap3A_307, %swap3A_308], %swap3A_311 {strides = array<i32>} : memref<4x128x2048xbf16, #tpu.memory_space<vmem>>, vector<1x128x2048xbf16>,
    %get3A_312 = arith.index_cast %rem3A_91 : i32 to index
    %get3A_313 = arith.constant 3 : index
    %get3A_314 = arith.constant 0 : index
    %get3A_315 = arith.constant 0 : index
    %get3A_316 = vector.load %arg6[%get3A_312, %get3A_313, %get3A_314, %get3A_315] : memref<2x4x2048x128xf32, #tpu.memory_space<vmem>>, vector<1x1x2048x128xf32>
    %get3A_317 = vector.shape_cast %get3A_316 : vector<1x1x2048x128xf32> to vector<2048x128xf32>
    %transpose3A_318 = tpu.transpose %get3A_317, [1, 0] : vector<2048x128xf32> -> vector<128x2048xf32>
    %swap3A_319 = arith.constant 3 : index
    %swap3A_320 = arith.constant 0 : index
    %swap3A_321 = arith.constant 0 : index
    %swap3A_322 = vector.load %arg10[%swap3A_319, %swap3A_320, %swap3A_321] : memref<4x128x2048xf32, #tpu.memory_space<vmem>>, vector<1x128x2048xf32>
    %swap3A_323 = vector.shape_cast %swap3A_322 : vector<1x128x2048xf32> to vector<128x2048xf32>
    %swap3A_324 = vector.shape_cast %transpose3A_318 : vector<128x2048xf32> to vector<1x128x2048xf32>
    tpu.vector_store %arg10[%swap3A_319, %swap3A_320, %swap3A_321], %swap3A_324 {strides = array<i32>} : memref<4x128x2048xf32, #tpu.memory_space<vmem>>, vector<1x128x2048xf32>,
    %convert_element_type3A_325 = arith.truncf %transpose3A_318 : vector<128x2048xf32> to vector<128x2048xbf16>
    %swap3A_326 = arith.constant 3 : index
    %swap3A_327 = arith.constant 0 : index
    %swap3A_328 = arith.constant 0 : index
    %swap3A_329 = vector.load %arg11[%swap3A_326, %swap3A_327, %swap3A_328] : memref<4x128x2048xbf16, #tpu.memory_space<vmem>>, vector<1x128x2048xbf16>
    %swap3A_330 = vector.shape_cast %swap3A_329 : vector<1x128x2048xbf16> to vector<128x2048xbf16>
    %swap3A_331 = vector.shape_cast %convert_element_type3A_325 : vector<128x2048xbf16> to vector<1x128x2048xbf16>
    tpu.vector_store %arg11[%swap3A_326, %swap3A_327, %swap3A_328], %swap3A_331 {strides = array<i32>} : memref<4x128x2048xbf16, #tpu.memory_space<vmem>>, vector<1x128x2048xbf16>,
    %get3A_332 = arith.index_cast %rem3A_91 : i32 to index
    %get3A_333 = arith.constant 3 : index
    %get3A_334 = arith.constant 0 : index
    %get3A_335 = arith.constant 0 : index
    %get3A_336 = vector.load %arg7[%get3A_332, %get3A_333, %get3A_334, %get3A_335] : memref<2x4x1x2048xi32, #tpu.memory_space<vmem>>, vector<1x1x1x2048xi32>
    %get3A_337 = vector.shape_cast %get3A_336 : vector<1x1x1x2048xi32> to vector<1x2048xi32>
    %eq3A_338 = vector.broadcast %get3A_337 : vector<1x2048xi32> to vector<128x2048xi32>
    %eq3A_339 = arith.cmpi eq, %add3A_89, %eq3A_338 : vector<128x2048xi32>
    %convert_element_type3A_340 = arith.extui %eq3A_339 : vector<128x2048xi1> to vector<128x2048xi32>
    %convert_element_type3A_341 = arith.sitofp %convert_element_type3A_340 : vector<128x2048xi32> to vector<128x2048xf32>
    %convert_element_type3A_342 = arith.truncf %convert_element_type3A_341 : vector<128x2048xf32> to vector<128x2048xbf16>
    %swap3A_343 = arith.constant 3 : index
    %swap3A_344 = arith.constant 0 : index
    %swap3A_345 = arith.constant 0 : index
    %swap3A_346 = vector.load %arg12[%swap3A_343, %swap3A_344, %swap3A_345] : memref<4x128x2048xbf16, #tpu.memory_space<vmem>>, vector<1x128x2048xbf16>
    %swap3A_347 = vector.shape_cast %swap3A_346 : vector<1x128x2048xbf16> to vector<128x2048xbf16>
    %swap3A_348 = vector.shape_cast %convert_element_type3A_342 : vector<128x2048xbf16> to vector<1x128x2048xbf16>
    tpu.vector_store %arg12[%swap3A_343, %swap3A_344, %swap3A_345], %swap3A_348 {strides = array<i32>} : memref<4x128x2048xbf16, #tpu.memory_space<vmem>>, vector<1x128x2048xbf16>,
    %get3A_349 = arith.constant 0 : index
    %get3A_350 = arith.constant 0 : index
    %get3A_351 = vector.load %arg2[%get3A_349, %get3A_350] : memref<128x128xf32, #tpu.memory_space<vmem>>, vector<128x128xf32>
    %transpose3A_352 = tpu.transpose %get3A_351, [1, 0] : vector<128x128xf32> -> vector<128x128xf32>
    %dot_general3A = arith.constant dense<0.000000e+00> : vector<128x128xf32>
    %dot_general3A_353 = tpu.matmul %convert_element_type3A_84, %transpose3A_352, %dot_general3A {dimension_numbers = #tpu.dot_dimension_numbers<[1], [0], [0], [1], [0, 0, 1, 1], [], []>, transpose_lhs_hint = false} : vector<128x128xf32>, vector<128x128xf32>, vector<128x128xf32> -> vector<128x128xf32>
    %convert_element_type3A_354 = arith.truncf %dot_general3A_353 : vector<128x128xf32> to vector<128x128xbf16>
    %broadcast_in_dim3A = arith.constant 0.000000e+00 : f32
    %broadcast_in_dim3A_355 = vector.broadcast %broadcast_in_dim3A : f32 to vector<128x128xf32>
    %while3A = arith.constant 0 : i32
    %while3A_356 = arith.subi %div3A_29, %while3A : i32
    %while3A_357 = arith.addi %while3A, %while3A_356 : i32
    %while3A_358 = arith.constant 1 : i32
    %while3A_359 = arith.divsi %while3A_356, %while3A_358 : i32
    %while3A_360 = arith.muli %while3A_359, %while3A_358 : i32
    %while3A_361 = arith.addi %while3A, %while3A_360 : i32
    %while3A_362 = arith.constant 1 : i32
    %while3A_363 = scf.for %while3A_646 = %while3A to %while3A_361 step %while3A_362 iter_args(%while3A_647 = %broadcast_in_dim3A_355) -> (vector<128x128xf32>)  : i32 {
      %mul3A_648 = arith.constant 2 : i32
      %mul3A_649 = arith.muli %mul3A_648, %while3A_646 : i32
      %jit3A_650 = arith.constant 0 : i32
      %select_n3A_651 = arith.select %le3A_30, %mul3A_649, %jit3A_650 : i32
      %add3A_652 = arith.constant 1 : i32
      %add3A_653 = arith.addi %mul3A_649, %add3A_652 : i32
      %jit3A_654 = arith.constant 1 : i32
      %select_n3A_655 = arith.select %le3A_30, %add3A_653, %jit3A_654 : i32
      %not3A = arith.constant true
      %not3A_656 = arith.xori %le3A_30, %not3A : i1
      %convert_element_type3A_657 = arith.extui %not3A_656 : i1 to i32
      %cond3A_658 = arith.constant 0 : i32
      %cond3A_659 = arith.cmpi ne, %convert_element_type3A_657, %cond3A_658 : i32
      scf.if %cond3A_659 {
        %add3A_777 = arith.constant 1 : i32
        %add3A_778 = arith.addi %mul3A_649, %add3A_777 : i32
        %mul3A_779 = arith.constant 2048 : i32
        %mul3A_780 = arith.muli %mul3A_649, %mul3A_779 : i32
        %add3A_781 = arith.addi %multiple_of3A, %mul3A_780 : i32
        %mul3A_782 = arith.constant 2048 : i32
        %mul3A_783 = arith.muli %mul3A_649, %mul3A_782 : i32
        %add3A_784 = arith.addi %multiple_of3A, %mul3A_783 : i32
        %mul3A_785 = arith.constant 2048 : i32
        %mul3A_786 = arith.muli %add3A_778, %mul3A_785 : i32
        %add3A_787 = arith.addi %multiple_of3A, %mul3A_786 : i32
        %mul3A_788 = arith.constant 2048 : i32
        %mul3A_789 = arith.muli %add3A_778, %mul3A_788 : i32
        %add3A_790 = arith.addi %multiple_of3A, %mul3A_789 : i32
        %dma_start3A = arith.constant 0 : i32
        %dma_start3A_791 = arith.constant 0 : i32
        %dma_start3A_792 = arith.constant 0 : i32
        %dma_start3A_793 = tpu.memref_slice %arg8[%dma_start3A, %dma_start3A_791, %dma_start3A_792] : memref<2x2048x128xf32, #tpu.memory_space<vmem>> -> memref<1x2048x128xf32, #tpu.memory_space<vmem>>
        %dma_start3A_794 = tpu.memref_squeeze %dma_start3A_793 : memref<1x2048x128xf32, #tpu.memory_space<vmem>> -> memref<2048x128xf32, #tpu.memory_space<vmem>>
        %dma_start3A_795 = arith.constant 0 : i32
        %dma_start3A_796 = tpu.memref_slice %arg3[%add3A_781, %dma_start3A_795] : memref<344064x128xf32, #tpu.memory_space<any>> -> memref<2048x128xf32, #tpu.memory_space<any>>
        tpu.enqueue_dma source(%dma_start3A_796 : memref<2048x128xf32, #tpu.memory_space<any>>) target(%dma_start3A_794 : memref<2048x128xf32, #tpu.memory_space<vmem>>) target_semaphore(%arg13 : memref<!tpu.dma_semaphore, #tpu.memory_space<semaphore_mem>>)
        %dma_start3A_797 = arith.constant 0 : i32
        %dma_start3A_798 = arith.constant 0 : i32
        %dma_start3A_799 = arith.constant 0 : i32
        %dma_start3A_800 = tpu.memref_slice %arg9[%dma_start3A_797, %dma_start3A_798, %dma_start3A_799] : memref<2x1x2048xi32, #tpu.memory_space<vmem>> -> memref<1x1x2048xi32, #tpu.memory_space<vmem>>
        %dma_start3A_801 = tpu.memref_squeeze %dma_start3A_800 : memref<1x1x2048xi32, #tpu.memory_space<vmem>> -> memref<1x2048xi32, #tpu.memory_space<vmem>>
        %dma_start3A_802 = arith.constant 0 : i32
        %dma_start3A_803 = tpu.memref_slice %arg4[%dma_start3A_802, %add3A_784] : memref<1x344064xi32, #tpu.memory_space<any>> -> memref<1x2048xi32, #tpu.memory_space<any>>
        tpu.enqueue_dma source(%dma_start3A_803 : memref<1x2048xi32, #tpu.memory_space<any>>) target(%dma_start3A_801 : memref<1x2048xi32, #tpu.memory_space<vmem>>) target_semaphore(%arg13 : memref<!tpu.dma_semaphore, #tpu.memory_space<semaphore_mem>>)
        %dma_start3A_804 = arith.constant 1 : i32
        %dma_start3A_805 = arith.constant 0 : i32
        %dma_start3A_806 = arith.constant 0 : i32
        %dma_start3A_807 = tpu.memref_slice %arg8[%dma_start3A_804, %dma_start3A_805, %dma_start3A_806] : memref<2x2048x128xf32, #tpu.memory_space<vmem>> -> memref<1x2048x128xf32, #tpu.memory_space<vmem>>
        %dma_start3A_808 = tpu.memref_squeeze %dma_start3A_807 : memref<1x2048x128xf32, #tpu.memory_space<vmem>> -> memref<2048x128xf32, #tpu.memory_space<vmem>>
        %dma_start3A_809 = arith.constant 0 : i32
        %dma_start3A_810 = tpu.memref_slice %arg3[%add3A_787, %dma_start3A_809] : memref<344064x128xf32, #tpu.memory_space<any>> -> memref<2048x128xf32, #tpu.memory_space<any>>
        tpu.enqueue_dma source(%dma_start3A_810 : memref<2048x128xf32, #tpu.memory_space<any>>) target(%dma_start3A_808 : memref<2048x128xf32, #tpu.memory_space<vmem>>) target_semaphore(%arg13 : memref<!tpu.dma_semaphore, #tpu.memory_space<semaphore_mem>>)
        %dma_start3A_811 = arith.constant 1 : i32
        %dma_start3A_812 = arith.constant 0 : i32
        %dma_start3A_813 = arith.constant 0 : i32
        %dma_start3A_814 = tpu.memref_slice %arg9[%dma_start3A_811, %dma_start3A_812, %dma_start3A_813] : memref<2x1x2048xi32, #tpu.memory_space<vmem>> -> memref<1x1x2048xi32, #tpu.memory_space<vmem>>
        %dma_start3A_815 = tpu.memref_squeeze %dma_start3A_814 : memref<1x1x2048xi32, #tpu.memory_space<vmem>> -> memref<1x2048xi32, #tpu.memory_space<vmem>>
        %dma_start3A_816 = arith.constant 0 : i32
        %dma_start3A_817 = tpu.memref_slice %arg4[%dma_start3A_816, %add3A_790] : memref<1x344064xi32, #tpu.memory_space<any>> -> memref<1x2048xi32, #tpu.memory_space<any>>
        tpu.enqueue_dma source(%dma_start3A_817 : memref<1x2048xi32, #tpu.memory_space<any>>) target(%dma_start3A_815 : memref<1x2048xi32, #tpu.memory_space<vmem>>) target_semaphore(%arg13 : memref<!tpu.dma_semaphore, #tpu.memory_space<semaphore_mem>>)
        %dma_wait3A_818 = arith.constant 0 : i32
        %dma_wait3A_819 = arith.constant 0 : i32
        %dma_wait3A_820 = arith.constant 0 : i32
        %dma_wait3A_821 = tpu.memref_slice %arg8[%dma_wait3A_818, %dma_wait3A_819, %dma_wait3A_820] : memref<2x2048x128xf32, #tpu.memory_space<vmem>> -> memref<1x2048x128xf32, #tpu.memory_space<vmem>>
        %dma_wait3A_822 = tpu.memref_squeeze %dma_wait3A_821 : memref<1x2048x128xf32, #tpu.memory_space<vmem>> -> memref<2048x128xf32, #tpu.memory_space<vmem>>
        %dma_wait3A_823 = arith.constant 0 : i32
        %dma_wait3A_824 = tpu.memref_slice %arg3[%add3A_781, %dma_wait3A_823] : memref<344064x128xf32, #tpu.memory_space<any>> -> memref<2048x128xf32, #tpu.memory_space<any>>
        tpu.wait_dma2 semaphore(%arg13 : memref<!tpu.dma_semaphore, #tpu.memory_space<semaphore_mem>>) src(%dma_wait3A_824 : memref<2048x128xf32, #tpu.memory_space<any>>) dst(%dma_wait3A_822 : memref<2048x128xf32, #tpu.memory_space<vmem>>)
        %dma_wait3A_825 = arith.constant 0 : i32
        %dma_wait3A_826 = arith.constant 0 : i32
        %dma_wait3A_827 = arith.constant 0 : i32
        %dma_wait3A_828 = tpu.memref_slice %arg9[%dma_wait3A_825, %dma_wait3A_826, %dma_wait3A_827] : memref<2x1x2048xi32, #tpu.memory_space<vmem>> -> memref<1x1x2048xi32, #tpu.memory_space<vmem>>
        %dma_wait3A_829 = tpu.memref_squeeze %dma_wait3A_828 : memref<1x1x2048xi32, #tpu.memory_space<vmem>> -> memref<1x2048xi32, #tpu.memory_space<vmem>>
        %dma_wait3A_830 = arith.constant 0 : i32
        %dma_wait3A_831 = tpu.memref_slice %arg4[%dma_wait3A_830, %add3A_784] : memref<1x344064xi32, #tpu.memory_space<any>> -> memref<1x2048xi32, #tpu.memory_space<any>>
        tpu.wait_dma2 semaphore(%arg13 : memref<!tpu.dma_semaphore, #tpu.memory_space<semaphore_mem>>) src(%dma_wait3A_831 : memref<1x2048xi32, #tpu.memory_space<any>>) dst(%dma_wait3A_829 : memref<1x2048xi32, #tpu.memory_space<vmem>>)
        %dma_wait3A_832 = arith.constant 1 : i32
        %dma_wait3A_833 = arith.constant 0 : i32
        %dma_wait3A_834 = arith.constant 0 : i32
        %dma_wait3A_835 = tpu.memref_slice %arg8[%dma_wait3A_832, %dma_wait3A_833, %dma_wait3A_834] : memref<2x2048x128xf32, #tpu.memory_space<vmem>> -> memref<1x2048x128xf32, #tpu.memory_space<vmem>>
        %dma_wait3A_836 = tpu.memref_squeeze %dma_wait3A_835 : memref<1x2048x128xf32, #tpu.memory_space<vmem>> -> memref<2048x128xf32, #tpu.memory_space<vmem>>
        %dma_wait3A_837 = arith.constant 0 : i32
        %dma_wait3A_838 = tpu.memref_slice %arg3[%add3A_787, %dma_wait3A_837] : memref<344064x128xf32, #tpu.memory_space<any>> -> memref<2048x128xf32, #tpu.memory_space<any>>
        tpu.wait_dma2 semaphore(%arg13 : memref<!tpu.dma_semaphore, #tpu.memory_space<semaphore_mem>>) src(%dma_wait3A_838 : memref<2048x128xf32, #tpu.memory_space<any>>) dst(%dma_wait3A_836 : memref<2048x128xf32, #tpu.memory_space<vmem>>)
        %dma_wait3A_839 = arith.constant 1 : i32
        %dma_wait3A_840 = arith.constant 0 : i32
        %dma_wait3A_841 = arith.constant 0 : i32
        %dma_wait3A_842 = tpu.memref_slice %arg9[%dma_wait3A_839, %dma_wait3A_840, %dma_wait3A_841] : memref<2x1x2048xi32, #tpu.memory_space<vmem>> -> memref<1x1x2048xi32, #tpu.memory_space<vmem>>
        %dma_wait3A_843 = tpu.memref_squeeze %dma_wait3A_842 : memref<1x1x2048xi32, #tpu.memory_space<vmem>> -> memref<1x2048xi32, #tpu.memory_space<vmem>>
        %dma_wait3A_844 = arith.constant 0 : i32
        %dma_wait3A_845 = tpu.memref_slice %arg4[%dma_wait3A_844, %add3A_790] : memref<1x344064xi32, #tpu.memory_space<any>> -> memref<1x2048xi32, #tpu.memory_space<any>>
        tpu.wait_dma2 semaphore(%arg13 : memref<!tpu.dma_semaphore, #tpu.memory_space<semaphore_mem>>) src(%dma_wait3A_845 : memref<1x2048xi32, #tpu.memory_space<any>>) dst(%dma_wait3A_843 : memref<1x2048xi32, #tpu.memory_space<vmem>>)
        %get3A_846 = arith.constant 0 : index
        %get3A_847 = arith.constant 0 : index
        %get3A_848 = arith.constant 0 : index
        %get3A_849 = vector.load %arg8[%get3A_846, %get3A_847, %get3A_848] : memref<2x2048x128xf32, #tpu.memory_space<vmem>>, vector<1x2048x128xf32>
        %get3A_850 = vector.shape_cast %get3A_849 : vector<1x2048x128xf32> to vector<2048x128xf32>
        %transpose3A_851 = tpu.transpose %get3A_850, [1, 0] : vector<2048x128xf32> -> vector<128x2048xf32>
        %swap3A_852 = arith.index_cast %select_n3A_651 : i32 to index
        %swap3A_853 = arith.constant 0 : index
        %swap3A_854 = arith.constant 0 : index
        %swap3A_855 = vector.load %arg10[%swap3A_852, %swap3A_853, %swap3A_854] : memref<4x128x2048xf32, #tpu.memory_space<vmem>>, vector<1x128x2048xf32>
        %swap3A_856 = vector.shape_cast %swap3A_855 : vector<1x128x2048xf32> to vector<128x2048xf32>
        %swap3A_857 = vector.shape_cast %transpose3A_851 : vector<128x2048xf32> to vector<1x128x2048xf32>
        tpu.vector_store %arg10[%swap3A_852, %swap3A_853, %swap3A_854], %swap3A_857 {strides = array<i32>} : memref<4x128x2048xf32, #tpu.memory_space<vmem>>, vector<1x128x2048xf32>,
        %convert_element_type3A_858 = arith.truncf %transpose3A_851 : vector<128x2048xf32> to vector<128x2048xbf16>
        %swap3A_859 = arith.index_cast %select_n3A_651 : i32 to index
        %swap3A_860 = arith.constant 0 : index
        %swap3A_861 = arith.constant 0 : index
        %swap3A_862 = vector.load %arg11[%swap3A_859, %swap3A_860, %swap3A_861] : memref<4x128x2048xbf16, #tpu.memory_space<vmem>>, vector<1x128x2048xbf16>
        %swap3A_863 = vector.shape_cast %swap3A_862 : vector<1x128x2048xbf16> to vector<128x2048xbf16>
        %swap3A_864 = vector.shape_cast %convert_element_type3A_858 : vector<128x2048xbf16> to vector<1x128x2048xbf16>
        tpu.vector_store %arg11[%swap3A_859, %swap3A_860, %swap3A_861], %swap3A_864 {strides = array<i32>} : memref<4x128x2048xbf16, #tpu.memory_space<vmem>>, vector<1x128x2048xbf16>,
        %get3A_865 = arith.constant 0 : index
        %get3A_866 = arith.constant 0 : index
        %get3A_867 = arith.constant 0 : index
        %get3A_868 = vector.load %arg9[%get3A_865, %get3A_866, %get3A_867] : memref<2x1x2048xi32, #tpu.memory_space<vmem>>, vector<1x1x2048xi32>
        %get3A_869 = vector.shape_cast %get3A_868 : vector<1x1x2048xi32> to vector<1x2048xi32>
        %eq3A_870 = vector.broadcast %get3A_869 : vector<1x2048xi32> to vector<128x2048xi32>
        %eq3A_871 = arith.cmpi eq, %add3A_89, %eq3A_870 : vector<128x2048xi32>
        %convert_element_type3A_872 = arith.extui %eq3A_871 : vector<128x2048xi1> to vector<128x2048xi32>
        %convert_element_type3A_873 = arith.sitofp %convert_element_type3A_872 : vector<128x2048xi32> to vector<128x2048xf32>
        %convert_element_type3A_874 = arith.truncf %convert_element_type3A_873 : vector<128x2048xf32> to vector<128x2048xbf16>
        %swap3A_875 = arith.index_cast %select_n3A_651 : i32 to index
        %swap3A_876 = arith.constant 0 : index
        %swap3A_877 = arith.constant 0 : index
        %swap3A_878 = vector.load %arg12[%swap3A_875, %swap3A_876, %swap3A_877] : memref<4x128x2048xbf16, #tpu.memory_space<vmem>>, vector<1x128x2048xbf16>
        %swap3A_879 = vector.shape_cast %swap3A_878 : vector<1x128x2048xbf16> to vector<128x2048xbf16>
        %swap3A_880 = vector.shape_cast %convert_element_type3A_874 : vector<128x2048xbf16> to vector<1x128x2048xbf16>
        tpu.vector_store %arg12[%swap3A_875, %swap3A_876, %swap3A_877], %swap3A_880 {strides = array<i32>} : memref<4x128x2048xbf16, #tpu.memory_space<vmem>>, vector<1x128x2048xbf16>,
        %get3A_881 = arith.constant 1 : index
        %get3A_882 = arith.constant 0 : index
        %get3A_883 = arith.constant 0 : index
        %get3A_884 = vector.load %arg8[%get3A_881, %get3A_882, %get3A_883] : memref<2x2048x128xf32, #tpu.memory_space<vmem>>, vector<1x2048x128xf32>
        %get3A_885 = vector.shape_cast %get3A_884 : vector<1x2048x128xf32> to vector<2048x128xf32>
        %transpose3A_886 = tpu.transpose %get3A_885, [1, 0] : vector<2048x128xf32> -> vector<128x2048xf32>
        %swap3A_887 = arith.index_cast %select_n3A_655 : i32 to index
        %swap3A_888 = arith.constant 0 : index
        %swap3A_889 = arith.constant 0 : index
        %swap3A_890 = vector.load %arg10[%swap3A_887, %swap3A_888, %swap3A_889] : memref<4x128x2048xf32, #tpu.memory_space<vmem>>, vector<1x128x2048xf32>
        %swap3A_891 = vector.shape_cast %swap3A_890 : vector<1x128x2048xf32> to vector<128x2048xf32>
        %swap3A_892 = vector.shape_cast %transpose3A_886 : vector<128x2048xf32> to vector<1x128x2048xf32>
        tpu.vector_store %arg10[%swap3A_887, %swap3A_888, %swap3A_889], %swap3A_892 {strides = array<i32>} : memref<4x128x2048xf32, #tpu.memory_space<vmem>>, vector<1x128x2048xf32>,
        %convert_element_type3A_893 = arith.truncf %transpose3A_886 : vector<128x2048xf32> to vector<128x2048xbf16>
        %swap3A_894 = arith.index_cast %select_n3A_655 : i32 to index
        %swap3A_895 = arith.constant 0 : index
        %swap3A_896 = arith.constant 0 : index
        %swap3A_897 = vector.load %arg11[%swap3A_894, %swap3A_895, %swap3A_896] : memref<4x128x2048xbf16, #tpu.memory_space<vmem>>, vector<1x128x2048xbf16>
        %swap3A_898 = vector.shape_cast %swap3A_897 : vector<1x128x2048xbf16> to vector<128x2048xbf16>
        %swap3A_899 = vector.shape_cast %convert_element_type3A_893 : vector<128x2048xbf16> to vector<1x128x2048xbf16>
        tpu.vector_store %arg11[%swap3A_894, %swap3A_895, %swap3A_896], %swap3A_899 {strides = array<i32>} : memref<4x128x2048xbf16, #tpu.memory_space<vmem>>, vector<1x128x2048xbf16>,
        %get3A_900 = arith.constant 1 : index
        %get3A_901 = arith.constant 0 : index
        %get3A_902 = arith.constant 0 : index
        %get3A_903 = vector.load %arg9[%get3A_900, %get3A_901, %get3A_902] : memref<2x1x2048xi32, #tpu.memory_space<vmem>>, vector<1x1x2048xi32>
        %get3A_904 = vector.shape_cast %get3A_903 : vector<1x1x2048xi32> to vector<1x2048xi32>
        %eq3A_905 = vector.broadcast %get3A_904 : vector<1x2048xi32> to vector<128x2048xi32>
        %eq3A_906 = arith.cmpi eq, %add3A_89, %eq3A_905 : vector<128x2048xi32>
        %convert_element_type3A_907 = arith.extui %eq3A_906 : vector<128x2048xi1> to vector<128x2048xi32>
        %convert_element_type3A_908 = arith.sitofp %convert_element_type3A_907 : vector<128x2048xi32> to vector<128x2048xf32>
        %convert_element_type3A_909 = arith.truncf %convert_element_type3A_908 : vector<128x2048xf32> to vector<128x2048xbf16>
        %swap3A_910 = arith.index_cast %select_n3A_655 : i32 to index
        %swap3A_911 = arith.constant 0 : index
        %swap3A_912 = arith.constant 0 : index
        %swap3A_913 = vector.load %arg12[%swap3A_910, %swap3A_911, %swap3A_912] : memref<4x128x2048xbf16, #tpu.memory_space<vmem>>, vector<1x128x2048xbf16>
        %swap3A_914 = vector.shape_cast %swap3A_913 : vector<1x128x2048xbf16> to vector<128x2048xbf16>
        %swap3A_915 = vector.shape_cast %convert_element_type3A_909 : vector<128x2048xbf16> to vector<1x128x2048xbf16>
        tpu.vector_store %arg12[%swap3A_910, %swap3A_911, %swap3A_912], %swap3A_915 {strides = array<i32>} : memref<4x128x2048xbf16, #tpu.memory_space<vmem>>, vector<1x128x2048xbf16>,
      } else {
      }
      %get3A_660 = arith.index_cast %select_n3A_651 : i32 to index
      %get3A_661 = arith.constant 0 : index
      %get3A_662 = arith.constant 0 : index
      %get3A_663 = vector.load %arg10[%get3A_660, %get3A_661, %get3A_662] : memref<4x128x2048xf32, #tpu.memory_space<vmem>>, vector<1x128x2048xf32>
      %get3A_664 = vector.shape_cast %get3A_663 : vector<1x128x2048xf32> to vector<128x2048xf32>
      %get3A_665 = arith.index_cast %select_n3A_651 : i32 to index
      %get3A_666 = arith.constant 0 : index
      %get3A_667 = arith.constant 0 : index
      %get3A_668 = vector.load %arg11[%get3A_665, %get3A_666, %get3A_667] : memref<4x128x2048xbf16, #tpu.memory_space<vmem>>, vector<1x128x2048xbf16>
      %get3A_669 = vector.shape_cast %get3A_668 : vector<1x128x2048xbf16> to vector<128x2048xbf16>
      %get3A_670 = arith.index_cast %select_n3A_651 : i32 to index
      %get3A_671 = arith.constant 0 : index
      %get3A_672 = arith.constant 0 : index
      %get3A_673 = vector.load %arg12[%get3A_670, %get3A_671, %get3A_672] : memref<4x128x2048xbf16, #tpu.memory_space<vmem>>, vector<1x128x2048xbf16>
      %get3A_674 = vector.shape_cast %get3A_673 : vector<1x128x2048xbf16> to vector<128x2048xbf16>
      %dot_general3A_675 = arith.constant dense<0.000000e+00> : vector<128x2048xf32>
      %dot_general3A_676 = tpu.matmul %convert_element_type3A_354, %get3A_674, %dot_general3A_675 {dimension_numbers = #tpu.dot_dimension_numbers<[1], [0], [0], [1], [0, 0, 1, 1], [], []>, transpose_lhs_hint = false} : vector<128x128xbf16>, vector<128x2048xbf16>, vector<128x2048xf32> -> vector<128x2048xf32>
      %mul3A_677 = arith.mulf %get3A_664, %dot_general3A_676 : vector<128x2048xf32>
      %slice3A_678 = vector.extract_strided_slice %mul3A_677 {offsets = [0, 0], sizes = [32, 2048], strides = [1, 1]} : vector<128x2048xf32> to vector<32x2048xf32>
      %reduce_sum3A_679 = arith.constant dense<0.000000e+00> : vector<2048xf32>
      %reduce_sum3A_680 = vector.multi_reduction <add>, %slice3A_678, %reduce_sum3A_679 [0] : vector<32x2048xf32> to vector<2048xf32>
      %broadcast_in_dim3A_681 = vector.shape_cast %reduce_sum3A_680 : vector<2048xf32> to vector<1x2048xf32>
      %slice3A_682 = vector.extract_strided_slice %mul3A_677 {offsets = [32, 0], sizes = [32, 2048], strides = [1, 1]} : vector<128x2048xf32> to vector<32x2048xf32>
      %reduce_sum3A_683 = arith.constant dense<0.000000e+00> : vector<2048xf32>
      %reduce_sum3A_684 = vector.multi_reduction <add>, %slice3A_682, %reduce_sum3A_683 [0] : vector<32x2048xf32> to vector<2048xf32>
      %broadcast_in_dim3A_685 = vector.shape_cast %reduce_sum3A_684 : vector<2048xf32> to vector<1x2048xf32>
      %slice3A_686 = vector.extract_strided_slice %mul3A_677 {offsets = [64, 0], sizes = [32, 2048], strides = [1, 1]} : vector<128x2048xf32> to vector<32x2048xf32>
      %reduce_sum3A_687 = arith.constant dense<0.000000e+00> : vector<2048xf32>
      %reduce_sum3A_688 = vector.multi_reduction <add>, %slice3A_686, %reduce_sum3A_687 [0] : vector<32x2048xf32> to vector<2048xf32>
      %broadcast_in_dim3A_689 = vector.shape_cast %reduce_sum3A_688 : vector<2048xf32> to vector<1x2048xf32>
      %slice3A_690 = vector.extract_strided_slice %mul3A_677 {offsets = [96, 0], sizes = [32, 2048], strides = [1, 1]} : vector<128x2048xf32> to vector<32x2048xf32>
      %reduce_sum3A_691 = arith.constant dense<0.000000e+00> : vector<2048xf32>
      %reduce_sum3A_692 = vector.multi_reduction <add>, %slice3A_690, %reduce_sum3A_691 [0] : vector<32x2048xf32> to vector<2048xf32>
      %broadcast_in_dim3A_693 = vector.shape_cast %reduce_sum3A_692 : vector<2048xf32> to vector<1x2048xf32>
      %concatenate3A_694 = tpu.concatenate %broadcast_in_dim3A_681, %broadcast_in_dim3A_685, %broadcast_in_dim3A_689, %broadcast_in_dim3A_693 in 0 : vector<1x2048xf32>, vector<1x2048xf32>, vector<1x2048xf32>, vector<1x2048xf32> -> vector<4x2048xf32>
      %exp3A = math.exp %concatenate3A_694 : vector<4x2048xf32>
      %reduce_sum3A_695 = arith.constant dense<0.000000e+00> : vector<2048xf32>
      %reduce_sum3A_696 = vector.multi_reduction <add>, %exp3A, %reduce_sum3A_695 [0] : vector<4x2048xf32> to vector<2048xf32>
      %broadcast_in_dim3A_697 = vector.shape_cast %reduce_sum3A_696 : vector<2048xf32> to vector<1x2048xf32>
      %div3A_698 = vector.broadcast %broadcast_in_dim3A_697 : vector<1x2048xf32> to vector<4x2048xf32>
      %div3A_699 = arith.divf %exp3A, %div3A_698 : vector<4x2048xf32>
      %convert_element_type3A_700 = arith.truncf %div3A_699 : vector<4x2048xf32> to vector<4x2048xbf16>
      %slice3A_701 = vector.extract_strided_slice %convert_element_type3A_700 {offsets = [0, 0], sizes = [1, 2048], strides = [1, 1]} : vector<4x2048xbf16> to vector<1x2048xbf16>
      %broadcast_in_dim3A_702 = vector.shape_cast %slice3A_701 : vector<1x2048xbf16> to vector<1x2048xbf16>
      %broadcast_in_dim3A_703 = vector.broadcast %broadcast_in_dim3A_702 : vector<1x2048xbf16> to vector<32x2048xbf16>
      %slice3A_704 = vector.extract_strided_slice %convert_element_type3A_700 {offsets = [1, 0], sizes = [1, 2048], strides = [1, 1]} : vector<4x2048xbf16> to vector<1x2048xbf16>
      %broadcast_in_dim3A_705 = vector.shape_cast %slice3A_704 : vector<1x2048xbf16> to vector<1x2048xbf16>
      %broadcast_in_dim3A_706 = vector.broadcast %broadcast_in_dim3A_705 : vector<1x2048xbf16> to vector<32x2048xbf16>
      %slice3A_707 = vector.extract_strided_slice %convert_element_type3A_700 {offsets = [2, 0], sizes = [1, 2048], strides = [1, 1]} : vector<4x2048xbf16> to vector<1x2048xbf16>
      %broadcast_in_dim3A_708 = vector.shape_cast %slice3A_707 : vector<1x2048xbf16> to vector<1x2048xbf16>
      %broadcast_in_dim3A_709 = vector.broadcast %broadcast_in_dim3A_708 : vector<1x2048xbf16> to vector<32x2048xbf16>
      %slice3A_710 = vector.extract_strided_slice %convert_element_type3A_700 {offsets = [3, 0], sizes = [1, 2048], strides = [1, 1]} : vector<4x2048xbf16> to vector<1x2048xbf16>
      %broadcast_in_dim3A_711 = vector.shape_cast %slice3A_710 : vector<1x2048xbf16> to vector<1x2048xbf16>
      %broadcast_in_dim3A_712 = vector.broadcast %broadcast_in_dim3A_711 : vector<1x2048xbf16> to vector<32x2048xbf16>
      %concatenate3A_713 = tpu.concatenate %broadcast_in_dim3A_703, %broadcast_in_dim3A_706, %broadcast_in_dim3A_709, %broadcast_in_dim3A_712 in 0 : vector<32x2048xbf16>, vector<32x2048xbf16>, vector<32x2048xbf16>, vector<32x2048xbf16> -> vector<128x2048xbf16>
      %mul3A_714 = arith.mulf %concatenate3A_713, %get3A_669 : vector<128x2048xbf16>
      %dot_general3A_715 = arith.constant dense<0.000000e+00> : vector<128x128xf32>
      %dot_general3A_716 = tpu.matmul %mul3A_714, %get3A_674, %dot_general3A_715 {dimension_numbers = #tpu.dot_dimension_numbers<[1], [1], [0], [0], [0, 0, 1, 0], [], []>, transpose_lhs_hint = false} : vector<128x2048xbf16>, vector<128x2048xbf16>, vector<128x128xf32> -> vector<128x128xf32>
      %add3A_717 = arith.addf %while3A_647, %dot_general3A_716 : vector<128x128xf32>
      %get3A_718 = arith.index_cast %select_n3A_655 : i32 to index
      %get3A_719 = arith.constant 0 : index
      %get3A_720 = arith.constant 0 : index
      %get3A_721 = vector.load %arg10[%get3A_718, %get3A_719, %get3A_720] : memref<4x128x2048xf32, #tpu.memory_space<vmem>>, vector<1x128x2048xf32>
      %get3A_722 = vector.shape_cast %get3A_721 : vector<1x128x2048xf32> to vector<128x2048xf32>
      %get3A_723 = arith.index_cast %select_n3A_655 : i32 to index
      %get3A_724 = arith.constant 0 : index
      %get3A_725 = arith.constant 0 : index
      %get3A_726 = vector.load %arg11[%get3A_723, %get3A_724, %get3A_725] : memref<4x128x2048xbf16, #tpu.memory_space<vmem>>, vector<1x128x2048xbf16>
      %get3A_727 = vector.shape_cast %get3A_726 : vector<1x128x2048xbf16> to vector<128x2048xbf16>
      %get3A_728 = arith.index_cast %select_n3A_655 : i32 to index
      %get3A_729 = arith.constant 0 : index
      %get3A_730 = arith.constant 0 : index
      %get3A_731 = vector.load %arg12[%get3A_728, %get3A_729, %get3A_730] : memref<4x128x2048xbf16, #tpu.memory_space<vmem>>, vector<1x128x2048xbf16>
      %get3A_732 = vector.shape_cast %get3A_731 : vector<1x128x2048xbf16> to vector<128x2048xbf16>
      %dot_general3A_733 = arith.constant dense<0.000000e+00> : vector<128x2048xf32>
      %dot_general3A_734 = tpu.matmul %convert_element_type3A_354, %get3A_732, %dot_general3A_733 {dimension_numbers = #tpu.dot_dimension_numbers<[1], [0], [0], [1], [0, 0, 1, 1], [], []>, transpose_lhs_hint = false} : vector<128x128xbf16>, vector<128x2048xbf16>, vector<128x2048xf32> -> vector<128x2048xf32>
      %mul3A_735 = arith.mulf %get3A_722, %dot_general3A_734 : vector<128x2048xf32>
      %slice3A_736 = vector.extract_strided_slice %mul3A_735 {offsets = [0, 0], sizes = [32, 2048], strides = [1, 1]} : vector<128x2048xf32> to vector<32x2048xf32>
      %reduce_sum3A_737 = arith.constant dense<0.000000e+00> : vector<2048xf32>
      %reduce_sum3A_738 = vector.multi_reduction <add>, %slice3A_736, %reduce_sum3A_737 [0] : vector<32x2048xf32> to vector<2048xf32>
      %broadcast_in_dim3A_739 = vector.shape_cast %reduce_sum3A_738 : vector<2048xf32> to vector<1x2048xf32>
      %slice3A_740 = vector.extract_strided_slice %mul3A_735 {offsets = [32, 0], sizes = [32, 2048], strides = [1, 1]} : vector<128x2048xf32> to vector<32x2048xf32>
      %reduce_sum3A_741 = arith.constant dense<0.000000e+00> : vector<2048xf32>
      %reduce_sum3A_742 = vector.multi_reduction <add>, %slice3A_740, %reduce_sum3A_741 [0] : vector<32x2048xf32> to vector<2048xf32>
      %broadcast_in_dim3A_743 = vector.shape_cast %reduce_sum3A_742 : vector<2048xf32> to vector<1x2048xf32>
      %slice3A_744 = vector.extract_strided_slice %mul3A_735 {offsets = [64, 0], sizes = [32, 2048], strides = [1, 1]} : vector<128x2048xf32> to vector<32x2048xf32>
      %reduce_sum3A_745 = arith.constant dense<0.000000e+00> : vector<2048xf32>
      %reduce_sum3A_746 = vector.multi_reduction <add>, %slice3A_744, %reduce_sum3A_745 [0] : vector<32x2048xf32> to vector<2048xf32>
      %broadcast_in_dim3A_747 = vector.shape_cast %reduce_sum3A_746 : vector<2048xf32> to vector<1x2048xf32>
      %slice3A_748 = vector.extract_strided_slice %mul3A_735 {offsets = [96, 0], sizes = [32, 2048], strides = [1, 1]} : vector<128x2048xf32> to vector<32x2048xf32>
      %reduce_sum3A_749 = arith.constant dense<0.000000e+00> : vector<2048xf32>
      %reduce_sum3A_750 = vector.multi_reduction <add>, %slice3A_748, %reduce_sum3A_749 [0] : vector<32x2048xf32> to vector<2048xf32>
      %broadcast_in_dim3A_751 = vector.shape_cast %reduce_sum3A_750 : vector<2048xf32> to vector<1x2048xf32>
      %concatenate3A_752 = tpu.concatenate %broadcast_in_dim3A_739, %broadcast_in_dim3A_743, %broadcast_in_dim3A_747, %broadcast_in_dim3A_751 in 0 : vector<1x2048xf32>, vector<1x2048xf32>, vector<1x2048xf32>, vector<1x2048xf32> -> vector<4x2048xf32>
      %exp3A_753 = math.exp %concatenate3A_752 : vector<4x2048xf32>
      %reduce_sum3A_754 = arith.constant dense<0.000000e+00> : vector<2048xf32>
      %reduce_sum3A_755 = vector.multi_reduction <add>, %exp3A_753, %reduce_sum3A_754 [0] : vector<4x2048xf32> to vector<2048xf32>
      %broadcast_in_dim3A_756 = vector.shape_cast %reduce_sum3A_755 : vector<2048xf32> to vector<1x2048xf32>
      %div3A_757 = vector.broadcast %broadcast_in_dim3A_756 : vector<1x2048xf32> to vector<4x2048xf32>
      %div3A_758 = arith.divf %exp3A_753, %div3A_757 : vector<4x2048xf32>
      %convert_element_type3A_759 = arith.truncf %div3A_758 : vector<4x2048xf32> to vector<4x2048xbf16>
      %slice3A_760 = vector.extract_strided_slice %convert_element_type3A_759 {offsets = [0, 0], sizes = [1, 2048], strides = [1, 1]} : vector<4x2048xbf16> to vector<1x2048xbf16>
      %broadcast_in_dim3A_761 = vector.shape_cast %slice3A_760 : vector<1x2048xbf16> to vector<1x2048xbf16>
      %broadcast_in_dim3A_762 = vector.broadcast %broadcast_in_dim3A_761 : vector<1x2048xbf16> to vector<32x2048xbf16>
      %slice3A_763 = vector.extract_strided_slice %convert_element_type3A_759 {offsets = [1, 0], sizes = [1, 2048], strides = [1, 1]} : vector<4x2048xbf16> to vector<1x2048xbf16>
      %broadcast_in_dim3A_764 = vector.shape_cast %slice3A_763 : vector<1x2048xbf16> to vector<1x2048xbf16>
      %broadcast_in_dim3A_765 = vector.broadcast %broadcast_in_dim3A_764 : vector<1x2048xbf16> to vector<32x2048xbf16>
      %slice3A_766 = vector.extract_strided_slice %convert_element_type3A_759 {offsets = [2, 0], sizes = [1, 2048], strides = [1, 1]} : vector<4x2048xbf16> to vector<1x2048xbf16>
      %broadcast_in_dim3A_767 = vector.shape_cast %slice3A_766 : vector<1x2048xbf16> to vector<1x2048xbf16>
      %broadcast_in_dim3A_768 = vector.broadcast %broadcast_in_dim3A_767 : vector<1x2048xbf16> to vector<32x2048xbf16>
      %slice3A_769 = vector.extract_strided_slice %convert_element_type3A_759 {offsets = [3, 0], sizes = [1, 2048], strides = [1, 1]} : vector<4x2048xbf16> to vector<1x2048xbf16>
      %broadcast_in_dim3A_770 = vector.shape_cast %slice3A_769 : vector<1x2048xbf16> to vector<1x2048xbf16>
      %broadcast_in_dim3A_771 = vector.broadcast %broadcast_in_dim3A_770 : vector<1x2048xbf16> to vector<32x2048xbf16>
      %concatenate3A_772 = tpu.concatenate %broadcast_in_dim3A_762, %broadcast_in_dim3A_765, %broadcast_in_dim3A_768, %broadcast_in_dim3A_771 in 0 : vector<32x2048xbf16>, vector<32x2048xbf16>, vector<32x2048xbf16>, vector<32x2048xbf16> -> vector<128x2048xbf16>
      %mul3A_773 = arith.mulf %concatenate3A_772, %get3A_727 : vector<128x2048xbf16>
      %dot_general3A_774 = arith.constant dense<0.000000e+00> : vector<128x128xf32>
      %dot_general3A_775 = tpu.matmul %mul3A_773, %get3A_732, %dot_general3A_774 {dimension_numbers = #tpu.dot_dimension_numbers<[1], [1], [0], [0], [0, 0, 1, 0], [], []>, transpose_lhs_hint = false} : vector<128x2048xbf16>, vector<128x2048xbf16>, vector<128x128xf32> -> vector<128x128xf32>
      %add3A_776 = arith.addf %add3A_717, %dot_general3A_775 : vector<128x128xf32>
      scf.yield %add3A_776 : vector<128x128xf32>
    }
    %while3A_364 = arith.constant 1 : i32
    %while3A_365 = scf.for %while3A_646 = %while3A_361 to %while3A_357 step %while3A_364 iter_args(%while3A_647 = %while3A_363) -> (vector<128x128xf32>)  : i32 {
      %mul3A_648 = arith.constant 2 : i32
      %mul3A_649 = arith.muli %mul3A_648, %while3A_646 : i32
      %jit3A_650 = arith.constant 0 : i32
      %select_n3A_651 = arith.select %le3A_30, %mul3A_649, %jit3A_650 : i32
      %add3A_652 = arith.constant 1 : i32
      %add3A_653 = arith.addi %mul3A_649, %add3A_652 : i32
      %jit3A_654 = arith.constant 1 : i32
      %select_n3A_655 = arith.select %le3A_30, %add3A_653, %jit3A_654 : i32
      %not3A = arith.constant true
      %not3A_656 = arith.xori %le3A_30, %not3A : i1
      %convert_element_type3A_657 = arith.extui %not3A_656 : i1 to i32
      %cond3A_658 = arith.constant 0 : i32
      %cond3A_659 = arith.cmpi ne, %convert_element_type3A_657, %cond3A_658 : i32
      scf.if %cond3A_659 {
        %add3A_777 = arith.constant 1 : i32
        %add3A_778 = arith.addi %mul3A_649, %add3A_777 : i32
        %mul3A_779 = arith.constant 2048 : i32
        %mul3A_780 = arith.muli %mul3A_649, %mul3A_779 : i32
        %add3A_781 = arith.addi %multiple_of3A, %mul3A_780 : i32
        %mul3A_782 = arith.constant 2048 : i32
        %mul3A_783 = arith.muli %mul3A_649, %mul3A_782 : i32
        %add3A_784 = arith.addi %multiple_of3A, %mul3A_783 : i32
        %mul3A_785 = arith.constant 2048 : i32
        %mul3A_786 = arith.muli %add3A_778, %mul3A_785 : i32
        %add3A_787 = arith.addi %multiple_of3A, %mul3A_786 : i32
        %mul3A_788 = arith.constant 2048 : i32
        %mul3A_789 = arith.muli %add3A_778, %mul3A_788 : i32
        %add3A_790 = arith.addi %multiple_of3A, %mul3A_789 : i32
        %dma_start3A = arith.constant 0 : i32
        %dma_start3A_791 = arith.constant 0 : i32
        %dma_start3A_792 = arith.constant 0 : i32
        %dma_start3A_793 = tpu.memref_slice %arg8[%dma_start3A, %dma_start3A_791, %dma_start3A_792] : memref<2x2048x128xf32, #tpu.memory_space<vmem>> -> memref<1x2048x128xf32, #tpu.memory_space<vmem>>
        %dma_start3A_794 = tpu.memref_squeeze %dma_start3A_793 : memref<1x2048x128xf32, #tpu.memory_space<vmem>> -> memref<2048x128xf32, #tpu.memory_space<vmem>>
        %dma_start3A_795 = arith.constant 0 : i32
        %dma_start3A_796 = tpu.memref_slice %arg3[%add3A_781, %dma_start3A_795] : memref<344064x128xf32, #tpu.memory_space<any>> -> memref<2048x128xf32, #tpu.memory_space<any>>
        tpu.enqueue_dma source(%dma_start3A_796 : memref<2048x128xf32, #tpu.memory_space<any>>) target(%dma_start3A_794 : memref<2048x128xf32, #tpu.memory_space<vmem>>) target_semaphore(%arg13 : memref<!tpu.dma_semaphore, #tpu.memory_space<semaphore_mem>>)
        %dma_start3A_797 = arith.constant 0 : i32
        %dma_start3A_798 = arith.constant 0 : i32
        %dma_start3A_799 = arith.constant 0 : i32
        %dma_start3A_800 = tpu.memref_slice %arg9[%dma_start3A_797, %dma_start3A_798, %dma_start3A_799] : memref<2x1x2048xi32, #tpu.memory_space<vmem>> -> memref<1x1x2048xi32, #tpu.memory_space<vmem>>
        %dma_start3A_801 = tpu.memref_squeeze %dma_start3A_800 : memref<1x1x2048xi32, #tpu.memory_space<vmem>> -> memref<1x2048xi32, #tpu.memory_space<vmem>>
        %dma_start3A_802 = arith.constant 0 : i32
        %dma_start3A_803 = tpu.memref_slice %arg4[%dma_start3A_802, %add3A_784] : memref<1x344064xi32, #tpu.memory_space<any>> -> memref<1x2048xi32, #tpu.memory_space<any>>
        tpu.enqueue_dma source(%dma_start3A_803 : memref<1x2048xi32, #tpu.memory_space<any>>) target(%dma_start3A_801 : memref<1x2048xi32, #tpu.memory_space<vmem>>) target_semaphore(%arg13 : memref<!tpu.dma_semaphore, #tpu.memory_space<semaphore_mem>>)
        %dma_start3A_804 = arith.constant 1 : i32
        %dma_start3A_805 = arith.constant 0 : i32
        %dma_start3A_806 = arith.constant 0 : i32
        %dma_start3A_807 = tpu.memref_slice %arg8[%dma_start3A_804, %dma_start3A_805, %dma_start3A_806] : memref<2x2048x128xf32, #tpu.memory_space<vmem>> -> memref<1x2048x128xf32, #tpu.memory_space<vmem>>
        %dma_start3A_808 = tpu.memref_squeeze %dma_start3A_807 : memref<1x2048x128xf32, #tpu.memory_space<vmem>> -> memref<2048x128xf32, #tpu.memory_space<vmem>>
        %dma_start3A_809 = arith.constant 0 : i32
        %dma_start3A_810 = tpu.memref_slice %arg3[%add3A_787, %dma_start3A_809] : memref<344064x128xf32, #tpu.memory_space<any>> -> memref<2048x128xf32, #tpu.memory_space<any>>
        tpu.enqueue_dma source(%dma_start3A_810 : memref<2048x128xf32, #tpu.memory_space<any>>) target(%dma_start3A_808 : memref<2048x128xf32, #tpu.memory_space<vmem>>) target_semaphore(%arg13 : memref<!tpu.dma_semaphore, #tpu.memory_space<semaphore_mem>>)
        %dma_start3A_811 = arith.constant 1 : i32
        %dma_start3A_812 = arith.constant 0 : i32
        %dma_start3A_813 = arith.constant 0 : i32
        %dma_start3A_814 = tpu.memref_slice %arg9[%dma_start3A_811, %dma_start3A_812, %dma_start3A_813] : memref<2x1x2048xi32, #tpu.memory_space<vmem>> -> memref<1x1x2048xi32, #tpu.memory_space<vmem>>
        %dma_start3A_815 = tpu.memref_squeeze %dma_start3A_814 : memref<1x1x2048xi32, #tpu.memory_space<vmem>> -> memref<1x2048xi32, #tpu.memory_space<vmem>>
        %dma_start3A_816 = arith.constant 0 : i32
        %dma_start3A_817 = tpu.memref_slice %arg4[%dma_start3A_816, %add3A_790] : memref<1x344064xi32, #tpu.memory_space<any>> -> memref<1x2048xi32, #tpu.memory_space<any>>
        tpu.enqueue_dma source(%dma_start3A_817 : memref<1x2048xi32, #tpu.memory_space<any>>) target(%dma_start3A_815 : memref<1x2048xi32, #tpu.memory_space<vmem>>) target_semaphore(%arg13 : memref<!tpu.dma_semaphore, #tpu.memory_space<semaphore_mem>>)
        %dma_wait3A_818 = arith.constant 0 : i32
        %dma_wait3A_819 = arith.constant 0 : i32
        %dma_wait3A_820 = arith.constant 0 : i32
        %dma_wait3A_821 = tpu.memref_slice %arg8[%dma_wait3A_818, %dma_wait3A_819, %dma_wait3A_820] : memref<2x2048x128xf32, #tpu.memory_space<vmem>> -> memref<1x2048x128xf32, #tpu.memory_space<vmem>>
        %dma_wait3A_822 = tpu.memref_squeeze %dma_wait3A_821 : memref<1x2048x128xf32, #tpu.memory_space<vmem>> -> memref<2048x128xf32, #tpu.memory_space<vmem>>
        %dma_wait3A_823 = arith.constant 0 : i32
        %dma_wait3A_824 = tpu.memref_slice %arg3[%add3A_781, %dma_wait3A_823] : memref<344064x128xf32, #tpu.memory_space<any>> -> memref<2048x128xf32, #tpu.memory_space<any>>
        tpu.wait_dma2 semaphore(%arg13 : memref<!tpu.dma_semaphore, #tpu.memory_space<semaphore_mem>>) src(%dma_wait3A_824 : memref<2048x128xf32, #tpu.memory_space<any>>) dst(%dma_wait3A_822 : memref<2048x128xf32, #tpu.memory_space<vmem>>)
        %dma_wait3A_825 = arith.constant 0 : i32
        %dma_wait3A_826 = arith.constant 0 : i32
        %dma_wait3A_827 = arith.constant 0 : i32
        %dma_wait3A_828 = tpu.memref_slice %arg9[%dma_wait3A_825, %dma_wait3A_826, %dma_wait3A_827] : memref<2x1x2048xi32, #tpu.memory_space<vmem>> -> memref<1x1x2048xi32, #tpu.memory_space<vmem>>
        %dma_wait3A_829 = tpu.memref_squeeze %dma_wait3A_828 : memref<1x1x2048xi32, #tpu.memory_space<vmem>> -> memref<1x2048xi32, #tpu.memory_space<vmem>>
        %dma_wait3A_830 = arith.constant 0 : i32
        %dma_wait3A_831 = tpu.memref_slice %arg4[%dma_wait3A_830, %add3A_784] : memref<1x344064xi32, #tpu.memory_space<any>> -> memref<1x2048xi32, #tpu.memory_space<any>>
        tpu.wait_dma2 semaphore(%arg13 : memref<!tpu.dma_semaphore, #tpu.memory_space<semaphore_mem>>) src(%dma_wait3A_831 : memref<1x2048xi32, #tpu.memory_space<any>>) dst(%dma_wait3A_829 : memref<1x2048xi32, #tpu.memory_space<vmem>>)
        %dma_wait3A_832 = arith.constant 1 : i32
        %dma_wait3A_833 = arith.constant 0 : i32
        %dma_wait3A_834 = arith.constant 0 : i32
        %dma_wait3A_835 = tpu.memref_slice %arg8[%dma_wait3A_832, %dma_wait3A_833, %dma_wait3A_834] : memref<2x2048x128xf32, #tpu.memory_space<vmem>> -> memref<1x2048x128xf32, #tpu.memory_space<vmem>>
        %dma_wait3A_836 = tpu.memref_squeeze %dma_wait3A_835 : memref<1x2048x128xf32, #tpu.memory_space<vmem>> -> memref<2048x128xf32, #tpu.memory_space<vmem>>
        %dma_wait3A_837 = arith.constant 0 : i32
        %dma_wait3A_838 = tpu.memref_slice %arg3[%add3A_787, %dma_wait3A_837] : memref<344064x128xf32, #tpu.memory_space<any>> -> memref<2048x128xf32, #tpu.memory_space<any>>
        tpu.wait_dma2 semaphore(%arg13 : memref<!tpu.dma_semaphore, #tpu.memory_space<semaphore_mem>>) src(%dma_wait3A_838 : memref<2048x128xf32, #tpu.memory_space<any>>) dst(%dma_wait3A_836 : memref<2048x128xf32, #tpu.memory_space<vmem>>)
        %dma_wait3A_839 = arith.constant 1 : i32
        %dma_wait3A_840 = arith.constant 0 : i32
        %dma_wait3A_841 = arith.constant 0 : i32
        %dma_wait3A_842 = tpu.memref_slice %arg9[%dma_wait3A_839, %dma_wait3A_840, %dma_wait3A_841] : memref<2x1x2048xi32, #tpu.memory_space<vmem>> -> memref<1x1x2048xi32, #tpu.memory_space<vmem>>
        %dma_wait3A_843 = tpu.memref_squeeze %dma_wait3A_842 : memref<1x1x2048xi32, #tpu.memory_space<vmem>> -> memref<1x2048xi32, #tpu.memory_space<vmem>>
        %dma_wait3A_844 = arith.constant 0 : i32
        %dma_wait3A_845 = tpu.memref_slice %arg4[%dma_wait3A_844, %add3A_790] : memref<1x344064xi32, #tpu.memory_space<any>> -> memref<1x2048xi32, #tpu.memory_space<any>>
        tpu.wait_dma2 semaphore(%arg13 : memref<!tpu.dma_semaphore, #tpu.memory_space<semaphore_mem>>) src(%dma_wait3A_845 : memref<1x2048xi32, #tpu.memory_space<any>>) dst(%dma_wait3A_843 : memref<1x2048xi32, #tpu.memory_space<vmem>>)
        %get3A_846 = arith.constant 0 : index
        %get3A_847 = arith.constant 0 : index
        %get3A_848 = arith.constant 0 : index
        %get3A_849 = vector.load %arg8[%get3A_846, %get3A_847, %get3A_848] : memref<2x2048x128xf32, #tpu.memory_space<vmem>>, vector<1x2048x128xf32>
        %get3A_850 = vector.shape_cast %get3A_849 : vector<1x2048x128xf32> to vector<2048x128xf32>
        %transpose3A_851 = tpu.transpose %get3A_850, [1, 0] : vector<2048x128xf32> -> vector<128x2048xf32>
        %swap3A_852 = arith.index_cast %select_n3A_651 : i32 to index
        %swap3A_853 = arith.constant 0 : index
        %swap3A_854 = arith.constant 0 : index
        %swap3A_855 = vector.load %arg10[%swap3A_852, %swap3A_853, %swap3A_854] : memref<4x128x2048xf32, #tpu.memory_space<vmem>>, vector<1x128x2048xf32>
        %swap3A_856 = vector.shape_cast %swap3A_855 : vector<1x128x2048xf32> to vector<128x2048xf32>
        %swap3A_857 = vector.shape_cast %transpose3A_851 : vector<128x2048xf32> to vector<1x128x2048xf32>
        tpu.vector_store %arg10[%swap3A_852, %swap3A_853, %swap3A_854], %swap3A_857 {strides = array<i32>} : memref<4x128x2048xf32, #tpu.memory_space<vmem>>, vector<1x128x2048xf32>,
        %convert_element_type3A_858 = arith.truncf %transpose3A_851 : vector<128x2048xf32> to vector<128x2048xbf16>
        %swap3A_859 = arith.index_cast %select_n3A_651 : i32 to index
        %swap3A_860 = arith.constant 0 : index
        %swap3A_861 = arith.constant 0 : index
        %swap3A_862 = vector.load %arg11[%swap3A_859, %swap3A_860, %swap3A_861] : memref<4x128x2048xbf16, #tpu.memory_space<vmem>>, vector<1x128x2048xbf16>
        %swap3A_863 = vector.shape_cast %swap3A_862 : vector<1x128x2048xbf16> to vector<128x2048xbf16>
        %swap3A_864 = vector.shape_cast %convert_element_type3A_858 : vector<128x2048xbf16> to vector<1x128x2048xbf16>
        tpu.vector_store %arg11[%swap3A_859, %swap3A_860, %swap3A_861], %swap3A_864 {strides = array<i32>} : memref<4x128x2048xbf16, #tpu.memory_space<vmem>>, vector<1x128x2048xbf16>,
        %get3A_865 = arith.constant 0 : index
        %get3A_866 = arith.constant 0 : index
        %get3A_867 = arith.constant 0 : index
        %get3A_868 = vector.load %arg9[%get3A_865, %get3A_866, %get3A_867] : memref<2x1x2048xi32, #tpu.memory_space<vmem>>, vector<1x1x2048xi32>
        %get3A_869 = vector.shape_cast %get3A_868 : vector<1x1x2048xi32> to vector<1x2048xi32>
        %eq3A_870 = vector.broadcast %get3A_869 : vector<1x2048xi32> to vector<128x2048xi32>
        %eq3A_871 = arith.cmpi eq, %add3A_89, %eq3A_870 : vector<128x2048xi32>
        %convert_element_type3A_872 = arith.extui %eq3A_871 : vector<128x2048xi1> to vector<128x2048xi32>
        %convert_element_type3A_873 = arith.sitofp %convert_element_type3A_872 : vector<128x2048xi32> to vector<128x2048xf32>
        %convert_element_type3A_874 = arith.truncf %convert_element_type3A_873 : vector<128x2048xf32> to vector<128x2048xbf16>
        %swap3A_875 = arith.index_cast %select_n3A_651 : i32 to index
        %swap3A_876 = arith.constant 0 : index
        %swap3A_877 = arith.constant 0 : index
        %swap3A_878 = vector.load %arg12[%swap3A_875, %swap3A_876, %swap3A_877] : memref<4x128x2048xbf16, #tpu.memory_space<vmem>>, vector<1x128x2048xbf16>
        %swap3A_879 = vector.shape_cast %swap3A_878 : vector<1x128x2048xbf16> to vector<128x2048xbf16>
        %swap3A_880 = vector.shape_cast %convert_element_type3A_874 : vector<128x2048xbf16> to vector<1x128x2048xbf16>
        tpu.vector_store %arg12[%swap3A_875, %swap3A_876, %swap3A_877], %swap3A_880 {strides = array<i32>} : memref<4x128x2048xbf16, #tpu.memory_space<vmem>>, vector<1x128x2048xbf16>,
        %get3A_881 = arith.constant 1 : index
        %get3A_882 = arith.constant 0 : index
        %get3A_883 = arith.constant 0 : index
        %get3A_884 = vector.load %arg8[%get3A_881, %get3A_882, %get3A_883] : memref<2x2048x128xf32, #tpu.memory_space<vmem>>, vector<1x2048x128xf32>
        %get3A_885 = vector.shape_cast %get3A_884 : vector<1x2048x128xf32> to vector<2048x128xf32>
        %transpose3A_886 = tpu.transpose %get3A_885, [1, 0] : vector<2048x128xf32> -> vector<128x2048xf32>
        %swap3A_887 = arith.index_cast %select_n3A_655 : i32 to index
        %swap3A_888 = arith.constant 0 : index
        %swap3A_889 = arith.constant 0 : index
        %swap3A_890 = vector.load %arg10[%swap3A_887, %swap3A_888, %swap3A_889] : memref<4x128x2048xf32, #tpu.memory_space<vmem>>, vector<1x128x2048xf32>
        %swap3A_891 = vector.shape_cast %swap3A_890 : vector<1x128x2048xf32> to vector<128x2048xf32>
        %swap3A_892 = vector.shape_cast %transpose3A_886 : vector<128x2048xf32> to vector<1x128x2048xf32>
        tpu.vector_store %arg10[%swap3A_887, %swap3A_888, %swap3A_889], %swap3A_892 {strides = array<i32>} : memref<4x128x2048xf32, #tpu.memory_space<vmem>>, vector<1x128x2048xf32>,
        %convert_element_type3A_893 = arith.truncf %transpose3A_886 : vector<128x2048xf32> to vector<128x2048xbf16>
        %swap3A_894 = arith.index_cast %select_n3A_655 : i32 to index
        %swap3A_895 = arith.constant 0 : index
        %swap3A_896 = arith.constant 0 : index
        %swap3A_897 = vector.load %arg11[%swap3A_894, %swap3A_895, %swap3A_896] : memref<4x128x2048xbf16, #tpu.memory_space<vmem>>, vector<1x128x2048xbf16>
        %swap3A_898 = vector.shape_cast %swap3A_897 : vector<1x128x2048xbf16> to vector<128x2048xbf16>
        %swap3A_899 = vector.shape_cast %convert_element_type3A_893 : vector<128x2048xbf16> to vector<1x128x2048xbf16>
        tpu.vector_store %arg11[%swap3A_894, %swap3A_895, %swap3A_896], %swap3A_899 {strides = array<i32>} : memref<4x128x2048xbf16, #tpu.memory_space<vmem>>, vector<1x128x2048xbf16>,
        %get3A_900 = arith.constant 1 : index
        %get3A_901 = arith.constant 0 : index
        %get3A_902 = arith.constant 0 : index
        %get3A_903 = vector.load %arg9[%get3A_900, %get3A_901, %get3A_902] : memref<2x1x2048xi32, #tpu.memory_space<vmem>>, vector<1x1x2048xi32>
        %get3A_904 = vector.shape_cast %get3A_903 : vector<1x1x2048xi32> to vector<1x2048xi32>
        %eq3A_905 = vector.broadcast %get3A_904 : vector<1x2048xi32> to vector<128x2048xi32>
        %eq3A_906 = arith.cmpi eq, %add3A_89, %eq3A_905 : vector<128x2048xi32>
        %convert_element_type3A_907 = arith.extui %eq3A_906 : vector<128x2048xi1> to vector<128x2048xi32>
        %convert_element_type3A_908 = arith.sitofp %convert_element_type3A_907 : vector<128x2048xi32> to vector<128x2048xf32>
        %convert_element_type3A_909 = arith.truncf %convert_element_type3A_908 : vector<128x2048xf32> to vector<128x2048xbf16>
        %swap3A_910 = arith.index_cast %select_n3A_655 : i32 to index
        %swap3A_911 = arith.constant 0 : index
        %swap3A_912 = arith.constant 0 : index
        %swap3A_913 = vector.load %arg12[%swap3A_910, %swap3A_911, %swap3A_912] : memref<4x128x2048xbf16, #tpu.memory_space<vmem>>, vector<1x128x2048xbf16>
        %swap3A_914 = vector.shape_cast %swap3A_913 : vector<1x128x2048xbf16> to vector<128x2048xbf16>
        %swap3A_915 = vector.shape_cast %convert_element_type3A_909 : vector<128x2048xbf16> to vector<1x128x2048xbf16>
        tpu.vector_store %arg12[%swap3A_910, %swap3A_911, %swap3A_912], %swap3A_915 {strides = array<i32>} : memref<4x128x2048xbf16, #tpu.memory_space<vmem>>, vector<1x128x2048xbf16>,
      } else {
      }
      %get3A_660 = arith.index_cast %select_n3A_651 : i32 to index
      %get3A_661 = arith.constant 0 : index
      %get3A_662 = arith.constant 0 : index
      %get3A_663 = vector.load %arg10[%get3A_660, %get3A_661, %get3A_662] : memref<4x128x2048xf32, #tpu.memory_space<vmem>>, vector<1x128x2048xf32>
      %get3A_664 = vector.shape_cast %get3A_663 : vector<1x128x2048xf32> to vector<128x2048xf32>
      %get3A_665 = arith.index_cast %select_n3A_651 : i32 to index
      %get3A_666 = arith.constant 0 : index
      %get3A_667 = arith.constant 0 : index
      %get3A_668 = vector.load %arg11[%get3A_665, %get3A_666, %get3A_667] : memref<4x128x2048xbf16, #tpu.memory_space<vmem>>, vector<1x128x2048xbf16>
      %get3A_669 = vector.shape_cast %get3A_668 : vector<1x128x2048xbf16> to vector<128x2048xbf16>
      %get3A_670 = arith.index_cast %select_n3A_651 : i32 to index
      %get3A_671 = arith.constant 0 : index
      %get3A_672 = arith.constant 0 : index
      %get3A_673 = vector.load %arg12[%get3A_670, %get3A_671, %get3A_672] : memref<4x128x2048xbf16, #tpu.memory_space<vmem>>, vector<1x128x2048xbf16>
      %get3A_674 = vector.shape_cast %get3A_673 : vector<1x128x2048xbf16> to vector<128x2048xbf16>
      %dot_general3A_675 = arith.constant dense<0.000000e+00> : vector<128x2048xf32>
      %dot_general3A_676 = tpu.matmul %convert_element_type3A_354, %get3A_674, %dot_general3A_675 {dimension_numbers = #tpu.dot_dimension_numbers<[1], [0], [0], [1], [0, 0, 1, 1], [], []>, transpose_lhs_hint = false} : vector<128x128xbf16>, vector<128x2048xbf16>, vector<128x2048xf32> -> vector<128x2048xf32>
      %mul3A_677 = arith.mulf %get3A_664, %dot_general3A_676 : vector<128x2048xf32>
      %slice3A_678 = vector.extract_strided_slice %mul3A_677 {offsets = [0, 0], sizes = [32, 2048], strides = [1, 1]} : vector<128x2048xf32> to vector<32x2048xf32>
      %reduce_sum3A_679 = arith.constant dense<0.000000e+00> : vector<2048xf32>
      %reduce_sum3A_680 = vector.multi_reduction <add>, %slice3A_678, %reduce_sum3A_679 [0] : vector<32x2048xf32> to vector<2048xf32>
      %broadcast_in_dim3A_681 = vector.shape_cast %reduce_sum3A_680 : vector<2048xf32> to vector<1x2048xf32>
      %slice3A_682 = vector.extract_strided_slice %mul3A_677 {offsets = [32, 0], sizes = [32, 2048], strides = [1, 1]} : vector<128x2048xf32> to vector<32x2048xf32>
      %reduce_sum3A_683 = arith.constant dense<0.000000e+00> : vector<2048xf32>
      %reduce_sum3A_684 = vector.multi_reduction <add>, %slice3A_682, %reduce_sum3A_683 [0] : vector<32x2048xf32> to vector<2048xf32>
      %broadcast_in_dim3A_685 = vector.shape_cast %reduce_sum3A_684 : vector<2048xf32> to vector<1x2048xf32>
      %slice3A_686 = vector.extract_strided_slice %mul3A_677 {offsets = [64, 0], sizes = [32, 2048], strides = [1, 1]} : vector<128x2048xf32> to vector<32x2048xf32>
      %reduce_sum3A_687 = arith.constant dense<0.000000e+00> : vector<2048xf32>
      %reduce_sum3A_688 = vector.multi_reduction <add>, %slice3A_686, %reduce_sum3A_687 [0] : vector<32x2048xf32> to vector<2048xf32>
      %broadcast_in_dim3A_689 = vector.shape_cast %reduce_sum3A_688 : vector<2048xf32> to vector<1x2048xf32>
      %slice3A_690 = vector.extract_strided_slice %mul3A_677 {offsets = [96, 0], sizes = [32, 2048], strides = [1, 1]} : vector<128x2048xf32> to vector<32x2048xf32>
      %reduce_sum3A_691 = arith.constant dense<0.000000e+00> : vector<2048xf32>
      %reduce_sum3A_692 = vector.multi_reduction <add>, %slice3A_690, %reduce_sum3A_691 [0] : vector<32x2048xf32> to vector<2048xf32>
      %broadcast_in_dim3A_693 = vector.shape_cast %reduce_sum3A_692 : vector<2048xf32> to vector<1x2048xf32>
      %concatenate3A_694 = tpu.concatenate %broadcast_in_dim3A_681, %broadcast_in_dim3A_685, %broadcast_in_dim3A_689, %broadcast_in_dim3A_693 in 0 : vector<1x2048xf32>, vector<1x2048xf32>, vector<1x2048xf32>, vector<1x2048xf32> -> vector<4x2048xf32>
      %exp3A = math.exp %concatenate3A_694 : vector<4x2048xf32>
      %reduce_sum3A_695 = arith.constant dense<0.000000e+00> : vector<2048xf32>
      %reduce_sum3A_696 = vector.multi_reduction <add>, %exp3A, %reduce_sum3A_695 [0] : vector<4x2048xf32> to vector<2048xf32>
      %broadcast_in_dim3A_697 = vector.shape_cast %reduce_sum3A_696 : vector<2048xf32> to vector<1x2048xf32>
      %div3A_698 = vector.broadcast %broadcast_in_dim3A_697 : vector<1x2048xf32> to vector<4x2048xf32>
      %div3A_699 = arith.divf %exp3A, %div3A_698 : vector<4x2048xf32>
      %convert_element_type3A_700 = arith.truncf %div3A_699 : vector<4x2048xf32> to vector<4x2048xbf16>
      %slice3A_701 = vector.extract_strided_slice %convert_element_type3A_700 {offsets = [0, 0], sizes = [1, 2048], strides = [1, 1]} : vector<4x2048xbf16> to vector<1x2048xbf16>
      %broadcast_in_dim3A_702 = vector.shape_cast %slice3A_701 : vector<1x2048xbf16> to vector<1x2048xbf16>
      %broadcast_in_dim3A_703 = vector.broadcast %broadcast_in_dim3A_702 : vector<1x2048xbf16> to vector<32x2048xbf16>
      %slice3A_704 = vector.extract_strided_slice %convert_element_type3A_700 {offsets = [1, 0], sizes = [1, 2048], strides = [1, 1]} : vector<4x2048xbf16> to vector<1x2048xbf16>
      %broadcast_in_dim3A_705 = vector.shape_cast %slice3A_704 : vector<1x2048xbf16> to vector<1x2048xbf16>
      %broadcast_in_dim3A_706 = vector.broadcast %broadcast_in_dim3A_705 : vector<1x2048xbf16> to vector<32x2048xbf16>
      %slice3A_707 = vector.extract_strided_slice %convert_element_type3A_700 {offsets = [2, 0], sizes = [1, 2048], strides = [1, 1]} : vector<4x2048xbf16> to vector<1x2048xbf16>
      %broadcast_in_dim3A_708 = vector.shape_cast %slice3A_707 : vector<1x2048xbf16> to vector<1x2048xbf16>
      %broadcast_in_dim3A_709 = vector.broadcast %broadcast_in_dim3A_708 : vector<1x2048xbf16> to vector<32x2048xbf16>
      %slice3A_710 = vector.extract_strided_slice %convert_element_type3A_700 {offsets = [3, 0], sizes = [1, 2048], strides = [1, 1]} : vector<4x2048xbf16> to vector<1x2048xbf16>
      %broadcast_in_dim3A_711 = vector.shape_cast %slice3A_710 : vector<1x2048xbf16> to vector<1x2048xbf16>
      %broadcast_in_dim3A_712 = vector.broadcast %broadcast_in_dim3A_711 : vector<1x2048xbf16> to vector<32x2048xbf16>
      %concatenate3A_713 = tpu.concatenate %broadcast_in_dim3A_703, %broadcast_in_dim3A_706, %broadcast_in_dim3A_709, %broadcast_in_dim3A_712 in 0 : vector<32x2048xbf16>, vector<32x2048xbf16>, vector<32x2048xbf16>, vector<32x2048xbf16> -> vector<128x2048xbf16>
      %mul3A_714 = arith.mulf %concatenate3A_713, %get3A_669 : vector<128x2048xbf16>
      %dot_general3A_715 = arith.constant dense<0.000000e+00> : vector<128x128xf32>
      %dot_general3A_716 = tpu.matmul %mul3A_714, %get3A_674, %dot_general3A_715 {dimension_numbers = #tpu.dot_dimension_numbers<[1], [1], [0], [0], [0, 0, 1, 0], [], []>, transpose_lhs_hint = false} : vector<128x2048xbf16>, vector<128x2048xbf16>, vector<128x128xf32> -> vector<128x128xf32>
      %add3A_717 = arith.addf %while3A_647, %dot_general3A_716 : vector<128x128xf32>
      %get3A_718 = arith.index_cast %select_n3A_655 : i32 to index
      %get3A_719 = arith.constant 0 : index
      %get3A_720 = arith.constant 0 : index
      %get3A_721 = vector.load %arg10[%get3A_718, %get3A_719, %get3A_720] : memref<4x128x2048xf32, #tpu.memory_space<vmem>>, vector<1x128x2048xf32>
      %get3A_722 = vector.shape_cast %get3A_721 : vector<1x128x2048xf32> to vector<128x2048xf32>
      %get3A_723 = arith.index_cast %select_n3A_655 : i32 to index
      %get3A_724 = arith.constant 0 : index
      %get3A_725 = arith.constant 0 : index
      %get3A_726 = vector.load %arg11[%get3A_723, %get3A_724, %get3A_725] : memref<4x128x2048xbf16, #tpu.memory_space<vmem>>, vector<1x128x2048xbf16>
      %get3A_727 = vector.shape_cast %get3A_726 : vector<1x128x2048xbf16> to vector<128x2048xbf16>
      %get3A_728 = arith.index_cast %select_n3A_655 : i32 to index
      %get3A_729 = arith.constant 0 : index
      %get3A_730 = arith.constant 0 : index
      %get3A_731 = vector.load %arg12[%get3A_728, %get3A_729, %get3A_730] : memref<4x128x2048xbf16, #tpu.memory_space<vmem>>, vector<1x128x2048xbf16>
      %get3A_732 = vector.shape_cast %get3A_731 : vector<1x128x2048xbf16> to vector<128x2048xbf16>
      %dot_general3A_733 = arith.constant dense<0.000000e+00> : vector<128x2048xf32>
      %dot_general3A_734 = tpu.matmul %convert_element_type3A_354, %get3A_732, %dot_general3A_733 {dimension_numbers = #tpu.dot_dimension_numbers<[1], [0], [0], [1], [0, 0, 1, 1], [], []>, transpose_lhs_hint = false} : vector<128x128xbf16>, vector<128x2048xbf16>, vector<128x2048xf32> -> vector<128x2048xf32>
      %mul3A_735 = arith.mulf %get3A_722, %dot_general3A_734 : vector<128x2048xf32>
      %slice3A_736 = vector.extract_strided_slice %mul3A_735 {offsets = [0, 0], sizes = [32, 2048], strides = [1, 1]} : vector<128x2048xf32> to vector<32x2048xf32>
      %reduce_sum3A_737 = arith.constant dense<0.000000e+00> : vector<2048xf32>
      %reduce_sum3A_738 = vector.multi_reduction <add>, %slice3A_736, %reduce_sum3A_737 [0] : vector<32x2048xf32> to vector<2048xf32>
      %broadcast_in_dim3A_739 = vector.shape_cast %reduce_sum3A_738 : vector<2048xf32> to vector<1x2048xf32>
      %slice3A_740 = vector.extract_strided_slice %mul3A_735 {offsets = [32, 0], sizes = [32, 2048], strides = [1, 1]} : vector<128x2048xf32> to vector<32x2048xf32>
      %reduce_sum3A_741 = arith.constant dense<0.000000e+00> : vector<2048xf32>
      %reduce_sum3A_742 = vector.multi_reduction <add>, %slice3A_740, %reduce_sum3A_741 [0] : vector<32x2048xf32> to vector<2048xf32>
      %broadcast_in_dim3A_743 = vector.shape_cast %reduce_sum3A_742 : vector<2048xf32> to vector<1x2048xf32>
      %slice3A_744 = vector.extract_strided_slice %mul3A_735 {offsets = [64, 0], sizes = [32, 2048], strides = [1, 1]} : vector<128x2048xf32> to vector<32x2048xf32>
      %reduce_sum3A_745 = arith.constant dense<0.000000e+00> : vector<2048xf32>
      %reduce_sum3A_746 = vector.multi_reduction <add>, %slice3A_744, %reduce_sum3A_745 [0] : vector<32x2048xf32> to vector<2048xf32>
      %broadcast_in_dim3A_747 = vector.shape_cast %reduce_sum3A_746 : vector<2048xf32> to vector<1x2048xf32>
      %slice3A_748 = vector.extract_strided_slice %mul3A_735 {offsets = [96, 0], sizes = [32, 2048], strides = [1, 1]} : vector<128x2048xf32> to vector<32x2048xf32>
      %reduce_sum3A_749 = arith.constant dense<0.000000e+00> : vector<2048xf32>
      %reduce_sum3A_750 = vector.multi_reduction <add>, %slice3A_748, %reduce_sum3A_749 [0] : vector<32x2048xf32> to vector<2048xf32>
      %broadcast_in_dim3A_751 = vector.shape_cast %reduce_sum3A_750 : vector<2048xf32> to vector<1x2048xf32>
      %concatenate3A_752 = tpu.concatenate %broadcast_in_dim3A_739, %broadcast_in_dim3A_743, %broadcast_in_dim3A_747, %broadcast_in_dim3A_751 in 0 : vector<1x2048xf32>, vector<1x2048xf32>, vector<1x2048xf32>, vector<1x2048xf32> -> vector<4x2048xf32>
      %exp3A_753 = math.exp %concatenate3A_752 : vector<4x2048xf32>
      %reduce_sum3A_754 = arith.constant dense<0.000000e+00> : vector<2048xf32>
      %reduce_sum3A_755 = vector.multi_reduction <add>, %exp3A_753, %reduce_sum3A_754 [0] : vector<4x2048xf32> to vector<2048xf32>
      %broadcast_in_dim3A_756 = vector.shape_cast %reduce_sum3A_755 : vector<2048xf32> to vector<1x2048xf32>
      %div3A_757 = vector.broadcast %broadcast_in_dim3A_756 : vector<1x2048xf32> to vector<4x2048xf32>
      %div3A_758 = arith.divf %exp3A_753, %div3A_757 : vector<4x2048xf32>
      %convert_element_type3A_759 = arith.truncf %div3A_758 : vector<4x2048xf32> to vector<4x2048xbf16>
      %slice3A_760 = vector.extract_strided_slice %convert_element_type3A_759 {offsets = [0, 0], sizes = [1, 2048], strides = [1, 1]} : vector<4x2048xbf16> to vector<1x2048xbf16>
      %broadcast_in_dim3A_761 = vector.shape_cast %slice3A_760 : vector<1x2048xbf16> to vector<1x2048xbf16>
      %broadcast_in_dim3A_762 = vector.broadcast %broadcast_in_dim3A_761 : vector<1x2048xbf16> to vector<32x2048xbf16>
      %slice3A_763 = vector.extract_strided_slice %convert_element_type3A_759 {offsets = [1, 0], sizes = [1, 2048], strides = [1, 1]} : vector<4x2048xbf16> to vector<1x2048xbf16>
      %broadcast_in_dim3A_764 = vector.shape_cast %slice3A_763 : vector<1x2048xbf16> to vector<1x2048xbf16>
      %broadcast_in_dim3A_765 = vector.broadcast %broadcast_in_dim3A_764 : vector<1x2048xbf16> to vector<32x2048xbf16>
      %slice3A_766 = vector.extract_strided_slice %convert_element_type3A_759 {offsets = [2, 0], sizes = [1, 2048], strides = [1, 1]} : vector<4x2048xbf16> to vector<1x2048xbf16>
      %broadcast_in_dim3A_767 = vector.shape_cast %slice3A_766 : vector<1x2048xbf16> to vector<1x2048xbf16>
      %broadcast_in_dim3A_768 = vector.broadcast %broadcast_in_dim3A_767 : vector<1x2048xbf16> to vector<32x2048xbf16>
      %slice3A_769 = vector.extract_strided_slice %convert_element_type3A_759 {offsets = [3, 0], sizes = [1, 2048], strides = [1, 1]} : vector<4x2048xbf16> to vector<1x2048xbf16>
      %broadcast_in_dim3A_770 = vector.shape_cast %slice3A_769 : vector<1x2048xbf16> to vector<1x2048xbf16>
      %broadcast_in_dim3A_771 = vector.broadcast %broadcast_in_dim3A_770 : vector<1x2048xbf16> to vector<32x2048xbf16>
      %concatenate3A_772 = tpu.concatenate %broadcast_in_dim3A_762, %broadcast_in_dim3A_765, %broadcast_in_dim3A_768, %broadcast_in_dim3A_771 in 0 : vector<32x2048xbf16>, vector<32x2048xbf16>, vector<32x2048xbf16>, vector<32x2048xbf16> -> vector<128x2048xbf16>
      %mul3A_773 = arith.mulf %concatenate3A_772, %get3A_727 : vector<128x2048xbf16>
      %dot_general3A_774 = arith.constant dense<0.000000e+00> : vector<128x128xf32>
      %dot_general3A_775 = tpu.matmul %mul3A_773, %get3A_732, %dot_general3A_774 {dimension_numbers = #tpu.dot_dimension_numbers<[1], [1], [0], [0], [0, 0, 1, 0], [], []>, transpose_lhs_hint = false} : vector<128x2048xbf16>, vector<128x2048xbf16>, vector<128x128xf32> -> vector<128x128xf32>
      %add3A_776 = arith.addf %add3A_717, %dot_general3A_775 : vector<128x128xf32>
      scf.yield %add3A_776 : vector<128x128xf32>
    }
    %add3A_366 = arith.addf %transpose3A_352, %while3A_365 : vector<128x128xf32>
    %mul3A_367 = arith.mulf %add3A_366, %add3A_366 : vector<128x128xf32>
    %slice3A = vector.extract_strided_slice %mul3A_367 {offsets = [0, 0], sizes = [32, 128], strides = [1, 1]} : vector<128x128xf32> to vector<32x128xf32>
    %reduce_sum3A = arith.constant dense<0.000000e+00> : vector<128xf32>
    %reduce_sum3A_368 = vector.multi_reduction <add>, %slice3A, %reduce_sum3A [0] : vector<32x128xf32> to vector<128xf32>
    %broadcast_in_dim3A_369 = vector.shape_cast %reduce_sum3A_368 : vector<128xf32> to vector<1x128xf32>
    %slice3A_370 = vector.extract_strided_slice %mul3A_367 {offsets = [32, 0], sizes = [32, 128], strides = [1, 1]} : vector<128x128xf32> to vector<32x128xf32>
    %reduce_sum3A_371 = arith.constant dense<0.000000e+00> : vector<128xf32>
    %reduce_sum3A_372 = vector.multi_reduction <add>, %slice3A_370, %reduce_sum3A_371 [0] : vector<32x128xf32> to vector<128xf32>
    %broadcast_in_dim3A_373 = vector.shape_cast %reduce_sum3A_372 : vector<128xf32> to vector<1x128xf32>
    %slice3A_374 = vector.extract_strided_slice %mul3A_367 {offsets = [64, 0], sizes = [32, 128], strides = [1, 1]} : vector<128x128xf32> to vector<32x128xf32>
    %reduce_sum3A_375 = arith.constant dense<0.000000e+00> : vector<128xf32>
    %reduce_sum3A_376 = vector.multi_reduction <add>, %slice3A_374, %reduce_sum3A_375 [0] : vector<32x128xf32> to vector<128xf32>
    %broadcast_in_dim3A_377 = vector.shape_cast %reduce_sum3A_376 : vector<128xf32> to vector<1x128xf32>
    %slice3A_378 = vector.extract_strided_slice %mul3A_367 {offsets = [96, 0], sizes = [32, 128], strides = [1, 1]} : vector<128x128xf32> to vector<32x128xf32>
    %reduce_sum3A_379 = arith.constant dense<0.000000e+00> : vector<128xf32>
    %reduce_sum3A_380 = vector.multi_reduction <add>, %slice3A_378, %reduce_sum3A_379 [0] : vector<32x128xf32> to vector<128xf32>
    %broadcast_in_dim3A_381 = vector.shape_cast %reduce_sum3A_380 : vector<128xf32> to vector<1x128xf32>
    %concatenate3A = tpu.concatenate %broadcast_in_dim3A_369, %broadcast_in_dim3A_373, %broadcast_in_dim3A_377, %broadcast_in_dim3A_381 in 0 : vector<1x128xf32>, vector<1x128xf32>, vector<1x128xf32>, vector<1x128xf32> -> vector<4x128xf32>
    %sqrt3A = math.sqrt %concatenate3A : vector<4x128xf32>
    %max3A = arith.constant 9.99999996E-13 : f32
    %max3A_382 = vector.broadcast %max3A : f32 to vector<4x128xf32>
    %max3A_383 = arith.maximumf %sqrt3A, %max3A_382 : vector<4x128xf32>
    %div3A_384 = arith.constant 1.000000e+00 : f32
    %div3A_385 = vector.broadcast %div3A_384 : f32 to vector<4x128xf32>
    %div3A_386 = arith.divf %div3A_385, %max3A_383 : vector<4x128xf32>
    %slice3A_387 = vector.extract_strided_slice %div3A_386 {offsets = [0, 0], sizes = [1, 128], strides = [1, 1]} : vector<4x128xf32> to vector<1x128xf32>
    %broadcast_in_dim3A_388 = vector.shape_cast %slice3A_387 : vector<1x128xf32> to vector<1x128xf32>
    %broadcast_in_dim3A_389 = vector.broadcast %broadcast_in_dim3A_388 : vector<1x128xf32> to vector<32x128xf32>
    %slice3A_390 = vector.extract_strided_slice %div3A_386 {offsets = [1, 0], sizes = [1, 128], strides = [1, 1]} : vector<4x128xf32> to vector<1x128xf32>
    %broadcast_in_dim3A_391 = vector.shape_cast %slice3A_390 : vector<1x128xf32> to vector<1x128xf32>
    %broadcast_in_dim3A_392 = vector.broadcast %broadcast_in_dim3A_391 : vector<1x128xf32> to vector<32x128xf32>
    %slice3A_393 = vector.extract_strided_slice %div3A_386 {offsets = [2, 0], sizes = [1, 128], strides = [1, 1]} : vector<4x128xf32> to vector<1x128xf32>
    %broadcast_in_dim3A_394 = vector.shape_cast %slice3A_393 : vector<1x128xf32> to vector<1x128xf32>
    %broadcast_in_dim3A_395 = vector.broadcast %broadcast_in_dim3A_394 : vector<1x128xf32> to vector<32x128xf32>
    %slice3A_396 = vector.extract_strided_slice %div3A_386 {offsets = [3, 0], sizes = [1, 128], strides = [1, 1]} : vector<4x128xf32> to vector<1x128xf32>
    %broadcast_in_dim3A_397 = vector.shape_cast %slice3A_396 : vector<1x128xf32> to vector<1x128xf32>
    %broadcast_in_dim3A_398 = vector.broadcast %broadcast_in_dim3A_397 : vector<1x128xf32> to vector<32x128xf32>
    %concatenate3A_399 = tpu.concatenate %broadcast_in_dim3A_389, %broadcast_in_dim3A_392, %broadcast_in_dim3A_395, %broadcast_in_dim3A_398 in 0 : vector<32x128xf32>, vector<32x128xf32>, vector<32x128xf32>, vector<32x128xf32> -> vector<128x128xf32>
    %mul3A_400 = arith.mulf %add3A_366, %concatenate3A_399 : vector<128x128xf32>
    %dot_general3A_401 = arith.constant dense<0.000000e+00> : vector<128x128xf32>
    %dot_general3A_402 = tpu.matmul %convert_element_type3A_84, %mul3A_400, %dot_general3A_401 {dimension_numbers = #tpu.dot_dimension_numbers<[1], [0], [0], [1], [0, 0, 1, 1], [], []>, transpose_lhs_hint = false} : vector<128x128xf32>, vector<128x128xf32>, vector<128x128xf32> -> vector<128x128xf32>
    %convert_element_type3A_403 = arith.truncf %dot_general3A_402 : vector<128x128xf32> to vector<128x128xbf16>
    %broadcast_in_dim3A_404 = arith.constant 0.000000e+00 : f32
    %broadcast_in_dim3A_405 = vector.broadcast %broadcast_in_dim3A_404 : f32 to vector<128x128xf32>
    %while3A_406 = arith.constant 0 : i32
    %while3A_407 = arith.subi %div3A_29, %while3A_406 : i32
    %while3A_408 = arith.addi %while3A_406, %while3A_407 : i32
    %while3A_409 = arith.constant 1 : i32
    %while3A_410 = arith.divsi %while3A_407, %while3A_409 : i32
    %while3A_411 = arith.muli %while3A_410, %while3A_409 : i32
    %while3A_412 = arith.addi %while3A_406, %while3A_411 : i32
    %while3A_413 = arith.constant 1 : i32
    %while3A_414 = scf.for %while3A_646 = %while3A_406 to %while3A_412 step %while3A_413 iter_args(%while3A_647 = %broadcast_in_dim3A_405) -> (vector<128x128xf32>)  : i32 {
      %mul3A_648 = arith.constant 2 : i32
      %mul3A_649 = arith.muli %mul3A_648, %while3A_646 : i32
      %jit3A_650 = arith.constant 0 : i32
      %select_n3A_651 = arith.select %le3A_30, %mul3A_649, %jit3A_650 : i32
      %add3A_652 = arith.constant 1 : i32
      %add3A_653 = arith.addi %mul3A_649, %add3A_652 : i32
      %jit3A_654 = arith.constant 1 : i32
      %select_n3A_655 = arith.select %le3A_30, %add3A_653, %jit3A_654 : i32
      %not3A = arith.constant true
      %not3A_656 = arith.xori %le3A_30, %not3A : i1
      %convert_element_type3A_657 = arith.extui %not3A_656 : i1 to i32
      %cond3A_658 = arith.constant 0 : i32
      %cond3A_659 = arith.cmpi ne, %convert_element_type3A_657, %cond3A_658 : i32
      scf.if %cond3A_659 {
        %add3A_777 = arith.constant 1 : i32
        %add3A_778 = arith.addi %mul3A_649, %add3A_777 : i32
        %mul3A_779 = arith.constant 2048 : i32
        %mul3A_780 = arith.muli %mul3A_649, %mul3A_779 : i32
        %add3A_781 = arith.addi %multiple_of3A, %mul3A_780 : i32
        %mul3A_782 = arith.constant 2048 : i32
        %mul3A_783 = arith.muli %mul3A_649, %mul3A_782 : i32
        %add3A_784 = arith.addi %multiple_of3A, %mul3A_783 : i32
        %mul3A_785 = arith.constant 2048 : i32
        %mul3A_786 = arith.muli %add3A_778, %mul3A_785 : i32
        %add3A_787 = arith.addi %multiple_of3A, %mul3A_786 : i32
        %mul3A_788 = arith.constant 2048 : i32
        %mul3A_789 = arith.muli %add3A_778, %mul3A_788 : i32
        %add3A_790 = arith.addi %multiple_of3A, %mul3A_789 : i32
        %dma_start3A = arith.constant 0 : i32
        %dma_start3A_791 = arith.constant 0 : i32
        %dma_start3A_792 = arith.constant 0 : i32
        %dma_start3A_793 = tpu.memref_slice %arg8[%dma_start3A, %dma_start3A_791, %dma_start3A_792] : memref<2x2048x128xf32, #tpu.memory_space<vmem>> -> memref<1x2048x128xf32, #tpu.memory_space<vmem>>
        %dma_start3A_794 = tpu.memref_squeeze %dma_start3A_793 : memref<1x2048x128xf32, #tpu.memory_space<vmem>> -> memref<2048x128xf32, #tpu.memory_space<vmem>>
        %dma_start3A_795 = arith.constant 0 : i32
        %dma_start3A_796 = tpu.memref_slice %arg3[%add3A_781, %dma_start3A_795] : memref<344064x128xf32, #tpu.memory_space<any>> -> memref<2048x128xf32, #tpu.memory_space<any>>
        tpu.enqueue_dma source(%dma_start3A_796 : memref<2048x128xf32, #tpu.memory_space<any>>) target(%dma_start3A_794 : memref<2048x128xf32, #tpu.memory_space<vmem>>) target_semaphore(%arg13 : memref<!tpu.dma_semaphore, #tpu.memory_space<semaphore_mem>>)
        %dma_start3A_797 = arith.constant 0 : i32
        %dma_start3A_798 = arith.constant 0 : i32
        %dma_start3A_799 = arith.constant 0 : i32
        %dma_start3A_800 = tpu.memref_slice %arg9[%dma_start3A_797, %dma_start3A_798, %dma_start3A_799] : memref<2x1x2048xi32, #tpu.memory_space<vmem>> -> memref<1x1x2048xi32, #tpu.memory_space<vmem>>
        %dma_start3A_801 = tpu.memref_squeeze %dma_start3A_800 : memref<1x1x2048xi32, #tpu.memory_space<vmem>> -> memref<1x2048xi32, #tpu.memory_space<vmem>>
        %dma_start3A_802 = arith.constant 0 : i32
        %dma_start3A_803 = tpu.memref_slice %arg4[%dma_start3A_802, %add3A_784] : memref<1x344064xi32, #tpu.memory_space<any>> -> memref<1x2048xi32, #tpu.memory_space<any>>
        tpu.enqueue_dma source(%dma_start3A_803 : memref<1x2048xi32, #tpu.memory_space<any>>) target(%dma_start3A_801 : memref<1x2048xi32, #tpu.memory_space<vmem>>) target_semaphore(%arg13 : memref<!tpu.dma_semaphore, #tpu.memory_space<semaphore_mem>>)
        %dma_start3A_804 = arith.constant 1 : i32
        %dma_start3A_805 = arith.constant 0 : i32
        %dma_start3A_806 = arith.constant 0 : i32
        %dma_start3A_807 = tpu.memref_slice %arg8[%dma_start3A_804, %dma_start3A_805, %dma_start3A_806] : memref<2x2048x128xf32, #tpu.memory_space<vmem>> -> memref<1x2048x128xf32, #tpu.memory_space<vmem>>
        %dma_start3A_808 = tpu.memref_squeeze %dma_start3A_807 : memref<1x2048x128xf32, #tpu.memory_space<vmem>> -> memref<2048x128xf32, #tpu.memory_space<vmem>>
        %dma_start3A_809 = arith.constant 0 : i32
        %dma_start3A_810 = tpu.memref_slice %arg3[%add3A_787, %dma_start3A_809] : memref<344064x128xf32, #tpu.memory_space<any>> -> memref<2048x128xf32, #tpu.memory_space<any>>
        tpu.enqueue_dma source(%dma_start3A_810 : memref<2048x128xf32, #tpu.memory_space<any>>) target(%dma_start3A_808 : memref<2048x128xf32, #tpu.memory_space<vmem>>) target_semaphore(%arg13 : memref<!tpu.dma_semaphore, #tpu.memory_space<semaphore_mem>>)
        %dma_start3A_811 = arith.constant 1 : i32
        %dma_start3A_812 = arith.constant 0 : i32
        %dma_start3A_813 = arith.constant 0 : i32
        %dma_start3A_814 = tpu.memref_slice %arg9[%dma_start3A_811, %dma_start3A_812, %dma_start3A_813] : memref<2x1x2048xi32, #tpu.memory_space<vmem>> -> memref<1x1x2048xi32, #tpu.memory_space<vmem>>
        %dma_start3A_815 = tpu.memref_squeeze %dma_start3A_814 : memref<1x1x2048xi32, #tpu.memory_space<vmem>> -> memref<1x2048xi32, #tpu.memory_space<vmem>>
        %dma_start3A_816 = arith.constant 0 : i32
        %dma_start3A_817 = tpu.memref_slice %arg4[%dma_start3A_816, %add3A_790] : memref<1x344064xi32, #tpu.memory_space<any>> -> memref<1x2048xi32, #tpu.memory_space<any>>
        tpu.enqueue_dma source(%dma_start3A_817 : memref<1x2048xi32, #tpu.memory_space<any>>) target(%dma_start3A_815 : memref<1x2048xi32, #tpu.memory_space<vmem>>) target_semaphore(%arg13 : memref<!tpu.dma_semaphore, #tpu.memory_space<semaphore_mem>>)
        %dma_wait3A_818 = arith.constant 0 : i32
        %dma_wait3A_819 = arith.constant 0 : i32
        %dma_wait3A_820 = arith.constant 0 : i32
        %dma_wait3A_821 = tpu.memref_slice %arg8[%dma_wait3A_818, %dma_wait3A_819, %dma_wait3A_820] : memref<2x2048x128xf32, #tpu.memory_space<vmem>> -> memref<1x2048x128xf32, #tpu.memory_space<vmem>>
        %dma_wait3A_822 = tpu.memref_squeeze %dma_wait3A_821 : memref<1x2048x128xf32, #tpu.memory_space<vmem>> -> memref<2048x128xf32, #tpu.memory_space<vmem>>
        %dma_wait3A_823 = arith.constant 0 : i32
        %dma_wait3A_824 = tpu.memref_slice %arg3[%add3A_781, %dma_wait3A_823] : memref<344064x128xf32, #tpu.memory_space<any>> -> memref<2048x128xf32, #tpu.memory_space<any>>
        tpu.wait_dma2 semaphore(%arg13 : memref<!tpu.dma_semaphore, #tpu.memory_space<semaphore_mem>>) src(%dma_wait3A_824 : memref<2048x128xf32, #tpu.memory_space<any>>) dst(%dma_wait3A_822 : memref<2048x128xf32, #tpu.memory_space<vmem>>)
        %dma_wait3A_825 = arith.constant 0 : i32
        %dma_wait3A_826 = arith.constant 0 : i32
        %dma_wait3A_827 = arith.constant 0 : i32
        %dma_wait3A_828 = tpu.memref_slice %arg9[%dma_wait3A_825, %dma_wait3A_826, %dma_wait3A_827] : memref<2x1x2048xi32, #tpu.memory_space<vmem>> -> memref<1x1x2048xi32, #tpu.memory_space<vmem>>
        %dma_wait3A_829 = tpu.memref_squeeze %dma_wait3A_828 : memref<1x1x2048xi32, #tpu.memory_space<vmem>> -> memref<1x2048xi32, #tpu.memory_space<vmem>>
        %dma_wait3A_830 = arith.constant 0 : i32
        %dma_wait3A_831 = tpu.memref_slice %arg4[%dma_wait3A_830, %add3A_784] : memref<1x344064xi32, #tpu.memory_space<any>> -> memref<1x2048xi32, #tpu.memory_space<any>>
        tpu.wait_dma2 semaphore(%arg13 : memref<!tpu.dma_semaphore, #tpu.memory_space<semaphore_mem>>) src(%dma_wait3A_831 : memref<1x2048xi32, #tpu.memory_space<any>>) dst(%dma_wait3A_829 : memref<1x2048xi32, #tpu.memory_space<vmem>>)
        %dma_wait3A_832 = arith.constant 1 : i32
        %dma_wait3A_833 = arith.constant 0 : i32
        %dma_wait3A_834 = arith.constant 0 : i32
        %dma_wait3A_835 = tpu.memref_slice %arg8[%dma_wait3A_832, %dma_wait3A_833, %dma_wait3A_834] : memref<2x2048x128xf32, #tpu.memory_space<vmem>> -> memref<1x2048x128xf32, #tpu.memory_space<vmem>>
        %dma_wait3A_836 = tpu.memref_squeeze %dma_wait3A_835 : memref<1x2048x128xf32, #tpu.memory_space<vmem>> -> memref<2048x128xf32, #tpu.memory_space<vmem>>
        %dma_wait3A_837 = arith.constant 0 : i32
        %dma_wait3A_838 = tpu.memref_slice %arg3[%add3A_787, %dma_wait3A_837] : memref<344064x128xf32, #tpu.memory_space<any>> -> memref<2048x128xf32, #tpu.memory_space<any>>
        tpu.wait_dma2 semaphore(%arg13 : memref<!tpu.dma_semaphore, #tpu.memory_space<semaphore_mem>>) src(%dma_wait3A_838 : memref<2048x128xf32, #tpu.memory_space<any>>) dst(%dma_wait3A_836 : memref<2048x128xf32, #tpu.memory_space<vmem>>)
        %dma_wait3A_839 = arith.constant 1 : i32
        %dma_wait3A_840 = arith.constant 0 : i32
        %dma_wait3A_841 = arith.constant 0 : i32
        %dma_wait3A_842 = tpu.memref_slice %arg9[%dma_wait3A_839, %dma_wait3A_840, %dma_wait3A_841] : memref<2x1x2048xi32, #tpu.memory_space<vmem>> -> memref<1x1x2048xi32, #tpu.memory_space<vmem>>
        %dma_wait3A_843 = tpu.memref_squeeze %dma_wait3A_842 : memref<1x1x2048xi32, #tpu.memory_space<vmem>> -> memref<1x2048xi32, #tpu.memory_space<vmem>>
        %dma_wait3A_844 = arith.constant 0 : i32
        %dma_wait3A_845 = tpu.memref_slice %arg4[%dma_wait3A_844, %add3A_790] : memref<1x344064xi32, #tpu.memory_space<any>> -> memref<1x2048xi32, #tpu.memory_space<any>>
        tpu.wait_dma2 semaphore(%arg13 : memref<!tpu.dma_semaphore, #tpu.memory_space<semaphore_mem>>) src(%dma_wait3A_845 : memref<1x2048xi32, #tpu.memory_space<any>>) dst(%dma_wait3A_843 : memref<1x2048xi32, #tpu.memory_space<vmem>>)
        %get3A_846 = arith.constant 0 : index
        %get3A_847 = arith.constant 0 : index
        %get3A_848 = arith.constant 0 : index
        %get3A_849 = vector.load %arg8[%get3A_846, %get3A_847, %get3A_848] : memref<2x2048x128xf32, #tpu.memory_space<vmem>>, vector<1x2048x128xf32>
        %get3A_850 = vector.shape_cast %get3A_849 : vector<1x2048x128xf32> to vector<2048x128xf32>
        %transpose3A_851 = tpu.transpose %get3A_850, [1, 0] : vector<2048x128xf32> -> vector<128x2048xf32>
        %swap3A_852 = arith.index_cast %select_n3A_651 : i32 to index
        %swap3A_853 = arith.constant 0 : index
        %swap3A_854 = arith.constant 0 : index
        %swap3A_855 = vector.load %arg10[%swap3A_852, %swap3A_853, %swap3A_854] : memref<4x128x2048xf32, #tpu.memory_space<vmem>>, vector<1x128x2048xf32>
        %swap3A_856 = vector.shape_cast %swap3A_855 : vector<1x128x2048xf32> to vector<128x2048xf32>
        %swap3A_857 = vector.shape_cast %transpose3A_851 : vector<128x2048xf32> to vector<1x128x2048xf32>
        tpu.vector_store %arg10[%swap3A_852, %swap3A_853, %swap3A_854], %swap3A_857 {strides = array<i32>} : memref<4x128x2048xf32, #tpu.memory_space<vmem>>, vector<1x128x2048xf32>,
        %convert_element_type3A_858 = arith.truncf %transpose3A_851 : vector<128x2048xf32> to vector<128x2048xbf16>
        %swap3A_859 = arith.index_cast %select_n3A_651 : i32 to index
        %swap3A_860 = arith.constant 0 : index
        %swap3A_861 = arith.constant 0 : index
        %swap3A_862 = vector.load %arg11[%swap3A_859, %swap3A_860, %swap3A_861] : memref<4x128x2048xbf16, #tpu.memory_space<vmem>>, vector<1x128x2048xbf16>
        %swap3A_863 = vector.shape_cast %swap3A_862 : vector<1x128x2048xbf16> to vector<128x2048xbf16>
        %swap3A_864 = vector.shape_cast %convert_element_type3A_858 : vector<128x2048xbf16> to vector<1x128x2048xbf16>
        tpu.vector_store %arg11[%swap3A_859, %swap3A_860, %swap3A_861], %swap3A_864 {strides = array<i32>} : memref<4x128x2048xbf16, #tpu.memory_space<vmem>>, vector<1x128x2048xbf16>,
        %get3A_865 = arith.constant 0 : index
        %get3A_866 = arith.constant 0 : index
        %get3A_867 = arith.constant 0 : index
        %get3A_868 = vector.load %arg9[%get3A_865, %get3A_866, %get3A_867] : memref<2x1x2048xi32, #tpu.memory_space<vmem>>, vector<1x1x2048xi32>
        %get3A_869 = vector.shape_cast %get3A_868 : vector<1x1x2048xi32> to vector<1x2048xi32>
        %eq3A_870 = vector.broadcast %get3A_869 : vector<1x2048xi32> to vector<128x2048xi32>
        %eq3A_871 = arith.cmpi eq, %add3A_89, %eq3A_870 : vector<128x2048xi32>
        %convert_element_type3A_872 = arith.extui %eq3A_871 : vector<128x2048xi1> to vector<128x2048xi32>
        %convert_element_type3A_873 = arith.sitofp %convert_element_type3A_872 : vector<128x2048xi32> to vector<128x2048xf32>
        %convert_element_type3A_874 = arith.truncf %convert_element_type3A_873 : vector<128x2048xf32> to vector<128x2048xbf16>
        %swap3A_875 = arith.index_cast %select_n3A_651 : i32 to index
        %swap3A_876 = arith.constant 0 : index
        %swap3A_877 = arith.constant 0 : index
        %swap3A_878 = vector.load %arg12[%swap3A_875, %swap3A_876, %swap3A_877] : memref<4x128x2048xbf16, #tpu.memory_space<vmem>>, vector<1x128x2048xbf16>
        %swap3A_879 = vector.shape_cast %swap3A_878 : vector<1x128x2048xbf16> to vector<128x2048xbf16>
        %swap3A_880 = vector.shape_cast %convert_element_type3A_874 : vector<128x2048xbf16> to vector<1x128x2048xbf16>
        tpu.vector_store %arg12[%swap3A_875, %swap3A_876, %swap3A_877], %swap3A_880 {strides = array<i32>} : memref<4x128x2048xbf16, #tpu.memory_space<vmem>>, vector<1x128x2048xbf16>,
        %get3A_881 = arith.constant 1 : index
        %get3A_882 = arith.constant 0 : index
        %get3A_883 = arith.constant 0 : index
        %get3A_884 = vector.load %arg8[%get3A_881, %get3A_882, %get3A_883] : memref<2x2048x128xf32, #tpu.memory_space<vmem>>, vector<1x2048x128xf32>
        %get3A_885 = vector.shape_cast %get3A_884 : vector<1x2048x128xf32> to vector<2048x128xf32>
        %transpose3A_886 = tpu.transpose %get3A_885, [1, 0] : vector<2048x128xf32> -> vector<128x2048xf32>
        %swap3A_887 = arith.index_cast %select_n3A_655 : i32 to index
        %swap3A_888 = arith.constant 0 : index
        %swap3A_889 = arith.constant 0 : index
        %swap3A_890 = vector.load %arg10[%swap3A_887, %swap3A_888, %swap3A_889] : memref<4x128x2048xf32, #tpu.memory_space<vmem>>, vector<1x128x2048xf32>
        %swap3A_891 = vector.shape_cast %swap3A_890 : vector<1x128x2048xf32> to vector<128x2048xf32>
        %swap3A_892 = vector.shape_cast %transpose3A_886 : vector<128x2048xf32> to vector<1x128x2048xf32>
        tpu.vector_store %arg10[%swap3A_887, %swap3A_888, %swap3A_889], %swap3A_892 {strides = array<i32>} : memref<4x128x2048xf32, #tpu.memory_space<vmem>>, vector<1x128x2048xf32>,
        %convert_element_type3A_893 = arith.truncf %transpose3A_886 : vector<128x2048xf32> to vector<128x2048xbf16>
        %swap3A_894 = arith.index_cast %select_n3A_655 : i32 to index
        %swap3A_895 = arith.constant 0 : index
        %swap3A_896 = arith.constant 0 : index
        %swap3A_897 = vector.load %arg11[%swap3A_894, %swap3A_895, %swap3A_896] : memref<4x128x2048xbf16, #tpu.memory_space<vmem>>, vector<1x128x2048xbf16>
        %swap3A_898 = vector.shape_cast %swap3A_897 : vector<1x128x2048xbf16> to vector<128x2048xbf16>
        %swap3A_899 = vector.shape_cast %convert_element_type3A_893 : vector<128x2048xbf16> to vector<1x128x2048xbf16>
        tpu.vector_store %arg11[%swap3A_894, %swap3A_895, %swap3A_896], %swap3A_899 {strides = array<i32>} : memref<4x128x2048xbf16, #tpu.memory_space<vmem>>, vector<1x128x2048xbf16>,
        %get3A_900 = arith.constant 1 : index
        %get3A_901 = arith.constant 0 : index
        %get3A_902 = arith.constant 0 : index
        %get3A_903 = vector.load %arg9[%get3A_900, %get3A_901, %get3A_902] : memref<2x1x2048xi32, #tpu.memory_space<vmem>>, vector<1x1x2048xi32>
        %get3A_904 = vector.shape_cast %get3A_903 : vector<1x1x2048xi32> to vector<1x2048xi32>
        %eq3A_905 = vector.broadcast %get3A_904 : vector<1x2048xi32> to vector<128x2048xi32>
        %eq3A_906 = arith.cmpi eq, %add3A_89, %eq3A_905 : vector<128x2048xi32>
        %convert_element_type3A_907 = arith.extui %eq3A_906 : vector<128x2048xi1> to vector<128x2048xi32>
        %convert_element_type3A_908 = arith.sitofp %convert_element_type3A_907 : vector<128x2048xi32> to vector<128x2048xf32>
        %convert_element_type3A_909 = arith.truncf %convert_element_type3A_908 : vector<128x2048xf32> to vector<128x2048xbf16>
        %swap3A_910 = arith.index_cast %select_n3A_655 : i32 to index
        %swap3A_911 = arith.constant 0 : index
        %swap3A_912 = arith.constant 0 : index
        %swap3A_913 = vector.load %arg12[%swap3A_910, %swap3A_911, %swap3A_912] : memref<4x128x2048xbf16, #tpu.memory_space<vmem>>, vector<1x128x2048xbf16>
        %swap3A_914 = vector.shape_cast %swap3A_913 : vector<1x128x2048xbf16> to vector<128x2048xbf16>
        %swap3A_915 = vector.shape_cast %convert_element_type3A_909 : vector<128x2048xbf16> to vector<1x128x2048xbf16>
        tpu.vector_store %arg12[%swap3A_910, %swap3A_911, %swap3A_912], %swap3A_915 {strides = array<i32>} : memref<4x128x2048xbf16, #tpu.memory_space<vmem>>, vector<1x128x2048xbf16>,
      } else {
      }
      %get3A_660 = arith.index_cast %select_n3A_651 : i32 to index
      %get3A_661 = arith.constant 0 : index
      %get3A_662 = arith.constant 0 : index
      %get3A_663 = vector.load %arg10[%get3A_660, %get3A_661, %get3A_662] : memref<4x128x2048xf32, #tpu.memory_space<vmem>>, vector<1x128x2048xf32>
      %get3A_664 = vector.shape_cast %get3A_663 : vector<1x128x2048xf32> to vector<128x2048xf32>
      %get3A_665 = arith.index_cast %select_n3A_651 : i32 to index
      %get3A_666 = arith.constant 0 : index
      %get3A_667 = arith.constant 0 : index
      %get3A_668 = vector.load %arg11[%get3A_665, %get3A_666, %get3A_667] : memref<4x128x2048xbf16, #tpu.memory_space<vmem>>, vector<1x128x2048xbf16>
      %get3A_669 = vector.shape_cast %get3A_668 : vector<1x128x2048xbf16> to vector<128x2048xbf16>
      %get3A_670 = arith.index_cast %select_n3A_651 : i32 to index
      %get3A_671 = arith.constant 0 : index
      %get3A_672 = arith.constant 0 : index
      %get3A_673 = vector.load %arg12[%get3A_670, %get3A_671, %get3A_672] : memref<4x128x2048xbf16, #tpu.memory_space<vmem>>, vector<1x128x2048xbf16>
      %get3A_674 = vector.shape_cast %get3A_673 : vector<1x128x2048xbf16> to vector<128x2048xbf16>
      %dot_general3A_675 = arith.constant dense<0.000000e+00> : vector<128x2048xf32>
      %dot_general3A_676 = tpu.matmul %convert_element_type3A_403, %get3A_674, %dot_general3A_675 {dimension_numbers = #tpu.dot_dimension_numbers<[1], [0], [0], [1], [0, 0, 1, 1], [], []>, transpose_lhs_hint = false} : vector<128x128xbf16>, vector<128x2048xbf16>, vector<128x2048xf32> -> vector<128x2048xf32>
      %mul3A_677 = arith.mulf %get3A_664, %dot_general3A_676 : vector<128x2048xf32>
      %slice3A_678 = vector.extract_strided_slice %mul3A_677 {offsets = [0, 0], sizes = [32, 2048], strides = [1, 1]} : vector<128x2048xf32> to vector<32x2048xf32>
      %reduce_sum3A_679 = arith.constant dense<0.000000e+00> : vector<2048xf32>
      %reduce_sum3A_680 = vector.multi_reduction <add>, %slice3A_678, %reduce_sum3A_679 [0] : vector<32x2048xf32> to vector<2048xf32>
      %broadcast_in_dim3A_681 = vector.shape_cast %reduce_sum3A_680 : vector<2048xf32> to vector<1x2048xf32>
      %slice3A_682 = vector.extract_strided_slice %mul3A_677 {offsets = [32, 0], sizes = [32, 2048], strides = [1, 1]} : vector<128x2048xf32> to vector<32x2048xf32>
      %reduce_sum3A_683 = arith.constant dense<0.000000e+00> : vector<2048xf32>
      %reduce_sum3A_684 = vector.multi_reduction <add>, %slice3A_682, %reduce_sum3A_683 [0] : vector<32x2048xf32> to vector<2048xf32>
      %broadcast_in_dim3A_685 = vector.shape_cast %reduce_sum3A_684 : vector<2048xf32> to vector<1x2048xf32>
      %slice3A_686 = vector.extract_strided_slice %mul3A_677 {offsets = [64, 0], sizes = [32, 2048], strides = [1, 1]} : vector<128x2048xf32> to vector<32x2048xf32>
      %reduce_sum3A_687 = arith.constant dense<0.000000e+00> : vector<2048xf32>
      %reduce_sum3A_688 = vector.multi_reduction <add>, %slice3A_686, %reduce_sum3A_687 [0] : vector<32x2048xf32> to vector<2048xf32>
      %broadcast_in_dim3A_689 = vector.shape_cast %reduce_sum3A_688 : vector<2048xf32> to vector<1x2048xf32>
      %slice3A_690 = vector.extract_strided_slice %mul3A_677 {offsets = [96, 0], sizes = [32, 2048], strides = [1, 1]} : vector<128x2048xf32> to vector<32x2048xf32>
      %reduce_sum3A_691 = arith.constant dense<0.000000e+00> : vector<2048xf32>
      %reduce_sum3A_692 = vector.multi_reduction <add>, %slice3A_690, %reduce_sum3A_691 [0] : vector<32x2048xf32> to vector<2048xf32>
      %broadcast_in_dim3A_693 = vector.shape_cast %reduce_sum3A_692 : vector<2048xf32> to vector<1x2048xf32>
      %concatenate3A_694 = tpu.concatenate %broadcast_in_dim3A_681, %broadcast_in_dim3A_685, %broadcast_in_dim3A_689, %broadcast_in_dim3A_693 in 0 : vector<1x2048xf32>, vector<1x2048xf32>, vector<1x2048xf32>, vector<1x2048xf32> -> vector<4x2048xf32>
      %exp3A = math.exp %concatenate3A_694 : vector<4x2048xf32>
      %reduce_sum3A_695 = arith.constant dense<0.000000e+00> : vector<2048xf32>
      %reduce_sum3A_696 = vector.multi_reduction <add>, %exp3A, %reduce_sum3A_695 [0] : vector<4x2048xf32> to vector<2048xf32>
      %broadcast_in_dim3A_697 = vector.shape_cast %reduce_sum3A_696 : vector<2048xf32> to vector<1x2048xf32>
      %div3A_698 = vector.broadcast %broadcast_in_dim3A_697 : vector<1x2048xf32> to vector<4x2048xf32>
      %div3A_699 = arith.divf %exp3A, %div3A_698 : vector<4x2048xf32>
      %convert_element_type3A_700 = arith.truncf %div3A_699 : vector<4x2048xf32> to vector<4x2048xbf16>
      %slice3A_701 = vector.extract_strided_slice %convert_element_type3A_700 {offsets = [0, 0], sizes = [1, 2048], strides = [1, 1]} : vector<4x2048xbf16> to vector<1x2048xbf16>
      %broadcast_in_dim3A_702 = vector.shape_cast %slice3A_701 : vector<1x2048xbf16> to vector<1x2048xbf16>
      %broadcast_in_dim3A_703 = vector.broadcast %broadcast_in_dim3A_702 : vector<1x2048xbf16> to vector<32x2048xbf16>
      %slice3A_704 = vector.extract_strided_slice %convert_element_type3A_700 {offsets = [1, 0], sizes = [1, 2048], strides = [1, 1]} : vector<4x2048xbf16> to vector<1x2048xbf16>
      %broadcast_in_dim3A_705 = vector.shape_cast %slice3A_704 : vector<1x2048xbf16> to vector<1x2048xbf16>
      %broadcast_in_dim3A_706 = vector.broadcast %broadcast_in_dim3A_705 : vector<1x2048xbf16> to vector<32x2048xbf16>
      %slice3A_707 = vector.extract_strided_slice %convert_element_type3A_700 {offsets = [2, 0], sizes = [1, 2048], strides = [1, 1]} : vector<4x2048xbf16> to vector<1x2048xbf16>
      %broadcast_in_dim3A_708 = vector.shape_cast %slice3A_707 : vector<1x2048xbf16> to vector<1x2048xbf16>
      %broadcast_in_dim3A_709 = vector.broadcast %broadcast_in_dim3A_708 : vector<1x2048xbf16> to vector<32x2048xbf16>
      %slice3A_710 = vector.extract_strided_slice %convert_element_type3A_700 {offsets = [3, 0], sizes = [1, 2048], strides = [1, 1]} : vector<4x2048xbf16> to vector<1x2048xbf16>
      %broadcast_in_dim3A_711 = vector.shape_cast %slice3A_710 : vector<1x2048xbf16> to vector<1x2048xbf16>
      %broadcast_in_dim3A_712 = vector.broadcast %broadcast_in_dim3A_711 : vector<1x2048xbf16> to vector<32x2048xbf16>
      %concatenate3A_713 = tpu.concatenate %broadcast_in_dim3A_703, %broadcast_in_dim3A_706, %broadcast_in_dim3A_709, %broadcast_in_dim3A_712 in 0 : vector<32x2048xbf16>, vector<32x2048xbf16>, vector<32x2048xbf16>, vector<32x2048xbf16> -> vector<128x2048xbf16>
      %mul3A_714 = arith.mulf %concatenate3A_713, %get3A_669 : vector<128x2048xbf16>
      %dot_general3A_715 = arith.constant dense<0.000000e+00> : vector<128x128xf32>
      %dot_general3A_716 = tpu.matmul %mul3A_714, %get3A_674, %dot_general3A_715 {dimension_numbers = #tpu.dot_dimension_numbers<[1], [1], [0], [0], [0, 0, 1, 0], [], []>, transpose_lhs_hint = false} : vector<128x2048xbf16>, vector<128x2048xbf16>, vector<128x128xf32> -> vector<128x128xf32>
      %add3A_717 = arith.addf %while3A_647, %dot_general3A_716 : vector<128x128xf32>
      %get3A_718 = arith.index_cast %select_n3A_655 : i32 to index
      %get3A_719 = arith.constant 0 : index
      %get3A_720 = arith.constant 0 : index
      %get3A_721 = vector.load %arg10[%get3A_718, %get3A_719, %get3A_720] : memref<4x128x2048xf32, #tpu.memory_space<vmem>>, vector<1x128x2048xf32>
      %get3A_722 = vector.shape_cast %get3A_721 : vector<1x128x2048xf32> to vector<128x2048xf32>
      %get3A_723 = arith.index_cast %select_n3A_655 : i32 to index
      %get3A_724 = arith.constant 0 : index
      %get3A_725 = arith.constant 0 : index
      %get3A_726 = vector.load %arg11[%get3A_723, %get3A_724, %get3A_725] : memref<4x128x2048xbf16, #tpu.memory_space<vmem>>, vector<1x128x2048xbf16>
      %get3A_727 = vector.shape_cast %get3A_726 : vector<1x128x2048xbf16> to vector<128x2048xbf16>
      %get3A_728 = arith.index_cast %select_n3A_655 : i32 to index
      %get3A_729 = arith.constant 0 : index
      %get3A_730 = arith.constant 0 : index
      %get3A_731 = vector.load %arg12[%get3A_728, %get3A_729, %get3A_730] : memref<4x128x2048xbf16, #tpu.memory_space<vmem>>, vector<1x128x2048xbf16>
      %get3A_732 = vector.shape_cast %get3A_731 : vector<1x128x2048xbf16> to vector<128x2048xbf16>
      %dot_general3A_733 = arith.constant dense<0.000000e+00> : vector<128x2048xf32>
      %dot_general3A_734 = tpu.matmul %convert_element_type3A_403, %get3A_732, %dot_general3A_733 {dimension_numbers = #tpu.dot_dimension_numbers<[1], [0], [0], [1], [0, 0, 1, 1], [], []>, transpose_lhs_hint = false} : vector<128x128xbf16>, vector<128x2048xbf16>, vector<128x2048xf32> -> vector<128x2048xf32>
      %mul3A_735 = arith.mulf %get3A_722, %dot_general3A_734 : vector<128x2048xf32>
      %slice3A_736 = vector.extract_strided_slice %mul3A_735 {offsets = [0, 0], sizes = [32, 2048], strides = [1, 1]} : vector<128x2048xf32> to vector<32x2048xf32>
      %reduce_sum3A_737 = arith.constant dense<0.000000e+00> : vector<2048xf32>
      %reduce_sum3A_738 = vector.multi_reduction <add>, %slice3A_736, %reduce_sum3A_737 [0] : vector<32x2048xf32> to vector<2048xf32>
      %broadcast_in_dim3A_739 = vector.shape_cast %reduce_sum3A_738 : vector<2048xf32> to vector<1x2048xf32>
      %slice3A_740 = vector.extract_strided_slice %mul3A_735 {offsets = [32, 0], sizes = [32, 2048], strides = [1, 1]} : vector<128x2048xf32> to vector<32x2048xf32>
      %reduce_sum3A_741 = arith.constant dense<0.000000e+00> : vector<2048xf32>
      %reduce_sum3A_742 = vector.multi_reduction <add>, %slice3A_740, %reduce_sum3A_741 [0] : vector<32x2048xf32> to vector<2048xf32>
      %broadcast_in_dim3A_743 = vector.shape_cast %reduce_sum3A_742 : vector<2048xf32> to vector<1x2048xf32>
      %slice3A_744 = vector.extract_strided_slice %mul3A_735 {offsets = [64, 0], sizes = [32, 2048], strides = [1, 1]} : vector<128x2048xf32> to vector<32x2048xf32>
      %reduce_sum3A_745 = arith.constant dense<0.000000e+00> : vector<2048xf32>
      %reduce_sum3A_746 = vector.multi_reduction <add>, %slice3A_744, %reduce_sum3A_745 [0] : vector<32x2048xf32> to vector<2048xf32>
      %broadcast_in_dim3A_747 = vector.shape_cast %reduce_sum3A_746 : vector<2048xf32> to vector<1x2048xf32>
      %slice3A_748 = vector.extract_strided_slice %mul3A_735 {offsets = [96, 0], sizes = [32, 2048], strides = [1, 1]} : vector<128x2048xf32> to vector<32x2048xf32>
      %reduce_sum3A_749 = arith.constant dense<0.000000e+00> : vector<2048xf32>
      %reduce_sum3A_750 = vector.multi_reduction <add>, %slice3A_748, %reduce_sum3A_749 [0] : vector<32x2048xf32> to vector<2048xf32>
      %broadcast_in_dim3A_751 = vector.shape_cast %reduce_sum3A_750 : vector<2048xf32> to vector<1x2048xf32>
      %concatenate3A_752 = tpu.concatenate %broadcast_in_dim3A_739, %broadcast_in_dim3A_743, %broadcast_in_dim3A_747, %broadcast_in_dim3A_751 in 0 : vector<1x2048xf32>, vector<1x2048xf32>, vector<1x2048xf32>, vector<1x2048xf32> -> vector<4x2048xf32>
      %exp3A_753 = math.exp %concatenate3A_752 : vector<4x2048xf32>
      %reduce_sum3A_754 = arith.constant dense<0.000000e+00> : vector<2048xf32>
      %reduce_sum3A_755 = vector.multi_reduction <add>, %exp3A_753, %reduce_sum3A_754 [0] : vector<4x2048xf32> to vector<2048xf32>
      %broadcast_in_dim3A_756 = vector.shape_cast %reduce_sum3A_755 : vector<2048xf32> to vector<1x2048xf32>
      %div3A_757 = vector.broadcast %broadcast_in_dim3A_756 : vector<1x2048xf32> to vector<4x2048xf32>
      %div3A_758 = arith.divf %exp3A_753, %div3A_757 : vector<4x2048xf32>
      %convert_element_type3A_759 = arith.truncf %div3A_758 : vector<4x2048xf32> to vector<4x2048xbf16>
      %slice3A_760 = vector.extract_strided_slice %convert_element_type3A_759 {offsets = [0, 0], sizes = [1, 2048], strides = [1, 1]} : vector<4x2048xbf16> to vector<1x2048xbf16>
      %broadcast_in_dim3A_761 = vector.shape_cast %slice3A_760 : vector<1x2048xbf16> to vector<1x2048xbf16>
      %broadcast_in_dim3A_762 = vector.broadcast %broadcast_in_dim3A_761 : vector<1x2048xbf16> to vector<32x2048xbf16>
      %slice3A_763 = vector.extract_strided_slice %convert_element_type3A_759 {offsets = [1, 0], sizes = [1, 2048], strides = [1, 1]} : vector<4x2048xbf16> to vector<1x2048xbf16>
      %broadcast_in_dim3A_764 = vector.shape_cast %slice3A_763 : vector<1x2048xbf16> to vector<1x2048xbf16>
      %broadcast_in_dim3A_765 = vector.broadcast %broadcast_in_dim3A_764 : vector<1x2048xbf16> to vector<32x2048xbf16>
      %slice3A_766 = vector.extract_strided_slice %convert_element_type3A_759 {offsets = [2, 0], sizes = [1, 2048], strides = [1, 1]} : vector<4x2048xbf16> to vector<1x2048xbf16>
      %broadcast_in_dim3A_767 = vector.shape_cast %slice3A_766 : vector<1x2048xbf16> to vector<1x2048xbf16>
      %broadcast_in_dim3A_768 = vector.broadcast %broadcast_in_dim3A_767 : vector<1x2048xbf16> to vector<32x2048xbf16>
      %slice3A_769 = vector.extract_strided_slice %convert_element_type3A_759 {offsets = [3, 0], sizes = [1, 2048], strides = [1, 1]} : vector<4x2048xbf16> to vector<1x2048xbf16>
      %broadcast_in_dim3A_770 = vector.shape_cast %slice3A_769 : vector<1x2048xbf16> to vector<1x2048xbf16>
      %broadcast_in_dim3A_771 = vector.broadcast %broadcast_in_dim3A_770 : vector<1x2048xbf16> to vector<32x2048xbf16>
      %concatenate3A_772 = tpu.concatenate %broadcast_in_dim3A_762, %broadcast_in_dim3A_765, %broadcast_in_dim3A_768, %broadcast_in_dim3A_771 in 0 : vector<32x2048xbf16>, vector<32x2048xbf16>, vector<32x2048xbf16>, vector<32x2048xbf16> -> vector<128x2048xbf16>
      %mul3A_773 = arith.mulf %concatenate3A_772, %get3A_727 : vector<128x2048xbf16>
      %dot_general3A_774 = arith.constant dense<0.000000e+00> : vector<128x128xf32>
      %dot_general3A_775 = tpu.matmul %mul3A_773, %get3A_732, %dot_general3A_774 {dimension_numbers = #tpu.dot_dimension_numbers<[1], [1], [0], [0], [0, 0, 1, 0], [], []>, transpose_lhs_hint = false} : vector<128x2048xbf16>, vector<128x2048xbf16>, vector<128x128xf32> -> vector<128x128xf32>
      %add3A_776 = arith.addf %add3A_717, %dot_general3A_775 : vector<128x128xf32>
      scf.yield %add3A_776 : vector<128x128xf32>
    }
    %while3A_415 = arith.constant 1 : i32
    %while3A_416 = scf.for %while3A_646 = %while3A_412 to %while3A_408 step %while3A_415 iter_args(%while3A_647 = %while3A_414) -> (vector<128x128xf32>)  : i32 {
      %mul3A_648 = arith.constant 2 : i32
      %mul3A_649 = arith.muli %mul3A_648, %while3A_646 : i32
      %jit3A_650 = arith.constant 0 : i32
      %select_n3A_651 = arith.select %le3A_30, %mul3A_649, %jit3A_650 : i32
      %add3A_652 = arith.constant 1 : i32
      %add3A_653 = arith.addi %mul3A_649, %add3A_652 : i32
      %jit3A_654 = arith.constant 1 : i32
      %select_n3A_655 = arith.select %le3A_30, %add3A_653, %jit3A_654 : i32
      %not3A = arith.constant true
      %not3A_656 = arith.xori %le3A_30, %not3A : i1
      %convert_element_type3A_657 = arith.extui %not3A_656 : i1 to i32
      %cond3A_658 = arith.constant 0 : i32
      %cond3A_659 = arith.cmpi ne, %convert_element_type3A_657, %cond3A_658 : i32
      scf.if %cond3A_659 {
        %add3A_777 = arith.constant 1 : i32
        %add3A_778 = arith.addi %mul3A_649, %add3A_777 : i32
        %mul3A_779 = arith.constant 2048 : i32
        %mul3A_780 = arith.muli %mul3A_649, %mul3A_779 : i32
        %add3A_781 = arith.addi %multiple_of3A, %mul3A_780 : i32
        %mul3A_782 = arith.constant 2048 : i32
        %mul3A_783 = arith.muli %mul3A_649, %mul3A_782 : i32
        %add3A_784 = arith.addi %multiple_of3A, %mul3A_783 : i32
        %mul3A_785 = arith.constant 2048 : i32
        %mul3A_786 = arith.muli %add3A_778, %mul3A_785 : i32
        %add3A_787 = arith.addi %multiple_of3A, %mul3A_786 : i32
        %mul3A_788 = arith.constant 2048 : i32
        %mul3A_789 = arith.muli %add3A_778, %mul3A_788 : i32
        %add3A_790 = arith.addi %multiple_of3A, %mul3A_789 : i32
        %dma_start3A = arith.constant 0 : i32
        %dma_start3A_791 = arith.constant 0 : i32
        %dma_start3A_792 = arith.constant 0 : i32
        %dma_start3A_793 = tpu.memref_slice %arg8[%dma_start3A, %dma_start3A_791, %dma_start3A_792] : memref<2x2048x128xf32, #tpu.memory_space<vmem>> -> memref<1x2048x128xf32, #tpu.memory_space<vmem>>
        %dma_start3A_794 = tpu.memref_squeeze %dma_start3A_793 : memref<1x2048x128xf32, #tpu.memory_space<vmem>> -> memref<2048x128xf32, #tpu.memory_space<vmem>>
        %dma_start3A_795 = arith.constant 0 : i32
        %dma_start3A_796 = tpu.memref_slice %arg3[%add3A_781, %dma_start3A_795] : memref<344064x128xf32, #tpu.memory_space<any>> -> memref<2048x128xf32, #tpu.memory_space<any>>
        tpu.enqueue_dma source(%dma_start3A_796 : memref<2048x128xf32, #tpu.memory_space<any>>) target(%dma_start3A_794 : memref<2048x128xf32, #tpu.memory_space<vmem>>) target_semaphore(%arg13 : memref<!tpu.dma_semaphore, #tpu.memory_space<semaphore_mem>>)
        %dma_start3A_797 = arith.constant 0 : i32
        %dma_start3A_798 = arith.constant 0 : i32
        %dma_start3A_799 = arith.constant 0 : i32
        %dma_start3A_800 = tpu.memref_slice %arg9[%dma_start3A_797, %dma_start3A_798, %dma_start3A_799] : memref<2x1x2048xi32, #tpu.memory_space<vmem>> -> memref<1x1x2048xi32, #tpu.memory_space<vmem>>
        %dma_start3A_801 = tpu.memref_squeeze %dma_start3A_800 : memref<1x1x2048xi32, #tpu.memory_space<vmem>> -> memref<1x2048xi32, #tpu.memory_space<vmem>>
        %dma_start3A_802 = arith.constant 0 : i32
        %dma_start3A_803 = tpu.memref_slice %arg4[%dma_start3A_802, %add3A_784] : memref<1x344064xi32, #tpu.memory_space<any>> -> memref<1x2048xi32, #tpu.memory_space<any>>
        tpu.enqueue_dma source(%dma_start3A_803 : memref<1x2048xi32, #tpu.memory_space<any>>) target(%dma_start3A_801 : memref<1x2048xi32, #tpu.memory_space<vmem>>) target_semaphore(%arg13 : memref<!tpu.dma_semaphore, #tpu.memory_space<semaphore_mem>>)
        %dma_start3A_804 = arith.constant 1 : i32
        %dma_start3A_805 = arith.constant 0 : i32
        %dma_start3A_806 = arith.constant 0 : i32
        %dma_start3A_807 = tpu.memref_slice %arg8[%dma_start3A_804, %dma_start3A_805, %dma_start3A_806] : memref<2x2048x128xf32, #tpu.memory_space<vmem>> -> memref<1x2048x128xf32, #tpu.memory_space<vmem>>
        %dma_start3A_808 = tpu.memref_squeeze %dma_start3A_807 : memref<1x2048x128xf32, #tpu.memory_space<vmem>> -> memref<2048x128xf32, #tpu.memory_space<vmem>>
        %dma_start3A_809 = arith.constant 0 : i32
        %dma_start3A_810 = tpu.memref_slice %arg3[%add3A_787, %dma_start3A_809] : memref<344064x128xf32, #tpu.memory_space<any>> -> memref<2048x128xf32, #tpu.memory_space<any>>
        tpu.enqueue_dma source(%dma_start3A_810 : memref<2048x128xf32, #tpu.memory_space<any>>) target(%dma_start3A_808 : memref<2048x128xf32, #tpu.memory_space<vmem>>) target_semaphore(%arg13 : memref<!tpu.dma_semaphore, #tpu.memory_space<semaphore_mem>>)
        %dma_start3A_811 = arith.constant 1 : i32
        %dma_start3A_812 = arith.constant 0 : i32
        %dma_start3A_813 = arith.constant 0 : i32
        %dma_start3A_814 = tpu.memref_slice %arg9[%dma_start3A_811, %dma_start3A_812, %dma_start3A_813] : memref<2x1x2048xi32, #tpu.memory_space<vmem>> -> memref<1x1x2048xi32, #tpu.memory_space<vmem>>
        %dma_start3A_815 = tpu.memref_squeeze %dma_start3A_814 : memref<1x1x2048xi32, #tpu.memory_space<vmem>> -> memref<1x2048xi32, #tpu.memory_space<vmem>>
        %dma_start3A_816 = arith.constant 0 : i32
        %dma_start3A_817 = tpu.memref_slice %arg4[%dma_start3A_816, %add3A_790] : memref<1x344064xi32, #tpu.memory_space<any>> -> memref<1x2048xi32, #tpu.memory_space<any>>
        tpu.enqueue_dma source(%dma_start3A_817 : memref<1x2048xi32, #tpu.memory_space<any>>) target(%dma_start3A_815 : memref<1x2048xi32, #tpu.memory_space<vmem>>) target_semaphore(%arg13 : memref<!tpu.dma_semaphore, #tpu.memory_space<semaphore_mem>>)
        %dma_wait3A_818 = arith.constant 0 : i32
        %dma_wait3A_819 = arith.constant 0 : i32
        %dma_wait3A_820 = arith.constant 0 : i32
        %dma_wait3A_821 = tpu.memref_slice %arg8[%dma_wait3A_818, %dma_wait3A_819, %dma_wait3A_820] : memref<2x2048x128xf32, #tpu.memory_space<vmem>> -> memref<1x2048x128xf32, #tpu.memory_space<vmem>>
        %dma_wait3A_822 = tpu.memref_squeeze %dma_wait3A_821 : memref<1x2048x128xf32, #tpu.memory_space<vmem>> -> memref<2048x128xf32, #tpu.memory_space<vmem>>
        %dma_wait3A_823 = arith.constant 0 : i32
        %dma_wait3A_824 = tpu.memref_slice %arg3[%add3A_781, %dma_wait3A_823] : memref<344064x128xf32, #tpu.memory_space<any>> -> memref<2048x128xf32, #tpu.memory_space<any>>
        tpu.wait_dma2 semaphore(%arg13 : memref<!tpu.dma_semaphore, #tpu.memory_space<semaphore_mem>>) src(%dma_wait3A_824 : memref<2048x128xf32, #tpu.memory_space<any>>) dst(%dma_wait3A_822 : memref<2048x128xf32, #tpu.memory_space<vmem>>)
        %dma_wait3A_825 = arith.constant 0 : i32
        %dma_wait3A_826 = arith.constant 0 : i32
        %dma_wait3A_827 = arith.constant 0 : i32
        %dma_wait3A_828 = tpu.memref_slice %arg9[%dma_wait3A_825, %dma_wait3A_826, %dma_wait3A_827] : memref<2x1x2048xi32, #tpu.memory_space<vmem>> -> memref<1x1x2048xi32, #tpu.memory_space<vmem>>
        %dma_wait3A_829 = tpu.memref_squeeze %dma_wait3A_828 : memref<1x1x2048xi32, #tpu.memory_space<vmem>> -> memref<1x2048xi32, #tpu.memory_space<vmem>>
        %dma_wait3A_830 = arith.constant 0 : i32
        %dma_wait3A_831 = tpu.memref_slice %arg4[%dma_wait3A_830, %add3A_784] : memref<1x344064xi32, #tpu.memory_space<any>> -> memref<1x2048xi32, #tpu.memory_space<any>>
        tpu.wait_dma2 semaphore(%arg13 : memref<!tpu.dma_semaphore, #tpu.memory_space<semaphore_mem>>) src(%dma_wait3A_831 : memref<1x2048xi32, #tpu.memory_space<any>>) dst(%dma_wait3A_829 : memref<1x2048xi32, #tpu.memory_space<vmem>>)
        %dma_wait3A_832 = arith.constant 1 : i32
        %dma_wait3A_833 = arith.constant 0 : i32
        %dma_wait3A_834 = arith.constant 0 : i32
        %dma_wait3A_835 = tpu.memref_slice %arg8[%dma_wait3A_832, %dma_wait3A_833, %dma_wait3A_834] : memref<2x2048x128xf32, #tpu.memory_space<vmem>> -> memref<1x2048x128xf32, #tpu.memory_space<vmem>>
        %dma_wait3A_836 = tpu.memref_squeeze %dma_wait3A_835 : memref<1x2048x128xf32, #tpu.memory_space<vmem>> -> memref<2048x128xf32, #tpu.memory_space<vmem>>
        %dma_wait3A_837 = arith.constant 0 : i32
        %dma_wait3A_838 = tpu.memref_slice %arg3[%add3A_787, %dma_wait3A_837] : memref<344064x128xf32, #tpu.memory_space<any>> -> memref<2048x128xf32, #tpu.memory_space<any>>
        tpu.wait_dma2 semaphore(%arg13 : memref<!tpu.dma_semaphore, #tpu.memory_space<semaphore_mem>>) src(%dma_wait3A_838 : memref<2048x128xf32, #tpu.memory_space<any>>) dst(%dma_wait3A_836 : memref<2048x128xf32, #tpu.memory_space<vmem>>)
        %dma_wait3A_839 = arith.constant 1 : i32
        %dma_wait3A_840 = arith.constant 0 : i32
        %dma_wait3A_841 = arith.constant 0 : i32
        %dma_wait3A_842 = tpu.memref_slice %arg9[%dma_wait3A_839, %dma_wait3A_840, %dma_wait3A_841] : memref<2x1x2048xi32, #tpu.memory_space<vmem>> -> memref<1x1x2048xi32, #tpu.memory_space<vmem>>
        %dma_wait3A_843 = tpu.memref_squeeze %dma_wait3A_842 : memref<1x1x2048xi32, #tpu.memory_space<vmem>> -> memref<1x2048xi32, #tpu.memory_space<vmem>>
        %dma_wait3A_844 = arith.constant 0 : i32
        %dma_wait3A_845 = tpu.memref_slice %arg4[%dma_wait3A_844, %add3A_790] : memref<1x344064xi32, #tpu.memory_space<any>> -> memref<1x2048xi32, #tpu.memory_space<any>>
        tpu.wait_dma2 semaphore(%arg13 : memref<!tpu.dma_semaphore, #tpu.memory_space<semaphore_mem>>) src(%dma_wait3A_845 : memref<1x2048xi32, #tpu.memory_space<any>>) dst(%dma_wait3A_843 : memref<1x2048xi32, #tpu.memory_space<vmem>>)
        %get3A_846 = arith.constant 0 : index
        %get3A_847 = arith.constant 0 : index
        %get3A_848 = arith.constant 0 : index
        %get3A_849 = vector.load %arg8[%get3A_846, %get3A_847, %get3A_848] : memref<2x2048x128xf32, #tpu.memory_space<vmem>>, vector<1x2048x128xf32>
        %get3A_850 = vector.shape_cast %get3A_849 : vector<1x2048x128xf32> to vector<2048x128xf32>
        %transpose3A_851 = tpu.transpose %get3A_850, [1, 0] : vector<2048x128xf32> -> vector<128x2048xf32>
        %swap3A_852 = arith.index_cast %select_n3A_651 : i32 to index
        %swap3A_853 = arith.constant 0 : index
        %swap3A_854 = arith.constant 0 : index
        %swap3A_855 = vector.load %arg10[%swap3A_852, %swap3A_853, %swap3A_854] : memref<4x128x2048xf32, #tpu.memory_space<vmem>>, vector<1x128x2048xf32>
        %swap3A_856 = vector.shape_cast %swap3A_855 : vector<1x128x2048xf32> to vector<128x2048xf32>
        %swap3A_857 = vector.shape_cast %transpose3A_851 : vector<128x2048xf32> to vector<1x128x2048xf32>
        tpu.vector_store %arg10[%swap3A_852, %swap3A_853, %swap3A_854], %swap3A_857 {strides = array<i32>} : memref<4x128x2048xf32, #tpu.memory_space<vmem>>, vector<1x128x2048xf32>,
        %convert_element_type3A_858 = arith.truncf %transpose3A_851 : vector<128x2048xf32> to vector<128x2048xbf16>
        %swap3A_859 = arith.index_cast %select_n3A_651 : i32 to index
        %swap3A_860 = arith.constant 0 : index
        %swap3A_861 = arith.constant 0 : index
        %swap3A_862 = vector.load %arg11[%swap3A_859, %swap3A_860, %swap3A_861] : memref<4x128x2048xbf16, #tpu.memory_space<vmem>>, vector<1x128x2048xbf16>
        %swap3A_863 = vector.shape_cast %swap3A_862 : vector<1x128x2048xbf16> to vector<128x2048xbf16>
        %swap3A_864 = vector.shape_cast %convert_element_type3A_858 : vector<128x2048xbf16> to vector<1x128x2048xbf16>
        tpu.vector_store %arg11[%swap3A_859, %swap3A_860, %swap3A_861], %swap3A_864 {strides = array<i32>} : memref<4x128x2048xbf16, #tpu.memory_space<vmem>>, vector<1x128x2048xbf16>,
        %get3A_865 = arith.constant 0 : index
        %get3A_866 = arith.constant 0 : index
        %get3A_867 = arith.constant 0 : index
        %get3A_868 = vector.load %arg9[%get3A_865, %get3A_866, %get3A_867] : memref<2x1x2048xi32, #tpu.memory_space<vmem>>, vector<1x1x2048xi32>
        %get3A_869 = vector.shape_cast %get3A_868 : vector<1x1x2048xi32> to vector<1x2048xi32>
        %eq3A_870 = vector.broadcast %get3A_869 : vector<1x2048xi32> to vector<128x2048xi32>
        %eq3A_871 = arith.cmpi eq, %add3A_89, %eq3A_870 : vector<128x2048xi32>
        %convert_element_type3A_872 = arith.extui %eq3A_871 : vector<128x2048xi1> to vector<128x2048xi32>
        %convert_element_type3A_873 = arith.sitofp %convert_element_type3A_872 : vector<128x2048xi32> to vector<128x2048xf32>
        %convert_element_type3A_874 = arith.truncf %convert_element_type3A_873 : vector<128x2048xf32> to vector<128x2048xbf16>
        %swap3A_875 = arith.index_cast %select_n3A_651 : i32 to index
        %swap3A_876 = arith.constant 0 : index
        %swap3A_877 = arith.constant 0 : index
        %swap3A_878 = vector.load %arg12[%swap3A_875, %swap3A_876, %swap3A_877] : memref<4x128x2048xbf16, #tpu.memory_space<vmem>>, vector<1x128x2048xbf16>
        %swap3A_879 = vector.shape_cast %swap3A_878 : vector<1x128x2048xbf16> to vector<128x2048xbf16>
        %swap3A_880 = vector.shape_cast %convert_element_type3A_874 : vector<128x2048xbf16> to vector<1x128x2048xbf16>
        tpu.vector_store %arg12[%swap3A_875, %swap3A_876, %swap3A_877], %swap3A_880 {strides = array<i32>} : memref<4x128x2048xbf16, #tpu.memory_space<vmem>>, vector<1x128x2048xbf16>,
        %get3A_881 = arith.constant 1 : index
        %get3A_882 = arith.constant 0 : index
        %get3A_883 = arith.constant 0 : index
        %get3A_884 = vector.load %arg8[%get3A_881, %get3A_882, %get3A_883] : memref<2x2048x128xf32, #tpu.memory_space<vmem>>, vector<1x2048x128xf32>
        %get3A_885 = vector.shape_cast %get3A_884 : vector<1x2048x128xf32> to vector<2048x128xf32>
        %transpose3A_886 = tpu.transpose %get3A_885, [1, 0] : vector<2048x128xf32> -> vector<128x2048xf32>
        %swap3A_887 = arith.index_cast %select_n3A_655 : i32 to index
        %swap3A_888 = arith.constant 0 : index
        %swap3A_889 = arith.constant 0 : index
        %swap3A_890 = vector.load %arg10[%swap3A_887, %swap3A_888, %swap3A_889] : memref<4x128x2048xf32, #tpu.memory_space<vmem>>, vector<1x128x2048xf32>
        %swap3A_891 = vector.shape_cast %swap3A_890 : vector<1x128x2048xf32> to vector<128x2048xf32>
        %swap3A_892 = vector.shape_cast %transpose3A_886 : vector<128x2048xf32> to vector<1x128x2048xf32>
        tpu.vector_store %arg10[%swap3A_887, %swap3A_888, %swap3A_889], %swap3A_892 {strides = array<i32>} : memref<4x128x2048xf32, #tpu.memory_space<vmem>>, vector<1x128x2048xf32>,
        %convert_element_type3A_893 = arith.truncf %transpose3A_886 : vector<128x2048xf32> to vector<128x2048xbf16>
        %swap3A_894 = arith.index_cast %select_n3A_655 : i32 to index
        %swap3A_895 = arith.constant 0 : index
        %swap3A_896 = arith.constant 0 : index
        %swap3A_897 = vector.load %arg11[%swap3A_894, %swap3A_895, %swap3A_896] : memref<4x128x2048xbf16, #tpu.memory_space<vmem>>, vector<1x128x2048xbf16>
        %swap3A_898 = vector.shape_cast %swap3A_897 : vector<1x128x2048xbf16> to vector<128x2048xbf16>
        %swap3A_899 = vector.shape_cast %convert_element_type3A_893 : vector<128x2048xbf16> to vector<1x128x2048xbf16>
        tpu.vector_store %arg11[%swap3A_894, %swap3A_895, %swap3A_896], %swap3A_899 {strides = array<i32>} : memref<4x128x2048xbf16, #tpu.memory_space<vmem>>, vector<1x128x2048xbf16>,
        %get3A_900 = arith.constant 1 : index
        %get3A_901 = arith.constant 0 : index
        %get3A_902 = arith.constant 0 : index
        %get3A_903 = vector.load %arg9[%get3A_900, %get3A_901, %get3A_902] : memref<2x1x2048xi32, #tpu.memory_space<vmem>>, vector<1x1x2048xi32>
        %get3A_904 = vector.shape_cast %get3A_903 : vector<1x1x2048xi32> to vector<1x2048xi32>
        %eq3A_905 = vector.broadcast %get3A_904 : vector<1x2048xi32> to vector<128x2048xi32>
        %eq3A_906 = arith.cmpi eq, %add3A_89, %eq3A_905 : vector<128x2048xi32>
        %convert_element_type3A_907 = arith.extui %eq3A_906 : vector<128x2048xi1> to vector<128x2048xi32>
        %convert_element_type3A_908 = arith.sitofp %convert_element_type3A_907 : vector<128x2048xi32> to vector<128x2048xf32>
        %convert_element_type3A_909 = arith.truncf %convert_element_type3A_908 : vector<128x2048xf32> to vector<128x2048xbf16>
        %swap3A_910 = arith.index_cast %select_n3A_655 : i32 to index
        %swap3A_911 = arith.constant 0 : index
        %swap3A_912 = arith.constant 0 : index
        %swap3A_913 = vector.load %arg12[%swap3A_910, %swap3A_911, %swap3A_912] : memref<4x128x2048xbf16, #tpu.memory_space<vmem>>, vector<1x128x2048xbf16>
        %swap3A_914 = vector.shape_cast %swap3A_913 : vector<1x128x2048xbf16> to vector<128x2048xbf16>
        %swap3A_915 = vector.shape_cast %convert_element_type3A_909 : vector<128x2048xbf16> to vector<1x128x2048xbf16>
        tpu.vector_store %arg12[%swap3A_910, %swap3A_911, %swap3A_912], %swap3A_915 {strides = array<i32>} : memref<4x128x2048xbf16, #tpu.memory_space<vmem>>, vector<1x128x2048xbf16>,
      } else {
      }
      %get3A_660 = arith.index_cast %select_n3A_651 : i32 to index
      %get3A_661 = arith.constant 0 : index
      %get3A_662 = arith.constant 0 : index
      %get3A_663 = vector.load %arg10[%get3A_660, %get3A_661, %get3A_662] : memref<4x128x2048xf32, #tpu.memory_space<vmem>>, vector<1x128x2048xf32>
      %get3A_664 = vector.shape_cast %get3A_663 : vector<1x128x2048xf32> to vector<128x2048xf32>
      %get3A_665 = arith.index_cast %select_n3A_651 : i32 to index
      %get3A_666 = arith.constant 0 : index
      %get3A_667 = arith.constant 0 : index
      %get3A_668 = vector.load %arg11[%get3A_665, %get3A_666, %get3A_667] : memref<4x128x2048xbf16, #tpu.memory_space<vmem>>, vector<1x128x2048xbf16>
      %get3A_669 = vector.shape_cast %get3A_668 : vector<1x128x2048xbf16> to vector<128x2048xbf16>
      %get3A_670 = arith.index_cast %select_n3A_651 : i32 to index
      %get3A_671 = arith.constant 0 : index
      %get3A_672 = arith.constant 0 : index
      %get3A_673 = vector.load %arg12[%get3A_670, %get3A_671, %get3A_672] : memref<4x128x2048xbf16, #tpu.memory_space<vmem>>, vector<1x128x2048xbf16>
      %get3A_674 = vector.shape_cast %get3A_673 : vector<1x128x2048xbf16> to vector<128x2048xbf16>
      %dot_general3A_675 = arith.constant dense<0.000000e+00> : vector<128x2048xf32>
      %dot_general3A_676 = tpu.matmul %convert_element_type3A_403, %get3A_674, %dot_general3A_675 {dimension_numbers = #tpu.dot_dimension_numbers<[1], [0], [0], [1], [0, 0, 1, 1], [], []>, transpose_lhs_hint = false} : vector<128x128xbf16>, vector<128x2048xbf16>, vector<128x2048xf32> -> vector<128x2048xf32>
      %mul3A_677 = arith.mulf %get3A_664, %dot_general3A_676 : vector<128x2048xf32>
      %slice3A_678 = vector.extract_strided_slice %mul3A_677 {offsets = [0, 0], sizes = [32, 2048], strides = [1, 1]} : vector<128x2048xf32> to vector<32x2048xf32>
      %reduce_sum3A_679 = arith.constant dense<0.000000e+00> : vector<2048xf32>
      %reduce_sum3A_680 = vector.multi_reduction <add>, %slice3A_678, %reduce_sum3A_679 [0] : vector<32x2048xf32> to vector<2048xf32>
      %broadcast_in_dim3A_681 = vector.shape_cast %reduce_sum3A_680 : vector<2048xf32> to vector<1x2048xf32>
      %slice3A_682 = vector.extract_strided_slice %mul3A_677 {offsets = [32, 0], sizes = [32, 2048], strides = [1, 1]} : vector<128x2048xf32> to vector<32x2048xf32>
      %reduce_sum3A_683 = arith.constant dense<0.000000e+00> : vector<2048xf32>
      %reduce_sum3A_684 = vector.multi_reduction <add>, %slice3A_682, %reduce_sum3A_683 [0] : vector<32x2048xf32> to vector<2048xf32>
      %broadcast_in_dim3A_685 = vector.shape_cast %reduce_sum3A_684 : vector<2048xf32> to vector<1x2048xf32>
      %slice3A_686 = vector.extract_strided_slice %mul3A_677 {offsets = [64, 0], sizes = [32, 2048], strides = [1, 1]} : vector<128x2048xf32> to vector<32x2048xf32>
      %reduce_sum3A_687 = arith.constant dense<0.000000e+00> : vector<2048xf32>
      %reduce_sum3A_688 = vector.multi_reduction <add>, %slice3A_686, %reduce_sum3A_687 [0] : vector<32x2048xf32> to vector<2048xf32>
      %broadcast_in_dim3A_689 = vector.shape_cast %reduce_sum3A_688 : vector<2048xf32> to vector<1x2048xf32>
      %slice3A_690 = vector.extract_strided_slice %mul3A_677 {offsets = [96, 0], sizes = [32, 2048], strides = [1, 1]} : vector<128x2048xf32> to vector<32x2048xf32>
      %reduce_sum3A_691 = arith.constant dense<0.000000e+00> : vector<2048xf32>
      %reduce_sum3A_692 = vector.multi_reduction <add>, %slice3A_690, %reduce_sum3A_691 [0] : vector<32x2048xf32> to vector<2048xf32>
      %broadcast_in_dim3A_693 = vector.shape_cast %reduce_sum3A_692 : vector<2048xf32> to vector<1x2048xf32>
      %concatenate3A_694 = tpu.concatenate %broadcast_in_dim3A_681, %broadcast_in_dim3A_685, %broadcast_in_dim3A_689, %broadcast_in_dim3A_693 in 0 : vector<1x2048xf32>, vector<1x2048xf32>, vector<1x2048xf32>, vector<1x2048xf32> -> vector<4x2048xf32>
      %exp3A = math.exp %concatenate3A_694 : vector<4x2048xf32>
      %reduce_sum3A_695 = arith.constant dense<0.000000e+00> : vector<2048xf32>
      %reduce_sum3A_696 = vector.multi_reduction <add>, %exp3A, %reduce_sum3A_695 [0] : vector<4x2048xf32> to vector<2048xf32>
      %broadcast_in_dim3A_697 = vector.shape_cast %reduce_sum3A_696 : vector<2048xf32> to vector<1x2048xf32>
      %div3A_698 = vector.broadcast %broadcast_in_dim3A_697 : vector<1x2048xf32> to vector<4x2048xf32>
      %div3A_699 = arith.divf %exp3A, %div3A_698 : vector<4x2048xf32>
      %convert_element_type3A_700 = arith.truncf %div3A_699 : vector<4x2048xf32> to vector<4x2048xbf16>
      %slice3A_701 = vector.extract_strided_slice %convert_element_type3A_700 {offsets = [0, 0], sizes = [1, 2048], strides = [1, 1]} : vector<4x2048xbf16> to vector<1x2048xbf16>
      %broadcast_in_dim3A_702 = vector.shape_cast %slice3A_701 : vector<1x2048xbf16> to vector<1x2048xbf16>
      %broadcast_in_dim3A_703 = vector.broadcast %broadcast_in_dim3A_702 : vector<1x2048xbf16> to vector<32x2048xbf16>
      %slice3A_704 = vector.extract_strided_slice %convert_element_type3A_700 {offsets = [1, 0], sizes = [1, 2048], strides = [1, 1]} : vector<4x2048xbf16> to vector<1x2048xbf16>
      %broadcast_in_dim3A_705 = vector.shape_cast %slice3A_704 : vector<1x2048xbf16> to vector<1x2048xbf16>
      %broadcast_in_dim3A_706 = vector.broadcast %broadcast_in_dim3A_705 : vector<1x2048xbf16> to vector<32x2048xbf16>
      %slice3A_707 = vector.extract_strided_slice %convert_element_type3A_700 {offsets = [2, 0], sizes = [1, 2048], strides = [1, 1]} : vector<4x2048xbf16> to vector<1x2048xbf16>
      %broadcast_in_dim3A_708 = vector.shape_cast %slice3A_707 : vector<1x2048xbf16> to vector<1x2048xbf16>
      %broadcast_in_dim3A_709 = vector.broadcast %broadcast_in_dim3A_708 : vector<1x2048xbf16> to vector<32x2048xbf16>
      %slice3A_710 = vector.extract_strided_slice %convert_element_type3A_700 {offsets = [3, 0], sizes = [1, 2048], strides = [1, 1]} : vector<4x2048xbf16> to vector<1x2048xbf16>
      %broadcast_in_dim3A_711 = vector.shape_cast %slice3A_710 : vector<1x2048xbf16> to vector<1x2048xbf16>
      %broadcast_in_dim3A_712 = vector.broadcast %broadcast_in_dim3A_711 : vector<1x2048xbf16> to vector<32x2048xbf16>
      %concatenate3A_713 = tpu.concatenate %broadcast_in_dim3A_703, %broadcast_in_dim3A_706, %broadcast_in_dim3A_709, %broadcast_in_dim3A_712 in 0 : vector<32x2048xbf16>, vector<32x2048xbf16>, vector<32x2048xbf16>, vector<32x2048xbf16> -> vector<128x2048xbf16>
      %mul3A_714 = arith.mulf %concatenate3A_713, %get3A_669 : vector<128x2048xbf16>
      %dot_general3A_715 = arith.constant dense<0.000000e+00> : vector<128x128xf32>
      %dot_general3A_716 = tpu.matmul %mul3A_714, %get3A_674, %dot_general3A_715 {dimension_numbers = #tpu.dot_dimension_numbers<[1], [1], [0], [0], [0, 0, 1, 0], [], []>, transpose_lhs_hint = false} : vector<128x2048xbf16>, vector<128x2048xbf16>, vector<128x128xf32> -> vector<128x128xf32>
      %add3A_717 = arith.addf %while3A_647, %dot_general3A_716 : vector<128x128xf32>
      %get3A_718 = arith.index_cast %select_n3A_655 : i32 to index
      %get3A_719 = arith.constant 0 : index
      %get3A_720 = arith.constant 0 : index
      %get3A_721 = vector.load %arg10[%get3A_718, %get3A_719, %get3A_720] : memref<4x128x2048xf32, #tpu.memory_space<vmem>>, vector<1x128x2048xf32>
      %get3A_722 = vector.shape_cast %get3A_721 : vector<1x128x2048xf32> to vector<128x2048xf32>
      %get3A_723 = arith.index_cast %select_n3A_655 : i32 to index
      %get3A_724 = arith.constant 0 : index
      %get3A_725 = arith.constant 0 : index
      %get3A_726 = vector.load %arg11[%get3A_723, %get3A_724, %get3A_725] : memref<4x128x2048xbf16, #tpu.memory_space<vmem>>, vector<1x128x2048xbf16>
      %get3A_727 = vector.shape_cast %get3A_726 : vector<1x128x2048xbf16> to vector<128x2048xbf16>
      %get3A_728 = arith.index_cast %select_n3A_655 : i32 to index
      %get3A_729 = arith.constant 0 : index
      %get3A_730 = arith.constant 0 : index
      %get3A_731 = vector.load %arg12[%get3A_728, %get3A_729, %get3A_730] : memref<4x128x2048xbf16, #tpu.memory_space<vmem>>, vector<1x128x2048xbf16>
      %get3A_732 = vector.shape_cast %get3A_731 : vector<1x128x2048xbf16> to vector<128x2048xbf16>
      %dot_general3A_733 = arith.constant dense<0.000000e+00> : vector<128x2048xf32>
      %dot_general3A_734 = tpu.matmul %convert_element_type3A_403, %get3A_732, %dot_general3A_733 {dimension_numbers = #tpu.dot_dimension_numbers<[1], [0], [0], [1], [0, 0, 1, 1], [], []>, transpose_lhs_hint = false} : vector<128x128xbf16>, vector<128x2048xbf16>, vector<128x2048xf32> -> vector<128x2048xf32>
      %mul3A_735 = arith.mulf %get3A_722, %dot_general3A_734 : vector<128x2048xf32>
      %slice3A_736 = vector.extract_strided_slice %mul3A_735 {offsets = [0, 0], sizes = [32, 2048], strides = [1, 1]} : vector<128x2048xf32> to vector<32x2048xf32>
      %reduce_sum3A_737 = arith.constant dense<0.000000e+00> : vector<2048xf32>
      %reduce_sum3A_738 = vector.multi_reduction <add>, %slice3A_736, %reduce_sum3A_737 [0] : vector<32x2048xf32> to vector<2048xf32>
      %broadcast_in_dim3A_739 = vector.shape_cast %reduce_sum3A_738 : vector<2048xf32> to vector<1x2048xf32>
      %slice3A_740 = vector.extract_strided_slice %mul3A_735 {offsets = [32, 0], sizes = [32, 2048], strides = [1, 1]} : vector<128x2048xf32> to vector<32x2048xf32>
      %reduce_sum3A_741 = arith.constant dense<0.000000e+00> : vector<2048xf32>
      %reduce_sum3A_742 = vector.multi_reduction <add>, %slice3A_740, %reduce_sum3A_741 [0] : vector<32x2048xf32> to vector<2048xf32>
      %broadcast_in_dim3A_743 = vector.shape_cast %reduce_sum3A_742 : vector<2048xf32> to vector<1x2048xf32>
      %slice3A_744 = vector.extract_strided_slice %mul3A_735 {offsets = [64, 0], sizes = [32, 2048], strides = [1, 1]} : vector<128x2048xf32> to vector<32x2048xf32>
      %reduce_sum3A_745 = arith.constant dense<0.000000e+00> : vector<2048xf32>
      %reduce_sum3A_746 = vector.multi_reduction <add>, %slice3A_744, %reduce_sum3A_745 [0] : vector<32x2048xf32> to vector<2048xf32>
      %broadcast_in_dim3A_747 = vector.shape_cast %reduce_sum3A_746 : vector<2048xf32> to vector<1x2048xf32>
      %slice3A_748 = vector.extract_strided_slice %mul3A_735 {offsets = [96, 0], sizes = [32, 2048], strides = [1, 1]} : vector<128x2048xf32> to vector<32x2048xf32>
      %reduce_sum3A_749 = arith.constant dense<0.000000e+00> : vector<2048xf32>
      %reduce_sum3A_750 = vector.multi_reduction <add>, %slice3A_748, %reduce_sum3A_749 [0] : vector<32x2048xf32> to vector<2048xf32>
      %broadcast_in_dim3A_751 = vector.shape_cast %reduce_sum3A_750 : vector<2048xf32> to vector<1x2048xf32>
      %concatenate3A_752 = tpu.concatenate %broadcast_in_dim3A_739, %broadcast_in_dim3A_743, %broadcast_in_dim3A_747, %broadcast_in_dim3A_751 in 0 : vector<1x2048xf32>, vector<1x2048xf32>, vector<1x2048xf32>, vector<1x2048xf32> -> vector<4x2048xf32>
      %exp3A_753 = math.exp %concatenate3A_752 : vector<4x2048xf32>
      %reduce_sum3A_754 = arith.constant dense<0.000000e+00> : vector<2048xf32>
      %reduce_sum3A_755 = vector.multi_reduction <add>, %exp3A_753, %reduce_sum3A_754 [0] : vector<4x2048xf32> to vector<2048xf32>
      %broadcast_in_dim3A_756 = vector.shape_cast %reduce_sum3A_755 : vector<2048xf32> to vector<1x2048xf32>
      %div3A_757 = vector.broadcast %broadcast_in_dim3A_756 : vector<1x2048xf32> to vector<4x2048xf32>
      %div3A_758 = arith.divf %exp3A_753, %div3A_757 : vector<4x2048xf32>
      %convert_element_type3A_759 = arith.truncf %div3A_758 : vector<4x2048xf32> to vector<4x2048xbf16>
      %slice3A_760 = vector.extract_strided_slice %convert_element_type3A_759 {offsets = [0, 0], sizes = [1, 2048], strides = [1, 1]} : vector<4x2048xbf16> to vector<1x2048xbf16>
      %broadcast_in_dim3A_761 = vector.shape_cast %slice3A_760 : vector<1x2048xbf16> to vector<1x2048xbf16>
      %broadcast_in_dim3A_762 = vector.broadcast %broadcast_in_dim3A_761 : vector<1x2048xbf16> to vector<32x2048xbf16>
      %slice3A_763 = vector.extract_strided_slice %convert_element_type3A_759 {offsets = [1, 0], sizes = [1, 2048], strides = [1, 1]} : vector<4x2048xbf16> to vector<1x2048xbf16>
      %broadcast_in_dim3A_764 = vector.shape_cast %slice3A_763 : vector<1x2048xbf16> to vector<1x2048xbf16>
      %broadcast_in_dim3A_765 = vector.broadcast %broadcast_in_dim3A_764 : vector<1x2048xbf16> to vector<32x2048xbf16>
      %slice3A_766 = vector.extract_strided_slice %convert_element_type3A_759 {offsets = [2, 0], sizes = [1, 2048], strides = [1, 1]} : vector<4x2048xbf16> to vector<1x2048xbf16>
      %broadcast_in_dim3A_767 = vector.shape_cast %slice3A_766 : vector<1x2048xbf16> to vector<1x2048xbf16>
      %broadcast_in_dim3A_768 = vector.broadcast %broadcast_in_dim3A_767 : vector<1x2048xbf16> to vector<32x2048xbf16>
      %slice3A_769 = vector.extract_strided_slice %convert_element_type3A_759 {offsets = [3, 0], sizes = [1, 2048], strides = [1, 1]} : vector<4x2048xbf16> to vector<1x2048xbf16>
      %broadcast_in_dim3A_770 = vector.shape_cast %slice3A_769 : vector<1x2048xbf16> to vector<1x2048xbf16>
      %broadcast_in_dim3A_771 = vector.broadcast %broadcast_in_dim3A_770 : vector<1x2048xbf16> to vector<32x2048xbf16>
      %concatenate3A_772 = tpu.concatenate %broadcast_in_dim3A_762, %broadcast_in_dim3A_765, %broadcast_in_dim3A_768, %broadcast_in_dim3A_771 in 0 : vector<32x2048xbf16>, vector<32x2048xbf16>, vector<32x2048xbf16>, vector<32x2048xbf16> -> vector<128x2048xbf16>
      %mul3A_773 = arith.mulf %concatenate3A_772, %get3A_727 : vector<128x2048xbf16>
      %dot_general3A_774 = arith.constant dense<0.000000e+00> : vector<128x128xf32>
      %dot_general3A_775 = tpu.matmul %mul3A_773, %get3A_732, %dot_general3A_774 {dimension_numbers = #tpu.dot_dimension_numbers<[1], [1], [0], [0], [0, 0, 1, 0], [], []>, transpose_lhs_hint = false} : vector<128x2048xbf16>, vector<128x2048xbf16>, vector<128x128xf32> -> vector<128x128xf32>
      %add3A_776 = arith.addf %add3A_717, %dot_general3A_775 : vector<128x128xf32>
      scf.yield %add3A_776 : vector<128x128xf32>
    }
    %add3A_417 = arith.addf %transpose3A_352, %while3A_416 : vector<128x128xf32>
    %mul3A_418 = arith.mulf %add3A_417, %add3A_417 : vector<128x128xf32>
    %slice3A_419 = vector.extract_strided_slice %mul3A_418 {offsets = [0, 0], sizes = [32, 128], strides = [1, 1]} : vector<128x128xf32> to vector<32x128xf32>
    %reduce_sum3A_420 = arith.constant dense<0.000000e+00> : vector<128xf32>
    %reduce_sum3A_421 = vector.multi_reduction <add>, %slice3A_419, %reduce_sum3A_420 [0] : vector<32x128xf32> to vector<128xf32>
    %broadcast_in_dim3A_422 = vector.shape_cast %reduce_sum3A_421 : vector<128xf32> to vector<1x128xf32>
    %slice3A_423 = vector.extract_strided_slice %mul3A_418 {offsets = [32, 0], sizes = [32, 128], strides = [1, 1]} : vector<128x128xf32> to vector<32x128xf32>
    %reduce_sum3A_424 = arith.constant dense<0.000000e+00> : vector<128xf32>
    %reduce_sum3A_425 = vector.multi_reduction <add>, %slice3A_423, %reduce_sum3A_424 [0] : vector<32x128xf32> to vector<128xf32>
    %broadcast_in_dim3A_426 = vector.shape_cast %reduce_sum3A_425 : vector<128xf32> to vector<1x128xf32>
    %slice3A_427 = vector.extract_strided_slice %mul3A_418 {offsets = [64, 0], sizes = [32, 128], strides = [1, 1]} : vector<128x128xf32> to vector<32x128xf32>
    %reduce_sum3A_428 = arith.constant dense<0.000000e+00> : vector<128xf32>
    %reduce_sum3A_429 = vector.multi_reduction <add>, %slice3A_427, %reduce_sum3A_428 [0] : vector<32x128xf32> to vector<128xf32>
    %broadcast_in_dim3A_430 = vector.shape_cast %reduce_sum3A_429 : vector<128xf32> to vector<1x128xf32>
    %slice3A_431 = vector.extract_strided_slice %mul3A_418 {offsets = [96, 0], sizes = [32, 128], strides = [1, 1]} : vector<128x128xf32> to vector<32x128xf32>
    %reduce_sum3A_432 = arith.constant dense<0.000000e+00> : vector<128xf32>
    %reduce_sum3A_433 = vector.multi_reduction <add>, %slice3A_431, %reduce_sum3A_432 [0] : vector<32x128xf32> to vector<128xf32>
    %broadcast_in_dim3A_434 = vector.shape_cast %reduce_sum3A_433 : vector<128xf32> to vector<1x128xf32>
    %concatenate3A_435 = tpu.concatenate %broadcast_in_dim3A_422, %broadcast_in_dim3A_426, %broadcast_in_dim3A_430, %broadcast_in_dim3A_434 in 0 : vector<1x128xf32>, vector<1x128xf32>, vector<1x128xf32>, vector<1x128xf32> -> vector<4x128xf32>
    %sqrt3A_436 = math.sqrt %concatenate3A_435 : vector<4x128xf32>
    %max3A_437 = arith.constant 9.99999996E-13 : f32
    %max3A_438 = vector.broadcast %max3A_437 : f32 to vector<4x128xf32>
    %max3A_439 = arith.maximumf %sqrt3A_436, %max3A_438 : vector<4x128xf32>
    %div3A_440 = arith.constant 1.000000e+00 : f32
    %div3A_441 = vector.broadcast %div3A_440 : f32 to vector<4x128xf32>
    %div3A_442 = arith.divf %div3A_441, %max3A_439 : vector<4x128xf32>
    %slice3A_443 = vector.extract_strided_slice %div3A_442 {offsets = [0, 0], sizes = [1, 128], strides = [1, 1]} : vector<4x128xf32> to vector<1x128xf32>
    %broadcast_in_dim3A_444 = vector.shape_cast %slice3A_443 : vector<1x128xf32> to vector<1x128xf32>
    %broadcast_in_dim3A_445 = vector.broadcast %broadcast_in_dim3A_444 : vector<1x128xf32> to vector<32x128xf32>
    %slice3A_446 = vector.extract_strided_slice %div3A_442 {offsets = [1, 0], sizes = [1, 128], strides = [1, 1]} : vector<4x128xf32> to vector<1x128xf32>
    %broadcast_in_dim3A_447 = vector.shape_cast %slice3A_446 : vector<1x128xf32> to vector<1x128xf32>
    %broadcast_in_dim3A_448 = vector.broadcast %broadcast_in_dim3A_447 : vector<1x128xf32> to vector<32x128xf32>
    %slice3A_449 = vector.extract_strided_slice %div3A_442 {offsets = [2, 0], sizes = [1, 128], strides = [1, 1]} : vector<4x128xf32> to vector<1x128xf32>
    %broadcast_in_dim3A_450 = vector.shape_cast %slice3A_449 : vector<1x128xf32> to vector<1x128xf32>
    %broadcast_in_dim3A_451 = vector.broadcast %broadcast_in_dim3A_450 : vector<1x128xf32> to vector<32x128xf32>
    %slice3A_452 = vector.extract_strided_slice %div3A_442 {offsets = [3, 0], sizes = [1, 128], strides = [1, 1]} : vector<4x128xf32> to vector<1x128xf32>
    %broadcast_in_dim3A_453 = vector.shape_cast %slice3A_452 : vector<1x128xf32> to vector<1x128xf32>
    %broadcast_in_dim3A_454 = vector.broadcast %broadcast_in_dim3A_453 : vector<1x128xf32> to vector<32x128xf32>
    %concatenate3A_455 = tpu.concatenate %broadcast_in_dim3A_445, %broadcast_in_dim3A_448, %broadcast_in_dim3A_451, %broadcast_in_dim3A_454 in 0 : vector<32x128xf32>, vector<32x128xf32>, vector<32x128xf32>, vector<32x128xf32> -> vector<128x128xf32>
    %mul3A_456 = arith.mulf %add3A_417, %concatenate3A_455 : vector<128x128xf32>
    %dot_general3A_457 = arith.constant dense<0.000000e+00> : vector<128x128xf32>
    %dot_general3A_458 = tpu.matmul %convert_element_type3A_84, %mul3A_456, %dot_general3A_457 {dimension_numbers = #tpu.dot_dimension_numbers<[1], [0], [0], [1], [0, 0, 1, 1], [], []>, transpose_lhs_hint = false} : vector<128x128xf32>, vector<128x128xf32>, vector<128x128xf32> -> vector<128x128xf32>
    %convert_element_type3A_459 = arith.truncf %dot_general3A_458 : vector<128x128xf32> to vector<128x128xbf16>
    %broadcast_in_dim3A_460 = arith.constant 0.000000e+00 : f32
    %broadcast_in_dim3A_461 = vector.broadcast %broadcast_in_dim3A_460 : f32 to vector<128x128xf32>
    %while3A_462 = arith.constant 0 : i32
    %while3A_463 = arith.subi %div3A_29, %while3A_462 : i32
    %while3A_464 = arith.addi %while3A_462, %while3A_463 : i32
    %while3A_465 = arith.constant 1 : i32
    %while3A_466 = arith.divsi %while3A_463, %while3A_465 : i32
    %while3A_467 = arith.muli %while3A_466, %while3A_465 : i32
    %while3A_468 = arith.addi %while3A_462, %while3A_467 : i32
    %while3A_469 = arith.constant 1 : i32
    %while3A_470 = scf.for %while3A_646 = %while3A_462 to %while3A_468 step %while3A_469 iter_args(%while3A_647 = %broadcast_in_dim3A_461) -> (vector<128x128xf32>)  : i32 {
      %mul3A_648 = arith.constant 2 : i32
      %mul3A_649 = arith.muli %mul3A_648, %while3A_646 : i32
      %jit3A_650 = arith.constant 0 : i32
      %select_n3A_651 = arith.select %le3A_30, %mul3A_649, %jit3A_650 : i32
      %add3A_652 = arith.constant 1 : i32
      %add3A_653 = arith.addi %mul3A_649, %add3A_652 : i32
      %jit3A_654 = arith.constant 1 : i32
      %select_n3A_655 = arith.select %le3A_30, %add3A_653, %jit3A_654 : i32
      %not3A = arith.constant true
      %not3A_656 = arith.xori %le3A_30, %not3A : i1
      %convert_element_type3A_657 = arith.extui %not3A_656 : i1 to i32
      %cond3A_658 = arith.constant 0 : i32
      %cond3A_659 = arith.cmpi ne, %convert_element_type3A_657, %cond3A_658 : i32
      scf.if %cond3A_659 {
        %add3A_777 = arith.constant 1 : i32
        %add3A_778 = arith.addi %mul3A_649, %add3A_777 : i32
        %mul3A_779 = arith.constant 2048 : i32
        %mul3A_780 = arith.muli %mul3A_649, %mul3A_779 : i32
        %add3A_781 = arith.addi %multiple_of3A, %mul3A_780 : i32
        %mul3A_782 = arith.constant 2048 : i32
        %mul3A_783 = arith.muli %mul3A_649, %mul3A_782 : i32
        %add3A_784 = arith.addi %multiple_of3A, %mul3A_783 : i32
        %mul3A_785 = arith.constant 2048 : i32
        %mul3A_786 = arith.muli %add3A_778, %mul3A_785 : i32
        %add3A_787 = arith.addi %multiple_of3A, %mul3A_786 : i32
        %mul3A_788 = arith.constant 2048 : i32
        %mul3A_789 = arith.muli %add3A_778, %mul3A_788 : i32
        %add3A_790 = arith.addi %multiple_of3A, %mul3A_789 : i32
        %dma_start3A = arith.constant 0 : i32
        %dma_start3A_791 = arith.constant 0 : i32
        %dma_start3A_792 = arith.constant 0 : i32
        %dma_start3A_793 = tpu.memref_slice %arg8[%dma_start3A, %dma_start3A_791, %dma_start3A_792] : memref<2x2048x128xf32, #tpu.memory_space<vmem>> -> memref<1x2048x128xf32, #tpu.memory_space<vmem>>
        %dma_start3A_794 = tpu.memref_squeeze %dma_start3A_793 : memref<1x2048x128xf32, #tpu.memory_space<vmem>> -> memref<2048x128xf32, #tpu.memory_space<vmem>>
        %dma_start3A_795 = arith.constant 0 : i32
        %dma_start3A_796 = tpu.memref_slice %arg3[%add3A_781, %dma_start3A_795] : memref<344064x128xf32, #tpu.memory_space<any>> -> memref<2048x128xf32, #tpu.memory_space<any>>
        tpu.enqueue_dma source(%dma_start3A_796 : memref<2048x128xf32, #tpu.memory_space<any>>) target(%dma_start3A_794 : memref<2048x128xf32, #tpu.memory_space<vmem>>) target_semaphore(%arg13 : memref<!tpu.dma_semaphore, #tpu.memory_space<semaphore_mem>>)
        %dma_start3A_797 = arith.constant 0 : i32
        %dma_start3A_798 = arith.constant 0 : i32
        %dma_start3A_799 = arith.constant 0 : i32
        %dma_start3A_800 = tpu.memref_slice %arg9[%dma_start3A_797, %dma_start3A_798, %dma_start3A_799] : memref<2x1x2048xi32, #tpu.memory_space<vmem>> -> memref<1x1x2048xi32, #tpu.memory_space<vmem>>
        %dma_start3A_801 = tpu.memref_squeeze %dma_start3A_800 : memref<1x1x2048xi32, #tpu.memory_space<vmem>> -> memref<1x2048xi32, #tpu.memory_space<vmem>>
        %dma_start3A_802 = arith.constant 0 : i32
        %dma_start3A_803 = tpu.memref_slice %arg4[%dma_start3A_802, %add3A_784] : memref<1x344064xi32, #tpu.memory_space<any>> -> memref<1x2048xi32, #tpu.memory_space<any>>
        tpu.enqueue_dma source(%dma_start3A_803 : memref<1x2048xi32, #tpu.memory_space<any>>) target(%dma_start3A_801 : memref<1x2048xi32, #tpu.memory_space<vmem>>) target_semaphore(%arg13 : memref<!tpu.dma_semaphore, #tpu.memory_space<semaphore_mem>>)
        %dma_start3A_804 = arith.constant 1 : i32
        %dma_start3A_805 = arith.constant 0 : i32
        %dma_start3A_806 = arith.constant 0 : i32
        %dma_start3A_807 = tpu.memref_slice %arg8[%dma_start3A_804, %dma_start3A_805, %dma_start3A_806] : memref<2x2048x128xf32, #tpu.memory_space<vmem>> -> memref<1x2048x128xf32, #tpu.memory_space<vmem>>
        %dma_start3A_808 = tpu.memref_squeeze %dma_start3A_807 : memref<1x2048x128xf32, #tpu.memory_space<vmem>> -> memref<2048x128xf32, #tpu.memory_space<vmem>>
        %dma_start3A_809 = arith.constant 0 : i32
        %dma_start3A_810 = tpu.memref_slice %arg3[%add3A_787, %dma_start3A_809] : memref<344064x128xf32, #tpu.memory_space<any>> -> memref<2048x128xf32, #tpu.memory_space<any>>
        tpu.enqueue_dma source(%dma_start3A_810 : memref<2048x128xf32, #tpu.memory_space<any>>) target(%dma_start3A_808 : memref<2048x128xf32, #tpu.memory_space<vmem>>) target_semaphore(%arg13 : memref<!tpu.dma_semaphore, #tpu.memory_space<semaphore_mem>>)
        %dma_start3A_811 = arith.constant 1 : i32
        %dma_start3A_812 = arith.constant 0 : i32
        %dma_start3A_813 = arith.constant 0 : i32
        %dma_start3A_814 = tpu.memref_slice %arg9[%dma_start3A_811, %dma_start3A_812, %dma_start3A_813] : memref<2x1x2048xi32, #tpu.memory_space<vmem>> -> memref<1x1x2048xi32, #tpu.memory_space<vmem>>
        %dma_start3A_815 = tpu.memref_squeeze %dma_start3A_814 : memref<1x1x2048xi32, #tpu.memory_space<vmem>> -> memref<1x2048xi32, #tpu.memory_space<vmem>>
        %dma_start3A_816 = arith.constant 0 : i32
        %dma_start3A_817 = tpu.memref_slice %arg4[%dma_start3A_816, %add3A_790] : memref<1x344064xi32, #tpu.memory_space<any>> -> memref<1x2048xi32, #tpu.memory_space<any>>
        tpu.enqueue_dma source(%dma_start3A_817 : memref<1x2048xi32, #tpu.memory_space<any>>) target(%dma_start3A_815 : memref<1x2048xi32, #tpu.memory_space<vmem>>) target_semaphore(%arg13 : memref<!tpu.dma_semaphore, #tpu.memory_space<semaphore_mem>>)
        %dma_wait3A_818 = arith.constant 0 : i32
        %dma_wait3A_819 = arith.constant 0 : i32
        %dma_wait3A_820 = arith.constant 0 : i32
        %dma_wait3A_821 = tpu.memref_slice %arg8[%dma_wait3A_818, %dma_wait3A_819, %dma_wait3A_820] : memref<2x2048x128xf32, #tpu.memory_space<vmem>> -> memref<1x2048x128xf32, #tpu.memory_space<vmem>>
        %dma_wait3A_822 = tpu.memref_squeeze %dma_wait3A_821 : memref<1x2048x128xf32, #tpu.memory_space<vmem>> -> memref<2048x128xf32, #tpu.memory_space<vmem>>
        %dma_wait3A_823 = arith.constant 0 : i32
        %dma_wait3A_824 = tpu.memref_slice %arg3[%add3A_781, %dma_wait3A_823] : memref<344064x128xf32, #tpu.memory_space<any>> -> memref<2048x128xf32, #tpu.memory_space<any>>
        tpu.wait_dma2 semaphore(%arg13 : memref<!tpu.dma_semaphore, #tpu.memory_space<semaphore_mem>>) src(%dma_wait3A_824 : memref<2048x128xf32, #tpu.memory_space<any>>) dst(%dma_wait3A_822 : memref<2048x128xf32, #tpu.memory_space<vmem>>)
        %dma_wait3A_825 = arith.constant 0 : i32
        %dma_wait3A_826 = arith.constant 0 : i32
        %dma_wait3A_827 = arith.constant 0 : i32
        %dma_wait3A_828 = tpu.memref_slice %arg9[%dma_wait3A_825, %dma_wait3A_826, %dma_wait3A_827] : memref<2x1x2048xi32, #tpu.memory_space<vmem>> -> memref<1x1x2048xi32, #tpu.memory_space<vmem>>
        %dma_wait3A_829 = tpu.memref_squeeze %dma_wait3A_828 : memref<1x1x2048xi32, #tpu.memory_space<vmem>> -> memref<1x2048xi32, #tpu.memory_space<vmem>>
        %dma_wait3A_830 = arith.constant 0 : i32
        %dma_wait3A_831 = tpu.memref_slice %arg4[%dma_wait3A_830, %add3A_784] : memref<1x344064xi32, #tpu.memory_space<any>> -> memref<1x2048xi32, #tpu.memory_space<any>>
        tpu.wait_dma2 semaphore(%arg13 : memref<!tpu.dma_semaphore, #tpu.memory_space<semaphore_mem>>) src(%dma_wait3A_831 : memref<1x2048xi32, #tpu.memory_space<any>>) dst(%dma_wait3A_829 : memref<1x2048xi32, #tpu.memory_space<vmem>>)
        %dma_wait3A_832 = arith.constant 1 : i32
        %dma_wait3A_833 = arith.constant 0 : i32
        %dma_wait3A_834 = arith.constant 0 : i32
        %dma_wait3A_835 = tpu.memref_slice %arg8[%dma_wait3A_832, %dma_wait3A_833, %dma_wait3A_834] : memref<2x2048x128xf32, #tpu.memory_space<vmem>> -> memref<1x2048x128xf32, #tpu.memory_space<vmem>>
        %dma_wait3A_836 = tpu.memref_squeeze %dma_wait3A_835 : memref<1x2048x128xf32, #tpu.memory_space<vmem>> -> memref<2048x128xf32, #tpu.memory_space<vmem>>
        %dma_wait3A_837 = arith.constant 0 : i32
        %dma_wait3A_838 = tpu.memref_slice %arg3[%add3A_787, %dma_wait3A_837] : memref<344064x128xf32, #tpu.memory_space<any>> -> memref<2048x128xf32, #tpu.memory_space<any>>
        tpu.wait_dma2 semaphore(%arg13 : memref<!tpu.dma_semaphore, #tpu.memory_space<semaphore_mem>>) src(%dma_wait3A_838 : memref<2048x128xf32, #tpu.memory_space<any>>) dst(%dma_wait3A_836 : memref<2048x128xf32, #tpu.memory_space<vmem>>)
        %dma_wait3A_839 = arith.constant 1 : i32
        %dma_wait3A_840 = arith.constant 0 : i32
        %dma_wait3A_841 = arith.constant 0 : i32
        %dma_wait3A_842 = tpu.memref_slice %arg9[%dma_wait3A_839, %dma_wait3A_840, %dma_wait3A_841] : memref<2x1x2048xi32, #tpu.memory_space<vmem>> -> memref<1x1x2048xi32, #tpu.memory_space<vmem>>
        %dma_wait3A_843 = tpu.memref_squeeze %dma_wait3A_842 : memref<1x1x2048xi32, #tpu.memory_space<vmem>> -> memref<1x2048xi32, #tpu.memory_space<vmem>>
        %dma_wait3A_844 = arith.constant 0 : i32
        %dma_wait3A_845 = tpu.memref_slice %arg4[%dma_wait3A_844, %add3A_790] : memref<1x344064xi32, #tpu.memory_space<any>> -> memref<1x2048xi32, #tpu.memory_space<any>>
        tpu.wait_dma2 semaphore(%arg13 : memref<!tpu.dma_semaphore, #tpu.memory_space<semaphore_mem>>) src(%dma_wait3A_845 : memref<1x2048xi32, #tpu.memory_space<any>>) dst(%dma_wait3A_843 : memref<1x2048xi32, #tpu.memory_space<vmem>>)
        %get3A_846 = arith.constant 0 : index
        %get3A_847 = arith.constant 0 : index
        %get3A_848 = arith.constant 0 : index
        %get3A_849 = vector.load %arg8[%get3A_846, %get3A_847, %get3A_848] : memref<2x2048x128xf32, #tpu.memory_space<vmem>>, vector<1x2048x128xf32>
        %get3A_850 = vector.shape_cast %get3A_849 : vector<1x2048x128xf32> to vector<2048x128xf32>
        %transpose3A_851 = tpu.transpose %get3A_850, [1, 0] : vector<2048x128xf32> -> vector<128x2048xf32>
        %swap3A_852 = arith.index_cast %select_n3A_651 : i32 to index
        %swap3A_853 = arith.constant 0 : index
        %swap3A_854 = arith.constant 0 : index
        %swap3A_855 = vector.load %arg10[%swap3A_852, %swap3A_853, %swap3A_854] : memref<4x128x2048xf32, #tpu.memory_space<vmem>>, vector<1x128x2048xf32>
        %swap3A_856 = vector.shape_cast %swap3A_855 : vector<1x128x2048xf32> to vector<128x2048xf32>
        %swap3A_857 = vector.shape_cast %transpose3A_851 : vector<128x2048xf32> to vector<1x128x2048xf32>
        tpu.vector_store %arg10[%swap3A_852, %swap3A_853, %swap3A_854], %swap3A_857 {strides = array<i32>} : memref<4x128x2048xf32, #tpu.memory_space<vmem>>, vector<1x128x2048xf32>,
        %convert_element_type3A_858 = arith.truncf %transpose3A_851 : vector<128x2048xf32> to vector<128x2048xbf16>
        %swap3A_859 = arith.index_cast %select_n3A_651 : i32 to index
        %swap3A_860 = arith.constant 0 : index
        %swap3A_861 = arith.constant 0 : index
        %swap3A_862 = vector.load %arg11[%swap3A_859, %swap3A_860, %swap3A_861] : memref<4x128x2048xbf16, #tpu.memory_space<vmem>>, vector<1x128x2048xbf16>
        %swap3A_863 = vector.shape_cast %swap3A_862 : vector<1x128x2048xbf16> to vector<128x2048xbf16>
        %swap3A_864 = vector.shape_cast %convert_element_type3A_858 : vector<128x2048xbf16> to vector<1x128x2048xbf16>
        tpu.vector_store %arg11[%swap3A_859, %swap3A_860, %swap3A_861], %swap3A_864 {strides = array<i32>} : memref<4x128x2048xbf16, #tpu.memory_space<vmem>>, vector<1x128x2048xbf16>,
        %get3A_865 = arith.constant 0 : index
        %get3A_866 = arith.constant 0 : index
        %get3A_867 = arith.constant 0 : index
        %get3A_868 = vector.load %arg9[%get3A_865, %get3A_866, %get3A_867] : memref<2x1x2048xi32, #tpu.memory_space<vmem>>, vector<1x1x2048xi32>
        %get3A_869 = vector.shape_cast %get3A_868 : vector<1x1x2048xi32> to vector<1x2048xi32>
        %eq3A_870 = vector.broadcast %get3A_869 : vector<1x2048xi32> to vector<128x2048xi32>
        %eq3A_871 = arith.cmpi eq, %add3A_89, %eq3A_870 : vector<128x2048xi32>
        %convert_element_type3A_872 = arith.extui %eq3A_871 : vector<128x2048xi1> to vector<128x2048xi32>
        %convert_element_type3A_873 = arith.sitofp %convert_element_type3A_872 : vector<128x2048xi32> to vector<128x2048xf32>
        %convert_element_type3A_874 = arith.truncf %convert_element_type3A_873 : vector<128x2048xf32> to vector<128x2048xbf16>
        %swap3A_875 = arith.index_cast %select_n3A_651 : i32 to index
        %swap3A_876 = arith.constant 0 : index
        %swap3A_877 = arith.constant 0 : index
        %swap3A_878 = vector.load %arg12[%swap3A_875, %swap3A_876, %swap3A_877] : memref<4x128x2048xbf16, #tpu.memory_space<vmem>>, vector<1x128x2048xbf16>
        %swap3A_879 = vector.shape_cast %swap3A_878 : vector<1x128x2048xbf16> to vector<128x2048xbf16>
        %swap3A_880 = vector.shape_cast %convert_element_type3A_874 : vector<128x2048xbf16> to vector<1x128x2048xbf16>
        tpu.vector_store %arg12[%swap3A_875, %swap3A_876, %swap3A_877], %swap3A_880 {strides = array<i32>} : memref<4x128x2048xbf16, #tpu.memory_space<vmem>>, vector<1x128x2048xbf16>,
        %get3A_881 = arith.constant 1 : index
        %get3A_882 = arith.constant 0 : index
        %get3A_883 = arith.constant 0 : index
        %get3A_884 = vector.load %arg8[%get3A_881, %get3A_882, %get3A_883] : memref<2x2048x128xf32, #tpu.memory_space<vmem>>, vector<1x2048x128xf32>
        %get3A_885 = vector.shape_cast %get3A_884 : vector<1x2048x128xf32> to vector<2048x128xf32>
        %transpose3A_886 = tpu.transpose %get3A_885, [1, 0] : vector<2048x128xf32> -> vector<128x2048xf32>
        %swap3A_887 = arith.index_cast %select_n3A_655 : i32 to index
        %swap3A_888 = arith.constant 0 : index
        %swap3A_889 = arith.constant 0 : index
        %swap3A_890 = vector.load %arg10[%swap3A_887, %swap3A_888, %swap3A_889] : memref<4x128x2048xf32, #tpu.memory_space<vmem>>, vector<1x128x2048xf32>
        %swap3A_891 = vector.shape_cast %swap3A_890 : vector<1x128x2048xf32> to vector<128x2048xf32>
        %swap3A_892 = vector.shape_cast %transpose3A_886 : vector<128x2048xf32> to vector<1x128x2048xf32>
        tpu.vector_store %arg10[%swap3A_887, %swap3A_888, %swap3A_889], %swap3A_892 {strides = array<i32>} : memref<4x128x2048xf32, #tpu.memory_space<vmem>>, vector<1x128x2048xf32>,
        %convert_element_type3A_893 = arith.truncf %transpose3A_886 : vector<128x2048xf32> to vector<128x2048xbf16>
        %swap3A_894 = arith.index_cast %select_n3A_655 : i32 to index
        %swap3A_895 = arith.constant 0 : index
        %swap3A_896 = arith.constant 0 : index
        %swap3A_897 = vector.load %arg11[%swap3A_894, %swap3A_895, %swap3A_896] : memref<4x128x2048xbf16, #tpu.memory_space<vmem>>, vector<1x128x2048xbf16>
        %swap3A_898 = vector.shape_cast %swap3A_897 : vector<1x128x2048xbf16> to vector<128x2048xbf16>
        %swap3A_899 = vector.shape_cast %convert_element_type3A_893 : vector<128x2048xbf16> to vector<1x128x2048xbf16>
        tpu.vector_store %arg11[%swap3A_894, %swap3A_895, %swap3A_896], %swap3A_899 {strides = array<i32>} : memref<4x128x2048xbf16, #tpu.memory_space<vmem>>, vector<1x128x2048xbf16>,
        %get3A_900 = arith.constant 1 : index
        %get3A_901 = arith.constant 0 : index
        %get3A_902 = arith.constant 0 : index
        %get3A_903 = vector.load %arg9[%get3A_900, %get3A_901, %get3A_902] : memref<2x1x2048xi32, #tpu.memory_space<vmem>>, vector<1x1x2048xi32>
        %get3A_904 = vector.shape_cast %get3A_903 : vector<1x1x2048xi32> to vector<1x2048xi32>
        %eq3A_905 = vector.broadcast %get3A_904 : vector<1x2048xi32> to vector<128x2048xi32>
        %eq3A_906 = arith.cmpi eq, %add3A_89, %eq3A_905 : vector<128x2048xi32>
        %convert_element_type3A_907 = arith.extui %eq3A_906 : vector<128x2048xi1> to vector<128x2048xi32>
        %convert_element_type3A_908 = arith.sitofp %convert_element_type3A_907 : vector<128x2048xi32> to vector<128x2048xf32>
        %convert_element_type3A_909 = arith.truncf %convert_element_type3A_908 : vector<128x2048xf32> to vector<128x2048xbf16>
        %swap3A_910 = arith.index_cast %select_n3A_655 : i32 to index
        %swap3A_911 = arith.constant 0 : index
        %swap3A_912 = arith.constant 0 : index
        %swap3A_913 = vector.load %arg12[%swap3A_910, %swap3A_911, %swap3A_912] : memref<4x128x2048xbf16, #tpu.memory_space<vmem>>, vector<1x128x2048xbf16>
        %swap3A_914 = vector.shape_cast %swap3A_913 : vector<1x128x2048xbf16> to vector<128x2048xbf16>
        %swap3A_915 = vector.shape_cast %convert_element_type3A_909 : vector<128x2048xbf16> to vector<1x128x2048xbf16>
        tpu.vector_store %arg12[%swap3A_910, %swap3A_911, %swap3A_912], %swap3A_915 {strides = array<i32>} : memref<4x128x2048xbf16, #tpu.memory_space<vmem>>, vector<1x128x2048xbf16>,
      } else {
      }
      %get3A_660 = arith.index_cast %select_n3A_651 : i32 to index
      %get3A_661 = arith.constant 0 : index
      %get3A_662 = arith.constant 0 : index
      %get3A_663 = vector.load %arg10[%get3A_660, %get3A_661, %get3A_662] : memref<4x128x2048xf32, #tpu.memory_space<vmem>>, vector<1x128x2048xf32>
      %get3A_664 = vector.shape_cast %get3A_663 : vector<1x128x2048xf32> to vector<128x2048xf32>
      %get3A_665 = arith.index_cast %select_n3A_651 : i32 to index
      %get3A_666 = arith.constant 0 : index
      %get3A_667 = arith.constant 0 : index
      %get3A_668 = vector.load %arg11[%get3A_665, %get3A_666, %get3A_667] : memref<4x128x2048xbf16, #tpu.memory_space<vmem>>, vector<1x128x2048xbf16>
      %get3A_669 = vector.shape_cast %get3A_668 : vector<1x128x2048xbf16> to vector<128x2048xbf16>
      %get3A_670 = arith.index_cast %select_n3A_651 : i32 to index
      %get3A_671 = arith.constant 0 : index
      %get3A_672 = arith.constant 0 : index
      %get3A_673 = vector.load %arg12[%get3A_670, %get3A_671, %get3A_672] : memref<4x128x2048xbf16, #tpu.memory_space<vmem>>, vector<1x128x2048xbf16>
      %get3A_674 = vector.shape_cast %get3A_673 : vector<1x128x2048xbf16> to vector<128x2048xbf16>
      %dot_general3A_675 = arith.constant dense<0.000000e+00> : vector<128x2048xf32>
      %dot_general3A_676 = tpu.matmul %convert_element_type3A_459, %get3A_674, %dot_general3A_675 {dimension_numbers = #tpu.dot_dimension_numbers<[1], [0], [0], [1], [0, 0, 1, 1], [], []>, transpose_lhs_hint = false} : vector<128x128xbf16>, vector<128x2048xbf16>, vector<128x2048xf32> -> vector<128x2048xf32>
      %mul3A_677 = arith.mulf %get3A_664, %dot_general3A_676 : vector<128x2048xf32>
      %slice3A_678 = vector.extract_strided_slice %mul3A_677 {offsets = [0, 0], sizes = [32, 2048], strides = [1, 1]} : vector<128x2048xf32> to vector<32x2048xf32>
      %reduce_sum3A_679 = arith.constant dense<0.000000e+00> : vector<2048xf32>
      %reduce_sum3A_680 = vector.multi_reduction <add>, %slice3A_678, %reduce_sum3A_679 [0] : vector<32x2048xf32> to vector<2048xf32>
      %broadcast_in_dim3A_681 = vector.shape_cast %reduce_sum3A_680 : vector<2048xf32> to vector<1x2048xf32>
      %slice3A_682 = vector.extract_strided_slice %mul3A_677 {offsets = [32, 0], sizes = [32, 2048], strides = [1, 1]} : vector<128x2048xf32> to vector<32x2048xf32>
      %reduce_sum3A_683 = arith.constant dense<0.000000e+00> : vector<2048xf32>
      %reduce_sum3A_684 = vector.multi_reduction <add>, %slice3A_682, %reduce_sum3A_683 [0] : vector<32x2048xf32> to vector<2048xf32>
      %broadcast_in_dim3A_685 = vector.shape_cast %reduce_sum3A_684 : vector<2048xf32> to vector<1x2048xf32>
      %slice3A_686 = vector.extract_strided_slice %mul3A_677 {offsets = [64, 0], sizes = [32, 2048], strides = [1, 1]} : vector<128x2048xf32> to vector<32x2048xf32>
      %reduce_sum3A_687 = arith.constant dense<0.000000e+00> : vector<2048xf32>
      %reduce_sum3A_688 = vector.multi_reduction <add>, %slice3A_686, %reduce_sum3A_687 [0] : vector<32x2048xf32> to vector<2048xf32>
      %broadcast_in_dim3A_689 = vector.shape_cast %reduce_sum3A_688 : vector<2048xf32> to vector<1x2048xf32>
      %slice3A_690 = vector.extract_strided_slice %mul3A_677 {offsets = [96, 0], sizes = [32, 2048], strides = [1, 1]} : vector<128x2048xf32> to vector<32x2048xf32>
      %reduce_sum3A_691 = arith.constant dense<0.000000e+00> : vector<2048xf32>
      %reduce_sum3A_692 = vector.multi_reduction <add>, %slice3A_690, %reduce_sum3A_691 [0] : vector<32x2048xf32> to vector<2048xf32>
      %broadcast_in_dim3A_693 = vector.shape_cast %reduce_sum3A_692 : vector<2048xf32> to vector<1x2048xf32>
      %concatenate3A_694 = tpu.concatenate %broadcast_in_dim3A_681, %broadcast_in_dim3A_685, %broadcast_in_dim3A_689, %broadcast_in_dim3A_693 in 0 : vector<1x2048xf32>, vector<1x2048xf32>, vector<1x2048xf32>, vector<1x2048xf32> -> vector<4x2048xf32>
      %exp3A = math.exp %concatenate3A_694 : vector<4x2048xf32>
      %reduce_sum3A_695 = arith.constant dense<0.000000e+00> : vector<2048xf32>
      %reduce_sum3A_696 = vector.multi_reduction <add>, %exp3A, %reduce_sum3A_695 [0] : vector<4x2048xf32> to vector<2048xf32>
      %broadcast_in_dim3A_697 = vector.shape_cast %reduce_sum3A_696 : vector<2048xf32> to vector<1x2048xf32>
      %div3A_698 = vector.broadcast %broadcast_in_dim3A_697 : vector<1x2048xf32> to vector<4x2048xf32>
      %div3A_699 = arith.divf %exp3A, %div3A_698 : vector<4x2048xf32>
      %convert_element_type3A_700 = arith.truncf %div3A_699 : vector<4x2048xf32> to vector<4x2048xbf16>
      %slice3A_701 = vector.extract_strided_slice %convert_element_type3A_700 {offsets = [0, 0], sizes = [1, 2048], strides = [1, 1]} : vector<4x2048xbf16> to vector<1x2048xbf16>
      %broadcast_in_dim3A_702 = vector.shape_cast %slice3A_701 : vector<1x2048xbf16> to vector<1x2048xbf16>
      %broadcast_in_dim3A_703 = vector.broadcast %broadcast_in_dim3A_702 : vector<1x2048xbf16> to vector<32x2048xbf16>
      %slice3A_704 = vector.extract_strided_slice %convert_element_type3A_700 {offsets = [1, 0], sizes = [1, 2048], strides = [1, 1]} : vector<4x2048xbf16> to vector<1x2048xbf16>
      %broadcast_in_dim3A_705 = vector.shape_cast %slice3A_704 : vector<1x2048xbf16> to vector<1x2048xbf16>
      %broadcast_in_dim3A_706 = vector.broadcast %broadcast_in_dim3A_705 : vector<1x2048xbf16> to vector<32x2048xbf16>
      %slice3A_707 = vector.extract_strided_slice %convert_element_type3A_700 {offsets = [2, 0], sizes = [1, 2048], strides = [1, 1]} : vector<4x2048xbf16> to vector<1x2048xbf16>
      %broadcast_in_dim3A_708 = vector.shape_cast %slice3A_707 : vector<1x2048xbf16> to vector<1x2048xbf16>
      %broadcast_in_dim3A_709 = vector.broadcast %broadcast_in_dim3A_708 : vector<1x2048xbf16> to vector<32x2048xbf16>
      %slice3A_710 = vector.extract_strided_slice %convert_element_type3A_700 {offsets = [3, 0], sizes = [1, 2048], strides = [1, 1]} : vector<4x2048xbf16> to vector<1x2048xbf16>
      %broadcast_in_dim3A_711 = vector.shape_cast %slice3A_710 : vector<1x2048xbf16> to vector<1x2048xbf16>
      %broadcast_in_dim3A_712 = vector.broadcast %broadcast_in_dim3A_711 : vector<1x2048xbf16> to vector<32x2048xbf16>
      %concatenate3A_713 = tpu.concatenate %broadcast_in_dim3A_703, %broadcast_in_dim3A_706, %broadcast_in_dim3A_709, %broadcast_in_dim3A_712 in 0 : vector<32x2048xbf16>, vector<32x2048xbf16>, vector<32x2048xbf16>, vector<32x2048xbf16> -> vector<128x2048xbf16>
      %mul3A_714 = arith.mulf %concatenate3A_713, %get3A_669 : vector<128x2048xbf16>
      %dot_general3A_715 = arith.constant dense<0.000000e+00> : vector<128x128xf32>
      %dot_general3A_716 = tpu.matmul %mul3A_714, %get3A_674, %dot_general3A_715 {dimension_numbers = #tpu.dot_dimension_numbers<[1], [1], [0], [0], [0, 0, 1, 0], [], []>, transpose_lhs_hint = false} : vector<128x2048xbf16>, vector<128x2048xbf16>, vector<128x128xf32> -> vector<128x128xf32>
      %add3A_717 = arith.addf %while3A_647, %dot_general3A_716 : vector<128x128xf32>
      %get3A_718 = arith.index_cast %select_n3A_655 : i32 to index
      %get3A_719 = arith.constant 0 : index
      %get3A_720 = arith.constant 0 : index
      %get3A_721 = vector.load %arg10[%get3A_718, %get3A_719, %get3A_720] : memref<4x128x2048xf32, #tpu.memory_space<vmem>>, vector<1x128x2048xf32>
      %get3A_722 = vector.shape_cast %get3A_721 : vector<1x128x2048xf32> to vector<128x2048xf32>
      %get3A_723 = arith.index_cast %select_n3A_655 : i32 to index
      %get3A_724 = arith.constant 0 : index
      %get3A_725 = arith.constant 0 : index
      %get3A_726 = vector.load %arg11[%get3A_723, %get3A_724, %get3A_725] : memref<4x128x2048xbf16, #tpu.memory_space<vmem>>, vector<1x128x2048xbf16>
      %get3A_727 = vector.shape_cast %get3A_726 : vector<1x128x2048xbf16> to vector<128x2048xbf16>
      %get3A_728 = arith.index_cast %select_n3A_655 : i32 to index
      %get3A_729 = arith.constant 0 : index
      %get3A_730 = arith.constant 0 : index
      %get3A_731 = vector.load %arg12[%get3A_728, %get3A_729, %get3A_730] : memref<4x128x2048xbf16, #tpu.memory_space<vmem>>, vector<1x128x2048xbf16>
      %get3A_732 = vector.shape_cast %get3A_731 : vector<1x128x2048xbf16> to vector<128x2048xbf16>
      %dot_general3A_733 = arith.constant dense<0.000000e+00> : vector<128x2048xf32>
      %dot_general3A_734 = tpu.matmul %convert_element_type3A_459, %get3A_732, %dot_general3A_733 {dimension_numbers = #tpu.dot_dimension_numbers<[1], [0], [0], [1], [0, 0, 1, 1], [], []>, transpose_lhs_hint = false} : vector<128x128xbf16>, vector<128x2048xbf16>, vector<128x2048xf32> -> vector<128x2048xf32>
      %mul3A_735 = arith.mulf %get3A_722, %dot_general3A_734 : vector<128x2048xf32>
      %slice3A_736 = vector.extract_strided_slice %mul3A_735 {offsets = [0, 0], sizes = [32, 2048], strides = [1, 1]} : vector<128x2048xf32> to vector<32x2048xf32>
      %reduce_sum3A_737 = arith.constant dense<0.000000e+00> : vector<2048xf32>
      %reduce_sum3A_738 = vector.multi_reduction <add>, %slice3A_736, %reduce_sum3A_737 [0] : vector<32x2048xf32> to vector<2048xf32>
      %broadcast_in_dim3A_739 = vector.shape_cast %reduce_sum3A_738 : vector<2048xf32> to vector<1x2048xf32>
      %slice3A_740 = vector.extract_strided_slice %mul3A_735 {offsets = [32, 0], sizes = [32, 2048], strides = [1, 1]} : vector<128x2048xf32> to vector<32x2048xf32>
      %reduce_sum3A_741 = arith.constant dense<0.000000e+00> : vector<2048xf32>
      %reduce_sum3A_742 = vector.multi_reduction <add>, %slice3A_740, %reduce_sum3A_741 [0] : vector<32x2048xf32> to vector<2048xf32>
      %broadcast_in_dim3A_743 = vector.shape_cast %reduce_sum3A_742 : vector<2048xf32> to vector<1x2048xf32>
      %slice3A_744 = vector.extract_strided_slice %mul3A_735 {offsets = [64, 0], sizes = [32, 2048], strides = [1, 1]} : vector<128x2048xf32> to vector<32x2048xf32>
      %reduce_sum3A_745 = arith.constant dense<0.000000e+00> : vector<2048xf32>
      %reduce_sum3A_746 = vector.multi_reduction <add>, %slice3A_744, %reduce_sum3A_745 [0] : vector<32x2048xf32> to vector<2048xf32>
      %broadcast_in_dim3A_747 = vector.shape_cast %reduce_sum3A_746 : vector<2048xf32> to vector<1x2048xf32>
      %slice3A_748 = vector.extract_strided_slice %mul3A_735 {offsets = [96, 0], sizes = [32, 2048], strides = [1, 1]} : vector<128x2048xf32> to vector<32x2048xf32>
      %reduce_sum3A_749 = arith.constant dense<0.000000e+00> : vector<2048xf32>
      %reduce_sum3A_750 = vector.multi_reduction <add>, %slice3A_748, %reduce_sum3A_749 [0] : vector<32x2048xf32> to vector<2048xf32>
      %broadcast_in_dim3A_751 = vector.shape_cast %reduce_sum3A_750 : vector<2048xf32> to vector<1x2048xf32>
      %concatenate3A_752 = tpu.concatenate %broadcast_in_dim3A_739, %broadcast_in_dim3A_743, %broadcast_in_dim3A_747, %broadcast_in_dim3A_751 in 0 : vector<1x2048xf32>, vector<1x2048xf32>, vector<1x2048xf32>, vector<1x2048xf32> -> vector<4x2048xf32>
      %exp3A_753 = math.exp %concatenate3A_752 : vector<4x2048xf32>
      %reduce_sum3A_754 = arith.constant dense<0.000000e+00> : vector<2048xf32>
      %reduce_sum3A_755 = vector.multi_reduction <add>, %exp3A_753, %reduce_sum3A_754 [0] : vector<4x2048xf32> to vector<2048xf32>
      %broadcast_in_dim3A_756 = vector.shape_cast %reduce_sum3A_755 : vector<2048xf32> to vector<1x2048xf32>
      %div3A_757 = vector.broadcast %broadcast_in_dim3A_756 : vector<1x2048xf32> to vector<4x2048xf32>
      %div3A_758 = arith.divf %exp3A_753, %div3A_757 : vector<4x2048xf32>
      %convert_element_type3A_759 = arith.truncf %div3A_758 : vector<4x2048xf32> to vector<4x2048xbf16>
      %slice3A_760 = vector.extract_strided_slice %convert_element_type3A_759 {offsets = [0, 0], sizes = [1, 2048], strides = [1, 1]} : vector<4x2048xbf16> to vector<1x2048xbf16>
      %broadcast_in_dim3A_761 = vector.shape_cast %slice3A_760 : vector<1x2048xbf16> to vector<1x2048xbf16>
      %broadcast_in_dim3A_762 = vector.broadcast %broadcast_in_dim3A_761 : vector<1x2048xbf16> to vector<32x2048xbf16>
      %slice3A_763 = vector.extract_strided_slice %convert_element_type3A_759 {offsets = [1, 0], sizes = [1, 2048], strides = [1, 1]} : vector<4x2048xbf16> to vector<1x2048xbf16>
      %broadcast_in_dim3A_764 = vector.shape_cast %slice3A_763 : vector<1x2048xbf16> to vector<1x2048xbf16>
      %broadcast_in_dim3A_765 = vector.broadcast %broadcast_in_dim3A_764 : vector<1x2048xbf16> to vector<32x2048xbf16>
      %slice3A_766 = vector.extract_strided_slice %convert_element_type3A_759 {offsets = [2, 0], sizes = [1, 2048], strides = [1, 1]} : vector<4x2048xbf16> to vector<1x2048xbf16>
      %broadcast_in_dim3A_767 = vector.shape_cast %slice3A_766 : vector<1x2048xbf16> to vector<1x2048xbf16>
      %broadcast_in_dim3A_768 = vector.broadcast %broadcast_in_dim3A_767 : vector<1x2048xbf16> to vector<32x2048xbf16>
      %slice3A_769 = vector.extract_strided_slice %convert_element_type3A_759 {offsets = [3, 0], sizes = [1, 2048], strides = [1, 1]} : vector<4x2048xbf16> to vector<1x2048xbf16>
      %broadcast_in_dim3A_770 = vector.shape_cast %slice3A_769 : vector<1x2048xbf16> to vector<1x2048xbf16>
      %broadcast_in_dim3A_771 = vector.broadcast %broadcast_in_dim3A_770 : vector<1x2048xbf16> to vector<32x2048xbf16>
      %concatenate3A_772 = tpu.concatenate %broadcast_in_dim3A_762, %broadcast_in_dim3A_765, %broadcast_in_dim3A_768, %broadcast_in_dim3A_771 in 0 : vector<32x2048xbf16>, vector<32x2048xbf16>, vector<32x2048xbf16>, vector<32x2048xbf16> -> vector<128x2048xbf16>
      %mul3A_773 = arith.mulf %concatenate3A_772, %get3A_727 : vector<128x2048xbf16>
      %dot_general3A_774 = arith.constant dense<0.000000e+00> : vector<128x128xf32>
      %dot_general3A_775 = tpu.matmul %mul3A_773, %get3A_732, %dot_general3A_774 {dimension_numbers = #tpu.dot_dimension_numbers<[1], [1], [0], [0], [0, 0, 1, 0], [], []>, transpose_lhs_hint = false} : vector<128x2048xbf16>, vector<128x2048xbf16>, vector<128x128xf32> -> vector<128x128xf32>
      %add3A_776 = arith.addf %add3A_717, %dot_general3A_775 : vector<128x128xf32>
      scf.yield %add3A_776 : vector<128x128xf32>
    }
    %while3A_471 = arith.constant 1 : i32
    %while3A_472 = scf.for %while3A_646 = %while3A_468 to %while3A_464 step %while3A_471 iter_args(%while3A_647 = %while3A_470) -> (vector<128x128xf32>)  : i32 {
      %mul3A_648 = arith.constant 2 : i32
      %mul3A_649 = arith.muli %mul3A_648, %while3A_646 : i32
      %jit3A_650 = arith.constant 0 : i32
      %select_n3A_651 = arith.select %le3A_30, %mul3A_649, %jit3A_650 : i32
      %add3A_652 = arith.constant 1 : i32
      %add3A_653 = arith.addi %mul3A_649, %add3A_652 : i32
      %jit3A_654 = arith.constant 1 : i32
      %select_n3A_655 = arith.select %le3A_30, %add3A_653, %jit3A_654 : i32
      %not3A = arith.constant true
      %not3A_656 = arith.xori %le3A_30, %not3A : i1
      %convert_element_type3A_657 = arith.extui %not3A_656 : i1 to i32
      %cond3A_658 = arith.constant 0 : i32
      %cond3A_659 = arith.cmpi ne, %convert_element_type3A_657, %cond3A_658 : i32
      scf.if %cond3A_659 {
        %add3A_777 = arith.constant 1 : i32
        %add3A_778 = arith.addi %mul3A_649, %add3A_777 : i32
        %mul3A_779 = arith.constant 2048 : i32
        %mul3A_780 = arith.muli %mul3A_649, %mul3A_779 : i32
        %add3A_781 = arith.addi %multiple_of3A, %mul3A_780 : i32
        %mul3A_782 = arith.constant 2048 : i32
        %mul3A_783 = arith.muli %mul3A_649, %mul3A_782 : i32
        %add3A_784 = arith.addi %multiple_of3A, %mul3A_783 : i32
        %mul3A_785 = arith.constant 2048 : i32
        %mul3A_786 = arith.muli %add3A_778, %mul3A_785 : i32
        %add3A_787 = arith.addi %multiple_of3A, %mul3A_786 : i32
        %mul3A_788 = arith.constant 2048 : i32
        %mul3A_789 = arith.muli %add3A_778, %mul3A_788 : i32
        %add3A_790 = arith.addi %multiple_of3A, %mul3A_789 : i32
        %dma_start3A = arith.constant 0 : i32
        %dma_start3A_791 = arith.constant 0 : i32
        %dma_start3A_792 = arith.constant 0 : i32
        %dma_start3A_793 = tpu.memref_slice %arg8[%dma_start3A, %dma_start3A_791, %dma_start3A_792] : memref<2x2048x128xf32, #tpu.memory_space<vmem>> -> memref<1x2048x128xf32, #tpu.memory_space<vmem>>
        %dma_start3A_794 = tpu.memref_squeeze %dma_start3A_793 : memref<1x2048x128xf32, #tpu.memory_space<vmem>> -> memref<2048x128xf32, #tpu.memory_space<vmem>>
        %dma_start3A_795 = arith.constant 0 : i32
        %dma_start3A_796 = tpu.memref_slice %arg3[%add3A_781, %dma_start3A_795] : memref<344064x128xf32, #tpu.memory_space<any>> -> memref<2048x128xf32, #tpu.memory_space<any>>
        tpu.enqueue_dma source(%dma_start3A_796 : memref<2048x128xf32, #tpu.memory_space<any>>) target(%dma_start3A_794 : memref<2048x128xf32, #tpu.memory_space<vmem>>) target_semaphore(%arg13 : memref<!tpu.dma_semaphore, #tpu.memory_space<semaphore_mem>>)
        %dma_start3A_797 = arith.constant 0 : i32
        %dma_start3A_798 = arith.constant 0 : i32
        %dma_start3A_799 = arith.constant 0 : i32
        %dma_start3A_800 = tpu.memref_slice %arg9[%dma_start3A_797, %dma_start3A_798, %dma_start3A_799] : memref<2x1x2048xi32, #tpu.memory_space<vmem>> -> memref<1x1x2048xi32, #tpu.memory_space<vmem>>
        %dma_start3A_801 = tpu.memref_squeeze %dma_start3A_800 : memref<1x1x2048xi32, #tpu.memory_space<vmem>> -> memref<1x2048xi32, #tpu.memory_space<vmem>>
        %dma_start3A_802 = arith.constant 0 : i32
        %dma_start3A_803 = tpu.memref_slice %arg4[%dma_start3A_802, %add3A_784] : memref<1x344064xi32, #tpu.memory_space<any>> -> memref<1x2048xi32, #tpu.memory_space<any>>
        tpu.enqueue_dma source(%dma_start3A_803 : memref<1x2048xi32, #tpu.memory_space<any>>) target(%dma_start3A_801 : memref<1x2048xi32, #tpu.memory_space<vmem>>) target_semaphore(%arg13 : memref<!tpu.dma_semaphore, #tpu.memory_space<semaphore_mem>>)
        %dma_start3A_804 = arith.constant 1 : i32
        %dma_start3A_805 = arith.constant 0 : i32
        %dma_start3A_806 = arith.constant 0 : i32
        %dma_start3A_807 = tpu.memref_slice %arg8[%dma_start3A_804, %dma_start3A_805, %dma_start3A_806] : memref<2x2048x128xf32, #tpu.memory_space<vmem>> -> memref<1x2048x128xf32, #tpu.memory_space<vmem>>
        %dma_start3A_808 = tpu.memref_squeeze %dma_start3A_807 : memref<1x2048x128xf32, #tpu.memory_space<vmem>> -> memref<2048x128xf32, #tpu.memory_space<vmem>>
        %dma_start3A_809 = arith.constant 0 : i32
        %dma_start3A_810 = tpu.memref_slice %arg3[%add3A_787, %dma_start3A_809] : memref<344064x128xf32, #tpu.memory_space<any>> -> memref<2048x128xf32, #tpu.memory_space<any>>
        tpu.enqueue_dma source(%dma_start3A_810 : memref<2048x128xf32, #tpu.memory_space<any>>) target(%dma_start3A_808 : memref<2048x128xf32, #tpu.memory_space<vmem>>) target_semaphore(%arg13 : memref<!tpu.dma_semaphore, #tpu.memory_space<semaphore_mem>>)
        %dma_start3A_811 = arith.constant 1 : i32
        %dma_start3A_812 = arith.constant 0 : i32
        %dma_start3A_813 = arith.constant 0 : i32
        %dma_start3A_814 = tpu.memref_slice %arg9[%dma_start3A_811, %dma_start3A_812, %dma_start3A_813] : memref<2x1x2048xi32, #tpu.memory_space<vmem>> -> memref<1x1x2048xi32, #tpu.memory_space<vmem>>
        %dma_start3A_815 = tpu.memref_squeeze %dma_start3A_814 : memref<1x1x2048xi32, #tpu.memory_space<vmem>> -> memref<1x2048xi32, #tpu.memory_space<vmem>>
        %dma_start3A_816 = arith.constant 0 : i32
        %dma_start3A_817 = tpu.memref_slice %arg4[%dma_start3A_816, %add3A_790] : memref<1x344064xi32, #tpu.memory_space<any>> -> memref<1x2048xi32, #tpu.memory_space<any>>
        tpu.enqueue_dma source(%dma_start3A_817 : memref<1x2048xi32, #tpu.memory_space<any>>) target(%dma_start3A_815 : memref<1x2048xi32, #tpu.memory_space<vmem>>) target_semaphore(%arg13 : memref<!tpu.dma_semaphore, #tpu.memory_space<semaphore_mem>>)
        %dma_wait3A_818 = arith.constant 0 : i32
        %dma_wait3A_819 = arith.constant 0 : i32
        %dma_wait3A_820 = arith.constant 0 : i32
        %dma_wait3A_821 = tpu.memref_slice %arg8[%dma_wait3A_818, %dma_wait3A_819, %dma_wait3A_820] : memref<2x2048x128xf32, #tpu.memory_space<vmem>> -> memref<1x2048x128xf32, #tpu.memory_space<vmem>>
        %dma_wait3A_822 = tpu.memref_squeeze %dma_wait3A_821 : memref<1x2048x128xf32, #tpu.memory_space<vmem>> -> memref<2048x128xf32, #tpu.memory_space<vmem>>
        %dma_wait3A_823 = arith.constant 0 : i32
        %dma_wait3A_824 = tpu.memref_slice %arg3[%add3A_781, %dma_wait3A_823] : memref<344064x128xf32, #tpu.memory_space<any>> -> memref<2048x128xf32, #tpu.memory_space<any>>
        tpu.wait_dma2 semaphore(%arg13 : memref<!tpu.dma_semaphore, #tpu.memory_space<semaphore_mem>>) src(%dma_wait3A_824 : memref<2048x128xf32, #tpu.memory_space<any>>) dst(%dma_wait3A_822 : memref<2048x128xf32, #tpu.memory_space<vmem>>)
        %dma_wait3A_825 = arith.constant 0 : i32
        %dma_wait3A_826 = arith.constant 0 : i32
        %dma_wait3A_827 = arith.constant 0 : i32
        %dma_wait3A_828 = tpu.memref_slice %arg9[%dma_wait3A_825, %dma_wait3A_826, %dma_wait3A_827] : memref<2x1x2048xi32, #tpu.memory_space<vmem>> -> memref<1x1x2048xi32, #tpu.memory_space<vmem>>
        %dma_wait3A_829 = tpu.memref_squeeze %dma_wait3A_828 : memref<1x1x2048xi32, #tpu.memory_space<vmem>> -> memref<1x2048xi32, #tpu.memory_space<vmem>>
        %dma_wait3A_830 = arith.constant 0 : i32
        %dma_wait3A_831 = tpu.memref_slice %arg4[%dma_wait3A_830, %add3A_784] : memref<1x344064xi32, #tpu.memory_space<any>> -> memref<1x2048xi32, #tpu.memory_space<any>>
        tpu.wait_dma2 semaphore(%arg13 : memref<!tpu.dma_semaphore, #tpu.memory_space<semaphore_mem>>) src(%dma_wait3A_831 : memref<1x2048xi32, #tpu.memory_space<any>>) dst(%dma_wait3A_829 : memref<1x2048xi32, #tpu.memory_space<vmem>>)
        %dma_wait3A_832 = arith.constant 1 : i32
        %dma_wait3A_833 = arith.constant 0 : i32
        %dma_wait3A_834 = arith.constant 0 : i32
        %dma_wait3A_835 = tpu.memref_slice %arg8[%dma_wait3A_832, %dma_wait3A_833, %dma_wait3A_834] : memref<2x2048x128xf32, #tpu.memory_space<vmem>> -> memref<1x2048x128xf32, #tpu.memory_space<vmem>>
        %dma_wait3A_836 = tpu.memref_squeeze %dma_wait3A_835 : memref<1x2048x128xf32, #tpu.memory_space<vmem>> -> memref<2048x128xf32, #tpu.memory_space<vmem>>
        %dma_wait3A_837 = arith.constant 0 : i32
        %dma_wait3A_838 = tpu.memref_slice %arg3[%add3A_787, %dma_wait3A_837] : memref<344064x128xf32, #tpu.memory_space<any>> -> memref<2048x128xf32, #tpu.memory_space<any>>
        tpu.wait_dma2 semaphore(%arg13 : memref<!tpu.dma_semaphore, #tpu.memory_space<semaphore_mem>>) src(%dma_wait3A_838 : memref<2048x128xf32, #tpu.memory_space<any>>) dst(%dma_wait3A_836 : memref<2048x128xf32, #tpu.memory_space<vmem>>)
        %dma_wait3A_839 = arith.constant 1 : i32
        %dma_wait3A_840 = arith.constant 0 : i32
        %dma_wait3A_841 = arith.constant 0 : i32
        %dma_wait3A_842 = tpu.memref_slice %arg9[%dma_wait3A_839, %dma_wait3A_840, %dma_wait3A_841] : memref<2x1x2048xi32, #tpu.memory_space<vmem>> -> memref<1x1x2048xi32, #tpu.memory_space<vmem>>
        %dma_wait3A_843 = tpu.memref_squeeze %dma_wait3A_842 : memref<1x1x2048xi32, #tpu.memory_space<vmem>> -> memref<1x2048xi32, #tpu.memory_space<vmem>>
        %dma_wait3A_844 = arith.constant 0 : i32
        %dma_wait3A_845 = tpu.memref_slice %arg4[%dma_wait3A_844, %add3A_790] : memref<1x344064xi32, #tpu.memory_space<any>> -> memref<1x2048xi32, #tpu.memory_space<any>>
        tpu.wait_dma2 semaphore(%arg13 : memref<!tpu.dma_semaphore, #tpu.memory_space<semaphore_mem>>) src(%dma_wait3A_845 : memref<1x2048xi32, #tpu.memory_space<any>>) dst(%dma_wait3A_843 : memref<1x2048xi32, #tpu.memory_space<vmem>>)
        %get3A_846 = arith.constant 0 : index
        %get3A_847 = arith.constant 0 : index
        %get3A_848 = arith.constant 0 : index
        %get3A_849 = vector.load %arg8[%get3A_846, %get3A_847, %get3A_848] : memref<2x2048x128xf32, #tpu.memory_space<vmem>>, vector<1x2048x128xf32>
        %get3A_850 = vector.shape_cast %get3A_849 : vector<1x2048x128xf32> to vector<2048x128xf32>
        %transpose3A_851 = tpu.transpose %get3A_850, [1, 0] : vector<2048x128xf32> -> vector<128x2048xf32>
        %swap3A_852 = arith.index_cast %select_n3A_651 : i32 to index
        %swap3A_853 = arith.constant 0 : index
        %swap3A_854 = arith.constant 0 : index
        %swap3A_855 = vector.load %arg10[%swap3A_852, %swap3A_853, %swap3A_854] : memref<4x128x2048xf32, #tpu.memory_space<vmem>>, vector<1x128x2048xf32>
        %swap3A_856 = vector.shape_cast %swap3A_855 : vector<1x128x2048xf32> to vector<128x2048xf32>
        %swap3A_857 = vector.shape_cast %transpose3A_851 : vector<128x2048xf32> to vector<1x128x2048xf32>
        tpu.vector_store %arg10[%swap3A_852, %swap3A_853, %swap3A_854], %swap3A_857 {strides = array<i32>} : memref<4x128x2048xf32, #tpu.memory_space<vmem>>, vector<1x128x2048xf32>,
        %convert_element_type3A_858 = arith.truncf %transpose3A_851 : vector<128x2048xf32> to vector<128x2048xbf16>
        %swap3A_859 = arith.index_cast %select_n3A_651 : i32 to index
        %swap3A_860 = arith.constant 0 : index
        %swap3A_861 = arith.constant 0 : index
        %swap3A_862 = vector.load %arg11[%swap3A_859, %swap3A_860, %swap3A_861] : memref<4x128x2048xbf16, #tpu.memory_space<vmem>>, vector<1x128x2048xbf16>
        %swap3A_863 = vector.shape_cast %swap3A_862 : vector<1x128x2048xbf16> to vector<128x2048xbf16>
        %swap3A_864 = vector.shape_cast %convert_element_type3A_858 : vector<128x2048xbf16> to vector<1x128x2048xbf16>
        tpu.vector_store %arg11[%swap3A_859, %swap3A_860, %swap3A_861], %swap3A_864 {strides = array<i32>} : memref<4x128x2048xbf16, #tpu.memory_space<vmem>>, vector<1x128x2048xbf16>,
        %get3A_865 = arith.constant 0 : index
        %get3A_866 = arith.constant 0 : index
        %get3A_867 = arith.constant 0 : index
        %get3A_868 = vector.load %arg9[%get3A_865, %get3A_866, %get3A_867] : memref<2x1x2048xi32, #tpu.memory_space<vmem>>, vector<1x1x2048xi32>
        %get3A_869 = vector.shape_cast %get3A_868 : vector<1x1x2048xi32> to vector<1x2048xi32>
        %eq3A_870 = vector.broadcast %get3A_869 : vector<1x2048xi32> to vector<128x2048xi32>
        %eq3A_871 = arith.cmpi eq, %add3A_89, %eq3A_870 : vector<128x2048xi32>
        %convert_element_type3A_872 = arith.extui %eq3A_871 : vector<128x2048xi1> to vector<128x2048xi32>
        %convert_element_type3A_873 = arith.sitofp %convert_element_type3A_872 : vector<128x2048xi32> to vector<128x2048xf32>
        %convert_element_type3A_874 = arith.truncf %convert_element_type3A_873 : vector<128x2048xf32> to vector<128x2048xbf16>
        %swap3A_875 = arith.index_cast %select_n3A_651 : i32 to index
        %swap3A_876 = arith.constant 0 : index
        %swap3A_877 = arith.constant 0 : index
        %swap3A_878 = vector.load %arg12[%swap3A_875, %swap3A_876, %swap3A_877] : memref<4x128x2048xbf16, #tpu.memory_space<vmem>>, vector<1x128x2048xbf16>
        %swap3A_879 = vector.shape_cast %swap3A_878 : vector<1x128x2048xbf16> to vector<128x2048xbf16>
        %swap3A_880 = vector.shape_cast %convert_element_type3A_874 : vector<128x2048xbf16> to vector<1x128x2048xbf16>
        tpu.vector_store %arg12[%swap3A_875, %swap3A_876, %swap3A_877], %swap3A_880 {strides = array<i32>} : memref<4x128x2048xbf16, #tpu.memory_space<vmem>>, vector<1x128x2048xbf16>,
        %get3A_881 = arith.constant 1 : index
        %get3A_882 = arith.constant 0 : index
        %get3A_883 = arith.constant 0 : index
        %get3A_884 = vector.load %arg8[%get3A_881, %get3A_882, %get3A_883] : memref<2x2048x128xf32, #tpu.memory_space<vmem>>, vector<1x2048x128xf32>
        %get3A_885 = vector.shape_cast %get3A_884 : vector<1x2048x128xf32> to vector<2048x128xf32>
        %transpose3A_886 = tpu.transpose %get3A_885, [1, 0] : vector<2048x128xf32> -> vector<128x2048xf32>
        %swap3A_887 = arith.index_cast %select_n3A_655 : i32 to index
        %swap3A_888 = arith.constant 0 : index
        %swap3A_889 = arith.constant 0 : index
        %swap3A_890 = vector.load %arg10[%swap3A_887, %swap3A_888, %swap3A_889] : memref<4x128x2048xf32, #tpu.memory_space<vmem>>, vector<1x128x2048xf32>
        %swap3A_891 = vector.shape_cast %swap3A_890 : vector<1x128x2048xf32> to vector<128x2048xf32>
        %swap3A_892 = vector.shape_cast %transpose3A_886 : vector<128x2048xf32> to vector<1x128x2048xf32>
        tpu.vector_store %arg10[%swap3A_887, %swap3A_888, %swap3A_889], %swap3A_892 {strides = array<i32>} : memref<4x128x2048xf32, #tpu.memory_space<vmem>>, vector<1x128x2048xf32>,
        %convert_element_type3A_893 = arith.truncf %transpose3A_886 : vector<128x2048xf32> to vector<128x2048xbf16>
        %swap3A_894 = arith.index_cast %select_n3A_655 : i32 to index
        %swap3A_895 = arith.constant 0 : index
        %swap3A_896 = arith.constant 0 : index
        %swap3A_897 = vector.load %arg11[%swap3A_894, %swap3A_895, %swap3A_896] : memref<4x128x2048xbf16, #tpu.memory_space<vmem>>, vector<1x128x2048xbf16>
        %swap3A_898 = vector.shape_cast %swap3A_897 : vector<1x128x2048xbf16> to vector<128x2048xbf16>
        %swap3A_899 = vector.shape_cast %convert_element_type3A_893 : vector<128x2048xbf16> to vector<1x128x2048xbf16>
        tpu.vector_store %arg11[%swap3A_894, %swap3A_895, %swap3A_896], %swap3A_899 {strides = array<i32>} : memref<4x128x2048xbf16, #tpu.memory_space<vmem>>, vector<1x128x2048xbf16>,
        %get3A_900 = arith.constant 1 : index
        %get3A_901 = arith.constant 0 : index
        %get3A_902 = arith.constant 0 : index
        %get3A_903 = vector.load %arg9[%get3A_900, %get3A_901, %get3A_902] : memref<2x1x2048xi32, #tpu.memory_space<vmem>>, vector<1x1x2048xi32>
        %get3A_904 = vector.shape_cast %get3A_903 : vector<1x1x2048xi32> to vector<1x2048xi32>
        %eq3A_905 = vector.broadcast %get3A_904 : vector<1x2048xi32> to vector<128x2048xi32>
        %eq3A_906 = arith.cmpi eq, %add3A_89, %eq3A_905 : vector<128x2048xi32>
        %convert_element_type3A_907 = arith.extui %eq3A_906 : vector<128x2048xi1> to vector<128x2048xi32>
        %convert_element_type3A_908 = arith.sitofp %convert_element_type3A_907 : vector<128x2048xi32> to vector<128x2048xf32>
        %convert_element_type3A_909 = arith.truncf %convert_element_type3A_908 : vector<128x2048xf32> to vector<128x2048xbf16>
        %swap3A_910 = arith.index_cast %select_n3A_655 : i32 to index
        %swap3A_911 = arith.constant 0 : index
        %swap3A_912 = arith.constant 0 : index
        %swap3A_913 = vector.load %arg12[%swap3A_910, %swap3A_911, %swap3A_912] : memref<4x128x2048xbf16, #tpu.memory_space<vmem>>, vector<1x128x2048xbf16>
        %swap3A_914 = vector.shape_cast %swap3A_913 : vector<1x128x2048xbf16> to vector<128x2048xbf16>
        %swap3A_915 = vector.shape_cast %convert_element_type3A_909 : vector<128x2048xbf16> to vector<1x128x2048xbf16>
        tpu.vector_store %arg12[%swap3A_910, %swap3A_911, %swap3A_912], %swap3A_915 {strides = array<i32>} : memref<4x128x2048xbf16, #tpu.memory_space<vmem>>, vector<1x128x2048xbf16>,
      } else {
      }
      %get3A_660 = arith.index_cast %select_n3A_651 : i32 to index
      %get3A_661 = arith.constant 0 : index
      %get3A_662 = arith.constant 0 : index
      %get3A_663 = vector.load %arg10[%get3A_660, %get3A_661, %get3A_662] : memref<4x128x2048xf32, #tpu.memory_space<vmem>>, vector<1x128x2048xf32>
      %get3A_664 = vector.shape_cast %get3A_663 : vector<1x128x2048xf32> to vector<128x2048xf32>
      %get3A_665 = arith.index_cast %select_n3A_651 : i32 to index
      %get3A_666 = arith.constant 0 : index
      %get3A_667 = arith.constant 0 : index
      %get3A_668 = vector.load %arg11[%get3A_665, %get3A_666, %get3A_667] : memref<4x128x2048xbf16, #tpu.memory_space<vmem>>, vector<1x128x2048xbf16>
      %get3A_669 = vector.shape_cast %get3A_668 : vector<1x128x2048xbf16> to vector<128x2048xbf16>
      %get3A_670 = arith.index_cast %select_n3A_651 : i32 to index
      %get3A_671 = arith.constant 0 : index
      %get3A_672 = arith.constant 0 : index
      %get3A_673 = vector.load %arg12[%get3A_670, %get3A_671, %get3A_672] : memref<4x128x2048xbf16, #tpu.memory_space<vmem>>, vector<1x128x2048xbf16>
      %get3A_674 = vector.shape_cast %get3A_673 : vector<1x128x2048xbf16> to vector<128x2048xbf16>
      %dot_general3A_675 = arith.constant dense<0.000000e+00> : vector<128x2048xf32>
      %dot_general3A_676 = tpu.matmul %convert_element_type3A_459, %get3A_674, %dot_general3A_675 {dimension_numbers = #tpu.dot_dimension_numbers<[1], [0], [0], [1], [0, 0, 1, 1], [], []>, transpose_lhs_hint = false} : vector<128x128xbf16>, vector<128x2048xbf16>, vector<128x2048xf32> -> vector<128x2048xf32>
      %mul3A_677 = arith.mulf %get3A_664, %dot_general3A_676 : vector<128x2048xf32>
      %slice3A_678 = vector.extract_strided_slice %mul3A_677 {offsets = [0, 0], sizes = [32, 2048], strides = [1, 1]} : vector<128x2048xf32> to vector<32x2048xf32>
      %reduce_sum3A_679 = arith.constant dense<0.000000e+00> : vector<2048xf32>
      %reduce_sum3A_680 = vector.multi_reduction <add>, %slice3A_678, %reduce_sum3A_679 [0] : vector<32x2048xf32> to vector<2048xf32>
      %broadcast_in_dim3A_681 = vector.shape_cast %reduce_sum3A_680 : vector<2048xf32> to vector<1x2048xf32>
      %slice3A_682 = vector.extract_strided_slice %mul3A_677 {offsets = [32, 0], sizes = [32, 2048], strides = [1, 1]} : vector<128x2048xf32> to vector<32x2048xf32>
      %reduce_sum3A_683 = arith.constant dense<0.000000e+00> : vector<2048xf32>
      %reduce_sum3A_684 = vector.multi_reduction <add>, %slice3A_682, %reduce_sum3A_683 [0] : vector<32x2048xf32> to vector<2048xf32>
      %broadcast_in_dim3A_685 = vector.shape_cast %reduce_sum3A_684 : vector<2048xf32> to vector<1x2048xf32>
      %slice3A_686 = vector.extract_strided_slice %mul3A_677 {offsets = [64, 0], sizes = [32, 2048], strides = [1, 1]} : vector<128x2048xf32> to vector<32x2048xf32>
      %reduce_sum3A_687 = arith.constant dense<0.000000e+00> : vector<2048xf32>
      %reduce_sum3A_688 = vector.multi_reduction <add>, %slice3A_686, %reduce_sum3A_687 [0] : vector<32x2048xf32> to vector<2048xf32>
      %broadcast_in_dim3A_689 = vector.shape_cast %reduce_sum3A_688 : vector<2048xf32> to vector<1x2048xf32>
      %slice3A_690 = vector.extract_strided_slice %mul3A_677 {offsets = [96, 0], sizes = [32, 2048], strides = [1, 1]} : vector<128x2048xf32> to vector<32x2048xf32>
      %reduce_sum3A_691 = arith.constant dense<0.000000e+00> : vector<2048xf32>
      %reduce_sum3A_692 = vector.multi_reduction <add>, %slice3A_690, %reduce_sum3A_691 [0] : vector<32x2048xf32> to vector<2048xf32>
      %broadcast_in_dim3A_693 = vector.shape_cast %reduce_sum3A_692 : vector<2048xf32> to vector<1x2048xf32>
      %concatenate3A_694 = tpu.concatenate %broadcast_in_dim3A_681, %broadcast_in_dim3A_685, %broadcast_in_dim3A_689, %broadcast_in_dim3A_693 in 0 : vector<1x2048xf32>, vector<1x2048xf32>, vector<1x2048xf32>, vector<1x2048xf32> -> vector<4x2048xf32>
      %exp3A = math.exp %concatenate3A_694 : vector<4x2048xf32>
      %reduce_sum3A_695 = arith.constant dense<0.000000e+00> : vector<2048xf32>
      %reduce_sum3A_696 = vector.multi_reduction <add>, %exp3A, %reduce_sum3A_695 [0] : vector<4x2048xf32> to vector<2048xf32>
      %broadcast_in_dim3A_697 = vector.shape_cast %reduce_sum3A_696 : vector<2048xf32> to vector<1x2048xf32>
      %div3A_698 = vector.broadcast %broadcast_in_dim3A_697 : vector<1x2048xf32> to vector<4x2048xf32>
      %div3A_699 = arith.divf %exp3A, %div3A_698 : vector<4x2048xf32>
      %convert_element_type3A_700 = arith.truncf %div3A_699 : vector<4x2048xf32> to vector<4x2048xbf16>
      %slice3A_701 = vector.extract_strided_slice %convert_element_type3A_700 {offsets = [0, 0], sizes = [1, 2048], strides = [1, 1]} : vector<4x2048xbf16> to vector<1x2048xbf16>
      %broadcast_in_dim3A_702 = vector.shape_cast %slice3A_701 : vector<1x2048xbf16> to vector<1x2048xbf16>
      %broadcast_in_dim3A_703 = vector.broadcast %broadcast_in_dim3A_702 : vector<1x2048xbf16> to vector<32x2048xbf16>
      %slice3A_704 = vector.extract_strided_slice %convert_element_type3A_700 {offsets = [1, 0], sizes = [1, 2048], strides = [1, 1]} : vector<4x2048xbf16> to vector<1x2048xbf16>
      %broadcast_in_dim3A_705 = vector.shape_cast %slice3A_704 : vector<1x2048xbf16> to vector<1x2048xbf16>
      %broadcast_in_dim3A_706 = vector.broadcast %broadcast_in_dim3A_705 : vector<1x2048xbf16> to vector<32x2048xbf16>
      %slice3A_707 = vector.extract_strided_slice %convert_element_type3A_700 {offsets = [2, 0], sizes = [1, 2048], strides = [1, 1]} : vector<4x2048xbf16> to vector<1x2048xbf16>
      %broadcast_in_dim3A_708 = vector.shape_cast %slice3A_707 : vector<1x2048xbf16> to vector<1x2048xbf16>
      %broadcast_in_dim3A_709 = vector.broadcast %broadcast_in_dim3A_708 : vector<1x2048xbf16> to vector<32x2048xbf16>
      %slice3A_710 = vector.extract_strided_slice %convert_element_type3A_700 {offsets = [3, 0], sizes = [1, 2048], strides = [1, 1]} : vector<4x2048xbf16> to vector<1x2048xbf16>
      %broadcast_in_dim3A_711 = vector.shape_cast %slice3A_710 : vector<1x2048xbf16> to vector<1x2048xbf16>
      %broadcast_in_dim3A_712 = vector.broadcast %broadcast_in_dim3A_711 : vector<1x2048xbf16> to vector<32x2048xbf16>
      %concatenate3A_713 = tpu.concatenate %broadcast_in_dim3A_703, %broadcast_in_dim3A_706, %broadcast_in_dim3A_709, %broadcast_in_dim3A_712 in 0 : vector<32x2048xbf16>, vector<32x2048xbf16>, vector<32x2048xbf16>, vector<32x2048xbf16> -> vector<128x2048xbf16>
      %mul3A_714 = arith.mulf %concatenate3A_713, %get3A_669 : vector<128x2048xbf16>
      %dot_general3A_715 = arith.constant dense<0.000000e+00> : vector<128x128xf32>
      %dot_general3A_716 = tpu.matmul %mul3A_714, %get3A_674, %dot_general3A_715 {dimension_numbers = #tpu.dot_dimension_numbers<[1], [1], [0], [0], [0, 0, 1, 0], [], []>, transpose_lhs_hint = false} : vector<128x2048xbf16>, vector<128x2048xbf16>, vector<128x128xf32> -> vector<128x128xf32>
      %add3A_717 = arith.addf %while3A_647, %dot_general3A_716 : vector<128x128xf32>
      %get3A_718 = arith.index_cast %select_n3A_655 : i32 to index
      %get3A_719 = arith.constant 0 : index
      %get3A_720 = arith.constant 0 : index
      %get3A_721 = vector.load %arg10[%get3A_718, %get3A_719, %get3A_720] : memref<4x128x2048xf32, #tpu.memory_space<vmem>>, vector<1x128x2048xf32>
      %get3A_722 = vector.shape_cast %get3A_721 : vector<1x128x2048xf32> to vector<128x2048xf32>
      %get3A_723 = arith.index_cast %select_n3A_655 : i32 to index
      %get3A_724 = arith.constant 0 : index
      %get3A_725 = arith.constant 0 : index
      %get3A_726 = vector.load %arg11[%get3A_723, %get3A_724, %get3A_725] : memref<4x128x2048xbf16, #tpu.memory_space<vmem>>, vector<1x128x2048xbf16>
      %get3A_727 = vector.shape_cast %get3A_726 : vector<1x128x2048xbf16> to vector<128x2048xbf16>
      %get3A_728 = arith.index_cast %select_n3A_655 : i32 to index
      %get3A_729 = arith.constant 0 : index
      %get3A_730 = arith.constant 0 : index
      %get3A_731 = vector.load %arg12[%get3A_728, %get3A_729, %get3A_730] : memref<4x128x2048xbf16, #tpu.memory_space<vmem>>, vector<1x128x2048xbf16>
      %get3A_732 = vector.shape_cast %get3A_731 : vector<1x128x2048xbf16> to vector<128x2048xbf16>
      %dot_general3A_733 = arith.constant dense<0.000000e+00> : vector<128x2048xf32>
      %dot_general3A_734 = tpu.matmul %convert_element_type3A_459, %get3A_732, %dot_general3A_733 {dimension_numbers = #tpu.dot_dimension_numbers<[1], [0], [0], [1], [0, 0, 1, 1], [], []>, transpose_lhs_hint = false} : vector<128x128xbf16>, vector<128x2048xbf16>, vector<128x2048xf32> -> vector<128x2048xf32>
      %mul3A_735 = arith.mulf %get3A_722, %dot_general3A_734 : vector<128x2048xf32>
      %slice3A_736 = vector.extract_strided_slice %mul3A_735 {offsets = [0, 0], sizes = [32, 2048], strides = [1, 1]} : vector<128x2048xf32> to vector<32x2048xf32>
      %reduce_sum3A_737 = arith.constant dense<0.000000e+00> : vector<2048xf32>
      %reduce_sum3A_738 = vector.multi_reduction <add>, %slice3A_736, %reduce_sum3A_737 [0] : vector<32x2048xf32> to vector<2048xf32>
      %broadcast_in_dim3A_739 = vector.shape_cast %reduce_sum3A_738 : vector<2048xf32> to vector<1x2048xf32>
      %slice3A_740 = vector.extract_strided_slice %mul3A_735 {offsets = [32, 0], sizes = [32, 2048], strides = [1, 1]} : vector<128x2048xf32> to vector<32x2048xf32>
      %reduce_sum3A_741 = arith.constant dense<0.000000e+00> : vector<2048xf32>
      %reduce_sum3A_742 = vector.multi_reduction <add>, %slice3A_740, %reduce_sum3A_741 [0] : vector<32x2048xf32> to vector<2048xf32>
      %broadcast_in_dim3A_743 = vector.shape_cast %reduce_sum3A_742 : vector<2048xf32> to vector<1x2048xf32>
      %slice3A_744 = vector.extract_strided_slice %mul3A_735 {offsets = [64, 0], sizes = [32, 2048], strides = [1, 1]} : vector<128x2048xf32> to vector<32x2048xf32>
      %reduce_sum3A_745 = arith.constant dense<0.000000e+00> : vector<2048xf32>
      %reduce_sum3A_746 = vector.multi_reduction <add>, %slice3A_744, %reduce_sum3A_745 [0] : vector<32x2048xf32> to vector<2048xf32>
      %broadcast_in_dim3A_747 = vector.shape_cast %reduce_sum3A_746 : vector<2048xf32> to vector<1x2048xf32>
      %slice3A_748 = vector.extract_strided_slice %mul3A_735 {offsets = [96, 0], sizes = [32, 2048], strides = [1, 1]} : vector<128x2048xf32> to vector<32x2048xf32>
      %reduce_sum3A_749 = arith.constant dense<0.000000e+00> : vector<2048xf32>
      %reduce_sum3A_750 = vector.multi_reduction <add>, %slice3A_748, %reduce_sum3A_749 [0] : vector<32x2048xf32> to vector<2048xf32>
      %broadcast_in_dim3A_751 = vector.shape_cast %reduce_sum3A_750 : vector<2048xf32> to vector<1x2048xf32>
      %concatenate3A_752 = tpu.concatenate %broadcast_in_dim3A_739, %broadcast_in_dim3A_743, %broadcast_in_dim3A_747, %broadcast_in_dim3A_751 in 0 : vector<1x2048xf32>, vector<1x2048xf32>, vector<1x2048xf32>, vector<1x2048xf32> -> vector<4x2048xf32>
      %exp3A_753 = math.exp %concatenate3A_752 : vector<4x2048xf32>
      %reduce_sum3A_754 = arith.constant dense<0.000000e+00> : vector<2048xf32>
      %reduce_sum3A_755 = vector.multi_reduction <add>, %exp3A_753, %reduce_sum3A_754 [0] : vector<4x2048xf32> to vector<2048xf32>
      %broadcast_in_dim3A_756 = vector.shape_cast %reduce_sum3A_755 : vector<2048xf32> to vector<1x2048xf32>
      %div3A_757 = vector.broadcast %broadcast_in_dim3A_756 : vector<1x2048xf32> to vector<4x2048xf32>
      %div3A_758 = arith.divf %exp3A_753, %div3A_757 : vector<4x2048xf32>
      %convert_element_type3A_759 = arith.truncf %div3A_758 : vector<4x2048xf32> to vector<4x2048xbf16>
      %slice3A_760 = vector.extract_strided_slice %convert_element_type3A_759 {offsets = [0, 0], sizes = [1, 2048], strides = [1, 1]} : vector<4x2048xbf16> to vector<1x2048xbf16>
      %broadcast_in_dim3A_761 = vector.shape_cast %slice3A_760 : vector<1x2048xbf16> to vector<1x2048xbf16>
      %broadcast_in_dim3A_762 = vector.broadcast %broadcast_in_dim3A_761 : vector<1x2048xbf16> to vector<32x2048xbf16>
      %slice3A_763 = vector.extract_strided_slice %convert_element_type3A_759 {offsets = [1, 0], sizes = [1, 2048], strides = [1, 1]} : vector<4x2048xbf16> to vector<1x2048xbf16>
      %broadcast_in_dim3A_764 = vector.shape_cast %slice3A_763 : vector<1x2048xbf16> to vector<1x2048xbf16>
      %broadcast_in_dim3A_765 = vector.broadcast %broadcast_in_dim3A_764 : vector<1x2048xbf16> to vector<32x2048xbf16>
      %slice3A_766 = vector.extract_strided_slice %convert_element_type3A_759 {offsets = [2, 0], sizes = [1, 2048], strides = [1, 1]} : vector<4x2048xbf16> to vector<1x2048xbf16>
      %broadcast_in_dim3A_767 = vector.shape_cast %slice3A_766 : vector<1x2048xbf16> to vector<1x2048xbf16>
      %broadcast_in_dim3A_768 = vector.broadcast %broadcast_in_dim3A_767 : vector<1x2048xbf16> to vector<32x2048xbf16>
      %slice3A_769 = vector.extract_strided_slice %convert_element_type3A_759 {offsets = [3, 0], sizes = [1, 2048], strides = [1, 1]} : vector<4x2048xbf16> to vector<1x2048xbf16>
      %broadcast_in_dim3A_770 = vector.shape_cast %slice3A_769 : vector<1x2048xbf16> to vector<1x2048xbf16>
      %broadcast_in_dim3A_771 = vector.broadcast %broadcast_in_dim3A_770 : vector<1x2048xbf16> to vector<32x2048xbf16>
      %concatenate3A_772 = tpu.concatenate %broadcast_in_dim3A_762, %broadcast_in_dim3A_765, %broadcast_in_dim3A_768, %broadcast_in_dim3A_771 in 0 : vector<32x2048xbf16>, vector<32x2048xbf16>, vector<32x2048xbf16>, vector<32x2048xbf16> -> vector<128x2048xbf16>
      %mul3A_773 = arith.mulf %concatenate3A_772, %get3A_727 : vector<128x2048xbf16>
      %dot_general3A_774 = arith.constant dense<0.000000e+00> : vector<128x128xf32>
      %dot_general3A_775 = tpu.matmul %mul3A_773, %get3A_732, %dot_general3A_774 {dimension_numbers = #tpu.dot_dimension_numbers<[1], [1], [0], [0], [0, 0, 1, 0], [], []>, transpose_lhs_hint = false} : vector<128x2048xbf16>, vector<128x2048xbf16>, vector<128x128xf32> -> vector<128x128xf32>
      %add3A_776 = arith.addf %add3A_717, %dot_general3A_775 : vector<128x128xf32>
      scf.yield %add3A_776 : vector<128x128xf32>
    }
    %add3A_473 = arith.addf %transpose3A_352, %while3A_472 : vector<128x128xf32>
    %mul3A_474 = arith.mulf %add3A_473, %add3A_473 : vector<128x128xf32>
    %slice3A_475 = vector.extract_strided_slice %mul3A_474 {offsets = [0, 0], sizes = [32, 128], strides = [1, 1]} : vector<128x128xf32> to vector<32x128xf32>
    %reduce_sum3A_476 = arith.constant dense<0.000000e+00> : vector<128xf32>
    %reduce_sum3A_477 = vector.multi_reduction <add>, %slice3A_475, %reduce_sum3A_476 [0] : vector<32x128xf32> to vector<128xf32>
    %broadcast_in_dim3A_478 = vector.shape_cast %reduce_sum3A_477 : vector<128xf32> to vector<1x128xf32>
    %slice3A_479 = vector.extract_strided_slice %mul3A_474 {offsets = [32, 0], sizes = [32, 128], strides = [1, 1]} : vector<128x128xf32> to vector<32x128xf32>
    %reduce_sum3A_480 = arith.constant dense<0.000000e+00> : vector<128xf32>
    %reduce_sum3A_481 = vector.multi_reduction <add>, %slice3A_479, %reduce_sum3A_480 [0] : vector<32x128xf32> to vector<128xf32>
    %broadcast_in_dim3A_482 = vector.shape_cast %reduce_sum3A_481 : vector<128xf32> to vector<1x128xf32>
    %slice3A_483 = vector.extract_strided_slice %mul3A_474 {offsets = [64, 0], sizes = [32, 128], strides = [1, 1]} : vector<128x128xf32> to vector<32x128xf32>
    %reduce_sum3A_484 = arith.constant dense<0.000000e+00> : vector<128xf32>
    %reduce_sum3A_485 = vector.multi_reduction <add>, %slice3A_483, %reduce_sum3A_484 [0] : vector<32x128xf32> to vector<128xf32>
    %broadcast_in_dim3A_486 = vector.shape_cast %reduce_sum3A_485 : vector<128xf32> to vector<1x128xf32>
    %slice3A_487 = vector.extract_strided_slice %mul3A_474 {offsets = [96, 0], sizes = [32, 128], strides = [1, 1]} : vector<128x128xf32> to vector<32x128xf32>
    %reduce_sum3A_488 = arith.constant dense<0.000000e+00> : vector<128xf32>
    %reduce_sum3A_489 = vector.multi_reduction <add>, %slice3A_487, %reduce_sum3A_488 [0] : vector<32x128xf32> to vector<128xf32>
    %broadcast_in_dim3A_490 = vector.shape_cast %reduce_sum3A_489 : vector<128xf32> to vector<1x128xf32>
    %concatenate3A_491 = tpu.concatenate %broadcast_in_dim3A_478, %broadcast_in_dim3A_482, %broadcast_in_dim3A_486, %broadcast_in_dim3A_490 in 0 : vector<1x128xf32>, vector<1x128xf32>, vector<1x128xf32>, vector<1x128xf32> -> vector<4x128xf32>
    %sqrt3A_492 = math.sqrt %concatenate3A_491 : vector<4x128xf32>
    %max3A_493 = arith.constant 9.99999996E-13 : f32
    %max3A_494 = vector.broadcast %max3A_493 : f32 to vector<4x128xf32>
    %max3A_495 = arith.maximumf %sqrt3A_492, %max3A_494 : vector<4x128xf32>
    %div3A_496 = arith.constant 1.000000e+00 : f32
    %div3A_497 = vector.broadcast %div3A_496 : f32 to vector<4x128xf32>
    %div3A_498 = arith.divf %div3A_497, %max3A_495 : vector<4x128xf32>
    %slice3A_499 = vector.extract_strided_slice %div3A_498 {offsets = [0, 0], sizes = [1, 128], strides = [1, 1]} : vector<4x128xf32> to vector<1x128xf32>
    %broadcast_in_dim3A_500 = vector.shape_cast %slice3A_499 : vector<1x128xf32> to vector<1x128xf32>
    %broadcast_in_dim3A_501 = vector.broadcast %broadcast_in_dim3A_500 : vector<1x128xf32> to vector<32x128xf32>
    %slice3A_502 = vector.extract_strided_slice %div3A_498 {offsets = [1, 0], sizes = [1, 128], strides = [1, 1]} : vector<4x128xf32> to vector<1x128xf32>
    %broadcast_in_dim3A_503 = vector.shape_cast %slice3A_502 : vector<1x128xf32> to vector<1x128xf32>
    %broadcast_in_dim3A_504 = vector.broadcast %broadcast_in_dim3A_503 : vector<1x128xf32> to vector<32x128xf32>
    %slice3A_505 = vector.extract_strided_slice %div3A_498 {offsets = [2, 0], sizes = [1, 128], strides = [1, 1]} : vector<4x128xf32> to vector<1x128xf32>
    %broadcast_in_dim3A_506 = vector.shape_cast %slice3A_505 : vector<1x128xf32> to vector<1x128xf32>
    %broadcast_in_dim3A_507 = vector.broadcast %broadcast_in_dim3A_506 : vector<1x128xf32> to vector<32x128xf32>
    %slice3A_508 = vector.extract_strided_slice %div3A_498 {offsets = [3, 0], sizes = [1, 128], strides = [1, 1]} : vector<4x128xf32> to vector<1x128xf32>
    %broadcast_in_dim3A_509 = vector.shape_cast %slice3A_508 : vector<1x128xf32> to vector<1x128xf32>
    %broadcast_in_dim3A_510 = vector.broadcast %broadcast_in_dim3A_509 : vector<1x128xf32> to vector<32x128xf32>
    %concatenate3A_511 = tpu.concatenate %broadcast_in_dim3A_501, %broadcast_in_dim3A_504, %broadcast_in_dim3A_507, %broadcast_in_dim3A_510 in 0 : vector<32x128xf32>, vector<32x128xf32>, vector<32x128xf32>, vector<32x128xf32> -> vector<128x128xf32>
    %mul3A_512 = arith.mulf %add3A_473, %concatenate3A_511 : vector<128x128xf32>
    %dot_general3A_513 = arith.constant dense<0.000000e+00> : vector<128x128xf32>
    %dot_general3A_514 = tpu.matmul %convert_element_type3A_84, %mul3A_512, %dot_general3A_513 {dimension_numbers = #tpu.dot_dimension_numbers<[1], [0], [0], [1], [0, 0, 1, 1], [], []>, transpose_lhs_hint = false} : vector<128x128xf32>, vector<128x128xf32>, vector<128x128xf32> -> vector<128x128xf32>
    %convert_element_type3A_515 = arith.truncf %dot_general3A_514 : vector<128x128xf32> to vector<128x128xbf16>
    %broadcast_in_dim3A_516 = arith.constant 0.000000e+00 : f32
    %broadcast_in_dim3A_517 = vector.broadcast %broadcast_in_dim3A_516 : f32 to vector<128x128xf32>
    %while3A_518 = arith.constant 0 : i32
    %while3A_519 = arith.subi %div3A_29, %while3A_518 : i32
    %while3A_520 = arith.addi %while3A_518, %while3A_519 : i32
    %while3A_521 = arith.constant 1 : i32
    %while3A_522 = arith.divsi %while3A_519, %while3A_521 : i32
    %while3A_523 = arith.muli %while3A_522, %while3A_521 : i32
    %while3A_524 = arith.addi %while3A_518, %while3A_523 : i32
    %while3A_525 = arith.constant 1 : i32
    %while3A_526 = scf.for %while3A_646 = %while3A_518 to %while3A_524 step %while3A_525 iter_args(%while3A_647 = %broadcast_in_dim3A_517) -> (vector<128x128xf32>)  : i32 {
      %mul3A_648 = arith.constant 2 : i32
      %mul3A_649 = arith.muli %mul3A_648, %while3A_646 : i32
      %jit3A_650 = arith.constant 0 : i32
      %select_n3A_651 = arith.select %le3A_30, %mul3A_649, %jit3A_650 : i32
      %add3A_652 = arith.constant 1 : i32
      %add3A_653 = arith.addi %mul3A_649, %add3A_652 : i32
      %jit3A_654 = arith.constant 1 : i32
      %select_n3A_655 = arith.select %le3A_30, %add3A_653, %jit3A_654 : i32
      %not3A = arith.constant true
      %not3A_656 = arith.xori %le3A_30, %not3A : i1
      %convert_element_type3A_657 = arith.extui %not3A_656 : i1 to i32
      %cond3A_658 = arith.constant 0 : i32
      %cond3A_659 = arith.cmpi ne, %convert_element_type3A_657, %cond3A_658 : i32
      scf.if %cond3A_659 {
        %add3A_777 = arith.constant 1 : i32
        %add3A_778 = arith.addi %mul3A_649, %add3A_777 : i32
        %mul3A_779 = arith.constant 2048 : i32
        %mul3A_780 = arith.muli %mul3A_649, %mul3A_779 : i32
        %add3A_781 = arith.addi %multiple_of3A, %mul3A_780 : i32
        %mul3A_782 = arith.constant 2048 : i32
        %mul3A_783 = arith.muli %mul3A_649, %mul3A_782 : i32
        %add3A_784 = arith.addi %multiple_of3A, %mul3A_783 : i32
        %mul3A_785 = arith.constant 2048 : i32
        %mul3A_786 = arith.muli %add3A_778, %mul3A_785 : i32
        %add3A_787 = arith.addi %multiple_of3A, %mul3A_786 : i32
        %mul3A_788 = arith.constant 2048 : i32
        %mul3A_789 = arith.muli %add3A_778, %mul3A_788 : i32
        %add3A_790 = arith.addi %multiple_of3A, %mul3A_789 : i32
        %dma_start3A = arith.constant 0 : i32
        %dma_start3A_791 = arith.constant 0 : i32
        %dma_start3A_792 = arith.constant 0 : i32
        %dma_start3A_793 = tpu.memref_slice %arg8[%dma_start3A, %dma_start3A_791, %dma_start3A_792] : memref<2x2048x128xf32, #tpu.memory_space<vmem>> -> memref<1x2048x128xf32, #tpu.memory_space<vmem>>
        %dma_start3A_794 = tpu.memref_squeeze %dma_start3A_793 : memref<1x2048x128xf32, #tpu.memory_space<vmem>> -> memref<2048x128xf32, #tpu.memory_space<vmem>>
        %dma_start3A_795 = arith.constant 0 : i32
        %dma_start3A_796 = tpu.memref_slice %arg3[%add3A_781, %dma_start3A_795] : memref<344064x128xf32, #tpu.memory_space<any>> -> memref<2048x128xf32, #tpu.memory_space<any>>
        tpu.enqueue_dma source(%dma_start3A_796 : memref<2048x128xf32, #tpu.memory_space<any>>) target(%dma_start3A_794 : memref<2048x128xf32, #tpu.memory_space<vmem>>) target_semaphore(%arg13 : memref<!tpu.dma_semaphore, #tpu.memory_space<semaphore_mem>>)
        %dma_start3A_797 = arith.constant 0 : i32
        %dma_start3A_798 = arith.constant 0 : i32
        %dma_start3A_799 = arith.constant 0 : i32
        %dma_start3A_800 = tpu.memref_slice %arg9[%dma_start3A_797, %dma_start3A_798, %dma_start3A_799] : memref<2x1x2048xi32, #tpu.memory_space<vmem>> -> memref<1x1x2048xi32, #tpu.memory_space<vmem>>
        %dma_start3A_801 = tpu.memref_squeeze %dma_start3A_800 : memref<1x1x2048xi32, #tpu.memory_space<vmem>> -> memref<1x2048xi32, #tpu.memory_space<vmem>>
        %dma_start3A_802 = arith.constant 0 : i32
        %dma_start3A_803 = tpu.memref_slice %arg4[%dma_start3A_802, %add3A_784] : memref<1x344064xi32, #tpu.memory_space<any>> -> memref<1x2048xi32, #tpu.memory_space<any>>
        tpu.enqueue_dma source(%dma_start3A_803 : memref<1x2048xi32, #tpu.memory_space<any>>) target(%dma_start3A_801 : memref<1x2048xi32, #tpu.memory_space<vmem>>) target_semaphore(%arg13 : memref<!tpu.dma_semaphore, #tpu.memory_space<semaphore_mem>>)
        %dma_start3A_804 = arith.constant 1 : i32
        %dma_start3A_805 = arith.constant 0 : i32
        %dma_start3A_806 = arith.constant 0 : i32
        %dma_start3A_807 = tpu.memref_slice %arg8[%dma_start3A_804, %dma_start3A_805, %dma_start3A_806] : memref<2x2048x128xf32, #tpu.memory_space<vmem>> -> memref<1x2048x128xf32, #tpu.memory_space<vmem>>
        %dma_start3A_808 = tpu.memref_squeeze %dma_start3A_807 : memref<1x2048x128xf32, #tpu.memory_space<vmem>> -> memref<2048x128xf32, #tpu.memory_space<vmem>>
        %dma_start3A_809 = arith.constant 0 : i32
        %dma_start3A_810 = tpu.memref_slice %arg3[%add3A_787, %dma_start3A_809] : memref<344064x128xf32, #tpu.memory_space<any>> -> memref<2048x128xf32, #tpu.memory_space<any>>
        tpu.enqueue_dma source(%dma_start3A_810 : memref<2048x128xf32, #tpu.memory_space<any>>) target(%dma_start3A_808 : memref<2048x128xf32, #tpu.memory_space<vmem>>) target_semaphore(%arg13 : memref<!tpu.dma_semaphore, #tpu.memory_space<semaphore_mem>>)
        %dma_start3A_811 = arith.constant 1 : i32
        %dma_start3A_812 = arith.constant 0 : i32
        %dma_start3A_813 = arith.constant 0 : i32
        %dma_start3A_814 = tpu.memref_slice %arg9[%dma_start3A_811, %dma_start3A_812, %dma_start3A_813] : memref<2x1x2048xi32, #tpu.memory_space<vmem>> -> memref<1x1x2048xi32, #tpu.memory_space<vmem>>
        %dma_start3A_815 = tpu.memref_squeeze %dma_start3A_814 : memref<1x1x2048xi32, #tpu.memory_space<vmem>> -> memref<1x2048xi32, #tpu.memory_space<vmem>>
        %dma_start3A_816 = arith.constant 0 : i32
        %dma_start3A_817 = tpu.memref_slice %arg4[%dma_start3A_816, %add3A_790] : memref<1x344064xi32, #tpu.memory_space<any>> -> memref<1x2048xi32, #tpu.memory_space<any>>
        tpu.enqueue_dma source(%dma_start3A_817 : memref<1x2048xi32, #tpu.memory_space<any>>) target(%dma_start3A_815 : memref<1x2048xi32, #tpu.memory_space<vmem>>) target_semaphore(%arg13 : memref<!tpu.dma_semaphore, #tpu.memory_space<semaphore_mem>>)
        %dma_wait3A_818 = arith.constant 0 : i32
        %dma_wait3A_819 = arith.constant 0 : i32
        %dma_wait3A_820 = arith.constant 0 : i32
        %dma_wait3A_821 = tpu.memref_slice %arg8[%dma_wait3A_818, %dma_wait3A_819, %dma_wait3A_820] : memref<2x2048x128xf32, #tpu.memory_space<vmem>> -> memref<1x2048x128xf32, #tpu.memory_space<vmem>>
        %dma_wait3A_822 = tpu.memref_squeeze %dma_wait3A_821 : memref<1x2048x128xf32, #tpu.memory_space<vmem>> -> memref<2048x128xf32, #tpu.memory_space<vmem>>
        %dma_wait3A_823 = arith.constant 0 : i32
        %dma_wait3A_824 = tpu.memref_slice %arg3[%add3A_781, %dma_wait3A_823] : memref<344064x128xf32, #tpu.memory_space<any>> -> memref<2048x128xf32, #tpu.memory_space<any>>
        tpu.wait_dma2 semaphore(%arg13 : memref<!tpu.dma_semaphore, #tpu.memory_space<semaphore_mem>>) src(%dma_wait3A_824 : memref<2048x128xf32, #tpu.memory_space<any>>) dst(%dma_wait3A_822 : memref<2048x128xf32, #tpu.memory_space<vmem>>)
        %dma_wait3A_825 = arith.constant 0 : i32
        %dma_wait3A_826 = arith.constant 0 : i32
        %dma_wait3A_827 = arith.constant 0 : i32
        %dma_wait3A_828 = tpu.memref_slice %arg9[%dma_wait3A_825, %dma_wait3A_826, %dma_wait3A_827] : memref<2x1x2048xi32, #tpu.memory_space<vmem>> -> memref<1x1x2048xi32, #tpu.memory_space<vmem>>
        %dma_wait3A_829 = tpu.memref_squeeze %dma_wait3A_828 : memref<1x1x2048xi32, #tpu.memory_space<vmem>> -> memref<1x2048xi32, #tpu.memory_space<vmem>>
        %dma_wait3A_830 = arith.constant 0 : i32
        %dma_wait3A_831 = tpu.memref_slice %arg4[%dma_wait3A_830, %add3A_784] : memref<1x344064xi32, #tpu.memory_space<any>> -> memref<1x2048xi32, #tpu.memory_space<any>>
        tpu.wait_dma2 semaphore(%arg13 : memref<!tpu.dma_semaphore, #tpu.memory_space<semaphore_mem>>) src(%dma_wait3A_831 : memref<1x2048xi32, #tpu.memory_space<any>>) dst(%dma_wait3A_829 : memref<1x2048xi32, #tpu.memory_space<vmem>>)
        %dma_wait3A_832 = arith.constant 1 : i32
        %dma_wait3A_833 = arith.constant 0 : i32
        %dma_wait3A_834 = arith.constant 0 : i32
        %dma_wait3A_835 = tpu.memref_slice %arg8[%dma_wait3A_832, %dma_wait3A_833, %dma_wait3A_834] : memref<2x2048x128xf32, #tpu.memory_space<vmem>> -> memref<1x2048x128xf32, #tpu.memory_space<vmem>>
        %dma_wait3A_836 = tpu.memref_squeeze %dma_wait3A_835 : memref<1x2048x128xf32, #tpu.memory_space<vmem>> -> memref<2048x128xf32, #tpu.memory_space<vmem>>
        %dma_wait3A_837 = arith.constant 0 : i32
        %dma_wait3A_838 = tpu.memref_slice %arg3[%add3A_787, %dma_wait3A_837] : memref<344064x128xf32, #tpu.memory_space<any>> -> memref<2048x128xf32, #tpu.memory_space<any>>
        tpu.wait_dma2 semaphore(%arg13 : memref<!tpu.dma_semaphore, #tpu.memory_space<semaphore_mem>>) src(%dma_wait3A_838 : memref<2048x128xf32, #tpu.memory_space<any>>) dst(%dma_wait3A_836 : memref<2048x128xf32, #tpu.memory_space<vmem>>)
        %dma_wait3A_839 = arith.constant 1 : i32
        %dma_wait3A_840 = arith.constant 0 : i32
        %dma_wait3A_841 = arith.constant 0 : i32
        %dma_wait3A_842 = tpu.memref_slice %arg9[%dma_wait3A_839, %dma_wait3A_840, %dma_wait3A_841] : memref<2x1x2048xi32, #tpu.memory_space<vmem>> -> memref<1x1x2048xi32, #tpu.memory_space<vmem>>
        %dma_wait3A_843 = tpu.memref_squeeze %dma_wait3A_842 : memref<1x1x2048xi32, #tpu.memory_space<vmem>> -> memref<1x2048xi32, #tpu.memory_space<vmem>>
        %dma_wait3A_844 = arith.constant 0 : i32
        %dma_wait3A_845 = tpu.memref_slice %arg4[%dma_wait3A_844, %add3A_790] : memref<1x344064xi32, #tpu.memory_space<any>> -> memref<1x2048xi32, #tpu.memory_space<any>>
        tpu.wait_dma2 semaphore(%arg13 : memref<!tpu.dma_semaphore, #tpu.memory_space<semaphore_mem>>) src(%dma_wait3A_845 : memref<1x2048xi32, #tpu.memory_space<any>>) dst(%dma_wait3A_843 : memref<1x2048xi32, #tpu.memory_space<vmem>>)
        %get3A_846 = arith.constant 0 : index
        %get3A_847 = arith.constant 0 : index
        %get3A_848 = arith.constant 0 : index
        %get3A_849 = vector.load %arg8[%get3A_846, %get3A_847, %get3A_848] : memref<2x2048x128xf32, #tpu.memory_space<vmem>>, vector<1x2048x128xf32>
        %get3A_850 = vector.shape_cast %get3A_849 : vector<1x2048x128xf32> to vector<2048x128xf32>
        %transpose3A_851 = tpu.transpose %get3A_850, [1, 0] : vector<2048x128xf32> -> vector<128x2048xf32>
        %swap3A_852 = arith.index_cast %select_n3A_651 : i32 to index
        %swap3A_853 = arith.constant 0 : index
        %swap3A_854 = arith.constant 0 : index
        %swap3A_855 = vector.load %arg10[%swap3A_852, %swap3A_853, %swap3A_854] : memref<4x128x2048xf32, #tpu.memory_space<vmem>>, vector<1x128x2048xf32>
        %swap3A_856 = vector.shape_cast %swap3A_855 : vector<1x128x2048xf32> to vector<128x2048xf32>
        %swap3A_857 = vector.shape_cast %transpose3A_851 : vector<128x2048xf32> to vector<1x128x2048xf32>
        tpu.vector_store %arg10[%swap3A_852, %swap3A_853, %swap3A_854], %swap3A_857 {strides = array<i32>} : memref<4x128x2048xf32, #tpu.memory_space<vmem>>, vector<1x128x2048xf32>,
        %convert_element_type3A_858 = arith.truncf %transpose3A_851 : vector<128x2048xf32> to vector<128x2048xbf16>
        %swap3A_859 = arith.index_cast %select_n3A_651 : i32 to index
        %swap3A_860 = arith.constant 0 : index
        %swap3A_861 = arith.constant 0 : index
        %swap3A_862 = vector.load %arg11[%swap3A_859, %swap3A_860, %swap3A_861] : memref<4x128x2048xbf16, #tpu.memory_space<vmem>>, vector<1x128x2048xbf16>
        %swap3A_863 = vector.shape_cast %swap3A_862 : vector<1x128x2048xbf16> to vector<128x2048xbf16>
        %swap3A_864 = vector.shape_cast %convert_element_type3A_858 : vector<128x2048xbf16> to vector<1x128x2048xbf16>
        tpu.vector_store %arg11[%swap3A_859, %swap3A_860, %swap3A_861], %swap3A_864 {strides = array<i32>} : memref<4x128x2048xbf16, #tpu.memory_space<vmem>>, vector<1x128x2048xbf16>,
        %get3A_865 = arith.constant 0 : index
        %get3A_866 = arith.constant 0 : index
        %get3A_867 = arith.constant 0 : index
        %get3A_868 = vector.load %arg9[%get3A_865, %get3A_866, %get3A_867] : memref<2x1x2048xi32, #tpu.memory_space<vmem>>, vector<1x1x2048xi32>
        %get3A_869 = vector.shape_cast %get3A_868 : vector<1x1x2048xi32> to vector<1x2048xi32>
        %eq3A_870 = vector.broadcast %get3A_869 : vector<1x2048xi32> to vector<128x2048xi32>
        %eq3A_871 = arith.cmpi eq, %add3A_89, %eq3A_870 : vector<128x2048xi32>
        %convert_element_type3A_872 = arith.extui %eq3A_871 : vector<128x2048xi1> to vector<128x2048xi32>
        %convert_element_type3A_873 = arith.sitofp %convert_element_type3A_872 : vector<128x2048xi32> to vector<128x2048xf32>
        %convert_element_type3A_874 = arith.truncf %convert_element_type3A_873 : vector<128x2048xf32> to vector<128x2048xbf16>
        %swap3A_875 = arith.index_cast %select_n3A_651 : i32 to index
        %swap3A_876 = arith.constant 0 : index
        %swap3A_877 = arith.constant 0 : index
        %swap3A_878 = vector.load %arg12[%swap3A_875, %swap3A_876, %swap3A_877] : memref<4x128x2048xbf16, #tpu.memory_space<vmem>>, vector<1x128x2048xbf16>
        %swap3A_879 = vector.shape_cast %swap3A_878 : vector<1x128x2048xbf16> to vector<128x2048xbf16>
        %swap3A_880 = vector.shape_cast %convert_element_type3A_874 : vector<128x2048xbf16> to vector<1x128x2048xbf16>
        tpu.vector_store %arg12[%swap3A_875, %swap3A_876, %swap3A_877], %swap3A_880 {strides = array<i32>} : memref<4x128x2048xbf16, #tpu.memory_space<vmem>>, vector<1x128x2048xbf16>,
        %get3A_881 = arith.constant 1 : index
        %get3A_882 = arith.constant 0 : index
        %get3A_883 = arith.constant 0 : index
        %get3A_884 = vector.load %arg8[%get3A_881, %get3A_882, %get3A_883] : memref<2x2048x128xf32, #tpu.memory_space<vmem>>, vector<1x2048x128xf32>
        %get3A_885 = vector.shape_cast %get3A_884 : vector<1x2048x128xf32> to vector<2048x128xf32>
        %transpose3A_886 = tpu.transpose %get3A_885, [1, 0] : vector<2048x128xf32> -> vector<128x2048xf32>
        %swap3A_887 = arith.index_cast %select_n3A_655 : i32 to index
        %swap3A_888 = arith.constant 0 : index
        %swap3A_889 = arith.constant 0 : index
        %swap3A_890 = vector.load %arg10[%swap3A_887, %swap3A_888, %swap3A_889] : memref<4x128x2048xf32, #tpu.memory_space<vmem>>, vector<1x128x2048xf32>
        %swap3A_891 = vector.shape_cast %swap3A_890 : vector<1x128x2048xf32> to vector<128x2048xf32>
        %swap3A_892 = vector.shape_cast %transpose3A_886 : vector<128x2048xf32> to vector<1x128x2048xf32>
        tpu.vector_store %arg10[%swap3A_887, %swap3A_888, %swap3A_889], %swap3A_892 {strides = array<i32>} : memref<4x128x2048xf32, #tpu.memory_space<vmem>>, vector<1x128x2048xf32>,
        %convert_element_type3A_893 = arith.truncf %transpose3A_886 : vector<128x2048xf32> to vector<128x2048xbf16>
        %swap3A_894 = arith.index_cast %select_n3A_655 : i32 to index
        %swap3A_895 = arith.constant 0 : index
        %swap3A_896 = arith.constant 0 : index
        %swap3A_897 = vector.load %arg11[%swap3A_894, %swap3A_895, %swap3A_896] : memref<4x128x2048xbf16, #tpu.memory_space<vmem>>, vector<1x128x2048xbf16>
        %swap3A_898 = vector.shape_cast %swap3A_897 : vector<1x128x2048xbf16> to vector<128x2048xbf16>
        %swap3A_899 = vector.shape_cast %convert_element_type3A_893 : vector<128x2048xbf16> to vector<1x128x2048xbf16>
        tpu.vector_store %arg11[%swap3A_894, %swap3A_895, %swap3A_896], %swap3A_899 {strides = array<i32>} : memref<4x128x2048xbf16, #tpu.memory_space<vmem>>, vector<1x128x2048xbf16>,
        %get3A_900 = arith.constant 1 : index
        %get3A_901 = arith.constant 0 : index
        %get3A_902 = arith.constant 0 : index
        %get3A_903 = vector.load %arg9[%get3A_900, %get3A_901, %get3A_902] : memref<2x1x2048xi32, #tpu.memory_space<vmem>>, vector<1x1x2048xi32>
        %get3A_904 = vector.shape_cast %get3A_903 : vector<1x1x2048xi32> to vector<1x2048xi32>
        %eq3A_905 = vector.broadcast %get3A_904 : vector<1x2048xi32> to vector<128x2048xi32>
        %eq3A_906 = arith.cmpi eq, %add3A_89, %eq3A_905 : vector<128x2048xi32>
        %convert_element_type3A_907 = arith.extui %eq3A_906 : vector<128x2048xi1> to vector<128x2048xi32>
        %convert_element_type3A_908 = arith.sitofp %convert_element_type3A_907 : vector<128x2048xi32> to vector<128x2048xf32>
        %convert_element_type3A_909 = arith.truncf %convert_element_type3A_908 : vector<128x2048xf32> to vector<128x2048xbf16>
        %swap3A_910 = arith.index_cast %select_n3A_655 : i32 to index
        %swap3A_911 = arith.constant 0 : index
        %swap3A_912 = arith.constant 0 : index
        %swap3A_913 = vector.load %arg12[%swap3A_910, %swap3A_911, %swap3A_912] : memref<4x128x2048xbf16, #tpu.memory_space<vmem>>, vector<1x128x2048xbf16>
        %swap3A_914 = vector.shape_cast %swap3A_913 : vector<1x128x2048xbf16> to vector<128x2048xbf16>
        %swap3A_915 = vector.shape_cast %convert_element_type3A_909 : vector<128x2048xbf16> to vector<1x128x2048xbf16>
        tpu.vector_store %arg12[%swap3A_910, %swap3A_911, %swap3A_912], %swap3A_915 {strides = array<i32>} : memref<4x128x2048xbf16, #tpu.memory_space<vmem>>, vector<1x128x2048xbf16>,
      } else {
      }
      %get3A_660 = arith.index_cast %select_n3A_651 : i32 to index
      %get3A_661 = arith.constant 0 : index
      %get3A_662 = arith.constant 0 : index
      %get3A_663 = vector.load %arg10[%get3A_660, %get3A_661, %get3A_662] : memref<4x128x2048xf32, #tpu.memory_space<vmem>>, vector<1x128x2048xf32>
      %get3A_664 = vector.shape_cast %get3A_663 : vector<1x128x2048xf32> to vector<128x2048xf32>
      %get3A_665 = arith.index_cast %select_n3A_651 : i32 to index
      %get3A_666 = arith.constant 0 : index
      %get3A_667 = arith.constant 0 : index
      %get3A_668 = vector.load %arg11[%get3A_665, %get3A_666, %get3A_667] : memref<4x128x2048xbf16, #tpu.memory_space<vmem>>, vector<1x128x2048xbf16>
      %get3A_669 = vector.shape_cast %get3A_668 : vector<1x128x2048xbf16> to vector<128x2048xbf16>
      %get3A_670 = arith.index_cast %select_n3A_651 : i32 to index
      %get3A_671 = arith.constant 0 : index
      %get3A_672 = arith.constant 0 : index
      %get3A_673 = vector.load %arg12[%get3A_670, %get3A_671, %get3A_672] : memref<4x128x2048xbf16, #tpu.memory_space<vmem>>, vector<1x128x2048xbf16>
      %get3A_674 = vector.shape_cast %get3A_673 : vector<1x128x2048xbf16> to vector<128x2048xbf16>
      %dot_general3A_675 = arith.constant dense<0.000000e+00> : vector<128x2048xf32>
      %dot_general3A_676 = tpu.matmul %convert_element_type3A_515, %get3A_674, %dot_general3A_675 {dimension_numbers = #tpu.dot_dimension_numbers<[1], [0], [0], [1], [0, 0, 1, 1], [], []>, transpose_lhs_hint = false} : vector<128x128xbf16>, vector<128x2048xbf16>, vector<128x2048xf32> -> vector<128x2048xf32>
      %mul3A_677 = arith.mulf %get3A_664, %dot_general3A_676 : vector<128x2048xf32>
      %slice3A_678 = vector.extract_strided_slice %mul3A_677 {offsets = [0, 0], sizes = [32, 2048], strides = [1, 1]} : vector<128x2048xf32> to vector<32x2048xf32>
      %reduce_sum3A_679 = arith.constant dense<0.000000e+00> : vector<2048xf32>
      %reduce_sum3A_680 = vector.multi_reduction <add>, %slice3A_678, %reduce_sum3A_679 [0] : vector<32x2048xf32> to vector<2048xf32>
      %broadcast_in_dim3A_681 = vector.shape_cast %reduce_sum3A_680 : vector<2048xf32> to vector<1x2048xf32>
      %slice3A_682 = vector.extract_strided_slice %mul3A_677 {offsets = [32, 0], sizes = [32, 2048], strides = [1, 1]} : vector<128x2048xf32> to vector<32x2048xf32>
      %reduce_sum3A_683 = arith.constant dense<0.000000e+00> : vector<2048xf32>
      %reduce_sum3A_684 = vector.multi_reduction <add>, %slice3A_682, %reduce_sum3A_683 [0] : vector<32x2048xf32> to vector<2048xf32>
      %broadcast_in_dim3A_685 = vector.shape_cast %reduce_sum3A_684 : vector<2048xf32> to vector<1x2048xf32>
      %slice3A_686 = vector.extract_strided_slice %mul3A_677 {offsets = [64, 0], sizes = [32, 2048], strides = [1, 1]} : vector<128x2048xf32> to vector<32x2048xf32>
      %reduce_sum3A_687 = arith.constant dense<0.000000e+00> : vector<2048xf32>
      %reduce_sum3A_688 = vector.multi_reduction <add>, %slice3A_686, %reduce_sum3A_687 [0] : vector<32x2048xf32> to vector<2048xf32>
      %broadcast_in_dim3A_689 = vector.shape_cast %reduce_sum3A_688 : vector<2048xf32> to vector<1x2048xf32>
      %slice3A_690 = vector.extract_strided_slice %mul3A_677 {offsets = [96, 0], sizes = [32, 2048], strides = [1, 1]} : vector<128x2048xf32> to vector<32x2048xf32>
      %reduce_sum3A_691 = arith.constant dense<0.000000e+00> : vector<2048xf32>
      %reduce_sum3A_692 = vector.multi_reduction <add>, %slice3A_690, %reduce_sum3A_691 [0] : vector<32x2048xf32> to vector<2048xf32>
      %broadcast_in_dim3A_693 = vector.shape_cast %reduce_sum3A_692 : vector<2048xf32> to vector<1x2048xf32>
      %concatenate3A_694 = tpu.concatenate %broadcast_in_dim3A_681, %broadcast_in_dim3A_685, %broadcast_in_dim3A_689, %broadcast_in_dim3A_693 in 0 : vector<1x2048xf32>, vector<1x2048xf32>, vector<1x2048xf32>, vector<1x2048xf32> -> vector<4x2048xf32>
      %exp3A = math.exp %concatenate3A_694 : vector<4x2048xf32>
      %reduce_sum3A_695 = arith.constant dense<0.000000e+00> : vector<2048xf32>
      %reduce_sum3A_696 = vector.multi_reduction <add>, %exp3A, %reduce_sum3A_695 [0] : vector<4x2048xf32> to vector<2048xf32>
      %broadcast_in_dim3A_697 = vector.shape_cast %reduce_sum3A_696 : vector<2048xf32> to vector<1x2048xf32>
      %div3A_698 = vector.broadcast %broadcast_in_dim3A_697 : vector<1x2048xf32> to vector<4x2048xf32>
      %div3A_699 = arith.divf %exp3A, %div3A_698 : vector<4x2048xf32>
      %convert_element_type3A_700 = arith.truncf %div3A_699 : vector<4x2048xf32> to vector<4x2048xbf16>
      %slice3A_701 = vector.extract_strided_slice %convert_element_type3A_700 {offsets = [0, 0], sizes = [1, 2048], strides = [1, 1]} : vector<4x2048xbf16> to vector<1x2048xbf16>
      %broadcast_in_dim3A_702 = vector.shape_cast %slice3A_701 : vector<1x2048xbf16> to vector<1x2048xbf16>
      %broadcast_in_dim3A_703 = vector.broadcast %broadcast_in_dim3A_702 : vector<1x2048xbf16> to vector<32x2048xbf16>
      %slice3A_704 = vector.extract_strided_slice %convert_element_type3A_700 {offsets = [1, 0], sizes = [1, 2048], strides = [1, 1]} : vector<4x2048xbf16> to vector<1x2048xbf16>
      %broadcast_in_dim3A_705 = vector.shape_cast %slice3A_704 : vector<1x2048xbf16> to vector<1x2048xbf16>
      %broadcast_in_dim3A_706 = vector.broadcast %broadcast_in_dim3A_705 : vector<1x2048xbf16> to vector<32x2048xbf16>
      %slice3A_707 = vector.extract_strided_slice %convert_element_type3A_700 {offsets = [2, 0], sizes = [1, 2048], strides = [1, 1]} : vector<4x2048xbf16> to vector<1x2048xbf16>
      %broadcast_in_dim3A_708 = vector.shape_cast %slice3A_707 : vector<1x2048xbf16> to vector<1x2048xbf16>
      %broadcast_in_dim3A_709 = vector.broadcast %broadcast_in_dim3A_708 : vector<1x2048xbf16> to vector<32x2048xbf16>
      %slice3A_710 = vector.extract_strided_slice %convert_element_type3A_700 {offsets = [3, 0], sizes = [1, 2048], strides = [1, 1]} : vector<4x2048xbf16> to vector<1x2048xbf16>
      %broadcast_in_dim3A_711 = vector.shape_cast %slice3A_710 : vector<1x2048xbf16> to vector<1x2048xbf16>
      %broadcast_in_dim3A_712 = vector.broadcast %broadcast_in_dim3A_711 : vector<1x2048xbf16> to vector<32x2048xbf16>
      %concatenate3A_713 = tpu.concatenate %broadcast_in_dim3A_703, %broadcast_in_dim3A_706, %broadcast_in_dim3A_709, %broadcast_in_dim3A_712 in 0 : vector<32x2048xbf16>, vector<32x2048xbf16>, vector<32x2048xbf16>, vector<32x2048xbf16> -> vector<128x2048xbf16>
      %mul3A_714 = arith.mulf %concatenate3A_713, %get3A_669 : vector<128x2048xbf16>
      %dot_general3A_715 = arith.constant dense<0.000000e+00> : vector<128x128xf32>
      %dot_general3A_716 = tpu.matmul %mul3A_714, %get3A_674, %dot_general3A_715 {dimension_numbers = #tpu.dot_dimension_numbers<[1], [1], [0], [0], [0, 0, 1, 0], [], []>, transpose_lhs_hint = false} : vector<128x2048xbf16>, vector<128x2048xbf16>, vector<128x128xf32> -> vector<128x128xf32>
      %add3A_717 = arith.addf %while3A_647, %dot_general3A_716 : vector<128x128xf32>
      %get3A_718 = arith.index_cast %select_n3A_655 : i32 to index
      %get3A_719 = arith.constant 0 : index
      %get3A_720 = arith.constant 0 : index
      %get3A_721 = vector.load %arg10[%get3A_718, %get3A_719, %get3A_720] : memref<4x128x2048xf32, #tpu.memory_space<vmem>>, vector<1x128x2048xf32>
      %get3A_722 = vector.shape_cast %get3A_721 : vector<1x128x2048xf32> to vector<128x2048xf32>
      %get3A_723 = arith.index_cast %select_n3A_655 : i32 to index
      %get3A_724 = arith.constant 0 : index
      %get3A_725 = arith.constant 0 : index
      %get3A_726 = vector.load %arg11[%get3A_723, %get3A_724, %get3A_725] : memref<4x128x2048xbf16, #tpu.memory_space<vmem>>, vector<1x128x2048xbf16>
      %get3A_727 = vector.shape_cast %get3A_726 : vector<1x128x2048xbf16> to vector<128x2048xbf16>
      %get3A_728 = arith.index_cast %select_n3A_655 : i32 to index
      %get3A_729 = arith.constant 0 : index
      %get3A_730 = arith.constant 0 : index
      %get3A_731 = vector.load %arg12[%get3A_728, %get3A_729, %get3A_730] : memref<4x128x2048xbf16, #tpu.memory_space<vmem>>, vector<1x128x2048xbf16>
      %get3A_732 = vector.shape_cast %get3A_731 : vector<1x128x2048xbf16> to vector<128x2048xbf16>
      %dot_general3A_733 = arith.constant dense<0.000000e+00> : vector<128x2048xf32>
      %dot_general3A_734 = tpu.matmul %convert_element_type3A_515, %get3A_732, %dot_general3A_733 {dimension_numbers = #tpu.dot_dimension_numbers<[1], [0], [0], [1], [0, 0, 1, 1], [], []>, transpose_lhs_hint = false} : vector<128x128xbf16>, vector<128x2048xbf16>, vector<128x2048xf32> -> vector<128x2048xf32>
      %mul3A_735 = arith.mulf %get3A_722, %dot_general3A_734 : vector<128x2048xf32>
      %slice3A_736 = vector.extract_strided_slice %mul3A_735 {offsets = [0, 0], sizes = [32, 2048], strides = [1, 1]} : vector<128x2048xf32> to vector<32x2048xf32>
      %reduce_sum3A_737 = arith.constant dense<0.000000e+00> : vector<2048xf32>
      %reduce_sum3A_738 = vector.multi_reduction <add>, %slice3A_736, %reduce_sum3A_737 [0] : vector<32x2048xf32> to vector<2048xf32>
      %broadcast_in_dim3A_739 = vector.shape_cast %reduce_sum3A_738 : vector<2048xf32> to vector<1x2048xf32>
      %slice3A_740 = vector.extract_strided_slice %mul3A_735 {offsets = [32, 0], sizes = [32, 2048], strides = [1, 1]} : vector<128x2048xf32> to vector<32x2048xf32>
      %reduce_sum3A_741 = arith.constant dense<0.000000e+00> : vector<2048xf32>
      %reduce_sum3A_742 = vector.multi_reduction <add>, %slice3A_740, %reduce_sum3A_741 [0] : vector<32x2048xf32> to vector<2048xf32>
      %broadcast_in_dim3A_743 = vector.shape_cast %reduce_sum3A_742 : vector<2048xf32> to vector<1x2048xf32>
      %slice3A_744 = vector.extract_strided_slice %mul3A_735 {offsets = [64, 0], sizes = [32, 2048], strides = [1, 1]} : vector<128x2048xf32> to vector<32x2048xf32>
      %reduce_sum3A_745 = arith.constant dense<0.000000e+00> : vector<2048xf32>
      %reduce_sum3A_746 = vector.multi_reduction <add>, %slice3A_744, %reduce_sum3A_745 [0] : vector<32x2048xf32> to vector<2048xf32>
      %broadcast_in_dim3A_747 = vector.shape_cast %reduce_sum3A_746 : vector<2048xf32> to vector<1x2048xf32>
      %slice3A_748 = vector.extract_strided_slice %mul3A_735 {offsets = [96, 0], sizes = [32, 2048], strides = [1, 1]} : vector<128x2048xf32> to vector<32x2048xf32>
      %reduce_sum3A_749 = arith.constant dense<0.000000e+00> : vector<2048xf32>
      %reduce_sum3A_750 = vector.multi_reduction <add>, %slice3A_748, %reduce_sum3A_749 [0] : vector<32x2048xf32> to vector<2048xf32>
      %broadcast_in_dim3A_751 = vector.shape_cast %reduce_sum3A_750 : vector<2048xf32> to vector<1x2048xf32>
      %concatenate3A_752 = tpu.concatenate %broadcast_in_dim3A_739, %broadcast_in_dim3A_743, %broadcast_in_dim3A_747, %broadcast_in_dim3A_751 in 0 : vector<1x2048xf32>, vector<1x2048xf32>, vector<1x2048xf32>, vector<1x2048xf32> -> vector<4x2048xf32>
      %exp3A_753 = math.exp %concatenate3A_752 : vector<4x2048xf32>
      %reduce_sum3A_754 = arith.constant dense<0.000000e+00> : vector<2048xf32>
      %reduce_sum3A_755 = vector.multi_reduction <add>, %exp3A_753, %reduce_sum3A_754 [0] : vector<4x2048xf32> to vector<2048xf32>
      %broadcast_in_dim3A_756 = vector.shape_cast %reduce_sum3A_755 : vector<2048xf32> to vector<1x2048xf32>
      %div3A_757 = vector.broadcast %broadcast_in_dim3A_756 : vector<1x2048xf32> to vector<4x2048xf32>
      %div3A_758 = arith.divf %exp3A_753, %div3A_757 : vector<4x2048xf32>
      %convert_element_type3A_759 = arith.truncf %div3A_758 : vector<4x2048xf32> to vector<4x2048xbf16>
      %slice3A_760 = vector.extract_strided_slice %convert_element_type3A_759 {offsets = [0, 0], sizes = [1, 2048], strides = [1, 1]} : vector<4x2048xbf16> to vector<1x2048xbf16>
      %broadcast_in_dim3A_761 = vector.shape_cast %slice3A_760 : vector<1x2048xbf16> to vector<1x2048xbf16>
      %broadcast_in_dim3A_762 = vector.broadcast %broadcast_in_dim3A_761 : vector<1x2048xbf16> to vector<32x2048xbf16>
      %slice3A_763 = vector.extract_strided_slice %convert_element_type3A_759 {offsets = [1, 0], sizes = [1, 2048], strides = [1, 1]} : vector<4x2048xbf16> to vector<1x2048xbf16>
      %broadcast_in_dim3A_764 = vector.shape_cast %slice3A_763 : vector<1x2048xbf16> to vector<1x2048xbf16>
      %broadcast_in_dim3A_765 = vector.broadcast %broadcast_in_dim3A_764 : vector<1x2048xbf16> to vector<32x2048xbf16>
      %slice3A_766 = vector.extract_strided_slice %convert_element_type3A_759 {offsets = [2, 0], sizes = [1, 2048], strides = [1, 1]} : vector<4x2048xbf16> to vector<1x2048xbf16>
      %broadcast_in_dim3A_767 = vector.shape_cast %slice3A_766 : vector<1x2048xbf16> to vector<1x2048xbf16>
      %broadcast_in_dim3A_768 = vector.broadcast %broadcast_in_dim3A_767 : vector<1x2048xbf16> to vector<32x2048xbf16>
      %slice3A_769 = vector.extract_strided_slice %convert_element_type3A_759 {offsets = [3, 0], sizes = [1, 2048], strides = [1, 1]} : vector<4x2048xbf16> to vector<1x2048xbf16>
      %broadcast_in_dim3A_770 = vector.shape_cast %slice3A_769 : vector<1x2048xbf16> to vector<1x2048xbf16>
      %broadcast_in_dim3A_771 = vector.broadcast %broadcast_in_dim3A_770 : vector<1x2048xbf16> to vector<32x2048xbf16>
      %concatenate3A_772 = tpu.concatenate %broadcast_in_dim3A_762, %broadcast_in_dim3A_765, %broadcast_in_dim3A_768, %broadcast_in_dim3A_771 in 0 : vector<32x2048xbf16>, vector<32x2048xbf16>, vector<32x2048xbf16>, vector<32x2048xbf16> -> vector<128x2048xbf16>
      %mul3A_773 = arith.mulf %concatenate3A_772, %get3A_727 : vector<128x2048xbf16>
      %dot_general3A_774 = arith.constant dense<0.000000e+00> : vector<128x128xf32>
      %dot_general3A_775 = tpu.matmul %mul3A_773, %get3A_732, %dot_general3A_774 {dimension_numbers = #tpu.dot_dimension_numbers<[1], [1], [0], [0], [0, 0, 1, 0], [], []>, transpose_lhs_hint = false} : vector<128x2048xbf16>, vector<128x2048xbf16>, vector<128x128xf32> -> vector<128x128xf32>
      %add3A_776 = arith.addf %add3A_717, %dot_general3A_775 : vector<128x128xf32>
      scf.yield %add3A_776 : vector<128x128xf32>
    }
    %while3A_527 = arith.constant 1 : i32
    %while3A_528 = scf.for %while3A_646 = %while3A_524 to %while3A_520 step %while3A_527 iter_args(%while3A_647 = %while3A_526) -> (vector<128x128xf32>)  : i32 {
      %mul3A_648 = arith.constant 2 : i32
      %mul3A_649 = arith.muli %mul3A_648, %while3A_646 : i32
      %jit3A_650 = arith.constant 0 : i32
      %select_n3A_651 = arith.select %le3A_30, %mul3A_649, %jit3A_650 : i32
      %add3A_652 = arith.constant 1 : i32
      %add3A_653 = arith.addi %mul3A_649, %add3A_652 : i32
      %jit3A_654 = arith.constant 1 : i32
      %select_n3A_655 = arith.select %le3A_30, %add3A_653, %jit3A_654 : i32
      %not3A = arith.constant true
      %not3A_656 = arith.xori %le3A_30, %not3A : i1
      %convert_element_type3A_657 = arith.extui %not3A_656 : i1 to i32
      %cond3A_658 = arith.constant 0 : i32
      %cond3A_659 = arith.cmpi ne, %convert_element_type3A_657, %cond3A_658 : i32
      scf.if %cond3A_659 {
        %add3A_777 = arith.constant 1 : i32
        %add3A_778 = arith.addi %mul3A_649, %add3A_777 : i32
        %mul3A_779 = arith.constant 2048 : i32
        %mul3A_780 = arith.muli %mul3A_649, %mul3A_779 : i32
        %add3A_781 = arith.addi %multiple_of3A, %mul3A_780 : i32
        %mul3A_782 = arith.constant 2048 : i32
        %mul3A_783 = arith.muli %mul3A_649, %mul3A_782 : i32
        %add3A_784 = arith.addi %multiple_of3A, %mul3A_783 : i32
        %mul3A_785 = arith.constant 2048 : i32
        %mul3A_786 = arith.muli %add3A_778, %mul3A_785 : i32
        %add3A_787 = arith.addi %multiple_of3A, %mul3A_786 : i32
        %mul3A_788 = arith.constant 2048 : i32
        %mul3A_789 = arith.muli %add3A_778, %mul3A_788 : i32
        %add3A_790 = arith.addi %multiple_of3A, %mul3A_789 : i32
        %dma_start3A = arith.constant 0 : i32
        %dma_start3A_791 = arith.constant 0 : i32
        %dma_start3A_792 = arith.constant 0 : i32
        %dma_start3A_793 = tpu.memref_slice %arg8[%dma_start3A, %dma_start3A_791, %dma_start3A_792] : memref<2x2048x128xf32, #tpu.memory_space<vmem>> -> memref<1x2048x128xf32, #tpu.memory_space<vmem>>
        %dma_start3A_794 = tpu.memref_squeeze %dma_start3A_793 : memref<1x2048x128xf32, #tpu.memory_space<vmem>> -> memref<2048x128xf32, #tpu.memory_space<vmem>>
        %dma_start3A_795 = arith.constant 0 : i32
        %dma_start3A_796 = tpu.memref_slice %arg3[%add3A_781, %dma_start3A_795] : memref<344064x128xf32, #tpu.memory_space<any>> -> memref<2048x128xf32, #tpu.memory_space<any>>
        tpu.enqueue_dma source(%dma_start3A_796 : memref<2048x128xf32, #tpu.memory_space<any>>) target(%dma_start3A_794 : memref<2048x128xf32, #tpu.memory_space<vmem>>) target_semaphore(%arg13 : memref<!tpu.dma_semaphore, #tpu.memory_space<semaphore_mem>>)
        %dma_start3A_797 = arith.constant 0 : i32
        %dma_start3A_798 = arith.constant 0 : i32
        %dma_start3A_799 = arith.constant 0 : i32
        %dma_start3A_800 = tpu.memref_slice %arg9[%dma_start3A_797, %dma_start3A_798, %dma_start3A_799] : memref<2x1x2048xi32, #tpu.memory_space<vmem>> -> memref<1x1x2048xi32, #tpu.memory_space<vmem>>
        %dma_start3A_801 = tpu.memref_squeeze %dma_start3A_800 : memref<1x1x2048xi32, #tpu.memory_space<vmem>> -> memref<1x2048xi32, #tpu.memory_space<vmem>>
        %dma_start3A_802 = arith.constant 0 : i32
        %dma_start3A_803 = tpu.memref_slice %arg4[%dma_start3A_802, %add3A_784] : memref<1x344064xi32, #tpu.memory_space<any>> -> memref<1x2048xi32, #tpu.memory_space<any>>
        tpu.enqueue_dma source(%dma_start3A_803 : memref<1x2048xi32, #tpu.memory_space<any>>) target(%dma_start3A_801 : memref<1x2048xi32, #tpu.memory_space<vmem>>) target_semaphore(%arg13 : memref<!tpu.dma_semaphore, #tpu.memory_space<semaphore_mem>>)
        %dma_start3A_804 = arith.constant 1 : i32
        %dma_start3A_805 = arith.constant 0 : i32
        %dma_start3A_806 = arith.constant 0 : i32
        %dma_start3A_807 = tpu.memref_slice %arg8[%dma_start3A_804, %dma_start3A_805, %dma_start3A_806] : memref<2x2048x128xf32, #tpu.memory_space<vmem>> -> memref<1x2048x128xf32, #tpu.memory_space<vmem>>
        %dma_start3A_808 = tpu.memref_squeeze %dma_start3A_807 : memref<1x2048x128xf32, #tpu.memory_space<vmem>> -> memref<2048x128xf32, #tpu.memory_space<vmem>>
        %dma_start3A_809 = arith.constant 0 : i32
        %dma_start3A_810 = tpu.memref_slice %arg3[%add3A_787, %dma_start3A_809] : memref<344064x128xf32, #tpu.memory_space<any>> -> memref<2048x128xf32, #tpu.memory_space<any>>
        tpu.enqueue_dma source(%dma_start3A_810 : memref<2048x128xf32, #tpu.memory_space<any>>) target(%dma_start3A_808 : memref<2048x128xf32, #tpu.memory_space<vmem>>) target_semaphore(%arg13 : memref<!tpu.dma_semaphore, #tpu.memory_space<semaphore_mem>>)
        %dma_start3A_811 = arith.constant 1 : i32
        %dma_start3A_812 = arith.constant 0 : i32
        %dma_start3A_813 = arith.constant 0 : i32
        %dma_start3A_814 = tpu.memref_slice %arg9[%dma_start3A_811, %dma_start3A_812, %dma_start3A_813] : memref<2x1x2048xi32, #tpu.memory_space<vmem>> -> memref<1x1x2048xi32, #tpu.memory_space<vmem>>
        %dma_start3A_815 = tpu.memref_squeeze %dma_start3A_814 : memref<1x1x2048xi32, #tpu.memory_space<vmem>> -> memref<1x2048xi32, #tpu.memory_space<vmem>>
        %dma_start3A_816 = arith.constant 0 : i32
        %dma_start3A_817 = tpu.memref_slice %arg4[%dma_start3A_816, %add3A_790] : memref<1x344064xi32, #tpu.memory_space<any>> -> memref<1x2048xi32, #tpu.memory_space<any>>
        tpu.enqueue_dma source(%dma_start3A_817 : memref<1x2048xi32, #tpu.memory_space<any>>) target(%dma_start3A_815 : memref<1x2048xi32, #tpu.memory_space<vmem>>) target_semaphore(%arg13 : memref<!tpu.dma_semaphore, #tpu.memory_space<semaphore_mem>>)
        %dma_wait3A_818 = arith.constant 0 : i32
        %dma_wait3A_819 = arith.constant 0 : i32
        %dma_wait3A_820 = arith.constant 0 : i32
        %dma_wait3A_821 = tpu.memref_slice %arg8[%dma_wait3A_818, %dma_wait3A_819, %dma_wait3A_820] : memref<2x2048x128xf32, #tpu.memory_space<vmem>> -> memref<1x2048x128xf32, #tpu.memory_space<vmem>>
        %dma_wait3A_822 = tpu.memref_squeeze %dma_wait3A_821 : memref<1x2048x128xf32, #tpu.memory_space<vmem>> -> memref<2048x128xf32, #tpu.memory_space<vmem>>
        %dma_wait3A_823 = arith.constant 0 : i32
        %dma_wait3A_824 = tpu.memref_slice %arg3[%add3A_781, %dma_wait3A_823] : memref<344064x128xf32, #tpu.memory_space<any>> -> memref<2048x128xf32, #tpu.memory_space<any>>
        tpu.wait_dma2 semaphore(%arg13 : memref<!tpu.dma_semaphore, #tpu.memory_space<semaphore_mem>>) src(%dma_wait3A_824 : memref<2048x128xf32, #tpu.memory_space<any>>) dst(%dma_wait3A_822 : memref<2048x128xf32, #tpu.memory_space<vmem>>)
        %dma_wait3A_825 = arith.constant 0 : i32
        %dma_wait3A_826 = arith.constant 0 : i32
        %dma_wait3A_827 = arith.constant 0 : i32
        %dma_wait3A_828 = tpu.memref_slice %arg9[%dma_wait3A_825, %dma_wait3A_826, %dma_wait3A_827] : memref<2x1x2048xi32, #tpu.memory_space<vmem>> -> memref<1x1x2048xi32, #tpu.memory_space<vmem>>
        %dma_wait3A_829 = tpu.memref_squeeze %dma_wait3A_828 : memref<1x1x2048xi32, #tpu.memory_space<vmem>> -> memref<1x2048xi32, #tpu.memory_space<vmem>>
        %dma_wait3A_830 = arith.constant 0 : i32
        %dma_wait3A_831 = tpu.memref_slice %arg4[%dma_wait3A_830, %add3A_784] : memref<1x344064xi32, #tpu.memory_space<any>> -> memref<1x2048xi32, #tpu.memory_space<any>>
        tpu.wait_dma2 semaphore(%arg13 : memref<!tpu.dma_semaphore, #tpu.memory_space<semaphore_mem>>) src(%dma_wait3A_831 : memref<1x2048xi32, #tpu.memory_space<any>>) dst(%dma_wait3A_829 : memref<1x2048xi32, #tpu.memory_space<vmem>>)
        %dma_wait3A_832 = arith.constant 1 : i32
        %dma_wait3A_833 = arith.constant 0 : i32
        %dma_wait3A_834 = arith.constant 0 : i32
        %dma_wait3A_835 = tpu.memref_slice %arg8[%dma_wait3A_832, %dma_wait3A_833, %dma_wait3A_834] : memref<2x2048x128xf32, #tpu.memory_space<vmem>> -> memref<1x2048x128xf32, #tpu.memory_space<vmem>>
        %dma_wait3A_836 = tpu.memref_squeeze %dma_wait3A_835 : memref<1x2048x128xf32, #tpu.memory_space<vmem>> -> memref<2048x128xf32, #tpu.memory_space<vmem>>
        %dma_wait3A_837 = arith.constant 0 : i32
        %dma_wait3A_838 = tpu.memref_slice %arg3[%add3A_787, %dma_wait3A_837] : memref<344064x128xf32, #tpu.memory_space<any>> -> memref<2048x128xf32, #tpu.memory_space<any>>
        tpu.wait_dma2 semaphore(%arg13 : memref<!tpu.dma_semaphore, #tpu.memory_space<semaphore_mem>>) src(%dma_wait3A_838 : memref<2048x128xf32, #tpu.memory_space<any>>) dst(%dma_wait3A_836 : memref<2048x128xf32, #tpu.memory_space<vmem>>)
        %dma_wait3A_839 = arith.constant 1 : i32
        %dma_wait3A_840 = arith.constant 0 : i32
        %dma_wait3A_841 = arith.constant 0 : i32
        %dma_wait3A_842 = tpu.memref_slice %arg9[%dma_wait3A_839, %dma_wait3A_840, %dma_wait3A_841] : memref<2x1x2048xi32, #tpu.memory_space<vmem>> -> memref<1x1x2048xi32, #tpu.memory_space<vmem>>
        %dma_wait3A_843 = tpu.memref_squeeze %dma_wait3A_842 : memref<1x1x2048xi32, #tpu.memory_space<vmem>> -> memref<1x2048xi32, #tpu.memory_space<vmem>>
        %dma_wait3A_844 = arith.constant 0 : i32
        %dma_wait3A_845 = tpu.memref_slice %arg4[%dma_wait3A_844, %add3A_790] : memref<1x344064xi32, #tpu.memory_space<any>> -> memref<1x2048xi32, #tpu.memory_space<any>>
        tpu.wait_dma2 semaphore(%arg13 : memref<!tpu.dma_semaphore, #tpu.memory_space<semaphore_mem>>) src(%dma_wait3A_845 : memref<1x2048xi32, #tpu.memory_space<any>>) dst(%dma_wait3A_843 : memref<1x2048xi32, #tpu.memory_space<vmem>>)
        %get3A_846 = arith.constant 0 : index
        %get3A_847 = arith.constant 0 : index
        %get3A_848 = arith.constant 0 : index
        %get3A_849 = vector.load %arg8[%get3A_846, %get3A_847, %get3A_848] : memref<2x2048x128xf32, #tpu.memory_space<vmem>>, vector<1x2048x128xf32>
        %get3A_850 = vector.shape_cast %get3A_849 : vector<1x2048x128xf32> to vector<2048x128xf32>
        %transpose3A_851 = tpu.transpose %get3A_850, [1, 0] : vector<2048x128xf32> -> vector<128x2048xf32>
        %swap3A_852 = arith.index_cast %select_n3A_651 : i32 to index
        %swap3A_853 = arith.constant 0 : index
        %swap3A_854 = arith.constant 0 : index
        %swap3A_855 = vector.load %arg10[%swap3A_852, %swap3A_853, %swap3A_854] : memref<4x128x2048xf32, #tpu.memory_space<vmem>>, vector<1x128x2048xf32>
        %swap3A_856 = vector.shape_cast %swap3A_855 : vector<1x128x2048xf32> to vector<128x2048xf32>
        %swap3A_857 = vector.shape_cast %transpose3A_851 : vector<128x2048xf32> to vector<1x128x2048xf32>
        tpu.vector_store %arg10[%swap3A_852, %swap3A_853, %swap3A_854], %swap3A_857 {strides = array<i32>} : memref<4x128x2048xf32, #tpu.memory_space<vmem>>, vector<1x128x2048xf32>,
        %convert_element_type3A_858 = arith.truncf %transpose3A_851 : vector<128x2048xf32> to vector<128x2048xbf16>
        %swap3A_859 = arith.index_cast %select_n3A_651 : i32 to index
        %swap3A_860 = arith.constant 0 : index
        %swap3A_861 = arith.constant 0 : index
        %swap3A_862 = vector.load %arg11[%swap3A_859, %swap3A_860, %swap3A_861] : memref<4x128x2048xbf16, #tpu.memory_space<vmem>>, vector<1x128x2048xbf16>
        %swap3A_863 = vector.shape_cast %swap3A_862 : vector<1x128x2048xbf16> to vector<128x2048xbf16>
        %swap3A_864 = vector.shape_cast %convert_element_type3A_858 : vector<128x2048xbf16> to vector<1x128x2048xbf16>
        tpu.vector_store %arg11[%swap3A_859, %swap3A_860, %swap3A_861], %swap3A_864 {strides = array<i32>} : memref<4x128x2048xbf16, #tpu.memory_space<vmem>>, vector<1x128x2048xbf16>,
        %get3A_865 = arith.constant 0 : index
        %get3A_866 = arith.constant 0 : index
        %get3A_867 = arith.constant 0 : index
        %get3A_868 = vector.load %arg9[%get3A_865, %get3A_866, %get3A_867] : memref<2x1x2048xi32, #tpu.memory_space<vmem>>, vector<1x1x2048xi32>
        %get3A_869 = vector.shape_cast %get3A_868 : vector<1x1x2048xi32> to vector<1x2048xi32>
        %eq3A_870 = vector.broadcast %get3A_869 : vector<1x2048xi32> to vector<128x2048xi32>
        %eq3A_871 = arith.cmpi eq, %add3A_89, %eq3A_870 : vector<128x2048xi32>
        %convert_element_type3A_872 = arith.extui %eq3A_871 : vector<128x2048xi1> to vector<128x2048xi32>
        %convert_element_type3A_873 = arith.sitofp %convert_element_type3A_872 : vector<128x2048xi32> to vector<128x2048xf32>
        %convert_element_type3A_874 = arith.truncf %convert_element_type3A_873 : vector<128x2048xf32> to vector<128x2048xbf16>
        %swap3A_875 = arith.index_cast %select_n3A_651 : i32 to index
        %swap3A_876 = arith.constant 0 : index
        %swap3A_877 = arith.constant 0 : index
        %swap3A_878 = vector.load %arg12[%swap3A_875, %swap3A_876, %swap3A_877] : memref<4x128x2048xbf16, #tpu.memory_space<vmem>>, vector<1x128x2048xbf16>
        %swap3A_879 = vector.shape_cast %swap3A_878 : vector<1x128x2048xbf16> to vector<128x2048xbf16>
        %swap3A_880 = vector.shape_cast %convert_element_type3A_874 : vector<128x2048xbf16> to vector<1x128x2048xbf16>
        tpu.vector_store %arg12[%swap3A_875, %swap3A_876, %swap3A_877], %swap3A_880 {strides = array<i32>} : memref<4x128x2048xbf16, #tpu.memory_space<vmem>>, vector<1x128x2048xbf16>,
        %get3A_881 = arith.constant 1 : index
        %get3A_882 = arith.constant 0 : index
        %get3A_883 = arith.constant 0 : index
        %get3A_884 = vector.load %arg8[%get3A_881, %get3A_882, %get3A_883] : memref<2x2048x128xf32, #tpu.memory_space<vmem>>, vector<1x2048x128xf32>
        %get3A_885 = vector.shape_cast %get3A_884 : vector<1x2048x128xf32> to vector<2048x128xf32>
        %transpose3A_886 = tpu.transpose %get3A_885, [1, 0] : vector<2048x128xf32> -> vector<128x2048xf32>
        %swap3A_887 = arith.index_cast %select_n3A_655 : i32 to index
        %swap3A_888 = arith.constant 0 : index
        %swap3A_889 = arith.constant 0 : index
        %swap3A_890 = vector.load %arg10[%swap3A_887, %swap3A_888, %swap3A_889] : memref<4x128x2048xf32, #tpu.memory_space<vmem>>, vector<1x128x2048xf32>
        %swap3A_891 = vector.shape_cast %swap3A_890 : vector<1x128x2048xf32> to vector<128x2048xf32>
        %swap3A_892 = vector.shape_cast %transpose3A_886 : vector<128x2048xf32> to vector<1x128x2048xf32>
        tpu.vector_store %arg10[%swap3A_887, %swap3A_888, %swap3A_889], %swap3A_892 {strides = array<i32>} : memref<4x128x2048xf32, #tpu.memory_space<vmem>>, vector<1x128x2048xf32>,
        %convert_element_type3A_893 = arith.truncf %transpose3A_886 : vector<128x2048xf32> to vector<128x2048xbf16>
        %swap3A_894 = arith.index_cast %select_n3A_655 : i32 to index
        %swap3A_895 = arith.constant 0 : index
        %swap3A_896 = arith.constant 0 : index
        %swap3A_897 = vector.load %arg11[%swap3A_894, %swap3A_895, %swap3A_896] : memref<4x128x2048xbf16, #tpu.memory_space<vmem>>, vector<1x128x2048xbf16>
        %swap3A_898 = vector.shape_cast %swap3A_897 : vector<1x128x2048xbf16> to vector<128x2048xbf16>
        %swap3A_899 = vector.shape_cast %convert_element_type3A_893 : vector<128x2048xbf16> to vector<1x128x2048xbf16>
        tpu.vector_store %arg11[%swap3A_894, %swap3A_895, %swap3A_896], %swap3A_899 {strides = array<i32>} : memref<4x128x2048xbf16, #tpu.memory_space<vmem>>, vector<1x128x2048xbf16>,
        %get3A_900 = arith.constant 1 : index
        %get3A_901 = arith.constant 0 : index
        %get3A_902 = arith.constant 0 : index
        %get3A_903 = vector.load %arg9[%get3A_900, %get3A_901, %get3A_902] : memref<2x1x2048xi32, #tpu.memory_space<vmem>>, vector<1x1x2048xi32>
        %get3A_904 = vector.shape_cast %get3A_903 : vector<1x1x2048xi32> to vector<1x2048xi32>
        %eq3A_905 = vector.broadcast %get3A_904 : vector<1x2048xi32> to vector<128x2048xi32>
        %eq3A_906 = arith.cmpi eq, %add3A_89, %eq3A_905 : vector<128x2048xi32>
        %convert_element_type3A_907 = arith.extui %eq3A_906 : vector<128x2048xi1> to vector<128x2048xi32>
        %convert_element_type3A_908 = arith.sitofp %convert_element_type3A_907 : vector<128x2048xi32> to vector<128x2048xf32>
        %convert_element_type3A_909 = arith.truncf %convert_element_type3A_908 : vector<128x2048xf32> to vector<128x2048xbf16>
        %swap3A_910 = arith.index_cast %select_n3A_655 : i32 to index
        %swap3A_911 = arith.constant 0 : index
        %swap3A_912 = arith.constant 0 : index
        %swap3A_913 = vector.load %arg12[%swap3A_910, %swap3A_911, %swap3A_912] : memref<4x128x2048xbf16, #tpu.memory_space<vmem>>, vector<1x128x2048xbf16>
        %swap3A_914 = vector.shape_cast %swap3A_913 : vector<1x128x2048xbf16> to vector<128x2048xbf16>
        %swap3A_915 = vector.shape_cast %convert_element_type3A_909 : vector<128x2048xbf16> to vector<1x128x2048xbf16>
        tpu.vector_store %arg12[%swap3A_910, %swap3A_911, %swap3A_912], %swap3A_915 {strides = array<i32>} : memref<4x128x2048xbf16, #tpu.memory_space<vmem>>, vector<1x128x2048xbf16>,
      } else {
      }
      %get3A_660 = arith.index_cast %select_n3A_651 : i32 to index
      %get3A_661 = arith.constant 0 : index
      %get3A_662 = arith.constant 0 : index
      %get3A_663 = vector.load %arg10[%get3A_660, %get3A_661, %get3A_662] : memref<4x128x2048xf32, #tpu.memory_space<vmem>>, vector<1x128x2048xf32>
      %get3A_664 = vector.shape_cast %get3A_663 : vector<1x128x2048xf32> to vector<128x2048xf32>
      %get3A_665 = arith.index_cast %select_n3A_651 : i32 to index
      %get3A_666 = arith.constant 0 : index
      %get3A_667 = arith.constant 0 : index
      %get3A_668 = vector.load %arg11[%get3A_665, %get3A_666, %get3A_667] : memref<4x128x2048xbf16, #tpu.memory_space<vmem>>, vector<1x128x2048xbf16>
      %get3A_669 = vector.shape_cast %get3A_668 : vector<1x128x2048xbf16> to vector<128x2048xbf16>
      %get3A_670 = arith.index_cast %select_n3A_651 : i32 to index
      %get3A_671 = arith.constant 0 : index
      %get3A_672 = arith.constant 0 : index
      %get3A_673 = vector.load %arg12[%get3A_670, %get3A_671, %get3A_672] : memref<4x128x2048xbf16, #tpu.memory_space<vmem>>, vector<1x128x2048xbf16>
      %get3A_674 = vector.shape_cast %get3A_673 : vector<1x128x2048xbf16> to vector<128x2048xbf16>
      %dot_general3A_675 = arith.constant dense<0.000000e+00> : vector<128x2048xf32>
      %dot_general3A_676 = tpu.matmul %convert_element_type3A_515, %get3A_674, %dot_general3A_675 {dimension_numbers = #tpu.dot_dimension_numbers<[1], [0], [0], [1], [0, 0, 1, 1], [], []>, transpose_lhs_hint = false} : vector<128x128xbf16>, vector<128x2048xbf16>, vector<128x2048xf32> -> vector<128x2048xf32>
      %mul3A_677 = arith.mulf %get3A_664, %dot_general3A_676 : vector<128x2048xf32>
      %slice3A_678 = vector.extract_strided_slice %mul3A_677 {offsets = [0, 0], sizes = [32, 2048], strides = [1, 1]} : vector<128x2048xf32> to vector<32x2048xf32>
      %reduce_sum3A_679 = arith.constant dense<0.000000e+00> : vector<2048xf32>
      %reduce_sum3A_680 = vector.multi_reduction <add>, %slice3A_678, %reduce_sum3A_679 [0] : vector<32x2048xf32> to vector<2048xf32>
      %broadcast_in_dim3A_681 = vector.shape_cast %reduce_sum3A_680 : vector<2048xf32> to vector<1x2048xf32>
      %slice3A_682 = vector.extract_strided_slice %mul3A_677 {offsets = [32, 0], sizes = [32, 2048], strides = [1, 1]} : vector<128x2048xf32> to vector<32x2048xf32>
      %reduce_sum3A_683 = arith.constant dense<0.000000e+00> : vector<2048xf32>
      %reduce_sum3A_684 = vector.multi_reduction <add>, %slice3A_682, %reduce_sum3A_683 [0] : vector<32x2048xf32> to vector<2048xf32>
      %broadcast_in_dim3A_685 = vector.shape_cast %reduce_sum3A_684 : vector<2048xf32> to vector<1x2048xf32>
      %slice3A_686 = vector.extract_strided_slice %mul3A_677 {offsets = [64, 0], sizes = [32, 2048], strides = [1, 1]} : vector<128x2048xf32> to vector<32x2048xf32>
      %reduce_sum3A_687 = arith.constant dense<0.000000e+00> : vector<2048xf32>
      %reduce_sum3A_688 = vector.multi_reduction <add>, %slice3A_686, %reduce_sum3A_687 [0] : vector<32x2048xf32> to vector<2048xf32>
      %broadcast_in_dim3A_689 = vector.shape_cast %reduce_sum3A_688 : vector<2048xf32> to vector<1x2048xf32>
      %slice3A_690 = vector.extract_strided_slice %mul3A_677 {offsets = [96, 0], sizes = [32, 2048], strides = [1, 1]} : vector<128x2048xf32> to vector<32x2048xf32>
      %reduce_sum3A_691 = arith.constant dense<0.000000e+00> : vector<2048xf32>
      %reduce_sum3A_692 = vector.multi_reduction <add>, %slice3A_690, %reduce_sum3A_691 [0] : vector<32x2048xf32> to vector<2048xf32>
      %broadcast_in_dim3A_693 = vector.shape_cast %reduce_sum3A_692 : vector<2048xf32> to vector<1x2048xf32>
      %concatenate3A_694 = tpu.concatenate %broadcast_in_dim3A_681, %broadcast_in_dim3A_685, %broadcast_in_dim3A_689, %broadcast_in_dim3A_693 in 0 : vector<1x2048xf32>, vector<1x2048xf32>, vector<1x2048xf32>, vector<1x2048xf32> -> vector<4x2048xf32>
      %exp3A = math.exp %concatenate3A_694 : vector<4x2048xf32>
      %reduce_sum3A_695 = arith.constant dense<0.000000e+00> : vector<2048xf32>
      %reduce_sum3A_696 = vector.multi_reduction <add>, %exp3A, %reduce_sum3A_695 [0] : vector<4x2048xf32> to vector<2048xf32>
      %broadcast_in_dim3A_697 = vector.shape_cast %reduce_sum3A_696 : vector<2048xf32> to vector<1x2048xf32>
      %div3A_698 = vector.broadcast %broadcast_in_dim3A_697 : vector<1x2048xf32> to vector<4x2048xf32>
      %div3A_699 = arith.divf %exp3A, %div3A_698 : vector<4x2048xf32>
      %convert_element_type3A_700 = arith.truncf %div3A_699 : vector<4x2048xf32> to vector<4x2048xbf16>
      %slice3A_701 = vector.extract_strided_slice %convert_element_type3A_700 {offsets = [0, 0], sizes = [1, 2048], strides = [1, 1]} : vector<4x2048xbf16> to vector<1x2048xbf16>
      %broadcast_in_dim3A_702 = vector.shape_cast %slice3A_701 : vector<1x2048xbf16> to vector<1x2048xbf16>
      %broadcast_in_dim3A_703 = vector.broadcast %broadcast_in_dim3A_702 : vector<1x2048xbf16> to vector<32x2048xbf16>
      %slice3A_704 = vector.extract_strided_slice %convert_element_type3A_700 {offsets = [1, 0], sizes = [1, 2048], strides = [1, 1]} : vector<4x2048xbf16> to vector<1x2048xbf16>
      %broadcast_in_dim3A_705 = vector.shape_cast %slice3A_704 : vector<1x2048xbf16> to vector<1x2048xbf16>
      %broadcast_in_dim3A_706 = vector.broadcast %broadcast_in_dim3A_705 : vector<1x2048xbf16> to vector<32x2048xbf16>
      %slice3A_707 = vector.extract_strided_slice %convert_element_type3A_700 {offsets = [2, 0], sizes = [1, 2048], strides = [1, 1]} : vector<4x2048xbf16> to vector<1x2048xbf16>
      %broadcast_in_dim3A_708 = vector.shape_cast %slice3A_707 : vector<1x2048xbf16> to vector<1x2048xbf16>
      %broadcast_in_dim3A_709 = vector.broadcast %broadcast_in_dim3A_708 : vector<1x2048xbf16> to vector<32x2048xbf16>
      %slice3A_710 = vector.extract_strided_slice %convert_element_type3A_700 {offsets = [3, 0], sizes = [1, 2048], strides = [1, 1]} : vector<4x2048xbf16> to vector<1x2048xbf16>
      %broadcast_in_dim3A_711 = vector.shape_cast %slice3A_710 : vector<1x2048xbf16> to vector<1x2048xbf16>
      %broadcast_in_dim3A_712 = vector.broadcast %broadcast_in_dim3A_711 : vector<1x2048xbf16> to vector<32x2048xbf16>
      %concatenate3A_713 = tpu.concatenate %broadcast_in_dim3A_703, %broadcast_in_dim3A_706, %broadcast_in_dim3A_709, %broadcast_in_dim3A_712 in 0 : vector<32x2048xbf16>, vector<32x2048xbf16>, vector<32x2048xbf16>, vector<32x2048xbf16> -> vector<128x2048xbf16>
      %mul3A_714 = arith.mulf %concatenate3A_713, %get3A_669 : vector<128x2048xbf16>
      %dot_general3A_715 = arith.constant dense<0.000000e+00> : vector<128x128xf32>
      %dot_general3A_716 = tpu.matmul %mul3A_714, %get3A_674, %dot_general3A_715 {dimension_numbers = #tpu.dot_dimension_numbers<[1], [1], [0], [0], [0, 0, 1, 0], [], []>, transpose_lhs_hint = false} : vector<128x2048xbf16>, vector<128x2048xbf16>, vector<128x128xf32> -> vector<128x128xf32>
      %add3A_717 = arith.addf %while3A_647, %dot_general3A_716 : vector<128x128xf32>
      %get3A_718 = arith.index_cast %select_n3A_655 : i32 to index
      %get3A_719 = arith.constant 0 : index
      %get3A_720 = arith.constant 0 : index
      %get3A_721 = vector.load %arg10[%get3A_718, %get3A_719, %get3A_720] : memref<4x128x2048xf32, #tpu.memory_space<vmem>>, vector<1x128x2048xf32>
      %get3A_722 = vector.shape_cast %get3A_721 : vector<1x128x2048xf32> to vector<128x2048xf32>
      %get3A_723 = arith.index_cast %select_n3A_655 : i32 to index
      %get3A_724 = arith.constant 0 : index
      %get3A_725 = arith.constant 0 : index
      %get3A_726 = vector.load %arg11[%get3A_723, %get3A_724, %get3A_725] : memref<4x128x2048xbf16, #tpu.memory_space<vmem>>, vector<1x128x2048xbf16>
      %get3A_727 = vector.shape_cast %get3A_726 : vector<1x128x2048xbf16> to vector<128x2048xbf16>
      %get3A_728 = arith.index_cast %select_n3A_655 : i32 to index
      %get3A_729 = arith.constant 0 : index
      %get3A_730 = arith.constant 0 : index
      %get3A_731 = vector.load %arg12[%get3A_728, %get3A_729, %get3A_730] : memref<4x128x2048xbf16, #tpu.memory_space<vmem>>, vector<1x128x2048xbf16>
      %get3A_732 = vector.shape_cast %get3A_731 : vector<1x128x2048xbf16> to vector<128x2048xbf16>
      %dot_general3A_733 = arith.constant dense<0.000000e+00> : vector<128x2048xf32>
      %dot_general3A_734 = tpu.matmul %convert_element_type3A_515, %get3A_732, %dot_general3A_733 {dimension_numbers = #tpu.dot_dimension_numbers<[1], [0], [0], [1], [0, 0, 1, 1], [], []>, transpose_lhs_hint = false} : vector<128x128xbf16>, vector<128x2048xbf16>, vector<128x2048xf32> -> vector<128x2048xf32>
      %mul3A_735 = arith.mulf %get3A_722, %dot_general3A_734 : vector<128x2048xf32>
      %slice3A_736 = vector.extract_strided_slice %mul3A_735 {offsets = [0, 0], sizes = [32, 2048], strides = [1, 1]} : vector<128x2048xf32> to vector<32x2048xf32>
      %reduce_sum3A_737 = arith.constant dense<0.000000e+00> : vector<2048xf32>
      %reduce_sum3A_738 = vector.multi_reduction <add>, %slice3A_736, %reduce_sum3A_737 [0] : vector<32x2048xf32> to vector<2048xf32>
      %broadcast_in_dim3A_739 = vector.shape_cast %reduce_sum3A_738 : vector<2048xf32> to vector<1x2048xf32>
      %slice3A_740 = vector.extract_strided_slice %mul3A_735 {offsets = [32, 0], sizes = [32, 2048], strides = [1, 1]} : vector<128x2048xf32> to vector<32x2048xf32>
      %reduce_sum3A_741 = arith.constant dense<0.000000e+00> : vector<2048xf32>
      %reduce_sum3A_742 = vector.multi_reduction <add>, %slice3A_740, %reduce_sum3A_741 [0] : vector<32x2048xf32> to vector<2048xf32>
      %broadcast_in_dim3A_743 = vector.shape_cast %reduce_sum3A_742 : vector<2048xf32> to vector<1x2048xf32>
      %slice3A_744 = vector.extract_strided_slice %mul3A_735 {offsets = [64, 0], sizes = [32, 2048], strides = [1, 1]} : vector<128x2048xf32> to vector<32x2048xf32>
      %reduce_sum3A_745 = arith.constant dense<0.000000e+00> : vector<2048xf32>
      %reduce_sum3A_746 = vector.multi_reduction <add>, %slice3A_744, %reduce_sum3A_745 [0] : vector<32x2048xf32> to vector<2048xf32>
      %broadcast_in_dim3A_747 = vector.shape_cast %reduce_sum3A_746 : vector<2048xf32> to vector<1x2048xf32>
      %slice3A_748 = vector.extract_strided_slice %mul3A_735 {offsets = [96, 0], sizes = [32, 2048], strides = [1, 1]} : vector<128x2048xf32> to vector<32x2048xf32>
      %reduce_sum3A_749 = arith.constant dense<0.000000e+00> : vector<2048xf32>
      %reduce_sum3A_750 = vector.multi_reduction <add>, %slice3A_748, %reduce_sum3A_749 [0] : vector<32x2048xf32> to vector<2048xf32>
      %broadcast_in_dim3A_751 = vector.shape_cast %reduce_sum3A_750 : vector<2048xf32> to vector<1x2048xf32>
      %concatenate3A_752 = tpu.concatenate %broadcast_in_dim3A_739, %broadcast_in_dim3A_743, %broadcast_in_dim3A_747, %broadcast_in_dim3A_751 in 0 : vector<1x2048xf32>, vector<1x2048xf32>, vector<1x2048xf32>, vector<1x2048xf32> -> vector<4x2048xf32>
      %exp3A_753 = math.exp %concatenate3A_752 : vector<4x2048xf32>
      %reduce_sum3A_754 = arith.constant dense<0.000000e+00> : vector<2048xf32>
      %reduce_sum3A_755 = vector.multi_reduction <add>, %exp3A_753, %reduce_sum3A_754 [0] : vector<4x2048xf32> to vector<2048xf32>
      %broadcast_in_dim3A_756 = vector.shape_cast %reduce_sum3A_755 : vector<2048xf32> to vector<1x2048xf32>
      %div3A_757 = vector.broadcast %broadcast_in_dim3A_756 : vector<1x2048xf32> to vector<4x2048xf32>
      %div3A_758 = arith.divf %exp3A_753, %div3A_757 : vector<4x2048xf32>
      %convert_element_type3A_759 = arith.truncf %div3A_758 : vector<4x2048xf32> to vector<4x2048xbf16>
      %slice3A_760 = vector.extract_strided_slice %convert_element_type3A_759 {offsets = [0, 0], sizes = [1, 2048], strides = [1, 1]} : vector<4x2048xbf16> to vector<1x2048xbf16>
      %broadcast_in_dim3A_761 = vector.shape_cast %slice3A_760 : vector<1x2048xbf16> to vector<1x2048xbf16>
      %broadcast_in_dim3A_762 = vector.broadcast %broadcast_in_dim3A_761 : vector<1x2048xbf16> to vector<32x2048xbf16>
      %slice3A_763 = vector.extract_strided_slice %convert_element_type3A_759 {offsets = [1, 0], sizes = [1, 2048], strides = [1, 1]} : vector<4x2048xbf16> to vector<1x2048xbf16>
      %broadcast_in_dim3A_764 = vector.shape_cast %slice3A_763 : vector<1x2048xbf16> to vector<1x2048xbf16>
      %broadcast_in_dim3A_765 = vector.broadcast %broadcast_in_dim3A_764 : vector<1x2048xbf16> to vector<32x2048xbf16>
      %slice3A_766 = vector.extract_strided_slice %convert_element_type3A_759 {offsets = [2, 0], sizes = [1, 2048], strides = [1, 1]} : vector<4x2048xbf16> to vector<1x2048xbf16>
      %broadcast_in_dim3A_767 = vector.shape_cast %slice3A_766 : vector<1x2048xbf16> to vector<1x2048xbf16>
      %broadcast_in_dim3A_768 = vector.broadcast %broadcast_in_dim3A_767 : vector<1x2048xbf16> to vector<32x2048xbf16>
      %slice3A_769 = vector.extract_strided_slice %convert_element_type3A_759 {offsets = [3, 0], sizes = [1, 2048], strides = [1, 1]} : vector<4x2048xbf16> to vector<1x2048xbf16>
      %broadcast_in_dim3A_770 = vector.shape_cast %slice3A_769 : vector<1x2048xbf16> to vector<1x2048xbf16>
      %broadcast_in_dim3A_771 = vector.broadcast %broadcast_in_dim3A_770 : vector<1x2048xbf16> to vector<32x2048xbf16>
      %concatenate3A_772 = tpu.concatenate %broadcast_in_dim3A_762, %broadcast_in_dim3A_765, %broadcast_in_dim3A_768, %broadcast_in_dim3A_771 in 0 : vector<32x2048xbf16>, vector<32x2048xbf16>, vector<32x2048xbf16>, vector<32x2048xbf16> -> vector<128x2048xbf16>
      %mul3A_773 = arith.mulf %concatenate3A_772, %get3A_727 : vector<128x2048xbf16>
      %dot_general3A_774 = arith.constant dense<0.000000e+00> : vector<128x128xf32>
      %dot_general3A_775 = tpu.matmul %mul3A_773, %get3A_732, %dot_general3A_774 {dimension_numbers = #tpu.dot_dimension_numbers<[1], [1], [0], [0], [0, 0, 1, 0], [], []>, transpose_lhs_hint = false} : vector<128x2048xbf16>, vector<128x2048xbf16>, vector<128x128xf32> -> vector<128x128xf32>
      %add3A_776 = arith.addf %add3A_717, %dot_general3A_775 : vector<128x128xf32>
      scf.yield %add3A_776 : vector<128x128xf32>
    }
    %add3A_529 = arith.addf %transpose3A_352, %while3A_528 : vector<128x128xf32>
    %mul3A_530 = arith.mulf %add3A_529, %add3A_529 : vector<128x128xf32>
    %slice3A_531 = vector.extract_strided_slice %mul3A_530 {offsets = [0, 0], sizes = [32, 128], strides = [1, 1]} : vector<128x128xf32> to vector<32x128xf32>
    %reduce_sum3A_532 = arith.constant dense<0.000000e+00> : vector<128xf32>
    %reduce_sum3A_533 = vector.multi_reduction <add>, %slice3A_531, %reduce_sum3A_532 [0] : vector<32x128xf32> to vector<128xf32>
    %broadcast_in_dim3A_534 = vector.shape_cast %reduce_sum3A_533 : vector<128xf32> to vector<1x128xf32>
    %slice3A_535 = vector.extract_strided_slice %mul3A_530 {offsets = [32, 0], sizes = [32, 128], strides = [1, 1]} : vector<128x128xf32> to vector<32x128xf32>
    %reduce_sum3A_536 = arith.constant dense<0.000000e+00> : vector<128xf32>
    %reduce_sum3A_537 = vector.multi_reduction <add>, %slice3A_535, %reduce_sum3A_536 [0] : vector<32x128xf32> to vector<128xf32>
    %broadcast_in_dim3A_538 = vector.shape_cast %reduce_sum3A_537 : vector<128xf32> to vector<1x128xf32>
    %slice3A_539 = vector.extract_strided_slice %mul3A_530 {offsets = [64, 0], sizes = [32, 128], strides = [1, 1]} : vector<128x128xf32> to vector<32x128xf32>
    %reduce_sum3A_540 = arith.constant dense<0.000000e+00> : vector<128xf32>
    %reduce_sum3A_541 = vector.multi_reduction <add>, %slice3A_539, %reduce_sum3A_540 [0] : vector<32x128xf32> to vector<128xf32>
    %broadcast_in_dim3A_542 = vector.shape_cast %reduce_sum3A_541 : vector<128xf32> to vector<1x128xf32>
    %slice3A_543 = vector.extract_strided_slice %mul3A_530 {offsets = [96, 0], sizes = [32, 128], strides = [1, 1]} : vector<128x128xf32> to vector<32x128xf32>
    %reduce_sum3A_544 = arith.constant dense<0.000000e+00> : vector<128xf32>
    %reduce_sum3A_545 = vector.multi_reduction <add>, %slice3A_543, %reduce_sum3A_544 [0] : vector<32x128xf32> to vector<128xf32>
    %broadcast_in_dim3A_546 = vector.shape_cast %reduce_sum3A_545 : vector<128xf32> to vector<1x128xf32>
    %concatenate3A_547 = tpu.concatenate %broadcast_in_dim3A_534, %broadcast_in_dim3A_538, %broadcast_in_dim3A_542, %broadcast_in_dim3A_546 in 0 : vector<1x128xf32>, vector<1x128xf32>, vector<1x128xf32>, vector<1x128xf32> -> vector<4x128xf32>
    %sqrt3A_548 = math.sqrt %concatenate3A_547 : vector<4x128xf32>
    %max3A_549 = arith.constant 9.99999996E-13 : f32
    %max3A_550 = vector.broadcast %max3A_549 : f32 to vector<4x128xf32>
    %max3A_551 = arith.maximumf %sqrt3A_548, %max3A_550 : vector<4x128xf32>
    %div3A_552 = arith.constant 1.000000e+00 : f32
    %div3A_553 = vector.broadcast %div3A_552 : f32 to vector<4x128xf32>
    %div3A_554 = arith.divf %div3A_553, %max3A_551 : vector<4x128xf32>
    %slice3A_555 = vector.extract_strided_slice %div3A_554 {offsets = [0, 0], sizes = [1, 128], strides = [1, 1]} : vector<4x128xf32> to vector<1x128xf32>
    %broadcast_in_dim3A_556 = vector.shape_cast %slice3A_555 : vector<1x128xf32> to vector<1x128xf32>
    %broadcast_in_dim3A_557 = vector.broadcast %broadcast_in_dim3A_556 : vector<1x128xf32> to vector<32x128xf32>
    %slice3A_558 = vector.extract_strided_slice %div3A_554 {offsets = [1, 0], sizes = [1, 128], strides = [1, 1]} : vector<4x128xf32> to vector<1x128xf32>
    %broadcast_in_dim3A_559 = vector.shape_cast %slice3A_558 : vector<1x128xf32> to vector<1x128xf32>
    %broadcast_in_dim3A_560 = vector.broadcast %broadcast_in_dim3A_559 : vector<1x128xf32> to vector<32x128xf32>
    %slice3A_561 = vector.extract_strided_slice %div3A_554 {offsets = [2, 0], sizes = [1, 128], strides = [1, 1]} : vector<4x128xf32> to vector<1x128xf32>
    %broadcast_in_dim3A_562 = vector.shape_cast %slice3A_561 : vector<1x128xf32> to vector<1x128xf32>
    %broadcast_in_dim3A_563 = vector.broadcast %broadcast_in_dim3A_562 : vector<1x128xf32> to vector<32x128xf32>
    %slice3A_564 = vector.extract_strided_slice %div3A_554 {offsets = [3, 0], sizes = [1, 128], strides = [1, 1]} : vector<4x128xf32> to vector<1x128xf32>
    %broadcast_in_dim3A_565 = vector.shape_cast %slice3A_564 : vector<1x128xf32> to vector<1x128xf32>
    %broadcast_in_dim3A_566 = vector.broadcast %broadcast_in_dim3A_565 : vector<1x128xf32> to vector<32x128xf32>
    %concatenate3A_567 = tpu.concatenate %broadcast_in_dim3A_557, %broadcast_in_dim3A_560, %broadcast_in_dim3A_563, %broadcast_in_dim3A_566 in 0 : vector<32x128xf32>, vector<32x128xf32>, vector<32x128xf32>, vector<32x128xf32> -> vector<128x128xf32>
    %mul3A_568 = arith.mulf %add3A_529, %concatenate3A_567 : vector<128x128xf32>
    %dot_general3A_569 = arith.constant dense<0.000000e+00> : vector<128x128xf32>
    %dot_general3A_570 = tpu.matmul %convert_element_type3A_84, %mul3A_568, %dot_general3A_569 {dimension_numbers = #tpu.dot_dimension_numbers<[1], [0], [0], [1], [0, 0, 1, 1], [], []>, transpose_lhs_hint = false} : vector<128x128xf32>, vector<128x128xf32>, vector<128x128xf32> -> vector<128x128xf32>
    %convert_element_type3A_571 = arith.truncf %dot_general3A_570 : vector<128x128xf32> to vector<128x128xbf16>
    %broadcast_in_dim3A_572 = arith.constant 0.000000e+00 : f32
    %broadcast_in_dim3A_573 = vector.broadcast %broadcast_in_dim3A_572 : f32 to vector<128x128xf32>
    %while3A_574 = arith.constant 0 : i32
    %while3A_575 = arith.subi %div3A_29, %while3A_574 : i32
    %while3A_576 = arith.addi %while3A_574, %while3A_575 : i32
    %while3A_577 = arith.constant 1 : i32
    %while3A_578 = arith.divsi %while3A_575, %while3A_577 : i32
    %while3A_579 = arith.muli %while3A_578, %while3A_577 : i32
    %while3A_580 = arith.addi %while3A_574, %while3A_579 : i32
    %while3A_581 = arith.constant 1 : i32
    %while3A_582 = scf.for %while3A_646 = %while3A_574 to %while3A_580 step %while3A_581 iter_args(%while3A_647 = %broadcast_in_dim3A_573) -> (vector<128x128xf32>)  : i32 {
      %mul3A_648 = arith.constant 2 : i32
      %mul3A_649 = arith.muli %mul3A_648, %while3A_646 : i32
      %jit3A_650 = arith.constant 0 : i32
      %select_n3A_651 = arith.select %le3A_30, %mul3A_649, %jit3A_650 : i32
      %add3A_652 = arith.constant 1 : i32
      %add3A_653 = arith.addi %mul3A_649, %add3A_652 : i32
      %jit3A_654 = arith.constant 1 : i32
      %select_n3A_655 = arith.select %le3A_30, %add3A_653, %jit3A_654 : i32
      %not3A = arith.constant true
      %not3A_656 = arith.xori %le3A_30, %not3A : i1
      %convert_element_type3A_657 = arith.extui %not3A_656 : i1 to i32
      %cond3A_658 = arith.constant 0 : i32
      %cond3A_659 = arith.cmpi ne, %convert_element_type3A_657, %cond3A_658 : i32
      scf.if %cond3A_659 {
        %add3A_777 = arith.constant 1 : i32
        %add3A_778 = arith.addi %mul3A_649, %add3A_777 : i32
        %mul3A_779 = arith.constant 2048 : i32
        %mul3A_780 = arith.muli %mul3A_649, %mul3A_779 : i32
        %add3A_781 = arith.addi %multiple_of3A, %mul3A_780 : i32
        %mul3A_782 = arith.constant 2048 : i32
        %mul3A_783 = arith.muli %mul3A_649, %mul3A_782 : i32
        %add3A_784 = arith.addi %multiple_of3A, %mul3A_783 : i32
        %mul3A_785 = arith.constant 2048 : i32
        %mul3A_786 = arith.muli %add3A_778, %mul3A_785 : i32
        %add3A_787 = arith.addi %multiple_of3A, %mul3A_786 : i32
        %mul3A_788 = arith.constant 2048 : i32
        %mul3A_789 = arith.muli %add3A_778, %mul3A_788 : i32
        %add3A_790 = arith.addi %multiple_of3A, %mul3A_789 : i32
        %dma_start3A = arith.constant 0 : i32
        %dma_start3A_791 = arith.constant 0 : i32
        %dma_start3A_792 = arith.constant 0 : i32
        %dma_start3A_793 = tpu.memref_slice %arg8[%dma_start3A, %dma_start3A_791, %dma_start3A_792] : memref<2x2048x128xf32, #tpu.memory_space<vmem>> -> memref<1x2048x128xf32, #tpu.memory_space<vmem>>
        %dma_start3A_794 = tpu.memref_squeeze %dma_start3A_793 : memref<1x2048x128xf32, #tpu.memory_space<vmem>> -> memref<2048x128xf32, #tpu.memory_space<vmem>>
        %dma_start3A_795 = arith.constant 0 : i32
        %dma_start3A_796 = tpu.memref_slice %arg3[%add3A_781, %dma_start3A_795] : memref<344064x128xf32, #tpu.memory_space<any>> -> memref<2048x128xf32, #tpu.memory_space<any>>
        tpu.enqueue_dma source(%dma_start3A_796 : memref<2048x128xf32, #tpu.memory_space<any>>) target(%dma_start3A_794 : memref<2048x128xf32, #tpu.memory_space<vmem>>) target_semaphore(%arg13 : memref<!tpu.dma_semaphore, #tpu.memory_space<semaphore_mem>>)
        %dma_start3A_797 = arith.constant 0 : i32
        %dma_start3A_798 = arith.constant 0 : i32
        %dma_start3A_799 = arith.constant 0 : i32
        %dma_start3A_800 = tpu.memref_slice %arg9[%dma_start3A_797, %dma_start3A_798, %dma_start3A_799] : memref<2x1x2048xi32, #tpu.memory_space<vmem>> -> memref<1x1x2048xi32, #tpu.memory_space<vmem>>
        %dma_start3A_801 = tpu.memref_squeeze %dma_start3A_800 : memref<1x1x2048xi32, #tpu.memory_space<vmem>> -> memref<1x2048xi32, #tpu.memory_space<vmem>>
        %dma_start3A_802 = arith.constant 0 : i32
        %dma_start3A_803 = tpu.memref_slice %arg4[%dma_start3A_802, %add3A_784] : memref<1x344064xi32, #tpu.memory_space<any>> -> memref<1x2048xi32, #tpu.memory_space<any>>
        tpu.enqueue_dma source(%dma_start3A_803 : memref<1x2048xi32, #tpu.memory_space<any>>) target(%dma_start3A_801 : memref<1x2048xi32, #tpu.memory_space<vmem>>) target_semaphore(%arg13 : memref<!tpu.dma_semaphore, #tpu.memory_space<semaphore_mem>>)
        %dma_start3A_804 = arith.constant 1 : i32
        %dma_start3A_805 = arith.constant 0 : i32
        %dma_start3A_806 = arith.constant 0 : i32
        %dma_start3A_807 = tpu.memref_slice %arg8[%dma_start3A_804, %dma_start3A_805, %dma_start3A_806] : memref<2x2048x128xf32, #tpu.memory_space<vmem>> -> memref<1x2048x128xf32, #tpu.memory_space<vmem>>
        %dma_start3A_808 = tpu.memref_squeeze %dma_start3A_807 : memref<1x2048x128xf32, #tpu.memory_space<vmem>> -> memref<2048x128xf32, #tpu.memory_space<vmem>>
        %dma_start3A_809 = arith.constant 0 : i32
        %dma_start3A_810 = tpu.memref_slice %arg3[%add3A_787, %dma_start3A_809] : memref<344064x128xf32, #tpu.memory_space<any>> -> memref<2048x128xf32, #tpu.memory_space<any>>
        tpu.enqueue_dma source(%dma_start3A_810 : memref<2048x128xf32, #tpu.memory_space<any>>) target(%dma_start3A_808 : memref<2048x128xf32, #tpu.memory_space<vmem>>) target_semaphore(%arg13 : memref<!tpu.dma_semaphore, #tpu.memory_space<semaphore_mem>>)
        %dma_start3A_811 = arith.constant 1 : i32
        %dma_start3A_812 = arith.constant 0 : i32
        %dma_start3A_813 = arith.constant 0 : i32
        %dma_start3A_814 = tpu.memref_slice %arg9[%dma_start3A_811, %dma_start3A_812, %dma_start3A_813] : memref<2x1x2048xi32, #tpu.memory_space<vmem>> -> memref<1x1x2048xi32, #tpu.memory_space<vmem>>
        %dma_start3A_815 = tpu.memref_squeeze %dma_start3A_814 : memref<1x1x2048xi32, #tpu.memory_space<vmem>> -> memref<1x2048xi32, #tpu.memory_space<vmem>>
        %dma_start3A_816 = arith.constant 0 : i32
        %dma_start3A_817 = tpu.memref_slice %arg4[%dma_start3A_816, %add3A_790] : memref<1x344064xi32, #tpu.memory_space<any>> -> memref<1x2048xi32, #tpu.memory_space<any>>
        tpu.enqueue_dma source(%dma_start3A_817 : memref<1x2048xi32, #tpu.memory_space<any>>) target(%dma_start3A_815 : memref<1x2048xi32, #tpu.memory_space<vmem>>) target_semaphore(%arg13 : memref<!tpu.dma_semaphore, #tpu.memory_space<semaphore_mem>>)
        %dma_wait3A_818 = arith.constant 0 : i32
        %dma_wait3A_819 = arith.constant 0 : i32
        %dma_wait3A_820 = arith.constant 0 : i32
        %dma_wait3A_821 = tpu.memref_slice %arg8[%dma_wait3A_818, %dma_wait3A_819, %dma_wait3A_820] : memref<2x2048x128xf32, #tpu.memory_space<vmem>> -> memref<1x2048x128xf32, #tpu.memory_space<vmem>>
        %dma_wait3A_822 = tpu.memref_squeeze %dma_wait3A_821 : memref<1x2048x128xf32, #tpu.memory_space<vmem>> -> memref<2048x128xf32, #tpu.memory_space<vmem>>
        %dma_wait3A_823 = arith.constant 0 : i32
        %dma_wait3A_824 = tpu.memref_slice %arg3[%add3A_781, %dma_wait3A_823] : memref<344064x128xf32, #tpu.memory_space<any>> -> memref<2048x128xf32, #tpu.memory_space<any>>
        tpu.wait_dma2 semaphore(%arg13 : memref<!tpu.dma_semaphore, #tpu.memory_space<semaphore_mem>>) src(%dma_wait3A_824 : memref<2048x128xf32, #tpu.memory_space<any>>) dst(%dma_wait3A_822 : memref<2048x128xf32, #tpu.memory_space<vmem>>)
        %dma_wait3A_825 = arith.constant 0 : i32
        %dma_wait3A_826 = arith.constant 0 : i32
        %dma_wait3A_827 = arith.constant 0 : i32
        %dma_wait3A_828 = tpu.memref_slice %arg9[%dma_wait3A_825, %dma_wait3A_826, %dma_wait3A_827] : memref<2x1x2048xi32, #tpu.memory_space<vmem>> -> memref<1x1x2048xi32, #tpu.memory_space<vmem>>
        %dma_wait3A_829 = tpu.memref_squeeze %dma_wait3A_828 : memref<1x1x2048xi32, #tpu.memory_space<vmem>> -> memref<1x2048xi32, #tpu.memory_space<vmem>>
        %dma_wait3A_830 = arith.constant 0 : i32
        %dma_wait3A_831 = tpu.memref_slice %arg4[%dma_wait3A_830, %add3A_784] : memref<1x344064xi32, #tpu.memory_space<any>> -> memref<1x2048xi32, #tpu.memory_space<any>>
        tpu.wait_dma2 semaphore(%arg13 : memref<!tpu.dma_semaphore, #tpu.memory_space<semaphore_mem>>) src(%dma_wait3A_831 : memref<1x2048xi32, #tpu.memory_space<any>>) dst(%dma_wait3A_829 : memref<1x2048xi32, #tpu.memory_space<vmem>>)
        %dma_wait3A_832 = arith.constant 1 : i32
        %dma_wait3A_833 = arith.constant 0 : i32
        %dma_wait3A_834 = arith.constant 0 : i32
        %dma_wait3A_835 = tpu.memref_slice %arg8[%dma_wait3A_832, %dma_wait3A_833, %dma_wait3A_834] : memref<2x2048x128xf32, #tpu.memory_space<vmem>> -> memref<1x2048x128xf32, #tpu.memory_space<vmem>>
        %dma_wait3A_836 = tpu.memref_squeeze %dma_wait3A_835 : memref<1x2048x128xf32, #tpu.memory_space<vmem>> -> memref<2048x128xf32, #tpu.memory_space<vmem>>
        %dma_wait3A_837 = arith.constant 0 : i32
        %dma_wait3A_838 = tpu.memref_slice %arg3[%add3A_787, %dma_wait3A_837] : memref<344064x128xf32, #tpu.memory_space<any>> -> memref<2048x128xf32, #tpu.memory_space<any>>
        tpu.wait_dma2 semaphore(%arg13 : memref<!tpu.dma_semaphore, #tpu.memory_space<semaphore_mem>>) src(%dma_wait3A_838 : memref<2048x128xf32, #tpu.memory_space<any>>) dst(%dma_wait3A_836 : memref<2048x128xf32, #tpu.memory_space<vmem>>)
        %dma_wait3A_839 = arith.constant 1 : i32
        %dma_wait3A_840 = arith.constant 0 : i32
        %dma_wait3A_841 = arith.constant 0 : i32
        %dma_wait3A_842 = tpu.memref_slice %arg9[%dma_wait3A_839, %dma_wait3A_840, %dma_wait3A_841] : memref<2x1x2048xi32, #tpu.memory_space<vmem>> -> memref<1x1x2048xi32, #tpu.memory_space<vmem>>
        %dma_wait3A_843 = tpu.memref_squeeze %dma_wait3A_842 : memref<1x1x2048xi32, #tpu.memory_space<vmem>> -> memref<1x2048xi32, #tpu.memory_space<vmem>>
        %dma_wait3A_844 = arith.constant 0 : i32
        %dma_wait3A_845 = tpu.memref_slice %arg4[%dma_wait3A_844, %add3A_790] : memref<1x344064xi32, #tpu.memory_space<any>> -> memref<1x2048xi32, #tpu.memory_space<any>>
        tpu.wait_dma2 semaphore(%arg13 : memref<!tpu.dma_semaphore, #tpu.memory_space<semaphore_mem>>) src(%dma_wait3A_845 : memref<1x2048xi32, #tpu.memory_space<any>>) dst(%dma_wait3A_843 : memref<1x2048xi32, #tpu.memory_space<vmem>>)
        %get3A_846 = arith.constant 0 : index
        %get3A_847 = arith.constant 0 : index
        %get3A_848 = arith.constant 0 : index
        %get3A_849 = vector.load %arg8[%get3A_846, %get3A_847, %get3A_848] : memref<2x2048x128xf32, #tpu.memory_space<vmem>>, vector<1x2048x128xf32>
        %get3A_850 = vector.shape_cast %get3A_849 : vector<1x2048x128xf32> to vector<2048x128xf32>
        %transpose3A_851 = tpu.transpose %get3A_850, [1, 0] : vector<2048x128xf32> -> vector<128x2048xf32>
        %swap3A_852 = arith.index_cast %select_n3A_651 : i32 to index
        %swap3A_853 = arith.constant 0 : index
        %swap3A_854 = arith.constant 0 : index
        %swap3A_855 = vector.load %arg10[%swap3A_852, %swap3A_853, %swap3A_854] : memref<4x128x2048xf32, #tpu.memory_space<vmem>>, vector<1x128x2048xf32>
        %swap3A_856 = vector.shape_cast %swap3A_855 : vector<1x128x2048xf32> to vector<128x2048xf32>
        %swap3A_857 = vector.shape_cast %transpose3A_851 : vector<128x2048xf32> to vector<1x128x2048xf32>
        tpu.vector_store %arg10[%swap3A_852, %swap3A_853, %swap3A_854], %swap3A_857 {strides = array<i32>} : memref<4x128x2048xf32, #tpu.memory_space<vmem>>, vector<1x128x2048xf32>,
        %convert_element_type3A_858 = arith.truncf %transpose3A_851 : vector<128x2048xf32> to vector<128x2048xbf16>
        %swap3A_859 = arith.index_cast %select_n3A_651 : i32 to index
        %swap3A_860 = arith.constant 0 : index
        %swap3A_861 = arith.constant 0 : index
        %swap3A_862 = vector.load %arg11[%swap3A_859, %swap3A_860, %swap3A_861] : memref<4x128x2048xbf16, #tpu.memory_space<vmem>>, vector<1x128x2048xbf16>
        %swap3A_863 = vector.shape_cast %swap3A_862 : vector<1x128x2048xbf16> to vector<128x2048xbf16>
        %swap3A_864 = vector.shape_cast %convert_element_type3A_858 : vector<128x2048xbf16> to vector<1x128x2048xbf16>
        tpu.vector_store %arg11[%swap3A_859, %swap3A_860, %swap3A_861], %swap3A_864 {strides = array<i32>} : memref<4x128x2048xbf16, #tpu.memory_space<vmem>>, vector<1x128x2048xbf16>,
        %get3A_865 = arith.constant 0 : index
        %get3A_866 = arith.constant 0 : index
        %get3A_867 = arith.constant 0 : index
        %get3A_868 = vector.load %arg9[%get3A_865, %get3A_866, %get3A_867] : memref<2x1x2048xi32, #tpu.memory_space<vmem>>, vector<1x1x2048xi32>
        %get3A_869 = vector.shape_cast %get3A_868 : vector<1x1x2048xi32> to vector<1x2048xi32>
        %eq3A_870 = vector.broadcast %get3A_869 : vector<1x2048xi32> to vector<128x2048xi32>
        %eq3A_871 = arith.cmpi eq, %add3A_89, %eq3A_870 : vector<128x2048xi32>
        %convert_element_type3A_872 = arith.extui %eq3A_871 : vector<128x2048xi1> to vector<128x2048xi32>
        %convert_element_type3A_873 = arith.sitofp %convert_element_type3A_872 : vector<128x2048xi32> to vector<128x2048xf32>
        %convert_element_type3A_874 = arith.truncf %convert_element_type3A_873 : vector<128x2048xf32> to vector<128x2048xbf16>
        %swap3A_875 = arith.index_cast %select_n3A_651 : i32 to index
        %swap3A_876 = arith.constant 0 : index
        %swap3A_877 = arith.constant 0 : index
        %swap3A_878 = vector.load %arg12[%swap3A_875, %swap3A_876, %swap3A_877] : memref<4x128x2048xbf16, #tpu.memory_space<vmem>>, vector<1x128x2048xbf16>
        %swap3A_879 = vector.shape_cast %swap3A_878 : vector<1x128x2048xbf16> to vector<128x2048xbf16>
        %swap3A_880 = vector.shape_cast %convert_element_type3A_874 : vector<128x2048xbf16> to vector<1x128x2048xbf16>
        tpu.vector_store %arg12[%swap3A_875, %swap3A_876, %swap3A_877], %swap3A_880 {strides = array<i32>} : memref<4x128x2048xbf16, #tpu.memory_space<vmem>>, vector<1x128x2048xbf16>,
        %get3A_881 = arith.constant 1 : index
        %get3A_882 = arith.constant 0 : index
        %get3A_883 = arith.constant 0 : index
        %get3A_884 = vector.load %arg8[%get3A_881, %get3A_882, %get3A_883] : memref<2x2048x128xf32, #tpu.memory_space<vmem>>, vector<1x2048x128xf32>
        %get3A_885 = vector.shape_cast %get3A_884 : vector<1x2048x128xf32> to vector<2048x128xf32>
        %transpose3A_886 = tpu.transpose %get3A_885, [1, 0] : vector<2048x128xf32> -> vector<128x2048xf32>
        %swap3A_887 = arith.index_cast %select_n3A_655 : i32 to index
        %swap3A_888 = arith.constant 0 : index
        %swap3A_889 = arith.constant 0 : index
        %swap3A_890 = vector.load %arg10[%swap3A_887, %swap3A_888, %swap3A_889] : memref<4x128x2048xf32, #tpu.memory_space<vmem>>, vector<1x128x2048xf32>
        %swap3A_891 = vector.shape_cast %swap3A_890 : vector<1x128x2048xf32> to vector<128x2048xf32>
        %swap3A_892 = vector.shape_cast %transpose3A_886 : vector<128x2048xf32> to vector<1x128x2048xf32>
        tpu.vector_store %arg10[%swap3A_887, %swap3A_888, %swap3A_889], %swap3A_892 {strides = array<i32>} : memref<4x128x2048xf32, #tpu.memory_space<vmem>>, vector<1x128x2048xf32>,
        %convert_element_type3A_893 = arith.truncf %transpose3A_886 : vector<128x2048xf32> to vector<128x2048xbf16>
        %swap3A_894 = arith.index_cast %select_n3A_655 : i32 to index
        %swap3A_895 = arith.constant 0 : index
        %swap3A_896 = arith.constant 0 : index
        %swap3A_897 = vector.load %arg11[%swap3A_894, %swap3A_895, %swap3A_896] : memref<4x128x2048xbf16, #tpu.memory_space<vmem>>, vector<1x128x2048xbf16>
        %swap3A_898 = vector.shape_cast %swap3A_897 : vector<1x128x2048xbf16> to vector<128x2048xbf16>
        %swap3A_899 = vector.shape_cast %convert_element_type3A_893 : vector<128x2048xbf16> to vector<1x128x2048xbf16>
        tpu.vector_store %arg11[%swap3A_894, %swap3A_895, %swap3A_896], %swap3A_899 {strides = array<i32>} : memref<4x128x2048xbf16, #tpu.memory_space<vmem>>, vector<1x128x2048xbf16>,
        %get3A_900 = arith.constant 1 : index
        %get3A_901 = arith.constant 0 : index
        %get3A_902 = arith.constant 0 : index
        %get3A_903 = vector.load %arg9[%get3A_900, %get3A_901, %get3A_902] : memref<2x1x2048xi32, #tpu.memory_space<vmem>>, vector<1x1x2048xi32>
        %get3A_904 = vector.shape_cast %get3A_903 : vector<1x1x2048xi32> to vector<1x2048xi32>
        %eq3A_905 = vector.broadcast %get3A_904 : vector<1x2048xi32> to vector<128x2048xi32>
        %eq3A_906 = arith.cmpi eq, %add3A_89, %eq3A_905 : vector<128x2048xi32>
        %convert_element_type3A_907 = arith.extui %eq3A_906 : vector<128x2048xi1> to vector<128x2048xi32>
        %convert_element_type3A_908 = arith.sitofp %convert_element_type3A_907 : vector<128x2048xi32> to vector<128x2048xf32>
        %convert_element_type3A_909 = arith.truncf %convert_element_type3A_908 : vector<128x2048xf32> to vector<128x2048xbf16>
        %swap3A_910 = arith.index_cast %select_n3A_655 : i32 to index
        %swap3A_911 = arith.constant 0 : index
        %swap3A_912 = arith.constant 0 : index
        %swap3A_913 = vector.load %arg12[%swap3A_910, %swap3A_911, %swap3A_912] : memref<4x128x2048xbf16, #tpu.memory_space<vmem>>, vector<1x128x2048xbf16>
        %swap3A_914 = vector.shape_cast %swap3A_913 : vector<1x128x2048xbf16> to vector<128x2048xbf16>
        %swap3A_915 = vector.shape_cast %convert_element_type3A_909 : vector<128x2048xbf16> to vector<1x128x2048xbf16>
        tpu.vector_store %arg12[%swap3A_910, %swap3A_911, %swap3A_912], %swap3A_915 {strides = array<i32>} : memref<4x128x2048xbf16, #tpu.memory_space<vmem>>, vector<1x128x2048xbf16>,
      } else {
      }
      %get3A_660 = arith.index_cast %select_n3A_651 : i32 to index
      %get3A_661 = arith.constant 0 : index
      %get3A_662 = arith.constant 0 : index
      %get3A_663 = vector.load %arg10[%get3A_660, %get3A_661, %get3A_662] : memref<4x128x2048xf32, #tpu.memory_space<vmem>>, vector<1x128x2048xf32>
      %get3A_664 = vector.shape_cast %get3A_663 : vector<1x128x2048xf32> to vector<128x2048xf32>
      %get3A_665 = arith.index_cast %select_n3A_651 : i32 to index
      %get3A_666 = arith.constant 0 : index
      %get3A_667 = arith.constant 0 : index
      %get3A_668 = vector.load %arg11[%get3A_665, %get3A_666, %get3A_667] : memref<4x128x2048xbf16, #tpu.memory_space<vmem>>, vector<1x128x2048xbf16>
      %get3A_669 = vector.shape_cast %get3A_668 : vector<1x128x2048xbf16> to vector<128x2048xbf16>
      %get3A_670 = arith.index_cast %select_n3A_651 : i32 to index
      %get3A_671 = arith.constant 0 : index
      %get3A_672 = arith.constant 0 : index
      %get3A_673 = vector.load %arg12[%get3A_670, %get3A_671, %get3A_672] : memref<4x128x2048xbf16, #tpu.memory_space<vmem>>, vector<1x128x2048xbf16>
      %get3A_674 = vector.shape_cast %get3A_673 : vector<1x128x2048xbf16> to vector<128x2048xbf16>
      %dot_general3A_675 = arith.constant dense<0.000000e+00> : vector<128x2048xf32>
      %dot_general3A_676 = tpu.matmul %convert_element_type3A_571, %get3A_674, %dot_general3A_675 {dimension_numbers = #tpu.dot_dimension_numbers<[1], [0], [0], [1], [0, 0, 1, 1], [], []>, transpose_lhs_hint = false} : vector<128x128xbf16>, vector<128x2048xbf16>, vector<128x2048xf32> -> vector<128x2048xf32>
      %mul3A_677 = arith.mulf %get3A_664, %dot_general3A_676 : vector<128x2048xf32>
      %slice3A_678 = vector.extract_strided_slice %mul3A_677 {offsets = [0, 0], sizes = [32, 2048], strides = [1, 1]} : vector<128x2048xf32> to vector<32x2048xf32>
      %reduce_sum3A_679 = arith.constant dense<0.000000e+00> : vector<2048xf32>
      %reduce_sum3A_680 = vector.multi_reduction <add>, %slice3A_678, %reduce_sum3A_679 [0] : vector<32x2048xf32> to vector<2048xf32>
      %broadcast_in_dim3A_681 = vector.shape_cast %reduce_sum3A_680 : vector<2048xf32> to vector<1x2048xf32>
      %slice3A_682 = vector.extract_strided_slice %mul3A_677 {offsets = [32, 0], sizes = [32, 2048], strides = [1, 1]} : vector<128x2048xf32> to vector<32x2048xf32>
      %reduce_sum3A_683 = arith.constant dense<0.000000e+00> : vector<2048xf32>
      %reduce_sum3A_684 = vector.multi_reduction <add>, %slice3A_682, %reduce_sum3A_683 [0] : vector<32x2048xf32> to vector<2048xf32>
      %broadcast_in_dim3A_685 = vector.shape_cast %reduce_sum3A_684 : vector<2048xf32> to vector<1x2048xf32>
      %slice3A_686 = vector.extract_strided_slice %mul3A_677 {offsets = [64, 0], sizes = [32, 2048], strides = [1, 1]} : vector<128x2048xf32> to vector<32x2048xf32>
      %reduce_sum3A_687 = arith.constant dense<0.000000e+00> : vector<2048xf32>
      %reduce_sum3A_688 = vector.multi_reduction <add>, %slice3A_686, %reduce_sum3A_687 [0] : vector<32x2048xf32> to vector<2048xf32>
      %broadcast_in_dim3A_689 = vector.shape_cast %reduce_sum3A_688 : vector<2048xf32> to vector<1x2048xf32>
      %slice3A_690 = vector.extract_strided_slice %mul3A_677 {offsets = [96, 0], sizes = [32, 2048], strides = [1, 1]} : vector<128x2048xf32> to vector<32x2048xf32>
      %reduce_sum3A_691 = arith.constant dense<0.000000e+00> : vector<2048xf32>
      %reduce_sum3A_692 = vector.multi_reduction <add>, %slice3A_690, %reduce_sum3A_691 [0] : vector<32x2048xf32> to vector<2048xf32>
      %broadcast_in_dim3A_693 = vector.shape_cast %reduce_sum3A_692 : vector<2048xf32> to vector<1x2048xf32>
      %concatenate3A_694 = tpu.concatenate %broadcast_in_dim3A_681, %broadcast_in_dim3A_685, %broadcast_in_dim3A_689, %broadcast_in_dim3A_693 in 0 : vector<1x2048xf32>, vector<1x2048xf32>, vector<1x2048xf32>, vector<1x2048xf32> -> vector<4x2048xf32>
      %exp3A = math.exp %concatenate3A_694 : vector<4x2048xf32>
      %reduce_sum3A_695 = arith.constant dense<0.000000e+00> : vector<2048xf32>
      %reduce_sum3A_696 = vector.multi_reduction <add>, %exp3A, %reduce_sum3A_695 [0] : vector<4x2048xf32> to vector<2048xf32>
      %broadcast_in_dim3A_697 = vector.shape_cast %reduce_sum3A_696 : vector<2048xf32> to vector<1x2048xf32>
      %div3A_698 = vector.broadcast %broadcast_in_dim3A_697 : vector<1x2048xf32> to vector<4x2048xf32>
      %div3A_699 = arith.divf %exp3A, %div3A_698 : vector<4x2048xf32>
      %convert_element_type3A_700 = arith.truncf %div3A_699 : vector<4x2048xf32> to vector<4x2048xbf16>
      %slice3A_701 = vector.extract_strided_slice %convert_element_type3A_700 {offsets = [0, 0], sizes = [1, 2048], strides = [1, 1]} : vector<4x2048xbf16> to vector<1x2048xbf16>
      %broadcast_in_dim3A_702 = vector.shape_cast %slice3A_701 : vector<1x2048xbf16> to vector<1x2048xbf16>
      %broadcast_in_dim3A_703 = vector.broadcast %broadcast_in_dim3A_702 : vector<1x2048xbf16> to vector<32x2048xbf16>
      %slice3A_704 = vector.extract_strided_slice %convert_element_type3A_700 {offsets = [1, 0], sizes = [1, 2048], strides = [1, 1]} : vector<4x2048xbf16> to vector<1x2048xbf16>
      %broadcast_in_dim3A_705 = vector.shape_cast %slice3A_704 : vector<1x2048xbf16> to vector<1x2048xbf16>
      %broadcast_in_dim3A_706 = vector.broadcast %broadcast_in_dim3A_705 : vector<1x2048xbf16> to vector<32x2048xbf16>
      %slice3A_707 = vector.extract_strided_slice %convert_element_type3A_700 {offsets = [2, 0], sizes = [1, 2048], strides = [1, 1]} : vector<4x2048xbf16> to vector<1x2048xbf16>
      %broadcast_in_dim3A_708 = vector.shape_cast %slice3A_707 : vector<1x2048xbf16> to vector<1x2048xbf16>
      %broadcast_in_dim3A_709 = vector.broadcast %broadcast_in_dim3A_708 : vector<1x2048xbf16> to vector<32x2048xbf16>
      %slice3A_710 = vector.extract_strided_slice %convert_element_type3A_700 {offsets = [3, 0], sizes = [1, 2048], strides = [1, 1]} : vector<4x2048xbf16> to vector<1x2048xbf16>
      %broadcast_in_dim3A_711 = vector.shape_cast %slice3A_710 : vector<1x2048xbf16> to vector<1x2048xbf16>
      %broadcast_in_dim3A_712 = vector.broadcast %broadcast_in_dim3A_711 : vector<1x2048xbf16> to vector<32x2048xbf16>
      %concatenate3A_713 = tpu.concatenate %broadcast_in_dim3A_703, %broadcast_in_dim3A_706, %broadcast_in_dim3A_709, %broadcast_in_dim3A_712 in 0 : vector<32x2048xbf16>, vector<32x2048xbf16>, vector<32x2048xbf16>, vector<32x2048xbf16> -> vector<128x2048xbf16>
      %mul3A_714 = arith.mulf %concatenate3A_713, %get3A_669 : vector<128x2048xbf16>
      %dot_general3A_715 = arith.constant dense<0.000000e+00> : vector<128x128xf32>
      %dot_general3A_716 = tpu.matmul %mul3A_714, %get3A_674, %dot_general3A_715 {dimension_numbers = #tpu.dot_dimension_numbers<[1], [1], [0], [0], [0, 0, 1, 0], [], []>, transpose_lhs_hint = false} : vector<128x2048xbf16>, vector<128x2048xbf16>, vector<128x128xf32> -> vector<128x128xf32>
      %add3A_717 = arith.addf %while3A_647, %dot_general3A_716 : vector<128x128xf32>
      %get3A_718 = arith.index_cast %select_n3A_655 : i32 to index
      %get3A_719 = arith.constant 0 : index
      %get3A_720 = arith.constant 0 : index
      %get3A_721 = vector.load %arg10[%get3A_718, %get3A_719, %get3A_720] : memref<4x128x2048xf32, #tpu.memory_space<vmem>>, vector<1x128x2048xf32>
      %get3A_722 = vector.shape_cast %get3A_721 : vector<1x128x2048xf32> to vector<128x2048xf32>
      %get3A_723 = arith.index_cast %select_n3A_655 : i32 to index
      %get3A_724 = arith.constant 0 : index
      %get3A_725 = arith.constant 0 : index
      %get3A_726 = vector.load %arg11[%get3A_723, %get3A_724, %get3A_725] : memref<4x128x2048xbf16, #tpu.memory_space<vmem>>, vector<1x128x2048xbf16>
      %get3A_727 = vector.shape_cast %get3A_726 : vector<1x128x2048xbf16> to vector<128x2048xbf16>
      %get3A_728 = arith.index_cast %select_n3A_655 : i32 to index
      %get3A_729 = arith.constant 0 : index
      %get3A_730 = arith.constant 0 : index
      %get3A_731 = vector.load %arg12[%get3A_728, %get3A_729, %get3A_730] : memref<4x128x2048xbf16, #tpu.memory_space<vmem>>, vector<1x128x2048xbf16>
      %get3A_732 = vector.shape_cast %get3A_731 : vector<1x128x2048xbf16> to vector<128x2048xbf16>
      %dot_general3A_733 = arith.constant dense<0.000000e+00> : vector<128x2048xf32>
      %dot_general3A_734 = tpu.matmul %convert_element_type3A_571, %get3A_732, %dot_general3A_733 {dimension_numbers = #tpu.dot_dimension_numbers<[1], [0], [0], [1], [0, 0, 1, 1], [], []>, transpose_lhs_hint = false} : vector<128x128xbf16>, vector<128x2048xbf16>, vector<128x2048xf32> -> vector<128x2048xf32>
      %mul3A_735 = arith.mulf %get3A_722, %dot_general3A_734 : vector<128x2048xf32>
      %slice3A_736 = vector.extract_strided_slice %mul3A_735 {offsets = [0, 0], sizes = [32, 2048], strides = [1, 1]} : vector<128x2048xf32> to vector<32x2048xf32>
      %reduce_sum3A_737 = arith.constant dense<0.000000e+00> : vector<2048xf32>
      %reduce_sum3A_738 = vector.multi_reduction <add>, %slice3A_736, %reduce_sum3A_737 [0] : vector<32x2048xf32> to vector<2048xf32>
      %broadcast_in_dim3A_739 = vector.shape_cast %reduce_sum3A_738 : vector<2048xf32> to vector<1x2048xf32>
      %slice3A_740 = vector.extract_strided_slice %mul3A_735 {offsets = [32, 0], sizes = [32, 2048], strides = [1, 1]} : vector<128x2048xf32> to vector<32x2048xf32>
      %reduce_sum3A_741 = arith.constant dense<0.000000e+00> : vector<2048xf32>
      %reduce_sum3A_742 = vector.multi_reduction <add>, %slice3A_740, %reduce_sum3A_741 [0] : vector<32x2048xf32> to vector<2048xf32>
      %broadcast_in_dim3A_743 = vector.shape_cast %reduce_sum3A_742 : vector<2048xf32> to vector<1x2048xf32>
      %slice3A_744 = vector.extract_strided_slice %mul3A_735 {offsets = [64, 0], sizes = [32, 2048], strides = [1, 1]} : vector<128x2048xf32> to vector<32x2048xf32>
      %reduce_sum3A_745 = arith.constant dense<0.000000e+00> : vector<2048xf32>
      %reduce_sum3A_746 = vector.multi_reduction <add>, %slice3A_744, %reduce_sum3A_745 [0] : vector<32x2048xf32> to vector<2048xf32>
      %broadcast_in_dim3A_747 = vector.shape_cast %reduce_sum3A_746 : vector<2048xf32> to vector<1x2048xf32>
      %slice3A_748 = vector.extract_strided_slice %mul3A_735 {offsets = [96, 0], sizes = [32, 2048], strides = [1, 1]} : vector<128x2048xf32> to vector<32x2048xf32>
      %reduce_sum3A_749 = arith.constant dense<0.000000e+00> : vector<2048xf32>
      %reduce_sum3A_750 = vector.multi_reduction <add>, %slice3A_748, %reduce_sum3A_749 [0] : vector<32x2048xf32> to vector<2048xf32>
      %broadcast_in_dim3A_751 = vector.shape_cast %reduce_sum3A_750 : vector<2048xf32> to vector<1x2048xf32>
      %concatenate3A_752 = tpu.concatenate %broadcast_in_dim3A_739, %broadcast_in_dim3A_743, %broadcast_in_dim3A_747, %broadcast_in_dim3A_751 in 0 : vector<1x2048xf32>, vector<1x2048xf32>, vector<1x2048xf32>, vector<1x2048xf32> -> vector<4x2048xf32>
      %exp3A_753 = math.exp %concatenate3A_752 : vector<4x2048xf32>
      %reduce_sum3A_754 = arith.constant dense<0.000000e+00> : vector<2048xf32>
      %reduce_sum3A_755 = vector.multi_reduction <add>, %exp3A_753, %reduce_sum3A_754 [0] : vector<4x2048xf32> to vector<2048xf32>
      %broadcast_in_dim3A_756 = vector.shape_cast %reduce_sum3A_755 : vector<2048xf32> to vector<1x2048xf32>
      %div3A_757 = vector.broadcast %broadcast_in_dim3A_756 : vector<1x2048xf32> to vector<4x2048xf32>
      %div3A_758 = arith.divf %exp3A_753, %div3A_757 : vector<4x2048xf32>
      %convert_element_type3A_759 = arith.truncf %div3A_758 : vector<4x2048xf32> to vector<4x2048xbf16>
      %slice3A_760 = vector.extract_strided_slice %convert_element_type3A_759 {offsets = [0, 0], sizes = [1, 2048], strides = [1, 1]} : vector<4x2048xbf16> to vector<1x2048xbf16>
      %broadcast_in_dim3A_761 = vector.shape_cast %slice3A_760 : vector<1x2048xbf16> to vector<1x2048xbf16>
      %broadcast_in_dim3A_762 = vector.broadcast %broadcast_in_dim3A_761 : vector<1x2048xbf16> to vector<32x2048xbf16>
      %slice3A_763 = vector.extract_strided_slice %convert_element_type3A_759 {offsets = [1, 0], sizes = [1, 2048], strides = [1, 1]} : vector<4x2048xbf16> to vector<1x2048xbf16>
      %broadcast_in_dim3A_764 = vector.shape_cast %slice3A_763 : vector<1x2048xbf16> to vector<1x2048xbf16>
      %broadcast_in_dim3A_765 = vector.broadcast %broadcast_in_dim3A_764 : vector<1x2048xbf16> to vector<32x2048xbf16>
      %slice3A_766 = vector.extract_strided_slice %convert_element_type3A_759 {offsets = [2, 0], sizes = [1, 2048], strides = [1, 1]} : vector<4x2048xbf16> to vector<1x2048xbf16>
      %broadcast_in_dim3A_767 = vector.shape_cast %slice3A_766 : vector<1x2048xbf16> to vector<1x2048xbf16>
      %broadcast_in_dim3A_768 = vector.broadcast %broadcast_in_dim3A_767 : vector<1x2048xbf16> to vector<32x2048xbf16>
      %slice3A_769 = vector.extract_strided_slice %convert_element_type3A_759 {offsets = [3, 0], sizes = [1, 2048], strides = [1, 1]} : vector<4x2048xbf16> to vector<1x2048xbf16>
      %broadcast_in_dim3A_770 = vector.shape_cast %slice3A_769 : vector<1x2048xbf16> to vector<1x2048xbf16>
      %broadcast_in_dim3A_771 = vector.broadcast %broadcast_in_dim3A_770 : vector<1x2048xbf16> to vector<32x2048xbf16>
      %concatenate3A_772 = tpu.concatenate %broadcast_in_dim3A_762, %broadcast_in_dim3A_765, %broadcast_in_dim3A_768, %broadcast_in_dim3A_771 in 0 : vector<32x2048xbf16>, vector<32x2048xbf16>, vector<32x2048xbf16>, vector<32x2048xbf16> -> vector<128x2048xbf16>
      %mul3A_773 = arith.mulf %concatenate3A_772, %get3A_727 : vector<128x2048xbf16>
      %dot_general3A_774 = arith.constant dense<0.000000e+00> : vector<128x128xf32>
      %dot_general3A_775 = tpu.matmul %mul3A_773, %get3A_732, %dot_general3A_774 {dimension_numbers = #tpu.dot_dimension_numbers<[1], [1], [0], [0], [0, 0, 1, 0], [], []>, transpose_lhs_hint = false} : vector<128x2048xbf16>, vector<128x2048xbf16>, vector<128x128xf32> -> vector<128x128xf32>
      %add3A_776 = arith.addf %add3A_717, %dot_general3A_775 : vector<128x128xf32>
      scf.yield %add3A_776 : vector<128x128xf32>
    }
    %while3A_583 = arith.constant 1 : i32
    %while3A_584 = scf.for %while3A_646 = %while3A_580 to %while3A_576 step %while3A_583 iter_args(%while3A_647 = %while3A_582) -> (vector<128x128xf32>)  : i32 {
      %mul3A_648 = arith.constant 2 : i32
      %mul3A_649 = arith.muli %mul3A_648, %while3A_646 : i32
      %jit3A_650 = arith.constant 0 : i32
      %select_n3A_651 = arith.select %le3A_30, %mul3A_649, %jit3A_650 : i32
      %add3A_652 = arith.constant 1 : i32
      %add3A_653 = arith.addi %mul3A_649, %add3A_652 : i32
      %jit3A_654 = arith.constant 1 : i32
      %select_n3A_655 = arith.select %le3A_30, %add3A_653, %jit3A_654 : i32
      %not3A = arith.constant true
      %not3A_656 = arith.xori %le3A_30, %not3A : i1
      %convert_element_type3A_657 = arith.extui %not3A_656 : i1 to i32
      %cond3A_658 = arith.constant 0 : i32
      %cond3A_659 = arith.cmpi ne, %convert_element_type3A_657, %cond3A_658 : i32
      scf.if %cond3A_659 {
        %add3A_777 = arith.constant 1 : i32
        %add3A_778 = arith.addi %mul3A_649, %add3A_777 : i32
        %mul3A_779 = arith.constant 2048 : i32
        %mul3A_780 = arith.muli %mul3A_649, %mul3A_779 : i32
        %add3A_781 = arith.addi %multiple_of3A, %mul3A_780 : i32
        %mul3A_782 = arith.constant 2048 : i32
        %mul3A_783 = arith.muli %mul3A_649, %mul3A_782 : i32
        %add3A_784 = arith.addi %multiple_of3A, %mul3A_783 : i32
        %mul3A_785 = arith.constant 2048 : i32
        %mul3A_786 = arith.muli %add3A_778, %mul3A_785 : i32
        %add3A_787 = arith.addi %multiple_of3A, %mul3A_786 : i32
        %mul3A_788 = arith.constant 2048 : i32
        %mul3A_789 = arith.muli %add3A_778, %mul3A_788 : i32
        %add3A_790 = arith.addi %multiple_of3A, %mul3A_789 : i32
        %dma_start3A = arith.constant 0 : i32
        %dma_start3A_791 = arith.constant 0 : i32
        %dma_start3A_792 = arith.constant 0 : i32
        %dma_start3A_793 = tpu.memref_slice %arg8[%dma_start3A, %dma_start3A_791, %dma_start3A_792] : memref<2x2048x128xf32, #tpu.memory_space<vmem>> -> memref<1x2048x128xf32, #tpu.memory_space<vmem>>
        %dma_start3A_794 = tpu.memref_squeeze %dma_start3A_793 : memref<1x2048x128xf32, #tpu.memory_space<vmem>> -> memref<2048x128xf32, #tpu.memory_space<vmem>>
        %dma_start3A_795 = arith.constant 0 : i32
        %dma_start3A_796 = tpu.memref_slice %arg3[%add3A_781, %dma_start3A_795] : memref<344064x128xf32, #tpu.memory_space<any>> -> memref<2048x128xf32, #tpu.memory_space<any>>
        tpu.enqueue_dma source(%dma_start3A_796 : memref<2048x128xf32, #tpu.memory_space<any>>) target(%dma_start3A_794 : memref<2048x128xf32, #tpu.memory_space<vmem>>) target_semaphore(%arg13 : memref<!tpu.dma_semaphore, #tpu.memory_space<semaphore_mem>>)
        %dma_start3A_797 = arith.constant 0 : i32
        %dma_start3A_798 = arith.constant 0 : i32
        %dma_start3A_799 = arith.constant 0 : i32
        %dma_start3A_800 = tpu.memref_slice %arg9[%dma_start3A_797, %dma_start3A_798, %dma_start3A_799] : memref<2x1x2048xi32, #tpu.memory_space<vmem>> -> memref<1x1x2048xi32, #tpu.memory_space<vmem>>
        %dma_start3A_801 = tpu.memref_squeeze %dma_start3A_800 : memref<1x1x2048xi32, #tpu.memory_space<vmem>> -> memref<1x2048xi32, #tpu.memory_space<vmem>>
        %dma_start3A_802 = arith.constant 0 : i32
        %dma_start3A_803 = tpu.memref_slice %arg4[%dma_start3A_802, %add3A_784] : memref<1x344064xi32, #tpu.memory_space<any>> -> memref<1x2048xi32, #tpu.memory_space<any>>
        tpu.enqueue_dma source(%dma_start3A_803 : memref<1x2048xi32, #tpu.memory_space<any>>) target(%dma_start3A_801 : memref<1x2048xi32, #tpu.memory_space<vmem>>) target_semaphore(%arg13 : memref<!tpu.dma_semaphore, #tpu.memory_space<semaphore_mem>>)
        %dma_start3A_804 = arith.constant 1 : i32
        %dma_start3A_805 = arith.constant 0 : i32
        %dma_start3A_806 = arith.constant 0 : i32
        %dma_start3A_807 = tpu.memref_slice %arg8[%dma_start3A_804, %dma_start3A_805, %dma_start3A_806] : memref<2x2048x128xf32, #tpu.memory_space<vmem>> -> memref<1x2048x128xf32, #tpu.memory_space<vmem>>
        %dma_start3A_808 = tpu.memref_squeeze %dma_start3A_807 : memref<1x2048x128xf32, #tpu.memory_space<vmem>> -> memref<2048x128xf32, #tpu.memory_space<vmem>>
        %dma_start3A_809 = arith.constant 0 : i32
        %dma_start3A_810 = tpu.memref_slice %arg3[%add3A_787, %dma_start3A_809] : memref<344064x128xf32, #tpu.memory_space<any>> -> memref<2048x128xf32, #tpu.memory_space<any>>
        tpu.enqueue_dma source(%dma_start3A_810 : memref<2048x128xf32, #tpu.memory_space<any>>) target(%dma_start3A_808 : memref<2048x128xf32, #tpu.memory_space<vmem>>) target_semaphore(%arg13 : memref<!tpu.dma_semaphore, #tpu.memory_space<semaphore_mem>>)
        %dma_start3A_811 = arith.constant 1 : i32
        %dma_start3A_812 = arith.constant 0 : i32
        %dma_start3A_813 = arith.constant 0 : i32
        %dma_start3A_814 = tpu.memref_slice %arg9[%dma_start3A_811, %dma_start3A_812, %dma_start3A_813] : memref<2x1x2048xi32, #tpu.memory_space<vmem>> -> memref<1x1x2048xi32, #tpu.memory_space<vmem>>
        %dma_start3A_815 = tpu.memref_squeeze %dma_start3A_814 : memref<1x1x2048xi32, #tpu.memory_space<vmem>> -> memref<1x2048xi32, #tpu.memory_space<vmem>>
        %dma_start3A_816 = arith.constant 0 : i32
        %dma_start3A_817 = tpu.memref_slice %arg4[%dma_start3A_816, %add3A_790] : memref<1x344064xi32, #tpu.memory_space<any>> -> memref<1x2048xi32, #tpu.memory_space<any>>
        tpu.enqueue_dma source(%dma_start3A_817 : memref<1x2048xi32, #tpu.memory_space<any>>) target(%dma_start3A_815 : memref<1x2048xi32, #tpu.memory_space<vmem>>) target_semaphore(%arg13 : memref<!tpu.dma_semaphore, #tpu.memory_space<semaphore_mem>>)
        %dma_wait3A_818 = arith.constant 0 : i32
        %dma_wait3A_819 = arith.constant 0 : i32
        %dma_wait3A_820 = arith.constant 0 : i32
        %dma_wait3A_821 = tpu.memref_slice %arg8[%dma_wait3A_818, %dma_wait3A_819, %dma_wait3A_820] : memref<2x2048x128xf32, #tpu.memory_space<vmem>> -> memref<1x2048x128xf32, #tpu.memory_space<vmem>>
        %dma_wait3A_822 = tpu.memref_squeeze %dma_wait3A_821 : memref<1x2048x128xf32, #tpu.memory_space<vmem>> -> memref<2048x128xf32, #tpu.memory_space<vmem>>
        %dma_wait3A_823 = arith.constant 0 : i32
        %dma_wait3A_824 = tpu.memref_slice %arg3[%add3A_781, %dma_wait3A_823] : memref<344064x128xf32, #tpu.memory_space<any>> -> memref<2048x128xf32, #tpu.memory_space<any>>
        tpu.wait_dma2 semaphore(%arg13 : memref<!tpu.dma_semaphore, #tpu.memory_space<semaphore_mem>>) src(%dma_wait3A_824 : memref<2048x128xf32, #tpu.memory_space<any>>) dst(%dma_wait3A_822 : memref<2048x128xf32, #tpu.memory_space<vmem>>)
        %dma_wait3A_825 = arith.constant 0 : i32
        %dma_wait3A_826 = arith.constant 0 : i32
        %dma_wait3A_827 = arith.constant 0 : i32
        %dma_wait3A_828 = tpu.memref_slice %arg9[%dma_wait3A_825, %dma_wait3A_826, %dma_wait3A_827] : memref<2x1x2048xi32, #tpu.memory_space<vmem>> -> memref<1x1x2048xi32, #tpu.memory_space<vmem>>
        %dma_wait3A_829 = tpu.memref_squeeze %dma_wait3A_828 : memref<1x1x2048xi32, #tpu.memory_space<vmem>> -> memref<1x2048xi32, #tpu.memory_space<vmem>>
        %dma_wait3A_830 = arith.constant 0 : i32
        %dma_wait3A_831 = tpu.memref_slice %arg4[%dma_wait3A_830, %add3A_784] : memref<1x344064xi32, #tpu.memory_space<any>> -> memref<1x2048xi32, #tpu.memory_space<any>>
        tpu.wait_dma2 semaphore(%arg13 : memref<!tpu.dma_semaphore, #tpu.memory_space<semaphore_mem>>) src(%dma_wait3A_831 : memref<1x2048xi32, #tpu.memory_space<any>>) dst(%dma_wait3A_829 : memref<1x2048xi32, #tpu.memory_space<vmem>>)
        %dma_wait3A_832 = arith.constant 1 : i32
        %dma_wait3A_833 = arith.constant 0 : i32
        %dma_wait3A_834 = arith.constant 0 : i32
        %dma_wait3A_835 = tpu.memref_slice %arg8[%dma_wait3A_832, %dma_wait3A_833, %dma_wait3A_834] : memref<2x2048x128xf32, #tpu.memory_space<vmem>> -> memref<1x2048x128xf32, #tpu.memory_space<vmem>>
        %dma_wait3A_836 = tpu.memref_squeeze %dma_wait3A_835 : memref<1x2048x128xf32, #tpu.memory_space<vmem>> -> memref<2048x128xf32, #tpu.memory_space<vmem>>
        %dma_wait3A_837 = arith.constant 0 : i32
        %dma_wait3A_838 = tpu.memref_slice %arg3[%add3A_787, %dma_wait3A_837] : memref<344064x128xf32, #tpu.memory_space<any>> -> memref<2048x128xf32, #tpu.memory_space<any>>
        tpu.wait_dma2 semaphore(%arg13 : memref<!tpu.dma_semaphore, #tpu.memory_space<semaphore_mem>>) src(%dma_wait3A_838 : memref<2048x128xf32, #tpu.memory_space<any>>) dst(%dma_wait3A_836 : memref<2048x128xf32, #tpu.memory_space<vmem>>)
        %dma_wait3A_839 = arith.constant 1 : i32
        %dma_wait3A_840 = arith.constant 0 : i32
        %dma_wait3A_841 = arith.constant 0 : i32
        %dma_wait3A_842 = tpu.memref_slice %arg9[%dma_wait3A_839, %dma_wait3A_840, %dma_wait3A_841] : memref<2x1x2048xi32, #tpu.memory_space<vmem>> -> memref<1x1x2048xi32, #tpu.memory_space<vmem>>
        %dma_wait3A_843 = tpu.memref_squeeze %dma_wait3A_842 : memref<1x1x2048xi32, #tpu.memory_space<vmem>> -> memref<1x2048xi32, #tpu.memory_space<vmem>>
        %dma_wait3A_844 = arith.constant 0 : i32
        %dma_wait3A_845 = tpu.memref_slice %arg4[%dma_wait3A_844, %add3A_790] : memref<1x344064xi32, #tpu.memory_space<any>> -> memref<1x2048xi32, #tpu.memory_space<any>>
        tpu.wait_dma2 semaphore(%arg13 : memref<!tpu.dma_semaphore, #tpu.memory_space<semaphore_mem>>) src(%dma_wait3A_845 : memref<1x2048xi32, #tpu.memory_space<any>>) dst(%dma_wait3A_843 : memref<1x2048xi32, #tpu.memory_space<vmem>>)
        %get3A_846 = arith.constant 0 : index
        %get3A_847 = arith.constant 0 : index
        %get3A_848 = arith.constant 0 : index
        %get3A_849 = vector.load %arg8[%get3A_846, %get3A_847, %get3A_848] : memref<2x2048x128xf32, #tpu.memory_space<vmem>>, vector<1x2048x128xf32>
        %get3A_850 = vector.shape_cast %get3A_849 : vector<1x2048x128xf32> to vector<2048x128xf32>
        %transpose3A_851 = tpu.transpose %get3A_850, [1, 0] : vector<2048x128xf32> -> vector<128x2048xf32>
        %swap3A_852 = arith.index_cast %select_n3A_651 : i32 to index
        %swap3A_853 = arith.constant 0 : index
        %swap3A_854 = arith.constant 0 : index
        %swap3A_855 = vector.load %arg10[%swap3A_852, %swap3A_853, %swap3A_854] : memref<4x128x2048xf32, #tpu.memory_space<vmem>>, vector<1x128x2048xf32>
        %swap3A_856 = vector.shape_cast %swap3A_855 : vector<1x128x2048xf32> to vector<128x2048xf32>
        %swap3A_857 = vector.shape_cast %transpose3A_851 : vector<128x2048xf32> to vector<1x128x2048xf32>
        tpu.vector_store %arg10[%swap3A_852, %swap3A_853, %swap3A_854], %swap3A_857 {strides = array<i32>} : memref<4x128x2048xf32, #tpu.memory_space<vmem>>, vector<1x128x2048xf32>,
        %convert_element_type3A_858 = arith.truncf %transpose3A_851 : vector<128x2048xf32> to vector<128x2048xbf16>
        %swap3A_859 = arith.index_cast %select_n3A_651 : i32 to index
        %swap3A_860 = arith.constant 0 : index
        %swap3A_861 = arith.constant 0 : index
        %swap3A_862 = vector.load %arg11[%swap3A_859, %swap3A_860, %swap3A_861] : memref<4x128x2048xbf16, #tpu.memory_space<vmem>>, vector<1x128x2048xbf16>
        %swap3A_863 = vector.shape_cast %swap3A_862 : vector<1x128x2048xbf16> to vector<128x2048xbf16>
        %swap3A_864 = vector.shape_cast %convert_element_type3A_858 : vector<128x2048xbf16> to vector<1x128x2048xbf16>
        tpu.vector_store %arg11[%swap3A_859, %swap3A_860, %swap3A_861], %swap3A_864 {strides = array<i32>} : memref<4x128x2048xbf16, #tpu.memory_space<vmem>>, vector<1x128x2048xbf16>,
        %get3A_865 = arith.constant 0 : index
        %get3A_866 = arith.constant 0 : index
        %get3A_867 = arith.constant 0 : index
        %get3A_868 = vector.load %arg9[%get3A_865, %get3A_866, %get3A_867] : memref<2x1x2048xi32, #tpu.memory_space<vmem>>, vector<1x1x2048xi32>
        %get3A_869 = vector.shape_cast %get3A_868 : vector<1x1x2048xi32> to vector<1x2048xi32>
        %eq3A_870 = vector.broadcast %get3A_869 : vector<1x2048xi32> to vector<128x2048xi32>
        %eq3A_871 = arith.cmpi eq, %add3A_89, %eq3A_870 : vector<128x2048xi32>
        %convert_element_type3A_872 = arith.extui %eq3A_871 : vector<128x2048xi1> to vector<128x2048xi32>
        %convert_element_type3A_873 = arith.sitofp %convert_element_type3A_872 : vector<128x2048xi32> to vector<128x2048xf32>
        %convert_element_type3A_874 = arith.truncf %convert_element_type3A_873 : vector<128x2048xf32> to vector<128x2048xbf16>
        %swap3A_875 = arith.index_cast %select_n3A_651 : i32 to index
        %swap3A_876 = arith.constant 0 : index
        %swap3A_877 = arith.constant 0 : index
        %swap3A_878 = vector.load %arg12[%swap3A_875, %swap3A_876, %swap3A_877] : memref<4x128x2048xbf16, #tpu.memory_space<vmem>>, vector<1x128x2048xbf16>
        %swap3A_879 = vector.shape_cast %swap3A_878 : vector<1x128x2048xbf16> to vector<128x2048xbf16>
        %swap3A_880 = vector.shape_cast %convert_element_type3A_874 : vector<128x2048xbf16> to vector<1x128x2048xbf16>
        tpu.vector_store %arg12[%swap3A_875, %swap3A_876, %swap3A_877], %swap3A_880 {strides = array<i32>} : memref<4x128x2048xbf16, #tpu.memory_space<vmem>>, vector<1x128x2048xbf16>,
        %get3A_881 = arith.constant 1 : index
        %get3A_882 = arith.constant 0 : index
        %get3A_883 = arith.constant 0 : index
        %get3A_884 = vector.load %arg8[%get3A_881, %get3A_882, %get3A_883] : memref<2x2048x128xf32, #tpu.memory_space<vmem>>, vector<1x2048x128xf32>
        %get3A_885 = vector.shape_cast %get3A_884 : vector<1x2048x128xf32> to vector<2048x128xf32>
        %transpose3A_886 = tpu.transpose %get3A_885, [1, 0] : vector<2048x128xf32> -> vector<128x2048xf32>
        %swap3A_887 = arith.index_cast %select_n3A_655 : i32 to index
        %swap3A_888 = arith.constant 0 : index
        %swap3A_889 = arith.constant 0 : index
        %swap3A_890 = vector.load %arg10[%swap3A_887, %swap3A_888, %swap3A_889] : memref<4x128x2048xf32, #tpu.memory_space<vmem>>, vector<1x128x2048xf32>
        %swap3A_891 = vector.shape_cast %swap3A_890 : vector<1x128x2048xf32> to vector<128x2048xf32>
        %swap3A_892 = vector.shape_cast %transpose3A_886 : vector<128x2048xf32> to vector<1x128x2048xf32>
        tpu.vector_store %arg10[%swap3A_887, %swap3A_888, %swap3A_889], %swap3A_892 {strides = array<i32>} : memref<4x128x2048xf32, #tpu.memory_space<vmem>>, vector<1x128x2048xf32>,
        %convert_element_type3A_893 = arith.truncf %transpose3A_886 : vector<128x2048xf32> to vector<128x2048xbf16>
        %swap3A_894 = arith.index_cast %select_n3A_655 : i32 to index
        %swap3A_895 = arith.constant 0 : index
        %swap3A_896 = arith.constant 0 : index
        %swap3A_897 = vector.load %arg11[%swap3A_894, %swap3A_895, %swap3A_896] : memref<4x128x2048xbf16, #tpu.memory_space<vmem>>, vector<1x128x2048xbf16>
        %swap3A_898 = vector.shape_cast %swap3A_897 : vector<1x128x2048xbf16> to vector<128x2048xbf16>
        %swap3A_899 = vector.shape_cast %convert_element_type3A_893 : vector<128x2048xbf16> to vector<1x128x2048xbf16>
        tpu.vector_store %arg11[%swap3A_894, %swap3A_895, %swap3A_896], %swap3A_899 {strides = array<i32>} : memref<4x128x2048xbf16, #tpu.memory_space<vmem>>, vector<1x128x2048xbf16>,
        %get3A_900 = arith.constant 1 : index
        %get3A_901 = arith.constant 0 : index
        %get3A_902 = arith.constant 0 : index
        %get3A_903 = vector.load %arg9[%get3A_900, %get3A_901, %get3A_902] : memref<2x1x2048xi32, #tpu.memory_space<vmem>>, vector<1x1x2048xi32>
        %get3A_904 = vector.shape_cast %get3A_903 : vector<1x1x2048xi32> to vector<1x2048xi32>
        %eq3A_905 = vector.broadcast %get3A_904 : vector<1x2048xi32> to vector<128x2048xi32>
        %eq3A_906 = arith.cmpi eq, %add3A_89, %eq3A_905 : vector<128x2048xi32>
        %convert_element_type3A_907 = arith.extui %eq3A_906 : vector<128x2048xi1> to vector<128x2048xi32>
        %convert_element_type3A_908 = arith.sitofp %convert_element_type3A_907 : vector<128x2048xi32> to vector<128x2048xf32>
        %convert_element_type3A_909 = arith.truncf %convert_element_type3A_908 : vector<128x2048xf32> to vector<128x2048xbf16>
        %swap3A_910 = arith.index_cast %select_n3A_655 : i32 to index
        %swap3A_911 = arith.constant 0 : index
        %swap3A_912 = arith.constant 0 : index
        %swap3A_913 = vector.load %arg12[%swap3A_910, %swap3A_911, %swap3A_912] : memref<4x128x2048xbf16, #tpu.memory_space<vmem>>, vector<1x128x2048xbf16>
        %swap3A_914 = vector.shape_cast %swap3A_913 : vector<1x128x2048xbf16> to vector<128x2048xbf16>
        %swap3A_915 = vector.shape_cast %convert_element_type3A_909 : vector<128x2048xbf16> to vector<1x128x2048xbf16>
        tpu.vector_store %arg12[%swap3A_910, %swap3A_911, %swap3A_912], %swap3A_915 {strides = array<i32>} : memref<4x128x2048xbf16, #tpu.memory_space<vmem>>, vector<1x128x2048xbf16>,
      } else {
      }
      %get3A_660 = arith.index_cast %select_n3A_651 : i32 to index
      %get3A_661 = arith.constant 0 : index
      %get3A_662 = arith.constant 0 : index
      %get3A_663 = vector.load %arg10[%get3A_660, %get3A_661, %get3A_662] : memref<4x128x2048xf32, #tpu.memory_space<vmem>>, vector<1x128x2048xf32>
      %get3A_664 = vector.shape_cast %get3A_663 : vector<1x128x2048xf32> to vector<128x2048xf32>
      %get3A_665 = arith.index_cast %select_n3A_651 : i32 to index
      %get3A_666 = arith.constant 0 : index
      %get3A_667 = arith.constant 0 : index
      %get3A_668 = vector.load %arg11[%get3A_665, %get3A_666, %get3A_667] : memref<4x128x2048xbf16, #tpu.memory_space<vmem>>, vector<1x128x2048xbf16>
      %get3A_669 = vector.shape_cast %get3A_668 : vector<1x128x2048xbf16> to vector<128x2048xbf16>
      %get3A_670 = arith.index_cast %select_n3A_651 : i32 to index
      %get3A_671 = arith.constant 0 : index
      %get3A_672 = arith.constant 0 : index
      %get3A_673 = vector.load %arg12[%get3A_670, %get3A_671, %get3A_672] : memref<4x128x2048xbf16, #tpu.memory_space<vmem>>, vector<1x128x2048xbf16>
      %get3A_674 = vector.shape_cast %get3A_673 : vector<1x128x2048xbf16> to vector<128x2048xbf16>
      %dot_general3A_675 = arith.constant dense<0.000000e+00> : vector<128x2048xf32>
      %dot_general3A_676 = tpu.matmul %convert_element_type3A_571, %get3A_674, %dot_general3A_675 {dimension_numbers = #tpu.dot_dimension_numbers<[1], [0], [0], [1], [0, 0, 1, 1], [], []>, transpose_lhs_hint = false} : vector<128x128xbf16>, vector<128x2048xbf16>, vector<128x2048xf32> -> vector<128x2048xf32>
      %mul3A_677 = arith.mulf %get3A_664, %dot_general3A_676 : vector<128x2048xf32>
      %slice3A_678 = vector.extract_strided_slice %mul3A_677 {offsets = [0, 0], sizes = [32, 2048], strides = [1, 1]} : vector<128x2048xf32> to vector<32x2048xf32>
      %reduce_sum3A_679 = arith.constant dense<0.000000e+00> : vector<2048xf32>
      %reduce_sum3A_680 = vector.multi_reduction <add>, %slice3A_678, %reduce_sum3A_679 [0] : vector<32x2048xf32> to vector<2048xf32>
      %broadcast_in_dim3A_681 = vector.shape_cast %reduce_sum3A_680 : vector<2048xf32> to vector<1x2048xf32>
      %slice3A_682 = vector.extract_strided_slice %mul3A_677 {offsets = [32, 0], sizes = [32, 2048], strides = [1, 1]} : vector<128x2048xf32> to vector<32x2048xf32>
      %reduce_sum3A_683 = arith.constant dense<0.000000e+00> : vector<2048xf32>
      %reduce_sum3A_684 = vector.multi_reduction <add>, %slice3A_682, %reduce_sum3A_683 [0] : vector<32x2048xf32> to vector<2048xf32>
      %broadcast_in_dim3A_685 = vector.shape_cast %reduce_sum3A_684 : vector<2048xf32> to vector<1x2048xf32>
      %slice3A_686 = vector.extract_strided_slice %mul3A_677 {offsets = [64, 0], sizes = [32, 2048], strides = [1, 1]} : vector<128x2048xf32> to vector<32x2048xf32>
      %reduce_sum3A_687 = arith.constant dense<0.000000e+00> : vector<2048xf32>
      %reduce_sum3A_688 = vector.multi_reduction <add>, %slice3A_686, %reduce_sum3A_687 [0] : vector<32x2048xf32> to vector<2048xf32>
      %broadcast_in_dim3A_689 = vector.shape_cast %reduce_sum3A_688 : vector<2048xf32> to vector<1x2048xf32>
      %slice3A_690 = vector.extract_strided_slice %mul3A_677 {offsets = [96, 0], sizes = [32, 2048], strides = [1, 1]} : vector<128x2048xf32> to vector<32x2048xf32>
      %reduce_sum3A_691 = arith.constant dense<0.000000e+00> : vector<2048xf32>
      %reduce_sum3A_692 = vector.multi_reduction <add>, %slice3A_690, %reduce_sum3A_691 [0] : vector<32x2048xf32> to vector<2048xf32>
      %broadcast_in_dim3A_693 = vector.shape_cast %reduce_sum3A_692 : vector<2048xf32> to vector<1x2048xf32>
      %concatenate3A_694 = tpu.concatenate %broadcast_in_dim3A_681, %broadcast_in_dim3A_685, %broadcast_in_dim3A_689, %broadcast_in_dim3A_693 in 0 : vector<1x2048xf32>, vector<1x2048xf32>, vector<1x2048xf32>, vector<1x2048xf32> -> vector<4x2048xf32>
      %exp3A = math.exp %concatenate3A_694 : vector<4x2048xf32>
      %reduce_sum3A_695 = arith.constant dense<0.000000e+00> : vector<2048xf32>
      %reduce_sum3A_696 = vector.multi_reduction <add>, %exp3A, %reduce_sum3A_695 [0] : vector<4x2048xf32> to vector<2048xf32>
      %broadcast_in_dim3A_697 = vector.shape_cast %reduce_sum3A_696 : vector<2048xf32> to vector<1x2048xf32>
      %div3A_698 = vector.broadcast %broadcast_in_dim3A_697 : vector<1x2048xf32> to vector<4x2048xf32>
      %div3A_699 = arith.divf %exp3A, %div3A_698 : vector<4x2048xf32>
      %convert_element_type3A_700 = arith.truncf %div3A_699 : vector<4x2048xf32> to vector<4x2048xbf16>
      %slice3A_701 = vector.extract_strided_slice %convert_element_type3A_700 {offsets = [0, 0], sizes = [1, 2048], strides = [1, 1]} : vector<4x2048xbf16> to vector<1x2048xbf16>
      %broadcast_in_dim3A_702 = vector.shape_cast %slice3A_701 : vector<1x2048xbf16> to vector<1x2048xbf16>
      %broadcast_in_dim3A_703 = vector.broadcast %broadcast_in_dim3A_702 : vector<1x2048xbf16> to vector<32x2048xbf16>
      %slice3A_704 = vector.extract_strided_slice %convert_element_type3A_700 {offsets = [1, 0], sizes = [1, 2048], strides = [1, 1]} : vector<4x2048xbf16> to vector<1x2048xbf16>
      %broadcast_in_dim3A_705 = vector.shape_cast %slice3A_704 : vector<1x2048xbf16> to vector<1x2048xbf16>
      %broadcast_in_dim3A_706 = vector.broadcast %broadcast_in_dim3A_705 : vector<1x2048xbf16> to vector<32x2048xbf16>
      %slice3A_707 = vector.extract_strided_slice %convert_element_type3A_700 {offsets = [2, 0], sizes = [1, 2048], strides = [1, 1]} : vector<4x2048xbf16> to vector<1x2048xbf16>
      %broadcast_in_dim3A_708 = vector.shape_cast %slice3A_707 : vector<1x2048xbf16> to vector<1x2048xbf16>
      %broadcast_in_dim3A_709 = vector.broadcast %broadcast_in_dim3A_708 : vector<1x2048xbf16> to vector<32x2048xbf16>
      %slice3A_710 = vector.extract_strided_slice %convert_element_type3A_700 {offsets = [3, 0], sizes = [1, 2048], strides = [1, 1]} : vector<4x2048xbf16> to vector<1x2048xbf16>
      %broadcast_in_dim3A_711 = vector.shape_cast %slice3A_710 : vector<1x2048xbf16> to vector<1x2048xbf16>
      %broadcast_in_dim3A_712 = vector.broadcast %broadcast_in_dim3A_711 : vector<1x2048xbf16> to vector<32x2048xbf16>
      %concatenate3A_713 = tpu.concatenate %broadcast_in_dim3A_703, %broadcast_in_dim3A_706, %broadcast_in_dim3A_709, %broadcast_in_dim3A_712 in 0 : vector<32x2048xbf16>, vector<32x2048xbf16>, vector<32x2048xbf16>, vector<32x2048xbf16> -> vector<128x2048xbf16>
      %mul3A_714 = arith.mulf %concatenate3A_713, %get3A_669 : vector<128x2048xbf16>
      %dot_general3A_715 = arith.constant dense<0.000000e+00> : vector<128x128xf32>
      %dot_general3A_716 = tpu.matmul %mul3A_714, %get3A_674, %dot_general3A_715 {dimension_numbers = #tpu.dot_dimension_numbers<[1], [1], [0], [0], [0, 0, 1, 0], [], []>, transpose_lhs_hint = false} : vector<128x2048xbf16>, vector<128x2048xbf16>, vector<128x128xf32> -> vector<128x128xf32>
      %add3A_717 = arith.addf %while3A_647, %dot_general3A_716 : vector<128x128xf32>
      %get3A_718 = arith.index_cast %select_n3A_655 : i32 to index
      %get3A_719 = arith.constant 0 : index
      %get3A_720 = arith.constant 0 : index
      %get3A_721 = vector.load %arg10[%get3A_718, %get3A_719, %get3A_720] : memref<4x128x2048xf32, #tpu.memory_space<vmem>>, vector<1x128x2048xf32>
      %get3A_722 = vector.shape_cast %get3A_721 : vector<1x128x2048xf32> to vector<128x2048xf32>
      %get3A_723 = arith.index_cast %select_n3A_655 : i32 to index
      %get3A_724 = arith.constant 0 : index
      %get3A_725 = arith.constant 0 : index
      %get3A_726 = vector.load %arg11[%get3A_723, %get3A_724, %get3A_725] : memref<4x128x2048xbf16, #tpu.memory_space<vmem>>, vector<1x128x2048xbf16>
      %get3A_727 = vector.shape_cast %get3A_726 : vector<1x128x2048xbf16> to vector<128x2048xbf16>
      %get3A_728 = arith.index_cast %select_n3A_655 : i32 to index
      %get3A_729 = arith.constant 0 : index
      %get3A_730 = arith.constant 0 : index
      %get3A_731 = vector.load %arg12[%get3A_728, %get3A_729, %get3A_730] : memref<4x128x2048xbf16, #tpu.memory_space<vmem>>, vector<1x128x2048xbf16>
      %get3A_732 = vector.shape_cast %get3A_731 : vector<1x128x2048xbf16> to vector<128x2048xbf16>
      %dot_general3A_733 = arith.constant dense<0.000000e+00> : vector<128x2048xf32>
      %dot_general3A_734 = tpu.matmul %convert_element_type3A_571, %get3A_732, %dot_general3A_733 {dimension_numbers = #tpu.dot_dimension_numbers<[1], [0], [0], [1], [0, 0, 1, 1], [], []>, transpose_lhs_hint = false} : vector<128x128xbf16>, vector<128x2048xbf16>, vector<128x2048xf32> -> vector<128x2048xf32>
      %mul3A_735 = arith.mulf %get3A_722, %dot_general3A_734 : vector<128x2048xf32>
      %slice3A_736 = vector.extract_strided_slice %mul3A_735 {offsets = [0, 0], sizes = [32, 2048], strides = [1, 1]} : vector<128x2048xf32> to vector<32x2048xf32>
      %reduce_sum3A_737 = arith.constant dense<0.000000e+00> : vector<2048xf32>
      %reduce_sum3A_738 = vector.multi_reduction <add>, %slice3A_736, %reduce_sum3A_737 [0] : vector<32x2048xf32> to vector<2048xf32>
      %broadcast_in_dim3A_739 = vector.shape_cast %reduce_sum3A_738 : vector<2048xf32> to vector<1x2048xf32>
      %slice3A_740 = vector.extract_strided_slice %mul3A_735 {offsets = [32, 0], sizes = [32, 2048], strides = [1, 1]} : vector<128x2048xf32> to vector<32x2048xf32>
      %reduce_sum3A_741 = arith.constant dense<0.000000e+00> : vector<2048xf32>
      %reduce_sum3A_742 = vector.multi_reduction <add>, %slice3A_740, %reduce_sum3A_741 [0] : vector<32x2048xf32> to vector<2048xf32>
      %broadcast_in_dim3A_743 = vector.shape_cast %reduce_sum3A_742 : vector<2048xf32> to vector<1x2048xf32>
      %slice3A_744 = vector.extract_strided_slice %mul3A_735 {offsets = [64, 0], sizes = [32, 2048], strides = [1, 1]} : vector<128x2048xf32> to vector<32x2048xf32>
      %reduce_sum3A_745 = arith.constant dense<0.000000e+00> : vector<2048xf32>
      %reduce_sum3A_746 = vector.multi_reduction <add>, %slice3A_744, %reduce_sum3A_745 [0] : vector<32x2048xf32> to vector<2048xf32>
      %broadcast_in_dim3A_747 = vector.shape_cast %reduce_sum3A_746 : vector<2048xf32> to vector<1x2048xf32>
      %slice3A_748 = vector.extract_strided_slice %mul3A_735 {offsets = [96, 0], sizes = [32, 2048], strides = [1, 1]} : vector<128x2048xf32> to vector<32x2048xf32>
      %reduce_sum3A_749 = arith.constant dense<0.000000e+00> : vector<2048xf32>
      %reduce_sum3A_750 = vector.multi_reduction <add>, %slice3A_748, %reduce_sum3A_749 [0] : vector<32x2048xf32> to vector<2048xf32>
      %broadcast_in_dim3A_751 = vector.shape_cast %reduce_sum3A_750 : vector<2048xf32> to vector<1x2048xf32>
      %concatenate3A_752 = tpu.concatenate %broadcast_in_dim3A_739, %broadcast_in_dim3A_743, %broadcast_in_dim3A_747, %broadcast_in_dim3A_751 in 0 : vector<1x2048xf32>, vector<1x2048xf32>, vector<1x2048xf32>, vector<1x2048xf32> -> vector<4x2048xf32>
      %exp3A_753 = math.exp %concatenate3A_752 : vector<4x2048xf32>
      %reduce_sum3A_754 = arith.constant dense<0.000000e+00> : vector<2048xf32>
      %reduce_sum3A_755 = vector.multi_reduction <add>, %exp3A_753, %reduce_sum3A_754 [0] : vector<4x2048xf32> to vector<2048xf32>
      %broadcast_in_dim3A_756 = vector.shape_cast %reduce_sum3A_755 : vector<2048xf32> to vector<1x2048xf32>
      %div3A_757 = vector.broadcast %broadcast_in_dim3A_756 : vector<1x2048xf32> to vector<4x2048xf32>
      %div3A_758 = arith.divf %exp3A_753, %div3A_757 : vector<4x2048xf32>
      %convert_element_type3A_759 = arith.truncf %div3A_758 : vector<4x2048xf32> to vector<4x2048xbf16>
      %slice3A_760 = vector.extract_strided_slice %convert_element_type3A_759 {offsets = [0, 0], sizes = [1, 2048], strides = [1, 1]} : vector<4x2048xbf16> to vector<1x2048xbf16>
      %broadcast_in_dim3A_761 = vector.shape_cast %slice3A_760 : vector<1x2048xbf16> to vector<1x2048xbf16>
      %broadcast_in_dim3A_762 = vector.broadcast %broadcast_in_dim3A_761 : vector<1x2048xbf16> to vector<32x2048xbf16>
      %slice3A_763 = vector.extract_strided_slice %convert_element_type3A_759 {offsets = [1, 0], sizes = [1, 2048], strides = [1, 1]} : vector<4x2048xbf16> to vector<1x2048xbf16>
      %broadcast_in_dim3A_764 = vector.shape_cast %slice3A_763 : vector<1x2048xbf16> to vector<1x2048xbf16>
      %broadcast_in_dim3A_765 = vector.broadcast %broadcast_in_dim3A_764 : vector<1x2048xbf16> to vector<32x2048xbf16>
      %slice3A_766 = vector.extract_strided_slice %convert_element_type3A_759 {offsets = [2, 0], sizes = [1, 2048], strides = [1, 1]} : vector<4x2048xbf16> to vector<1x2048xbf16>
      %broadcast_in_dim3A_767 = vector.shape_cast %slice3A_766 : vector<1x2048xbf16> to vector<1x2048xbf16>
      %broadcast_in_dim3A_768 = vector.broadcast %broadcast_in_dim3A_767 : vector<1x2048xbf16> to vector<32x2048xbf16>
      %slice3A_769 = vector.extract_strided_slice %convert_element_type3A_759 {offsets = [3, 0], sizes = [1, 2048], strides = [1, 1]} : vector<4x2048xbf16> to vector<1x2048xbf16>
      %broadcast_in_dim3A_770 = vector.shape_cast %slice3A_769 : vector<1x2048xbf16> to vector<1x2048xbf16>
      %broadcast_in_dim3A_771 = vector.broadcast %broadcast_in_dim3A_770 : vector<1x2048xbf16> to vector<32x2048xbf16>
      %concatenate3A_772 = tpu.concatenate %broadcast_in_dim3A_762, %broadcast_in_dim3A_765, %broadcast_in_dim3A_768, %broadcast_in_dim3A_771 in 0 : vector<32x2048xbf16>, vector<32x2048xbf16>, vector<32x2048xbf16>, vector<32x2048xbf16> -> vector<128x2048xbf16>
      %mul3A_773 = arith.mulf %concatenate3A_772, %get3A_727 : vector<128x2048xbf16>
      %dot_general3A_774 = arith.constant dense<0.000000e+00> : vector<128x128xf32>
      %dot_general3A_775 = tpu.matmul %mul3A_773, %get3A_732, %dot_general3A_774 {dimension_numbers = #tpu.dot_dimension_numbers<[1], [1], [0], [0], [0, 0, 1, 0], [], []>, transpose_lhs_hint = false} : vector<128x2048xbf16>, vector<128x2048xbf16>, vector<128x128xf32> -> vector<128x128xf32>
      %add3A_776 = arith.addf %add3A_717, %dot_general3A_775 : vector<128x128xf32>
      scf.yield %add3A_776 : vector<128x128xf32>
    }
    %add3A_585 = arith.addf %transpose3A_352, %while3A_584 : vector<128x128xf32>
    %mul3A_586 = arith.mulf %add3A_585, %add3A_585 : vector<128x128xf32>
    %slice3A_587 = vector.extract_strided_slice %mul3A_586 {offsets = [0, 0], sizes = [32, 128], strides = [1, 1]} : vector<128x128xf32> to vector<32x128xf32>
    %reduce_sum3A_588 = arith.constant dense<0.000000e+00> : vector<128xf32>
    %reduce_sum3A_589 = vector.multi_reduction <add>, %slice3A_587, %reduce_sum3A_588 [0] : vector<32x128xf32> to vector<128xf32>
    %broadcast_in_dim3A_590 = vector.shape_cast %reduce_sum3A_589 : vector<128xf32> to vector<1x128xf32>
    %slice3A_591 = vector.extract_strided_slice %mul3A_586 {offsets = [32, 0], sizes = [32, 128], strides = [1, 1]} : vector<128x128xf32> to vector<32x128xf32>
    %reduce_sum3A_592 = arith.constant dense<0.000000e+00> : vector<128xf32>
    %reduce_sum3A_593 = vector.multi_reduction <add>, %slice3A_591, %reduce_sum3A_592 [0] : vector<32x128xf32> to vector<128xf32>
    %broadcast_in_dim3A_594 = vector.shape_cast %reduce_sum3A_593 : vector<128xf32> to vector<1x128xf32>
    %slice3A_595 = vector.extract_strided_slice %mul3A_586 {offsets = [64, 0], sizes = [32, 128], strides = [1, 1]} : vector<128x128xf32> to vector<32x128xf32>
    %reduce_sum3A_596 = arith.constant dense<0.000000e+00> : vector<128xf32>
    %reduce_sum3A_597 = vector.multi_reduction <add>, %slice3A_595, %reduce_sum3A_596 [0] : vector<32x128xf32> to vector<128xf32>
    %broadcast_in_dim3A_598 = vector.shape_cast %reduce_sum3A_597 : vector<128xf32> to vector<1x128xf32>
    %slice3A_599 = vector.extract_strided_slice %mul3A_586 {offsets = [96, 0], sizes = [32, 128], strides = [1, 1]} : vector<128x128xf32> to vector<32x128xf32>
    %reduce_sum3A_600 = arith.constant dense<0.000000e+00> : vector<128xf32>
    %reduce_sum3A_601 = vector.multi_reduction <add>, %slice3A_599, %reduce_sum3A_600 [0] : vector<32x128xf32> to vector<128xf32>
    %broadcast_in_dim3A_602 = vector.shape_cast %reduce_sum3A_601 : vector<128xf32> to vector<1x128xf32>
    %concatenate3A_603 = tpu.concatenate %broadcast_in_dim3A_590, %broadcast_in_dim3A_594, %broadcast_in_dim3A_598, %broadcast_in_dim3A_602 in 0 : vector<1x128xf32>, vector<1x128xf32>, vector<1x128xf32>, vector<1x128xf32> -> vector<4x128xf32>
    %sqrt3A_604 = math.sqrt %concatenate3A_603 : vector<4x128xf32>
    %max3A_605 = arith.constant 9.99999996E-13 : f32
    %max3A_606 = vector.broadcast %max3A_605 : f32 to vector<4x128xf32>
    %max3A_607 = arith.maximumf %sqrt3A_604, %max3A_606 : vector<4x128xf32>
    %div3A_608 = arith.constant 1.000000e+00 : f32
    %div3A_609 = vector.broadcast %div3A_608 : f32 to vector<4x128xf32>
    %div3A_610 = arith.divf %div3A_609, %max3A_607 : vector<4x128xf32>
    %slice3A_611 = vector.extract_strided_slice %div3A_610 {offsets = [0, 0], sizes = [1, 128], strides = [1, 1]} : vector<4x128xf32> to vector<1x128xf32>
    %broadcast_in_dim3A_612 = vector.shape_cast %slice3A_611 : vector<1x128xf32> to vector<1x128xf32>
    %broadcast_in_dim3A_613 = vector.broadcast %broadcast_in_dim3A_612 : vector<1x128xf32> to vector<32x128xf32>
    %slice3A_614 = vector.extract_strided_slice %div3A_610 {offsets = [1, 0], sizes = [1, 128], strides = [1, 1]} : vector<4x128xf32> to vector<1x128xf32>
    %broadcast_in_dim3A_615 = vector.shape_cast %slice3A_614 : vector<1x128xf32> to vector<1x128xf32>
    %broadcast_in_dim3A_616 = vector.broadcast %broadcast_in_dim3A_615 : vector<1x128xf32> to vector<32x128xf32>
    %slice3A_617 = vector.extract_strided_slice %div3A_610 {offsets = [2, 0], sizes = [1, 128], strides = [1, 1]} : vector<4x128xf32> to vector<1x128xf32>
    %broadcast_in_dim3A_618 = vector.shape_cast %slice3A_617 : vector<1x128xf32> to vector<1x128xf32>
    %broadcast_in_dim3A_619 = vector.broadcast %broadcast_in_dim3A_618 : vector<1x128xf32> to vector<32x128xf32>
    %slice3A_620 = vector.extract_strided_slice %div3A_610 {offsets = [3, 0], sizes = [1, 128], strides = [1, 1]} : vector<4x128xf32> to vector<1x128xf32>
    %broadcast_in_dim3A_621 = vector.shape_cast %slice3A_620 : vector<1x128xf32> to vector<1x128xf32>
    %broadcast_in_dim3A_622 = vector.broadcast %broadcast_in_dim3A_621 : vector<1x128xf32> to vector<32x128xf32>
    %concatenate3A_623 = tpu.concatenate %broadcast_in_dim3A_613, %broadcast_in_dim3A_616, %broadcast_in_dim3A_619, %broadcast_in_dim3A_622 in 0 : vector<32x128xf32>, vector<32x128xf32>, vector<32x128xf32>, vector<32x128xf32> -> vector<128x128xf32>
    %mul3A_624 = arith.mulf %add3A_585, %concatenate3A_623 : vector<128x128xf32>
    %dot_general3A_625 = arith.constant dense<0.000000e+00> : vector<128x128xf32>
    %dot_general3A_626 = tpu.matmul %convert_element_type3A_84, %mul3A_624, %dot_general3A_625 {dimension_numbers = #tpu.dot_dimension_numbers<[1], [0], [0], [1], [0, 0, 1, 1], [], []>, transpose_lhs_hint = false} : vector<128x128xf32>, vector<128x128xf32>, vector<128x128xf32> -> vector<128x128xf32>
    %convert_element_type3A_627 = arith.truncf %dot_general3A_626 : vector<128x128xf32> to vector<128x128xbf16>
    %broadcast_in_dim3A_628 = arith.constant 0.000000e+00 : f32
    %broadcast_in_dim3A_629 = vector.broadcast %broadcast_in_dim3A_628 : f32 to vector<128x128xf32>
    %while3A_630 = arith.constant 0 : i32
    %while3A_631 = arith.subi %div3A_29, %while3A_630 : i32
    %while3A_632 = arith.addi %while3A_630, %while3A_631 : i32
    %while3A_633 = arith.constant 1 : i32
    %while3A_634 = arith.divsi %while3A_631, %while3A_633 : i32
    %while3A_635 = arith.muli %while3A_634, %while3A_633 : i32
    %while3A_636 = arith.addi %while3A_630, %while3A_635 : i32
    %while3A_637 = arith.constant 1 : i32
    %while3A_638 = scf.for %while3A_646 = %while3A_630 to %while3A_636 step %while3A_637 iter_args(%while3A_647 = %broadcast_in_dim3A_629) -> (vector<128x128xf32>)  : i32 {
      %mul3A_648 = arith.constant 2 : i32
      %mul3A_649 = arith.muli %mul3A_648, %while3A_646 : i32
      %jit3A_650 = arith.constant 0 : i32
      %select_n3A_651 = arith.select %le3A_30, %mul3A_649, %jit3A_650 : i32
      %add3A_652 = arith.constant 1 : i32
      %add3A_653 = arith.addi %mul3A_649, %add3A_652 : i32
      %jit3A_654 = arith.constant 1 : i32
      %select_n3A_655 = arith.select %le3A_30, %add3A_653, %jit3A_654 : i32
      %not3A = arith.constant true
      %not3A_656 = arith.xori %le3A_30, %not3A : i1
      %convert_element_type3A_657 = arith.extui %not3A_656 : i1 to i32
      %cond3A_658 = arith.constant 0 : i32
      %cond3A_659 = arith.cmpi ne, %convert_element_type3A_657, %cond3A_658 : i32
      scf.if %cond3A_659 {
        %add3A_777 = arith.constant 1 : i32
        %add3A_778 = arith.addi %mul3A_649, %add3A_777 : i32
        %mul3A_779 = arith.constant 2048 : i32
        %mul3A_780 = arith.muli %mul3A_649, %mul3A_779 : i32
        %add3A_781 = arith.addi %multiple_of3A, %mul3A_780 : i32
        %mul3A_782 = arith.constant 2048 : i32
        %mul3A_783 = arith.muli %mul3A_649, %mul3A_782 : i32
        %add3A_784 = arith.addi %multiple_of3A, %mul3A_783 : i32
        %mul3A_785 = arith.constant 2048 : i32
        %mul3A_786 = arith.muli %add3A_778, %mul3A_785 : i32
        %add3A_787 = arith.addi %multiple_of3A, %mul3A_786 : i32
        %mul3A_788 = arith.constant 2048 : i32
        %mul3A_789 = arith.muli %add3A_778, %mul3A_788 : i32
        %add3A_790 = arith.addi %multiple_of3A, %mul3A_789 : i32
        %dma_start3A = arith.constant 0 : i32
        %dma_start3A_791 = arith.constant 0 : i32
        %dma_start3A_792 = arith.constant 0 : i32
        %dma_start3A_793 = tpu.memref_slice %arg8[%dma_start3A, %dma_start3A_791, %dma_start3A_792] : memref<2x2048x128xf32, #tpu.memory_space<vmem>> -> memref<1x2048x128xf32, #tpu.memory_space<vmem>>
        %dma_start3A_794 = tpu.memref_squeeze %dma_start3A_793 : memref<1x2048x128xf32, #tpu.memory_space<vmem>> -> memref<2048x128xf32, #tpu.memory_space<vmem>>
        %dma_start3A_795 = arith.constant 0 : i32
        %dma_start3A_796 = tpu.memref_slice %arg3[%add3A_781, %dma_start3A_795] : memref<344064x128xf32, #tpu.memory_space<any>> -> memref<2048x128xf32, #tpu.memory_space<any>>
        tpu.enqueue_dma source(%dma_start3A_796 : memref<2048x128xf32, #tpu.memory_space<any>>) target(%dma_start3A_794 : memref<2048x128xf32, #tpu.memory_space<vmem>>) target_semaphore(%arg13 : memref<!tpu.dma_semaphore, #tpu.memory_space<semaphore_mem>>)
        %dma_start3A_797 = arith.constant 0 : i32
        %dma_start3A_798 = arith.constant 0 : i32
        %dma_start3A_799 = arith.constant 0 : i32
        %dma_start3A_800 = tpu.memref_slice %arg9[%dma_start3A_797, %dma_start3A_798, %dma_start3A_799] : memref<2x1x2048xi32, #tpu.memory_space<vmem>> -> memref<1x1x2048xi32, #tpu.memory_space<vmem>>
        %dma_start3A_801 = tpu.memref_squeeze %dma_start3A_800 : memref<1x1x2048xi32, #tpu.memory_space<vmem>> -> memref<1x2048xi32, #tpu.memory_space<vmem>>
        %dma_start3A_802 = arith.constant 0 : i32
        %dma_start3A_803 = tpu.memref_slice %arg4[%dma_start3A_802, %add3A_784] : memref<1x344064xi32, #tpu.memory_space<any>> -> memref<1x2048xi32, #tpu.memory_space<any>>
        tpu.enqueue_dma source(%dma_start3A_803 : memref<1x2048xi32, #tpu.memory_space<any>>) target(%dma_start3A_801 : memref<1x2048xi32, #tpu.memory_space<vmem>>) target_semaphore(%arg13 : memref<!tpu.dma_semaphore, #tpu.memory_space<semaphore_mem>>)
        %dma_start3A_804 = arith.constant 1 : i32
        %dma_start3A_805 = arith.constant 0 : i32
        %dma_start3A_806 = arith.constant 0 : i32
        %dma_start3A_807 = tpu.memref_slice %arg8[%dma_start3A_804, %dma_start3A_805, %dma_start3A_806] : memref<2x2048x128xf32, #tpu.memory_space<vmem>> -> memref<1x2048x128xf32, #tpu.memory_space<vmem>>
        %dma_start3A_808 = tpu.memref_squeeze %dma_start3A_807 : memref<1x2048x128xf32, #tpu.memory_space<vmem>> -> memref<2048x128xf32, #tpu.memory_space<vmem>>
        %dma_start3A_809 = arith.constant 0 : i32
        %dma_start3A_810 = tpu.memref_slice %arg3[%add3A_787, %dma_start3A_809] : memref<344064x128xf32, #tpu.memory_space<any>> -> memref<2048x128xf32, #tpu.memory_space<any>>
        tpu.enqueue_dma source(%dma_start3A_810 : memref<2048x128xf32, #tpu.memory_space<any>>) target(%dma_start3A_808 : memref<2048x128xf32, #tpu.memory_space<vmem>>) target_semaphore(%arg13 : memref<!tpu.dma_semaphore, #tpu.memory_space<semaphore_mem>>)
        %dma_start3A_811 = arith.constant 1 : i32
        %dma_start3A_812 = arith.constant 0 : i32
        %dma_start3A_813 = arith.constant 0 : i32
        %dma_start3A_814 = tpu.memref_slice %arg9[%dma_start3A_811, %dma_start3A_812, %dma_start3A_813] : memref<2x1x2048xi32, #tpu.memory_space<vmem>> -> memref<1x1x2048xi32, #tpu.memory_space<vmem>>
        %dma_start3A_815 = tpu.memref_squeeze %dma_start3A_814 : memref<1x1x2048xi32, #tpu.memory_space<vmem>> -> memref<1x2048xi32, #tpu.memory_space<vmem>>
        %dma_start3A_816 = arith.constant 0 : i32
        %dma_start3A_817 = tpu.memref_slice %arg4[%dma_start3A_816, %add3A_790] : memref<1x344064xi32, #tpu.memory_space<any>> -> memref<1x2048xi32, #tpu.memory_space<any>>
        tpu.enqueue_dma source(%dma_start3A_817 : memref<1x2048xi32, #tpu.memory_space<any>>) target(%dma_start3A_815 : memref<1x2048xi32, #tpu.memory_space<vmem>>) target_semaphore(%arg13 : memref<!tpu.dma_semaphore, #tpu.memory_space<semaphore_mem>>)
        %dma_wait3A_818 = arith.constant 0 : i32
        %dma_wait3A_819 = arith.constant 0 : i32
        %dma_wait3A_820 = arith.constant 0 : i32
        %dma_wait3A_821 = tpu.memref_slice %arg8[%dma_wait3A_818, %dma_wait3A_819, %dma_wait3A_820] : memref<2x2048x128xf32, #tpu.memory_space<vmem>> -> memref<1x2048x128xf32, #tpu.memory_space<vmem>>
        %dma_wait3A_822 = tpu.memref_squeeze %dma_wait3A_821 : memref<1x2048x128xf32, #tpu.memory_space<vmem>> -> memref<2048x128xf32, #tpu.memory_space<vmem>>
        %dma_wait3A_823 = arith.constant 0 : i32
        %dma_wait3A_824 = tpu.memref_slice %arg3[%add3A_781, %dma_wait3A_823] : memref<344064x128xf32, #tpu.memory_space<any>> -> memref<2048x128xf32, #tpu.memory_space<any>>
        tpu.wait_dma2 semaphore(%arg13 : memref<!tpu.dma_semaphore, #tpu.memory_space<semaphore_mem>>) src(%dma_wait3A_824 : memref<2048x128xf32, #tpu.memory_space<any>>) dst(%dma_wait3A_822 : memref<2048x128xf32, #tpu.memory_space<vmem>>)
        %dma_wait3A_825 = arith.constant 0 : i32
        %dma_wait3A_826 = arith.constant 0 : i32
        %dma_wait3A_827 = arith.constant 0 : i32
        %dma_wait3A_828 = tpu.memref_slice %arg9[%dma_wait3A_825, %dma_wait3A_826, %dma_wait3A_827] : memref<2x1x2048xi32, #tpu.memory_space<vmem>> -> memref<1x1x2048xi32, #tpu.memory_space<vmem>>
        %dma_wait3A_829 = tpu.memref_squeeze %dma_wait3A_828 : memref<1x1x2048xi32, #tpu.memory_space<vmem>> -> memref<1x2048xi32, #tpu.memory_space<vmem>>
        %dma_wait3A_830 = arith.constant 0 : i32
        %dma_wait3A_831 = tpu.memref_slice %arg4[%dma_wait3A_830, %add3A_784] : memref<1x344064xi32, #tpu.memory_space<any>> -> memref<1x2048xi32, #tpu.memory_space<any>>
        tpu.wait_dma2 semaphore(%arg13 : memref<!tpu.dma_semaphore, #tpu.memory_space<semaphore_mem>>) src(%dma_wait3A_831 : memref<1x2048xi32, #tpu.memory_space<any>>) dst(%dma_wait3A_829 : memref<1x2048xi32, #tpu.memory_space<vmem>>)
        %dma_wait3A_832 = arith.constant 1 : i32
        %dma_wait3A_833 = arith.constant 0 : i32
        %dma_wait3A_834 = arith.constant 0 : i32
        %dma_wait3A_835 = tpu.memref_slice %arg8[%dma_wait3A_832, %dma_wait3A_833, %dma_wait3A_834] : memref<2x2048x128xf32, #tpu.memory_space<vmem>> -> memref<1x2048x128xf32, #tpu.memory_space<vmem>>
        %dma_wait3A_836 = tpu.memref_squeeze %dma_wait3A_835 : memref<1x2048x128xf32, #tpu.memory_space<vmem>> -> memref<2048x128xf32, #tpu.memory_space<vmem>>
        %dma_wait3A_837 = arith.constant 0 : i32
        %dma_wait3A_838 = tpu.memref_slice %arg3[%add3A_787, %dma_wait3A_837] : memref<344064x128xf32, #tpu.memory_space<any>> -> memref<2048x128xf32, #tpu.memory_space<any>>
        tpu.wait_dma2 semaphore(%arg13 : memref<!tpu.dma_semaphore, #tpu.memory_space<semaphore_mem>>) src(%dma_wait3A_838 : memref<2048x128xf32, #tpu.memory_space<any>>) dst(%dma_wait3A_836 : memref<2048x128xf32, #tpu.memory_space<vmem>>)
        %dma_wait3A_839 = arith.constant 1 : i32
        %dma_wait3A_840 = arith.constant 0 : i32
        %dma_wait3A_841 = arith.constant 0 : i32
        %dma_wait3A_842 = tpu.memref_slice %arg9[%dma_wait3A_839, %dma_wait3A_840, %dma_wait3A_841] : memref<2x1x2048xi32, #tpu.memory_space<vmem>> -> memref<1x1x2048xi32, #tpu.memory_space<vmem>>
        %dma_wait3A_843 = tpu.memref_squeeze %dma_wait3A_842 : memref<1x1x2048xi32, #tpu.memory_space<vmem>> -> memref<1x2048xi32, #tpu.memory_space<vmem>>
        %dma_wait3A_844 = arith.constant 0 : i32
        %dma_wait3A_845 = tpu.memref_slice %arg4[%dma_wait3A_844, %add3A_790] : memref<1x344064xi32, #tpu.memory_space<any>> -> memref<1x2048xi32, #tpu.memory_space<any>>
        tpu.wait_dma2 semaphore(%arg13 : memref<!tpu.dma_semaphore, #tpu.memory_space<semaphore_mem>>) src(%dma_wait3A_845 : memref<1x2048xi32, #tpu.memory_space<any>>) dst(%dma_wait3A_843 : memref<1x2048xi32, #tpu.memory_space<vmem>>)
        %get3A_846 = arith.constant 0 : index
        %get3A_847 = arith.constant 0 : index
        %get3A_848 = arith.constant 0 : index
        %get3A_849 = vector.load %arg8[%get3A_846, %get3A_847, %get3A_848] : memref<2x2048x128xf32, #tpu.memory_space<vmem>>, vector<1x2048x128xf32>
        %get3A_850 = vector.shape_cast %get3A_849 : vector<1x2048x128xf32> to vector<2048x128xf32>
        %transpose3A_851 = tpu.transpose %get3A_850, [1, 0] : vector<2048x128xf32> -> vector<128x2048xf32>
        %swap3A_852 = arith.index_cast %select_n3A_651 : i32 to index
        %swap3A_853 = arith.constant 0 : index
        %swap3A_854 = arith.constant 0 : index
        %swap3A_855 = vector.load %arg10[%swap3A_852, %swap3A_853, %swap3A_854] : memref<4x128x2048xf32, #tpu.memory_space<vmem>>, vector<1x128x2048xf32>
        %swap3A_856 = vector.shape_cast %swap3A_855 : vector<1x128x2048xf32> to vector<128x2048xf32>
        %swap3A_857 = vector.shape_cast %transpose3A_851 : vector<128x2048xf32> to vector<1x128x2048xf32>
        tpu.vector_store %arg10[%swap3A_852, %swap3A_853, %swap3A_854], %swap3A_857 {strides = array<i32>} : memref<4x128x2048xf32, #tpu.memory_space<vmem>>, vector<1x128x2048xf32>,
        %convert_element_type3A_858 = arith.truncf %transpose3A_851 : vector<128x2048xf32> to vector<128x2048xbf16>
        %swap3A_859 = arith.index_cast %select_n3A_651 : i32 to index
        %swap3A_860 = arith.constant 0 : index
        %swap3A_861 = arith.constant 0 : index
        %swap3A_862 = vector.load %arg11[%swap3A_859, %swap3A_860, %swap3A_861] : memref<4x128x2048xbf16, #tpu.memory_space<vmem>>, vector<1x128x2048xbf16>
        %swap3A_863 = vector.shape_cast %swap3A_862 : vector<1x128x2048xbf16> to vector<128x2048xbf16>
        %swap3A_864 = vector.shape_cast %convert_element_type3A_858 : vector<128x2048xbf16> to vector<1x128x2048xbf16>
        tpu.vector_store %arg11[%swap3A_859, %swap3A_860, %swap3A_861], %swap3A_864 {strides = array<i32>} : memref<4x128x2048xbf16, #tpu.memory_space<vmem>>, vector<1x128x2048xbf16>,
        %get3A_865 = arith.constant 0 : index
        %get3A_866 = arith.constant 0 : index
        %get3A_867 = arith.constant 0 : index
        %get3A_868 = vector.load %arg9[%get3A_865, %get3A_866, %get3A_867] : memref<2x1x2048xi32, #tpu.memory_space<vmem>>, vector<1x1x2048xi32>
        %get3A_869 = vector.shape_cast %get3A_868 : vector<1x1x2048xi32> to vector<1x2048xi32>
        %eq3A_870 = vector.broadcast %get3A_869 : vector<1x2048xi32> to vector<128x2048xi32>
        %eq3A_871 = arith.cmpi eq, %add3A_89, %eq3A_870 : vector<128x2048xi32>
        %convert_element_type3A_872 = arith.extui %eq3A_871 : vector<128x2048xi1> to vector<128x2048xi32>
        %convert_element_type3A_873 = arith.sitofp %convert_element_type3A_872 : vector<128x2048xi32> to vector<128x2048xf32>
        %convert_element_type3A_874 = arith.truncf %convert_element_type3A_873 : vector<128x2048xf32> to vector<128x2048xbf16>
        %swap3A_875 = arith.index_cast %select_n3A_651 : i32 to index
        %swap3A_876 = arith.constant 0 : index
        %swap3A_877 = arith.constant 0 : index
        %swap3A_878 = vector.load %arg12[%swap3A_875, %swap3A_876, %swap3A_877] : memref<4x128x2048xbf16, #tpu.memory_space<vmem>>, vector<1x128x2048xbf16>
        %swap3A_879 = vector.shape_cast %swap3A_878 : vector<1x128x2048xbf16> to vector<128x2048xbf16>
        %swap3A_880 = vector.shape_cast %convert_element_type3A_874 : vector<128x2048xbf16> to vector<1x128x2048xbf16>
        tpu.vector_store %arg12[%swap3A_875, %swap3A_876, %swap3A_877], %swap3A_880 {strides = array<i32>} : memref<4x128x2048xbf16, #tpu.memory_space<vmem>>, vector<1x128x2048xbf16>,
        %get3A_881 = arith.constant 1 : index
        %get3A_882 = arith.constant 0 : index
        %get3A_883 = arith.constant 0 : index
        %get3A_884 = vector.load %arg8[%get3A_881, %get3A_882, %get3A_883] : memref<2x2048x128xf32, #tpu.memory_space<vmem>>, vector<1x2048x128xf32>
        %get3A_885 = vector.shape_cast %get3A_884 : vector<1x2048x128xf32> to vector<2048x128xf32>
        %transpose3A_886 = tpu.transpose %get3A_885, [1, 0] : vector<2048x128xf32> -> vector<128x2048xf32>
        %swap3A_887 = arith.index_cast %select_n3A_655 : i32 to index
        %swap3A_888 = arith.constant 0 : index
        %swap3A_889 = arith.constant 0 : index
        %swap3A_890 = vector.load %arg10[%swap3A_887, %swap3A_888, %swap3A_889] : memref<4x128x2048xf32, #tpu.memory_space<vmem>>, vector<1x128x2048xf32>
        %swap3A_891 = vector.shape_cast %swap3A_890 : vector<1x128x2048xf32> to vector<128x2048xf32>
        %swap3A_892 = vector.shape_cast %transpose3A_886 : vector<128x2048xf32> to vector<1x128x2048xf32>
        tpu.vector_store %arg10[%swap3A_887, %swap3A_888, %swap3A_889], %swap3A_892 {strides = array<i32>} : memref<4x128x2048xf32, #tpu.memory_space<vmem>>, vector<1x128x2048xf32>,
        %convert_element_type3A_893 = arith.truncf %transpose3A_886 : vector<128x2048xf32> to vector<128x2048xbf16>
        %swap3A_894 = arith.index_cast %select_n3A_655 : i32 to index
        %swap3A_895 = arith.constant 0 : index
        %swap3A_896 = arith.constant 0 : index
        %swap3A_897 = vector.load %arg11[%swap3A_894, %swap3A_895, %swap3A_896] : memref<4x128x2048xbf16, #tpu.memory_space<vmem>>, vector<1x128x2048xbf16>
        %swap3A_898 = vector.shape_cast %swap3A_897 : vector<1x128x2048xbf16> to vector<128x2048xbf16>
        %swap3A_899 = vector.shape_cast %convert_element_type3A_893 : vector<128x2048xbf16> to vector<1x128x2048xbf16>
        tpu.vector_store %arg11[%swap3A_894, %swap3A_895, %swap3A_896], %swap3A_899 {strides = array<i32>} : memref<4x128x2048xbf16, #tpu.memory_space<vmem>>, vector<1x128x2048xbf16>,
        %get3A_900 = arith.constant 1 : index
        %get3A_901 = arith.constant 0 : index
        %get3A_902 = arith.constant 0 : index
        %get3A_903 = vector.load %arg9[%get3A_900, %get3A_901, %get3A_902] : memref<2x1x2048xi32, #tpu.memory_space<vmem>>, vector<1x1x2048xi32>
        %get3A_904 = vector.shape_cast %get3A_903 : vector<1x1x2048xi32> to vector<1x2048xi32>
        %eq3A_905 = vector.broadcast %get3A_904 : vector<1x2048xi32> to vector<128x2048xi32>
        %eq3A_906 = arith.cmpi eq, %add3A_89, %eq3A_905 : vector<128x2048xi32>
        %convert_element_type3A_907 = arith.extui %eq3A_906 : vector<128x2048xi1> to vector<128x2048xi32>
        %convert_element_type3A_908 = arith.sitofp %convert_element_type3A_907 : vector<128x2048xi32> to vector<128x2048xf32>
        %convert_element_type3A_909 = arith.truncf %convert_element_type3A_908 : vector<128x2048xf32> to vector<128x2048xbf16>
        %swap3A_910 = arith.index_cast %select_n3A_655 : i32 to index
        %swap3A_911 = arith.constant 0 : index
        %swap3A_912 = arith.constant 0 : index
        %swap3A_913 = vector.load %arg12[%swap3A_910, %swap3A_911, %swap3A_912] : memref<4x128x2048xbf16, #tpu.memory_space<vmem>>, vector<1x128x2048xbf16>
        %swap3A_914 = vector.shape_cast %swap3A_913 : vector<1x128x2048xbf16> to vector<128x2048xbf16>
        %swap3A_915 = vector.shape_cast %convert_element_type3A_909 : vector<128x2048xbf16> to vector<1x128x2048xbf16>
        tpu.vector_store %arg12[%swap3A_910, %swap3A_911, %swap3A_912], %swap3A_915 {strides = array<i32>} : memref<4x128x2048xbf16, #tpu.memory_space<vmem>>, vector<1x128x2048xbf16>,
      } else {
      }
      %get3A_660 = arith.index_cast %select_n3A_651 : i32 to index
      %get3A_661 = arith.constant 0 : index
      %get3A_662 = arith.constant 0 : index
      %get3A_663 = vector.load %arg10[%get3A_660, %get3A_661, %get3A_662] : memref<4x128x2048xf32, #tpu.memory_space<vmem>>, vector<1x128x2048xf32>
      %get3A_664 = vector.shape_cast %get3A_663 : vector<1x128x2048xf32> to vector<128x2048xf32>
      %get3A_665 = arith.index_cast %select_n3A_651 : i32 to index
      %get3A_666 = arith.constant 0 : index
      %get3A_667 = arith.constant 0 : index
      %get3A_668 = vector.load %arg11[%get3A_665, %get3A_666, %get3A_667] : memref<4x128x2048xbf16, #tpu.memory_space<vmem>>, vector<1x128x2048xbf16>
      %get3A_669 = vector.shape_cast %get3A_668 : vector<1x128x2048xbf16> to vector<128x2048xbf16>
      %get3A_670 = arith.index_cast %select_n3A_651 : i32 to index
      %get3A_671 = arith.constant 0 : index
      %get3A_672 = arith.constant 0 : index
      %get3A_673 = vector.load %arg12[%get3A_670, %get3A_671, %get3A_672] : memref<4x128x2048xbf16, #tpu.memory_space<vmem>>, vector<1x128x2048xbf16>
      %get3A_674 = vector.shape_cast %get3A_673 : vector<1x128x2048xbf16> to vector<128x2048xbf16>
      %dot_general3A_675 = arith.constant dense<0.000000e+00> : vector<128x2048xf32>
      %dot_general3A_676 = tpu.matmul %convert_element_type3A_627, %get3A_674, %dot_general3A_675 {dimension_numbers = #tpu.dot_dimension_numbers<[1], [0], [0], [1], [0, 0, 1, 1], [], []>, transpose_lhs_hint = false} : vector<128x128xbf16>, vector<128x2048xbf16>, vector<128x2048xf32> -> vector<128x2048xf32>
      %mul3A_677 = arith.mulf %get3A_664, %dot_general3A_676 : vector<128x2048xf32>
      %slice3A_678 = vector.extract_strided_slice %mul3A_677 {offsets = [0, 0], sizes = [32, 2048], strides = [1, 1]} : vector<128x2048xf32> to vector<32x2048xf32>
      %reduce_sum3A_679 = arith.constant dense<0.000000e+00> : vector<2048xf32>
      %reduce_sum3A_680 = vector.multi_reduction <add>, %slice3A_678, %reduce_sum3A_679 [0] : vector<32x2048xf32> to vector<2048xf32>
      %broadcast_in_dim3A_681 = vector.shape_cast %reduce_sum3A_680 : vector<2048xf32> to vector<1x2048xf32>
      %slice3A_682 = vector.extract_strided_slice %mul3A_677 {offsets = [32, 0], sizes = [32, 2048], strides = [1, 1]} : vector<128x2048xf32> to vector<32x2048xf32>
      %reduce_sum3A_683 = arith.constant dense<0.000000e+00> : vector<2048xf32>
      %reduce_sum3A_684 = vector.multi_reduction <add>, %slice3A_682, %reduce_sum3A_683 [0] : vector<32x2048xf32> to vector<2048xf32>
      %broadcast_in_dim3A_685 = vector.shape_cast %reduce_sum3A_684 : vector<2048xf32> to vector<1x2048xf32>
      %slice3A_686 = vector.extract_strided_slice %mul3A_677 {offsets = [64, 0], sizes = [32, 2048], strides = [1, 1]} : vector<128x2048xf32> to vector<32x2048xf32>
      %reduce_sum3A_687 = arith.constant dense<0.000000e+00> : vector<2048xf32>
      %reduce_sum3A_688 = vector.multi_reduction <add>, %slice3A_686, %reduce_sum3A_687 [0] : vector<32x2048xf32> to vector<2048xf32>
      %broadcast_in_dim3A_689 = vector.shape_cast %reduce_sum3A_688 : vector<2048xf32> to vector<1x2048xf32>
      %slice3A_690 = vector.extract_strided_slice %mul3A_677 {offsets = [96, 0], sizes = [32, 2048], strides = [1, 1]} : vector<128x2048xf32> to vector<32x2048xf32>
      %reduce_sum3A_691 = arith.constant dense<0.000000e+00> : vector<2048xf32>
      %reduce_sum3A_692 = vector.multi_reduction <add>, %slice3A_690, %reduce_sum3A_691 [0] : vector<32x2048xf32> to vector<2048xf32>
      %broadcast_in_dim3A_693 = vector.shape_cast %reduce_sum3A_692 : vector<2048xf32> to vector<1x2048xf32>
      %concatenate3A_694 = tpu.concatenate %broadcast_in_dim3A_681, %broadcast_in_dim3A_685, %broadcast_in_dim3A_689, %broadcast_in_dim3A_693 in 0 : vector<1x2048xf32>, vector<1x2048xf32>, vector<1x2048xf32>, vector<1x2048xf32> -> vector<4x2048xf32>
      %exp3A = math.exp %concatenate3A_694 : vector<4x2048xf32>
      %reduce_sum3A_695 = arith.constant dense<0.000000e+00> : vector<2048xf32>
      %reduce_sum3A_696 = vector.multi_reduction <add>, %exp3A, %reduce_sum3A_695 [0] : vector<4x2048xf32> to vector<2048xf32>
      %broadcast_in_dim3A_697 = vector.shape_cast %reduce_sum3A_696 : vector<2048xf32> to vector<1x2048xf32>
      %div3A_698 = vector.broadcast %broadcast_in_dim3A_697 : vector<1x2048xf32> to vector<4x2048xf32>
      %div3A_699 = arith.divf %exp3A, %div3A_698 : vector<4x2048xf32>
      %convert_element_type3A_700 = arith.truncf %div3A_699 : vector<4x2048xf32> to vector<4x2048xbf16>
      %slice3A_701 = vector.extract_strided_slice %convert_element_type3A_700 {offsets = [0, 0], sizes = [1, 2048], strides = [1, 1]} : vector<4x2048xbf16> to vector<1x2048xbf16>
      %broadcast_in_dim3A_702 = vector.shape_cast %slice3A_701 : vector<1x2048xbf16> to vector<1x2048xbf16>
      %broadcast_in_dim3A_703 = vector.broadcast %broadcast_in_dim3A_702 : vector<1x2048xbf16> to vector<32x2048xbf16>
      %slice3A_704 = vector.extract_strided_slice %convert_element_type3A_700 {offsets = [1, 0], sizes = [1, 2048], strides = [1, 1]} : vector<4x2048xbf16> to vector<1x2048xbf16>
      %broadcast_in_dim3A_705 = vector.shape_cast %slice3A_704 : vector<1x2048xbf16> to vector<1x2048xbf16>
      %broadcast_in_dim3A_706 = vector.broadcast %broadcast_in_dim3A_705 : vector<1x2048xbf16> to vector<32x2048xbf16>
      %slice3A_707 = vector.extract_strided_slice %convert_element_type3A_700 {offsets = [2, 0], sizes = [1, 2048], strides = [1, 1]} : vector<4x2048xbf16> to vector<1x2048xbf16>
      %broadcast_in_dim3A_708 = vector.shape_cast %slice3A_707 : vector<1x2048xbf16> to vector<1x2048xbf16>
      %broadcast_in_dim3A_709 = vector.broadcast %broadcast_in_dim3A_708 : vector<1x2048xbf16> to vector<32x2048xbf16>
      %slice3A_710 = vector.extract_strided_slice %convert_element_type3A_700 {offsets = [3, 0], sizes = [1, 2048], strides = [1, 1]} : vector<4x2048xbf16> to vector<1x2048xbf16>
      %broadcast_in_dim3A_711 = vector.shape_cast %slice3A_710 : vector<1x2048xbf16> to vector<1x2048xbf16>
      %broadcast_in_dim3A_712 = vector.broadcast %broadcast_in_dim3A_711 : vector<1x2048xbf16> to vector<32x2048xbf16>
      %concatenate3A_713 = tpu.concatenate %broadcast_in_dim3A_703, %broadcast_in_dim3A_706, %broadcast_in_dim3A_709, %broadcast_in_dim3A_712 in 0 : vector<32x2048xbf16>, vector<32x2048xbf16>, vector<32x2048xbf16>, vector<32x2048xbf16> -> vector<128x2048xbf16>
      %mul3A_714 = arith.mulf %concatenate3A_713, %get3A_669 : vector<128x2048xbf16>
      %dot_general3A_715 = arith.constant dense<0.000000e+00> : vector<128x128xf32>
      %dot_general3A_716 = tpu.matmul %mul3A_714, %get3A_674, %dot_general3A_715 {dimension_numbers = #tpu.dot_dimension_numbers<[1], [1], [0], [0], [0, 0, 1, 0], [], []>, transpose_lhs_hint = false} : vector<128x2048xbf16>, vector<128x2048xbf16>, vector<128x128xf32> -> vector<128x128xf32>
      %add3A_717 = arith.addf %while3A_647, %dot_general3A_716 : vector<128x128xf32>
      %get3A_718 = arith.index_cast %select_n3A_655 : i32 to index
      %get3A_719 = arith.constant 0 : index
      %get3A_720 = arith.constant 0 : index
      %get3A_721 = vector.load %arg10[%get3A_718, %get3A_719, %get3A_720] : memref<4x128x2048xf32, #tpu.memory_space<vmem>>, vector<1x128x2048xf32>
      %get3A_722 = vector.shape_cast %get3A_721 : vector<1x128x2048xf32> to vector<128x2048xf32>
      %get3A_723 = arith.index_cast %select_n3A_655 : i32 to index
      %get3A_724 = arith.constant 0 : index
      %get3A_725 = arith.constant 0 : index
      %get3A_726 = vector.load %arg11[%get3A_723, %get3A_724, %get3A_725] : memref<4x128x2048xbf16, #tpu.memory_space<vmem>>, vector<1x128x2048xbf16>
      %get3A_727 = vector.shape_cast %get3A_726 : vector<1x128x2048xbf16> to vector<128x2048xbf16>
      %get3A_728 = arith.index_cast %select_n3A_655 : i32 to index
      %get3A_729 = arith.constant 0 : index
      %get3A_730 = arith.constant 0 : index
      %get3A_731 = vector.load %arg12[%get3A_728, %get3A_729, %get3A_730] : memref<4x128x2048xbf16, #tpu.memory_space<vmem>>, vector<1x128x2048xbf16>
      %get3A_732 = vector.shape_cast %get3A_731 : vector<1x128x2048xbf16> to vector<128x2048xbf16>
      %dot_general3A_733 = arith.constant dense<0.000000e+00> : vector<128x2048xf32>
      %dot_general3A_734 = tpu.matmul %convert_element_type3A_627, %get3A_732, %dot_general3A_733 {dimension_numbers = #tpu.dot_dimension_numbers<[1], [0], [0], [1], [0, 0, 1, 1], [], []>, transpose_lhs_hint = false} : vector<128x128xbf16>, vector<128x2048xbf16>, vector<128x2048xf32> -> vector<128x2048xf32>
      %mul3A_735 = arith.mulf %get3A_722, %dot_general3A_734 : vector<128x2048xf32>
      %slice3A_736 = vector.extract_strided_slice %mul3A_735 {offsets = [0, 0], sizes = [32, 2048], strides = [1, 1]} : vector<128x2048xf32> to vector<32x2048xf32>
      %reduce_sum3A_737 = arith.constant dense<0.000000e+00> : vector<2048xf32>
      %reduce_sum3A_738 = vector.multi_reduction <add>, %slice3A_736, %reduce_sum3A_737 [0] : vector<32x2048xf32> to vector<2048xf32>
      %broadcast_in_dim3A_739 = vector.shape_cast %reduce_sum3A_738 : vector<2048xf32> to vector<1x2048xf32>
      %slice3A_740 = vector.extract_strided_slice %mul3A_735 {offsets = [32, 0], sizes = [32, 2048], strides = [1, 1]} : vector<128x2048xf32> to vector<32x2048xf32>
      %reduce_sum3A_741 = arith.constant dense<0.000000e+00> : vector<2048xf32>
      %reduce_sum3A_742 = vector.multi_reduction <add>, %slice3A_740, %reduce_sum3A_741 [0] : vector<32x2048xf32> to vector<2048xf32>
      %broadcast_in_dim3A_743 = vector.shape_cast %reduce_sum3A_742 : vector<2048xf32> to vector<1x2048xf32>
      %slice3A_744 = vector.extract_strided_slice %mul3A_735 {offsets = [64, 0], sizes = [32, 2048], strides = [1, 1]} : vector<128x2048xf32> to vector<32x2048xf32>
      %reduce_sum3A_745 = arith.constant dense<0.000000e+00> : vector<2048xf32>
      %reduce_sum3A_746 = vector.multi_reduction <add>, %slice3A_744, %reduce_sum3A_745 [0] : vector<32x2048xf32> to vector<2048xf32>
      %broadcast_in_dim3A_747 = vector.shape_cast %reduce_sum3A_746 : vector<2048xf32> to vector<1x2048xf32>
      %slice3A_748 = vector.extract_strided_slice %mul3A_735 {offsets = [96, 0], sizes = [32, 2048], strides = [1, 1]} : vector<128x2048xf32> to vector<32x2048xf32>
      %reduce_sum3A_749 = arith.constant dense<0.000000e+00> : vector<2048xf32>
      %reduce_sum3A_750 = vector.multi_reduction <add>, %slice3A_748, %reduce_sum3A_749 [0] : vector<32x2048xf32> to vector<2048xf32>
      %broadcast_in_dim3A_751 = vector.shape_cast %reduce_sum3A_750 : vector<2048xf32> to vector<1x2048xf32>
      %concatenate3A_752 = tpu.concatenate %broadcast_in_dim3A_739, %broadcast_in_dim3A_743, %broadcast_in_dim3A_747, %broadcast_in_dim3A_751 in 0 : vector<1x2048xf32>, vector<1x2048xf32>, vector<1x2048xf32>, vector<1x2048xf32> -> vector<4x2048xf32>
      %exp3A_753 = math.exp %concatenate3A_752 : vector<4x2048xf32>
      %reduce_sum3A_754 = arith.constant dense<0.000000e+00> : vector<2048xf32>
      %reduce_sum3A_755 = vector.multi_reduction <add>, %exp3A_753, %reduce_sum3A_754 [0] : vector<4x2048xf32> to vector<2048xf32>
      %broadcast_in_dim3A_756 = vector.shape_cast %reduce_sum3A_755 : vector<2048xf32> to vector<1x2048xf32>
      %div3A_757 = vector.broadcast %broadcast_in_dim3A_756 : vector<1x2048xf32> to vector<4x2048xf32>
      %div3A_758 = arith.divf %exp3A_753, %div3A_757 : vector<4x2048xf32>
      %convert_element_type3A_759 = arith.truncf %div3A_758 : vector<4x2048xf32> to vector<4x2048xbf16>
      %slice3A_760 = vector.extract_strided_slice %convert_element_type3A_759 {offsets = [0, 0], sizes = [1, 2048], strides = [1, 1]} : vector<4x2048xbf16> to vector<1x2048xbf16>
      %broadcast_in_dim3A_761 = vector.shape_cast %slice3A_760 : vector<1x2048xbf16> to vector<1x2048xbf16>
      %broadcast_in_dim3A_762 = vector.broadcast %broadcast_in_dim3A_761 : vector<1x2048xbf16> to vector<32x2048xbf16>
      %slice3A_763 = vector.extract_strided_slice %convert_element_type3A_759 {offsets = [1, 0], sizes = [1, 2048], strides = [1, 1]} : vector<4x2048xbf16> to vector<1x2048xbf16>
      %broadcast_in_dim3A_764 = vector.shape_cast %slice3A_763 : vector<1x2048xbf16> to vector<1x2048xbf16>
      %broadcast_in_dim3A_765 = vector.broadcast %broadcast_in_dim3A_764 : vector<1x2048xbf16> to vector<32x2048xbf16>
      %slice3A_766 = vector.extract_strided_slice %convert_element_type3A_759 {offsets = [2, 0], sizes = [1, 2048], strides = [1, 1]} : vector<4x2048xbf16> to vector<1x2048xbf16>
      %broadcast_in_dim3A_767 = vector.shape_cast %slice3A_766 : vector<1x2048xbf16> to vector<1x2048xbf16>
      %broadcast_in_dim3A_768 = vector.broadcast %broadcast_in_dim3A_767 : vector<1x2048xbf16> to vector<32x2048xbf16>
      %slice3A_769 = vector.extract_strided_slice %convert_element_type3A_759 {offsets = [3, 0], sizes = [1, 2048], strides = [1, 1]} : vector<4x2048xbf16> to vector<1x2048xbf16>
      %broadcast_in_dim3A_770 = vector.shape_cast %slice3A_769 : vector<1x2048xbf16> to vector<1x2048xbf16>
      %broadcast_in_dim3A_771 = vector.broadcast %broadcast_in_dim3A_770 : vector<1x2048xbf16> to vector<32x2048xbf16>
      %concatenate3A_772 = tpu.concatenate %broadcast_in_dim3A_762, %broadcast_in_dim3A_765, %broadcast_in_dim3A_768, %broadcast_in_dim3A_771 in 0 : vector<32x2048xbf16>, vector<32x2048xbf16>, vector<32x2048xbf16>, vector<32x2048xbf16> -> vector<128x2048xbf16>
      %mul3A_773 = arith.mulf %concatenate3A_772, %get3A_727 : vector<128x2048xbf16>
      %dot_general3A_774 = arith.constant dense<0.000000e+00> : vector<128x128xf32>
      %dot_general3A_775 = tpu.matmul %mul3A_773, %get3A_732, %dot_general3A_774 {dimension_numbers = #tpu.dot_dimension_numbers<[1], [1], [0], [0], [0, 0, 1, 0], [], []>, transpose_lhs_hint = false} : vector<128x2048xbf16>, vector<128x2048xbf16>, vector<128x128xf32> -> vector<128x128xf32>
      %add3A_776 = arith.addf %add3A_717, %dot_general3A_775 : vector<128x128xf32>
      scf.yield %add3A_776 : vector<128x128xf32>
    }
    %while3A_639 = arith.constant 1 : i32
    %while3A_640 = scf.for %while3A_646 = %while3A_636 to %while3A_632 step %while3A_639 iter_args(%while3A_647 = %while3A_638) -> (vector<128x128xf32>)  : i32 {
      %mul3A_648 = arith.constant 2 : i32
      %mul3A_649 = arith.muli %mul3A_648, %while3A_646 : i32
      %jit3A_650 = arith.constant 0 : i32
      %select_n3A_651 = arith.select %le3A_30, %mul3A_649, %jit3A_650 : i32
      %add3A_652 = arith.constant 1 : i32
      %add3A_653 = arith.addi %mul3A_649, %add3A_652 : i32
      %jit3A_654 = arith.constant 1 : i32
      %select_n3A_655 = arith.select %le3A_30, %add3A_653, %jit3A_654 : i32
      %not3A = arith.constant true
      %not3A_656 = arith.xori %le3A_30, %not3A : i1
      %convert_element_type3A_657 = arith.extui %not3A_656 : i1 to i32
      %cond3A_658 = arith.constant 0 : i32
      %cond3A_659 = arith.cmpi ne, %convert_element_type3A_657, %cond3A_658 : i32
      scf.if %cond3A_659 {
        %add3A_777 = arith.constant 1 : i32
        %add3A_778 = arith.addi %mul3A_649, %add3A_777 : i32
        %mul3A_779 = arith.constant 2048 : i32
        %mul3A_780 = arith.muli %mul3A_649, %mul3A_779 : i32
        %add3A_781 = arith.addi %multiple_of3A, %mul3A_780 : i32
        %mul3A_782 = arith.constant 2048 : i32
        %mul3A_783 = arith.muli %mul3A_649, %mul3A_782 : i32
        %add3A_784 = arith.addi %multiple_of3A, %mul3A_783 : i32
        %mul3A_785 = arith.constant 2048 : i32
        %mul3A_786 = arith.muli %add3A_778, %mul3A_785 : i32
        %add3A_787 = arith.addi %multiple_of3A, %mul3A_786 : i32
        %mul3A_788 = arith.constant 2048 : i32
        %mul3A_789 = arith.muli %add3A_778, %mul3A_788 : i32
        %add3A_790 = arith.addi %multiple_of3A, %mul3A_789 : i32
        %dma_start3A = arith.constant 0 : i32
        %dma_start3A_791 = arith.constant 0 : i32
        %dma_start3A_792 = arith.constant 0 : i32
        %dma_start3A_793 = tpu.memref_slice %arg8[%dma_start3A, %dma_start3A_791, %dma_start3A_792] : memref<2x2048x128xf32, #tpu.memory_space<vmem>> -> memref<1x2048x128xf32, #tpu.memory_space<vmem>>
        %dma_start3A_794 = tpu.memref_squeeze %dma_start3A_793 : memref<1x2048x128xf32, #tpu.memory_space<vmem>> -> memref<2048x128xf32, #tpu.memory_space<vmem>>
        %dma_start3A_795 = arith.constant 0 : i32
        %dma_start3A_796 = tpu.memref_slice %arg3[%add3A_781, %dma_start3A_795] : memref<344064x128xf32, #tpu.memory_space<any>> -> memref<2048x128xf32, #tpu.memory_space<any>>
        tpu.enqueue_dma source(%dma_start3A_796 : memref<2048x128xf32, #tpu.memory_space<any>>) target(%dma_start3A_794 : memref<2048x128xf32, #tpu.memory_space<vmem>>) target_semaphore(%arg13 : memref<!tpu.dma_semaphore, #tpu.memory_space<semaphore_mem>>)
        %dma_start3A_797 = arith.constant 0 : i32
        %dma_start3A_798 = arith.constant 0 : i32
        %dma_start3A_799 = arith.constant 0 : i32
        %dma_start3A_800 = tpu.memref_slice %arg9[%dma_start3A_797, %dma_start3A_798, %dma_start3A_799] : memref<2x1x2048xi32, #tpu.memory_space<vmem>> -> memref<1x1x2048xi32, #tpu.memory_space<vmem>>
        %dma_start3A_801 = tpu.memref_squeeze %dma_start3A_800 : memref<1x1x2048xi32, #tpu.memory_space<vmem>> -> memref<1x2048xi32, #tpu.memory_space<vmem>>
        %dma_start3A_802 = arith.constant 0 : i32
        %dma_start3A_803 = tpu.memref_slice %arg4[%dma_start3A_802, %add3A_784] : memref<1x344064xi32, #tpu.memory_space<any>> -> memref<1x2048xi32, #tpu.memory_space<any>>
        tpu.enqueue_dma source(%dma_start3A_803 : memref<1x2048xi32, #tpu.memory_space<any>>) target(%dma_start3A_801 : memref<1x2048xi32, #tpu.memory_space<vmem>>) target_semaphore(%arg13 : memref<!tpu.dma_semaphore, #tpu.memory_space<semaphore_mem>>)
        %dma_start3A_804 = arith.constant 1 : i32
        %dma_start3A_805 = arith.constant 0 : i32
        %dma_start3A_806 = arith.constant 0 : i32
        %dma_start3A_807 = tpu.memref_slice %arg8[%dma_start3A_804, %dma_start3A_805, %dma_start3A_806] : memref<2x2048x128xf32, #tpu.memory_space<vmem>> -> memref<1x2048x128xf32, #tpu.memory_space<vmem>>
        %dma_start3A_808 = tpu.memref_squeeze %dma_start3A_807 : memref<1x2048x128xf32, #tpu.memory_space<vmem>> -> memref<2048x128xf32, #tpu.memory_space<vmem>>
        %dma_start3A_809 = arith.constant 0 : i32
        %dma_start3A_810 = tpu.memref_slice %arg3[%add3A_787, %dma_start3A_809] : memref<344064x128xf32, #tpu.memory_space<any>> -> memref<2048x128xf32, #tpu.memory_space<any>>
        tpu.enqueue_dma source(%dma_start3A_810 : memref<2048x128xf32, #tpu.memory_space<any>>) target(%dma_start3A_808 : memref<2048x128xf32, #tpu.memory_space<vmem>>) target_semaphore(%arg13 : memref<!tpu.dma_semaphore, #tpu.memory_space<semaphore_mem>>)
        %dma_start3A_811 = arith.constant 1 : i32
        %dma_start3A_812 = arith.constant 0 : i32
        %dma_start3A_813 = arith.constant 0 : i32
        %dma_start3A_814 = tpu.memref_slice %arg9[%dma_start3A_811, %dma_start3A_812, %dma_start3A_813] : memref<2x1x2048xi32, #tpu.memory_space<vmem>> -> memref<1x1x2048xi32, #tpu.memory_space<vmem>>
        %dma_start3A_815 = tpu.memref_squeeze %dma_start3A_814 : memref<1x1x2048xi32, #tpu.memory_space<vmem>> -> memref<1x2048xi32, #tpu.memory_space<vmem>>
        %dma_start3A_816 = arith.constant 0 : i32
        %dma_start3A_817 = tpu.memref_slice %arg4[%dma_start3A_816, %add3A_790] : memref<1x344064xi32, #tpu.memory_space<any>> -> memref<1x2048xi32, #tpu.memory_space<any>>
        tpu.enqueue_dma source(%dma_start3A_817 : memref<1x2048xi32, #tpu.memory_space<any>>) target(%dma_start3A_815 : memref<1x2048xi32, #tpu.memory_space<vmem>>) target_semaphore(%arg13 : memref<!tpu.dma_semaphore, #tpu.memory_space<semaphore_mem>>)
        %dma_wait3A_818 = arith.constant 0 : i32
        %dma_wait3A_819 = arith.constant 0 : i32
        %dma_wait3A_820 = arith.constant 0 : i32
        %dma_wait3A_821 = tpu.memref_slice %arg8[%dma_wait3A_818, %dma_wait3A_819, %dma_wait3A_820] : memref<2x2048x128xf32, #tpu.memory_space<vmem>> -> memref<1x2048x128xf32, #tpu.memory_space<vmem>>
        %dma_wait3A_822 = tpu.memref_squeeze %dma_wait3A_821 : memref<1x2048x128xf32, #tpu.memory_space<vmem>> -> memref<2048x128xf32, #tpu.memory_space<vmem>>
        %dma_wait3A_823 = arith.constant 0 : i32
        %dma_wait3A_824 = tpu.memref_slice %arg3[%add3A_781, %dma_wait3A_823] : memref<344064x128xf32, #tpu.memory_space<any>> -> memref<2048x128xf32, #tpu.memory_space<any>>
        tpu.wait_dma2 semaphore(%arg13 : memref<!tpu.dma_semaphore, #tpu.memory_space<semaphore_mem>>) src(%dma_wait3A_824 : memref<2048x128xf32, #tpu.memory_space<any>>) dst(%dma_wait3A_822 : memref<2048x128xf32, #tpu.memory_space<vmem>>)
        %dma_wait3A_825 = arith.constant 0 : i32
        %dma_wait3A_826 = arith.constant 0 : i32
        %dma_wait3A_827 = arith.constant 0 : i32
        %dma_wait3A_828 = tpu.memref_slice %arg9[%dma_wait3A_825, %dma_wait3A_826, %dma_wait3A_827] : memref<2x1x2048xi32, #tpu.memory_space<vmem>> -> memref<1x1x2048xi32, #tpu.memory_space<vmem>>
        %dma_wait3A_829 = tpu.memref_squeeze %dma_wait3A_828 : memref<1x1x2048xi32, #tpu.memory_space<vmem>> -> memref<1x2048xi32, #tpu.memory_space<vmem>>
        %dma_wait3A_830 = arith.constant 0 : i32
        %dma_wait3A_831 = tpu.memref_slice %arg4[%dma_wait3A_830, %add3A_784] : memref<1x344064xi32, #tpu.memory_space<any>> -> memref<1x2048xi32, #tpu.memory_space<any>>
        tpu.wait_dma2 semaphore(%arg13 : memref<!tpu.dma_semaphore, #tpu.memory_space<semaphore_mem>>) src(%dma_wait3A_831 : memref<1x2048xi32, #tpu.memory_space<any>>) dst(%dma_wait3A_829 : memref<1x2048xi32, #tpu.memory_space<vmem>>)
        %dma_wait3A_832 = arith.constant 1 : i32
        %dma_wait3A_833 = arith.constant 0 : i32
        %dma_wait3A_834 = arith.constant 0 : i32
        %dma_wait3A_835 = tpu.memref_slice %arg8[%dma_wait3A_832, %dma_wait3A_833, %dma_wait3A_834] : memref<2x2048x128xf32, #tpu.memory_space<vmem>> -> memref<1x2048x128xf32, #tpu.memory_space<vmem>>
        %dma_wait3A_836 = tpu.memref_squeeze %dma_wait3A_835 : memref<1x2048x128xf32, #tpu.memory_space<vmem>> -> memref<2048x128xf32, #tpu.memory_space<vmem>>
        %dma_wait3A_837 = arith.constant 0 : i32
        %dma_wait3A_838 = tpu.memref_slice %arg3[%add3A_787, %dma_wait3A_837] : memref<344064x128xf32, #tpu.memory_space<any>> -> memref<2048x128xf32, #tpu.memory_space<any>>
        tpu.wait_dma2 semaphore(%arg13 : memref<!tpu.dma_semaphore, #tpu.memory_space<semaphore_mem>>) src(%dma_wait3A_838 : memref<2048x128xf32, #tpu.memory_space<any>>) dst(%dma_wait3A_836 : memref<2048x128xf32, #tpu.memory_space<vmem>>)
        %dma_wait3A_839 = arith.constant 1 : i32
        %dma_wait3A_840 = arith.constant 0 : i32
        %dma_wait3A_841 = arith.constant 0 : i32
        %dma_wait3A_842 = tpu.memref_slice %arg9[%dma_wait3A_839, %dma_wait3A_840, %dma_wait3A_841] : memref<2x1x2048xi32, #tpu.memory_space<vmem>> -> memref<1x1x2048xi32, #tpu.memory_space<vmem>>
        %dma_wait3A_843 = tpu.memref_squeeze %dma_wait3A_842 : memref<1x1x2048xi32, #tpu.memory_space<vmem>> -> memref<1x2048xi32, #tpu.memory_space<vmem>>
        %dma_wait3A_844 = arith.constant 0 : i32
        %dma_wait3A_845 = tpu.memref_slice %arg4[%dma_wait3A_844, %add3A_790] : memref<1x344064xi32, #tpu.memory_space<any>> -> memref<1x2048xi32, #tpu.memory_space<any>>
        tpu.wait_dma2 semaphore(%arg13 : memref<!tpu.dma_semaphore, #tpu.memory_space<semaphore_mem>>) src(%dma_wait3A_845 : memref<1x2048xi32, #tpu.memory_space<any>>) dst(%dma_wait3A_843 : memref<1x2048xi32, #tpu.memory_space<vmem>>)
        %get3A_846 = arith.constant 0 : index
        %get3A_847 = arith.constant 0 : index
        %get3A_848 = arith.constant 0 : index
        %get3A_849 = vector.load %arg8[%get3A_846, %get3A_847, %get3A_848] : memref<2x2048x128xf32, #tpu.memory_space<vmem>>, vector<1x2048x128xf32>
        %get3A_850 = vector.shape_cast %get3A_849 : vector<1x2048x128xf32> to vector<2048x128xf32>
        %transpose3A_851 = tpu.transpose %get3A_850, [1, 0] : vector<2048x128xf32> -> vector<128x2048xf32>
        %swap3A_852 = arith.index_cast %select_n3A_651 : i32 to index
        %swap3A_853 = arith.constant 0 : index
        %swap3A_854 = arith.constant 0 : index
        %swap3A_855 = vector.load %arg10[%swap3A_852, %swap3A_853, %swap3A_854] : memref<4x128x2048xf32, #tpu.memory_space<vmem>>, vector<1x128x2048xf32>
        %swap3A_856 = vector.shape_cast %swap3A_855 : vector<1x128x2048xf32> to vector<128x2048xf32>
        %swap3A_857 = vector.shape_cast %transpose3A_851 : vector<128x2048xf32> to vector<1x128x2048xf32>
        tpu.vector_store %arg10[%swap3A_852, %swap3A_853, %swap3A_854], %swap3A_857 {strides = array<i32>} : memref<4x128x2048xf32, #tpu.memory_space<vmem>>, vector<1x128x2048xf32>,
        %convert_element_type3A_858 = arith.truncf %transpose3A_851 : vector<128x2048xf32> to vector<128x2048xbf16>
        %swap3A_859 = arith.index_cast %select_n3A_651 : i32 to index
        %swap3A_860 = arith.constant 0 : index
        %swap3A_861 = arith.constant 0 : index
        %swap3A_862 = vector.load %arg11[%swap3A_859, %swap3A_860, %swap3A_861] : memref<4x128x2048xbf16, #tpu.memory_space<vmem>>, vector<1x128x2048xbf16>
        %swap3A_863 = vector.shape_cast %swap3A_862 : vector<1x128x2048xbf16> to vector<128x2048xbf16>
        %swap3A_864 = vector.shape_cast %convert_element_type3A_858 : vector<128x2048xbf16> to vector<1x128x2048xbf16>
        tpu.vector_store %arg11[%swap3A_859, %swap3A_860, %swap3A_861], %swap3A_864 {strides = array<i32>} : memref<4x128x2048xbf16, #tpu.memory_space<vmem>>, vector<1x128x2048xbf16>,
        %get3A_865 = arith.constant 0 : index
        %get3A_866 = arith.constant 0 : index
        %get3A_867 = arith.constant 0 : index
        %get3A_868 = vector.load %arg9[%get3A_865, %get3A_866, %get3A_867] : memref<2x1x2048xi32, #tpu.memory_space<vmem>>, vector<1x1x2048xi32>
        %get3A_869 = vector.shape_cast %get3A_868 : vector<1x1x2048xi32> to vector<1x2048xi32>
        %eq3A_870 = vector.broadcast %get3A_869 : vector<1x2048xi32> to vector<128x2048xi32>
        %eq3A_871 = arith.cmpi eq, %add3A_89, %eq3A_870 : vector<128x2048xi32>
        %convert_element_type3A_872 = arith.extui %eq3A_871 : vector<128x2048xi1> to vector<128x2048xi32>
        %convert_element_type3A_873 = arith.sitofp %convert_element_type3A_872 : vector<128x2048xi32> to vector<128x2048xf32>
        %convert_element_type3A_874 = arith.truncf %convert_element_type3A_873 : vector<128x2048xf32> to vector<128x2048xbf16>
        %swap3A_875 = arith.index_cast %select_n3A_651 : i32 to index
        %swap3A_876 = arith.constant 0 : index
        %swap3A_877 = arith.constant 0 : index
        %swap3A_878 = vector.load %arg12[%swap3A_875, %swap3A_876, %swap3A_877] : memref<4x128x2048xbf16, #tpu.memory_space<vmem>>, vector<1x128x2048xbf16>
        %swap3A_879 = vector.shape_cast %swap3A_878 : vector<1x128x2048xbf16> to vector<128x2048xbf16>
        %swap3A_880 = vector.shape_cast %convert_element_type3A_874 : vector<128x2048xbf16> to vector<1x128x2048xbf16>
        tpu.vector_store %arg12[%swap3A_875, %swap3A_876, %swap3A_877], %swap3A_880 {strides = array<i32>} : memref<4x128x2048xbf16, #tpu.memory_space<vmem>>, vector<1x128x2048xbf16>,
        %get3A_881 = arith.constant 1 : index
        %get3A_882 = arith.constant 0 : index
        %get3A_883 = arith.constant 0 : index
        %get3A_884 = vector.load %arg8[%get3A_881, %get3A_882, %get3A_883] : memref<2x2048x128xf32, #tpu.memory_space<vmem>>, vector<1x2048x128xf32>
        %get3A_885 = vector.shape_cast %get3A_884 : vector<1x2048x128xf32> to vector<2048x128xf32>
        %transpose3A_886 = tpu.transpose %get3A_885, [1, 0] : vector<2048x128xf32> -> vector<128x2048xf32>
        %swap3A_887 = arith.index_cast %select_n3A_655 : i32 to index
        %swap3A_888 = arith.constant 0 : index
        %swap3A_889 = arith.constant 0 : index
        %swap3A_890 = vector.load %arg10[%swap3A_887, %swap3A_888, %swap3A_889] : memref<4x128x2048xf32, #tpu.memory_space<vmem>>, vector<1x128x2048xf32>
        %swap3A_891 = vector.shape_cast %swap3A_890 : vector<1x128x2048xf32> to vector<128x2048xf32>
        %swap3A_892 = vector.shape_cast %transpose3A_886 : vector<128x2048xf32> to vector<1x128x2048xf32>
        tpu.vector_store %arg10[%swap3A_887, %swap3A_888, %swap3A_889], %swap3A_892 {strides = array<i32>} : memref<4x128x2048xf32, #tpu.memory_space<vmem>>, vector<1x128x2048xf32>,
        %convert_element_type3A_893 = arith.truncf %transpose3A_886 : vector<128x2048xf32> to vector<128x2048xbf16>
        %swap3A_894 = arith.index_cast %select_n3A_655 : i32 to index
        %swap3A_895 = arith.constant 0 : index
        %swap3A_896 = arith.constant 0 : index
        %swap3A_897 = vector.load %arg11[%swap3A_894, %swap3A_895, %swap3A_896] : memref<4x128x2048xbf16, #tpu.memory_space<vmem>>, vector<1x128x2048xbf16>
        %swap3A_898 = vector.shape_cast %swap3A_897 : vector<1x128x2048xbf16> to vector<128x2048xbf16>
        %swap3A_899 = vector.shape_cast %convert_element_type3A_893 : vector<128x2048xbf16> to vector<1x128x2048xbf16>
        tpu.vector_store %arg11[%swap3A_894, %swap3A_895, %swap3A_896], %swap3A_899 {strides = array<i32>} : memref<4x128x2048xbf16, #tpu.memory_space<vmem>>, vector<1x128x2048xbf16>,
        %get3A_900 = arith.constant 1 : index
        %get3A_901 = arith.constant 0 : index
        %get3A_902 = arith.constant 0 : index
        %get3A_903 = vector.load %arg9[%get3A_900, %get3A_901, %get3A_902] : memref<2x1x2048xi32, #tpu.memory_space<vmem>>, vector<1x1x2048xi32>
        %get3A_904 = vector.shape_cast %get3A_903 : vector<1x1x2048xi32> to vector<1x2048xi32>
        %eq3A_905 = vector.broadcast %get3A_904 : vector<1x2048xi32> to vector<128x2048xi32>
        %eq3A_906 = arith.cmpi eq, %add3A_89, %eq3A_905 : vector<128x2048xi32>
        %convert_element_type3A_907 = arith.extui %eq3A_906 : vector<128x2048xi1> to vector<128x2048xi32>
        %convert_element_type3A_908 = arith.sitofp %convert_element_type3A_907 : vector<128x2048xi32> to vector<128x2048xf32>
        %convert_element_type3A_909 = arith.truncf %convert_element_type3A_908 : vector<128x2048xf32> to vector<128x2048xbf16>
        %swap3A_910 = arith.index_cast %select_n3A_655 : i32 to index
        %swap3A_911 = arith.constant 0 : index
        %swap3A_912 = arith.constant 0 : index
        %swap3A_913 = vector.load %arg12[%swap3A_910, %swap3A_911, %swap3A_912] : memref<4x128x2048xbf16, #tpu.memory_space<vmem>>, vector<1x128x2048xbf16>
        %swap3A_914 = vector.shape_cast %swap3A_913 : vector<1x128x2048xbf16> to vector<128x2048xbf16>
        %swap3A_915 = vector.shape_cast %convert_element_type3A_909 : vector<128x2048xbf16> to vector<1x128x2048xbf16>
        tpu.vector_store %arg12[%swap3A_910, %swap3A_911, %swap3A_912], %swap3A_915 {strides = array<i32>} : memref<4x128x2048xbf16, #tpu.memory_space<vmem>>, vector<1x128x2048xbf16>,
      } else {
      }
      %get3A_660 = arith.index_cast %select_n3A_651 : i32 to index
      %get3A_661 = arith.constant 0 : index
      %get3A_662 = arith.constant 0 : index
      %get3A_663 = vector.load %arg10[%get3A_660, %get3A_661, %get3A_662] : memref<4x128x2048xf32, #tpu.memory_space<vmem>>, vector<1x128x2048xf32>
      %get3A_664 = vector.shape_cast %get3A_663 : vector<1x128x2048xf32> to vector<128x2048xf32>
      %get3A_665 = arith.index_cast %select_n3A_651 : i32 to index
      %get3A_666 = arith.constant 0 : index
      %get3A_667 = arith.constant 0 : index
      %get3A_668 = vector.load %arg11[%get3A_665, %get3A_666, %get3A_667] : memref<4x128x2048xbf16, #tpu.memory_space<vmem>>, vector<1x128x2048xbf16>
      %get3A_669 = vector.shape_cast %get3A_668 : vector<1x128x2048xbf16> to vector<128x2048xbf16>
      %get3A_670 = arith.index_cast %select_n3A_651 : i32 to index
      %get3A_671 = arith.constant 0 : index
      %get3A_672 = arith.constant 0 : index
      %get3A_673 = vector.load %arg12[%get3A_670, %get3A_671, %get3A_672] : memref<4x128x2048xbf16, #tpu.memory_space<vmem>>, vector<1x128x2048xbf16>
      %get3A_674 = vector.shape_cast %get3A_673 : vector<1x128x2048xbf16> to vector<128x2048xbf16>
      %dot_general3A_675 = arith.constant dense<0.000000e+00> : vector<128x2048xf32>
      %dot_general3A_676 = tpu.matmul %convert_element_type3A_627, %get3A_674, %dot_general3A_675 {dimension_numbers = #tpu.dot_dimension_numbers<[1], [0], [0], [1], [0, 0, 1, 1], [], []>, transpose_lhs_hint = false} : vector<128x128xbf16>, vector<128x2048xbf16>, vector<128x2048xf32> -> vector<128x2048xf32>
      %mul3A_677 = arith.mulf %get3A_664, %dot_general3A_676 : vector<128x2048xf32>
      %slice3A_678 = vector.extract_strided_slice %mul3A_677 {offsets = [0, 0], sizes = [32, 2048], strides = [1, 1]} : vector<128x2048xf32> to vector<32x2048xf32>
      %reduce_sum3A_679 = arith.constant dense<0.000000e+00> : vector<2048xf32>
      %reduce_sum3A_680 = vector.multi_reduction <add>, %slice3A_678, %reduce_sum3A_679 [0] : vector<32x2048xf32> to vector<2048xf32>
      %broadcast_in_dim3A_681 = vector.shape_cast %reduce_sum3A_680 : vector<2048xf32> to vector<1x2048xf32>
      %slice3A_682 = vector.extract_strided_slice %mul3A_677 {offsets = [32, 0], sizes = [32, 2048], strides = [1, 1]} : vector<128x2048xf32> to vector<32x2048xf32>
      %reduce_sum3A_683 = arith.constant dense<0.000000e+00> : vector<2048xf32>
      %reduce_sum3A_684 = vector.multi_reduction <add>, %slice3A_682, %reduce_sum3A_683 [0] : vector<32x2048xf32> to vector<2048xf32>
      %broadcast_in_dim3A_685 = vector.shape_cast %reduce_sum3A_684 : vector<2048xf32> to vector<1x2048xf32>
      %slice3A_686 = vector.extract_strided_slice %mul3A_677 {offsets = [64, 0], sizes = [32, 2048], strides = [1, 1]} : vector<128x2048xf32> to vector<32x2048xf32>
      %reduce_sum3A_687 = arith.constant dense<0.000000e+00> : vector<2048xf32>
      %reduce_sum3A_688 = vector.multi_reduction <add>, %slice3A_686, %reduce_sum3A_687 [0] : vector<32x2048xf32> to vector<2048xf32>
      %broadcast_in_dim3A_689 = vector.shape_cast %reduce_sum3A_688 : vector<2048xf32> to vector<1x2048xf32>
      %slice3A_690 = vector.extract_strided_slice %mul3A_677 {offsets = [96, 0], sizes = [32, 2048], strides = [1, 1]} : vector<128x2048xf32> to vector<32x2048xf32>
      %reduce_sum3A_691 = arith.constant dense<0.000000e+00> : vector<2048xf32>
      %reduce_sum3A_692 = vector.multi_reduction <add>, %slice3A_690, %reduce_sum3A_691 [0] : vector<32x2048xf32> to vector<2048xf32>
      %broadcast_in_dim3A_693 = vector.shape_cast %reduce_sum3A_692 : vector<2048xf32> to vector<1x2048xf32>
      %concatenate3A_694 = tpu.concatenate %broadcast_in_dim3A_681, %broadcast_in_dim3A_685, %broadcast_in_dim3A_689, %broadcast_in_dim3A_693 in 0 : vector<1x2048xf32>, vector<1x2048xf32>, vector<1x2048xf32>, vector<1x2048xf32> -> vector<4x2048xf32>
      %exp3A = math.exp %concatenate3A_694 : vector<4x2048xf32>
      %reduce_sum3A_695 = arith.constant dense<0.000000e+00> : vector<2048xf32>
      %reduce_sum3A_696 = vector.multi_reduction <add>, %exp3A, %reduce_sum3A_695 [0] : vector<4x2048xf32> to vector<2048xf32>
      %broadcast_in_dim3A_697 = vector.shape_cast %reduce_sum3A_696 : vector<2048xf32> to vector<1x2048xf32>
      %div3A_698 = vector.broadcast %broadcast_in_dim3A_697 : vector<1x2048xf32> to vector<4x2048xf32>
      %div3A_699 = arith.divf %exp3A, %div3A_698 : vector<4x2048xf32>
      %convert_element_type3A_700 = arith.truncf %div3A_699 : vector<4x2048xf32> to vector<4x2048xbf16>
      %slice3A_701 = vector.extract_strided_slice %convert_element_type3A_700 {offsets = [0, 0], sizes = [1, 2048], strides = [1, 1]} : vector<4x2048xbf16> to vector<1x2048xbf16>
      %broadcast_in_dim3A_702 = vector.shape_cast %slice3A_701 : vector<1x2048xbf16> to vector<1x2048xbf16>
      %broadcast_in_dim3A_703 = vector.broadcast %broadcast_in_dim3A_702 : vector<1x2048xbf16> to vector<32x2048xbf16>
      %slice3A_704 = vector.extract_strided_slice %convert_element_type3A_700 {offsets = [1, 0], sizes = [1, 2048], strides = [1, 1]} : vector<4x2048xbf16> to vector<1x2048xbf16>
      %broadcast_in_dim3A_705 = vector.shape_cast %slice3A_704 : vector<1x2048xbf16> to vector<1x2048xbf16>
      %broadcast_in_dim3A_706 = vector.broadcast %broadcast_in_dim3A_705 : vector<1x2048xbf16> to vector<32x2048xbf16>
      %slice3A_707 = vector.extract_strided_slice %convert_element_type3A_700 {offsets = [2, 0], sizes = [1, 2048], strides = [1, 1]} : vector<4x2048xbf16> to vector<1x2048xbf16>
      %broadcast_in_dim3A_708 = vector.shape_cast %slice3A_707 : vector<1x2048xbf16> to vector<1x2048xbf16>
      %broadcast_in_dim3A_709 = vector.broadcast %broadcast_in_dim3A_708 : vector<1x2048xbf16> to vector<32x2048xbf16>
      %slice3A_710 = vector.extract_strided_slice %convert_element_type3A_700 {offsets = [3, 0], sizes = [1, 2048], strides = [1, 1]} : vector<4x2048xbf16> to vector<1x2048xbf16>
      %broadcast_in_dim3A_711 = vector.shape_cast %slice3A_710 : vector<1x2048xbf16> to vector<1x2048xbf16>
      %broadcast_in_dim3A_712 = vector.broadcast %broadcast_in_dim3A_711 : vector<1x2048xbf16> to vector<32x2048xbf16>
      %concatenate3A_713 = tpu.concatenate %broadcast_in_dim3A_703, %broadcast_in_dim3A_706, %broadcast_in_dim3A_709, %broadcast_in_dim3A_712 in 0 : vector<32x2048xbf16>, vector<32x2048xbf16>, vector<32x2048xbf16>, vector<32x2048xbf16> -> vector<128x2048xbf16>
      %mul3A_714 = arith.mulf %concatenate3A_713, %get3A_669 : vector<128x2048xbf16>
      %dot_general3A_715 = arith.constant dense<0.000000e+00> : vector<128x128xf32>
      %dot_general3A_716 = tpu.matmul %mul3A_714, %get3A_674, %dot_general3A_715 {dimension_numbers = #tpu.dot_dimension_numbers<[1], [1], [0], [0], [0, 0, 1, 0], [], []>, transpose_lhs_hint = false} : vector<128x2048xbf16>, vector<128x2048xbf16>, vector<128x128xf32> -> vector<128x128xf32>
      %add3A_717 = arith.addf %while3A_647, %dot_general3A_716 : vector<128x128xf32>
      %get3A_718 = arith.index_cast %select_n3A_655 : i32 to index
      %get3A_719 = arith.constant 0 : index
      %get3A_720 = arith.constant 0 : index
      %get3A_721 = vector.load %arg10[%get3A_718, %get3A_719, %get3A_720] : memref<4x128x2048xf32, #tpu.memory_space<vmem>>, vector<1x128x2048xf32>
      %get3A_722 = vector.shape_cast %get3A_721 : vector<1x128x2048xf32> to vector<128x2048xf32>
      %get3A_723 = arith.index_cast %select_n3A_655 : i32 to index
      %get3A_724 = arith.constant 0 : index
      %get3A_725 = arith.constant 0 : index
      %get3A_726 = vector.load %arg11[%get3A_723, %get3A_724, %get3A_725] : memref<4x128x2048xbf16, #tpu.memory_space<vmem>>, vector<1x128x2048xbf16>
      %get3A_727 = vector.shape_cast %get3A_726 : vector<1x128x2048xbf16> to vector<128x2048xbf16>
      %get3A_728 = arith.index_cast %select_n3A_655 : i32 to index
      %get3A_729 = arith.constant 0 : index
      %get3A_730 = arith.constant 0 : index
      %get3A_731 = vector.load %arg12[%get3A_728, %get3A_729, %get3A_730] : memref<4x128x2048xbf16, #tpu.memory_space<vmem>>, vector<1x128x2048xbf16>
      %get3A_732 = vector.shape_cast %get3A_731 : vector<1x128x2048xbf16> to vector<128x2048xbf16>
      %dot_general3A_733 = arith.constant dense<0.000000e+00> : vector<128x2048xf32>
      %dot_general3A_734 = tpu.matmul %convert_element_type3A_627, %get3A_732, %dot_general3A_733 {dimension_numbers = #tpu.dot_dimension_numbers<[1], [0], [0], [1], [0, 0, 1, 1], [], []>, transpose_lhs_hint = false} : vector<128x128xbf16>, vector<128x2048xbf16>, vector<128x2048xf32> -> vector<128x2048xf32>
      %mul3A_735 = arith.mulf %get3A_722, %dot_general3A_734 : vector<128x2048xf32>
      %slice3A_736 = vector.extract_strided_slice %mul3A_735 {offsets = [0, 0], sizes = [32, 2048], strides = [1, 1]} : vector<128x2048xf32> to vector<32x2048xf32>
      %reduce_sum3A_737 = arith.constant dense<0.000000e+00> : vector<2048xf32>
      %reduce_sum3A_738 = vector.multi_reduction <add>, %slice3A_736, %reduce_sum3A_737 [0] : vector<32x2048xf32> to vector<2048xf32>
      %broadcast_in_dim3A_739 = vector.shape_cast %reduce_sum3A_738 : vector<2048xf32> to vector<1x2048xf32>
      %slice3A_740 = vector.extract_strided_slice %mul3A_735 {offsets = [32, 0], sizes = [32, 2048], strides = [1, 1]} : vector<128x2048xf32> to vector<32x2048xf32>
      %reduce_sum3A_741 = arith.constant dense<0.000000e+00> : vector<2048xf32>
      %reduce_sum3A_742 = vector.multi_reduction <add>, %slice3A_740, %reduce_sum3A_741 [0] : vector<32x2048xf32> to vector<2048xf32>
      %broadcast_in_dim3A_743 = vector.shape_cast %reduce_sum3A_742 : vector<2048xf32> to vector<1x2048xf32>
      %slice3A_744 = vector.extract_strided_slice %mul3A_735 {offsets = [64, 0], sizes = [32, 2048], strides = [1, 1]} : vector<128x2048xf32> to vector<32x2048xf32>
      %reduce_sum3A_745 = arith.constant dense<0.000000e+00> : vector<2048xf32>
      %reduce_sum3A_746 = vector.multi_reduction <add>, %slice3A_744, %reduce_sum3A_745 [0] : vector<32x2048xf32> to vector<2048xf32>
      %broadcast_in_dim3A_747 = vector.shape_cast %reduce_sum3A_746 : vector<2048xf32> to vector<1x2048xf32>
      %slice3A_748 = vector.extract_strided_slice %mul3A_735 {offsets = [96, 0], sizes = [32, 2048], strides = [1, 1]} : vector<128x2048xf32> to vector<32x2048xf32>
      %reduce_sum3A_749 = arith.constant dense<0.000000e+00> : vector<2048xf32>
      %reduce_sum3A_750 = vector.multi_reduction <add>, %slice3A_748, %reduce_sum3A_749 [0] : vector<32x2048xf32> to vector<2048xf32>
      %broadcast_in_dim3A_751 = vector.shape_cast %reduce_sum3A_750 : vector<2048xf32> to vector<1x2048xf32>
      %concatenate3A_752 = tpu.concatenate %broadcast_in_dim3A_739, %broadcast_in_dim3A_743, %broadcast_in_dim3A_747, %broadcast_in_dim3A_751 in 0 : vector<1x2048xf32>, vector<1x2048xf32>, vector<1x2048xf32>, vector<1x2048xf32> -> vector<4x2048xf32>
      %exp3A_753 = math.exp %concatenate3A_752 : vector<4x2048xf32>
      %reduce_sum3A_754 = arith.constant dense<0.000000e+00> : vector<2048xf32>
      %reduce_sum3A_755 = vector.multi_reduction <add>, %exp3A_753, %reduce_sum3A_754 [0] : vector<4x2048xf32> to vector<2048xf32>
      %broadcast_in_dim3A_756 = vector.shape_cast %reduce_sum3A_755 : vector<2048xf32> to vector<1x2048xf32>
      %div3A_757 = vector.broadcast %broadcast_in_dim3A_756 : vector<1x2048xf32> to vector<4x2048xf32>
      %div3A_758 = arith.divf %exp3A_753, %div3A_757 : vector<4x2048xf32>
      %convert_element_type3A_759 = arith.truncf %div3A_758 : vector<4x2048xf32> to vector<4x2048xbf16>
      %slice3A_760 = vector.extract_strided_slice %convert_element_type3A_759 {offsets = [0, 0], sizes = [1, 2048], strides = [1, 1]} : vector<4x2048xbf16> to vector<1x2048xbf16>
      %broadcast_in_dim3A_761 = vector.shape_cast %slice3A_760 : vector<1x2048xbf16> to vector<1x2048xbf16>
      %broadcast_in_dim3A_762 = vector.broadcast %broadcast_in_dim3A_761 : vector<1x2048xbf16> to vector<32x2048xbf16>
      %slice3A_763 = vector.extract_strided_slice %convert_element_type3A_759 {offsets = [1, 0], sizes = [1, 2048], strides = [1, 1]} : vector<4x2048xbf16> to vector<1x2048xbf16>
      %broadcast_in_dim3A_764 = vector.shape_cast %slice3A_763 : vector<1x2048xbf16> to vector<1x2048xbf16>
      %broadcast_in_dim3A_765 = vector.broadcast %broadcast_in_dim3A_764 : vector<1x2048xbf16> to vector<32x2048xbf16>
      %slice3A_766 = vector.extract_strided_slice %convert_element_type3A_759 {offsets = [2, 0], sizes = [1, 2048], strides = [1, 1]} : vector<4x2048xbf16> to vector<1x2048xbf16>
      %broadcast_in_dim3A_767 = vector.shape_cast %slice3A_766 : vector<1x2048xbf16> to vector<1x2048xbf16>
      %broadcast_in_dim3A_768 = vector.broadcast %broadcast_in_dim3A_767 : vector<1x2048xbf16> to vector<32x2048xbf16>
      %slice3A_769 = vector.extract_strided_slice %convert_element_type3A_759 {offsets = [3, 0], sizes = [1, 2048], strides = [1, 1]} : vector<4x2048xbf16> to vector<1x2048xbf16>
      %broadcast_in_dim3A_770 = vector.shape_cast %slice3A_769 : vector<1x2048xbf16> to vector<1x2048xbf16>
      %broadcast_in_dim3A_771 = vector.broadcast %broadcast_in_dim3A_770 : vector<1x2048xbf16> to vector<32x2048xbf16>
      %concatenate3A_772 = tpu.concatenate %broadcast_in_dim3A_762, %broadcast_in_dim3A_765, %broadcast_in_dim3A_768, %broadcast_in_dim3A_771 in 0 : vector<32x2048xbf16>, vector<32x2048xbf16>, vector<32x2048xbf16>, vector<32x2048xbf16> -> vector<128x2048xbf16>
      %mul3A_773 = arith.mulf %concatenate3A_772, %get3A_727 : vector<128x2048xbf16>
      %dot_general3A_774 = arith.constant dense<0.000000e+00> : vector<128x128xf32>
      %dot_general3A_775 = tpu.matmul %mul3A_773, %get3A_732, %dot_general3A_774 {dimension_numbers = #tpu.dot_dimension_numbers<[1], [1], [0], [0], [0, 0, 1, 0], [], []>, transpose_lhs_hint = false} : vector<128x2048xbf16>, vector<128x2048xbf16>, vector<128x128xf32> -> vector<128x128xf32>
      %add3A_776 = arith.addf %add3A_717, %dot_general3A_775 : vector<128x128xf32>
      scf.yield %add3A_776 : vector<128x128xf32>
    }
    %add3A_641 = arith.addf %transpose3A_352, %while3A_640 : vector<128x128xf32>
    %transpose3A_642 = tpu.transpose %add3A_641, [1, 0] : vector<128x128xf32> -> vector<128x128xf32>
    %swap3A_643 = arith.constant 0 : index
    %swap3A_644 = arith.constant 0 : index
    %swap3A_645 = vector.load %arg5[%swap3A_643, %swap3A_644] : memref<128x128xf32, #tpu.memory_space<vmem>>, vector<128x128xf32>
    tpu.vector_store %arg5[%swap3A_643, %swap3A_644], %transpose3A_642 {strides = array<i32>} : memref<128x128xf32, #tpu.memory_space<vmem>>, vector<128x128xf32>,
    return
  }
  func.func @transform_0(%arg0: i32, %arg1: memref<80xi32, #tpu.memory_space<smem>>) -> (i32, i32) {
    %c0_i32 = arith.constant 0 : i32
    %c0_i32_0 = arith.constant 0 : i32
    return %arg0, %c0_i32 : i32, i32
  }
  func.func @transform_3(%arg0: i32, %arg1: memref<80xi32, #tpu.memory_space<smem>>) -> (i32, i32) {
    %c0_i32 = arith.constant 0 : i32
    %c0_i32_0 = arith.constant 0 : i32
    return %arg0, %c0_i32 : i32, i32
  }
}

</mosaic_0001>

<sc_bundles>
// kernel: kernel.5.cloned.1.call-start
scs
__scs_entry_jumppad:
0x0: {  	(pc) =	sbr.rel $0x88, $3  }
0x1: {  	(tag) =	ssettag $0x0;
	lr =	simm.s32 $0x1  }
0x2: {  	[smem:$0x3F9F] =	sst lr;
	_ =	strace $0xD0000000  }
0x3: {  	_ = 	snop  }
0x4: {  	_ = 	snop  }
0x5: {  	_ = 	snop  }
0x6: {  	_ = 	snop  }
0x7: {  	_ = 	snop  }
__scs_overlays_trampoline_lowered:
0x8: {  	[smem:$0x3FAE] =	sst s0  }
0x9: {  	[smem:$0x3FAF] =	sst s1  }
0xa: {  	[smem:$0x3FB0] =	sst s2  }
0xb: {  	[smem:$0x3FB1] =	sst s3  }
0xc: {  	[smem:$0x3FB2] =	sst s4  }
0xd: {  	[smem:$0x3FB3] =	sst s5  }
0xe: {  	[smem:$0x3FB4] =	sst s6  }
0xf: {  	[smem:$0x3FB5] =	sst s7  }
0x10: {  	[smem:$0x3FB6] =	sst s8  }
0x11: {  	[smem:$0x3FB7] =	sst s9;
	s0 =	simm.s32 @!p0 $0x0  }
0x12: {  	s1 =	sld [smem:$0x3F9D];
	s0 =	simm.s32 @p0 $0x1  }
0x13: {  	[smem:$0x3FB8] =	sst s0;
	s0 =	simm.s32 @!p1 $0x0  }
0x14: {  	s2 =	sld [smem:$0x3F9C];
	s0 =	simm.s32 @p1 $0x1  }
0x15: {  	[smem:$0x3FB9] =	sst s0;
	s0 =	simm.s32 @!p2 $0x0  }
0x16: {  	s3 =	sld [smem:$0x3FDB];
	s0 =	simm.s32 @p2 $0x1  }
0x17: {  	s4 =	simm.s32 $0x1BF5;
	[smem:$0x3FBB] =	sst s0  }
0x18: {  	s0 =	sld [smem:$0x3F9E];
	_ =	swait.ge [sflag:s4], $0x0  }
0x19: {  	s7 =	sld [smem:$0x3F9F]  }
0x1a: {  	s8 =	sadd.s32 $0xFFFFE003, lr  }
0x1b: {  	s9 =	sadd.s32 $0xFFFFFEF7, lr;
	s5 =	simm.s32 $0xFFFFFFFF;
	p2 =	slt.u32 s8, $0xFFFFF086  }
0x1c: {  	p1 =	slt.u32 s9, $0xF7A;
	s5 =	simm.s32 @!p2 $0x0  }
0x1d: {  	s5 =	simm.s32 @p1 $0x1;
	p0 =	seq.s32 s7, s2  }
0x1e: {  	s7 =	smul.u32 @!p0 $0xF7A, s2;
	p2 =	seq.s32 @!p0 s5, $0x0  }
0x1f: {  	s9 =	smul.u32 $0xF7A, s1;
	s8 =	simm.s32 @!p0 $0x1BF5;
	p2 =	por !p2, p0  }
0x20: {  	[sflag:s8] =	ssyncset.s32 @!p0 $0xFFFFF086;
	s6 =	sadd.s32 @!p0 s3, s7;
	s7 =	simm.s32 @!p0 $0x108  }
0x21: {  	s3 =	sadd.s32 s3, s9;
	s6 =	sadd.s32 @!p0 $0x88, s6;
	s7 =	simm.s32 @p2 $0x1082  }
0x22: {  	[simem:s7], [sflag:s8] =	dma.local @!p0 [hbm:s6], $0xF7A  }
0x23: {  	s9 =	sor.u32 $0xD0000000, s2;
	s6 =	simm.s32 $0x108;
	_ =	swait.ge @!p0 [sflag:s8], $0x0  }
0x24: {  	s3 =	sadd.s32 $0x88, s3;
	s6 =	simm.s32 @!p1 $0x1082;
	[sflag:s4] =	ssyncset.s32 $0xFFFFF086  }
0x25: {  	[simem:s6], [sflag:s4] =	dma.local [hbm:s3], $0xF7A  }
0x26: {  	[smem:$0x3F9F] =	sst s1;
	(tag) =	ssettag s2;
	_ =	strace s9  }
0x27: {  	s1 =	sld [smem:$0x3FAF]  }
0x28: {  	s2 =	sld [smem:$0x3FB0]  }
0x29: {  	s4 =	sld [smem:$0x3FB2]  }
0x2a: {  	p0 =	seq.s32 s5, $0x0;
	s5 =	sld [smem:$0x3FB3]  }
0x2b: {  	s6 =	sld [smem:$0x3FB4]  }
0x2c: {  	s7 =	sld [smem:$0x3FB5]  }
0x2d: {  	s3 =	simm.s32 $0x108;
	s8 =	sld [smem:$0x3FB6]  }
0x2e: {  	s3 =	simm.s32 @!p0 $0x1082;
	s9 =	sld [smem:$0x3FB7]  }
0x2f: {  	lr =	sadd.s32 s0, s3;
	s0 =	sld [smem:$0x3FAE]  }
0x30: {  	s3 =	sld [smem:$0x3FB1]  }
0x31: {  	[smem:$0x3FBA] =	sst s10  }
0x32: {  	s10 =	sld [smem:$0x3FB8];
	_ =	sdelay $0x3  }
0x33: {  	p0 =	seq.s32 s10, $0x1;
	s10 =	sld [smem:$0x3FBA];
	_ =	sdelay $0x3  }
0x34: {  	[smem:$0x3FBA] =	sst s10  }
0x35: {  	s10 =	sld [smem:$0x3FB9];
	_ =	sdelay $0x3  }
0x36: {  	p1 =	seq.s32 s10, $0x1;
	s10 =	sld [smem:$0x3FBA];
	_ =	sdelay $0x3  }
0x37: {  	[smem:$0x3FBA] =	sst s10  }
0x38: {  	s10 =	sld [smem:$0x3FBB]  }
0x39: {  	_ = 	snop;
	(pc) =	sbr.ind lr, $3  }
0x3a: {  	_ = 	snop  }
0x3b: {  	_ = 	snop  }
0x3c: {  	p2 =	seq.s32 s10, $0x1;
	s10 =	sld [smem:$0x3FBA]  }
0x3d: {  	_ =	shalt  }
0x3e: {  	_ =	shalt  }
0x3f: {  	_ =	shalt  }
0x40: {  	_ =	shalt  }
0x41: {  	_ =	shalt  }
0x42: {  	_ =	shalt  }
0x43: {  	_ =	shalt  }
0x44: {  	_ =	shalt  }
0x45: {  	_ =	shalt  }
0x46: {  	_ =	shalt  }
0x47: {  	_ =	shalt  }
0x48: {  	_ =	shalt  }
0x49: {  	_ =	shalt  }
0x4a: {  	_ =	shalt  }
0x4b: {  	_ =	shalt  }
0x4c: {  	_ =	shalt  }
0x4d: {  	_ =	shalt  }
0x4e: {  	_ =	shalt  }
0x4f: {  	_ =	shalt  }
0x50: {  	_ =	shalt  }
0x51: {  	_ =	shalt  }
0x52: {  	_ =	shalt  }
0x53: {  	_ =	shalt  }
0x54: {  	_ =	shalt  }
0x55: {  	_ =	shalt  }
0x56: {  	_ =	shalt  }
0x57: {  	_ =	shalt  }
0x58: {  	_ =	shalt  }
0x59: {  	_ =	shalt  }
0x5a: {  	_ =	shalt  }
0x5b: {  	_ =	shalt  }
0x5c: {  	_ =	shalt  }
0x5d: {  	_ =	shalt  }
0x5e: {  	_ =	shalt  }
0x5f: {  	_ =	shalt  }
0x60: {  	_ =	shalt  }
0x61: {  	_ =	shalt  }
0x62: {  	_ =	shalt  }
0x63: {  	_ =	shalt  }
0x64: {  	_ =	shalt  }
0x65: {  	_ =	shalt  }
0x66: {  	_ =	shalt  }
0x67: {  	_ =	shalt  }
0x68: {  	_ =	shalt  }
0x69: {  	_ =	shalt  }
0x6a: {  	_ =	shalt  }
0x6b: {  	_ =	shalt  }
0x6c: {  	_ =	shalt  }
0x6d: {  	_ =	shalt  }
0x6e: {  	_ =	shalt  }
0x6f: {  	_ =	shalt  }
0x70: {  	_ =	shalt  }
0x71: {  	_ =	shalt  }
0x72: {  	_ =	shalt  }
0x73: {  	_ =	shalt  }
0x74: {  	_ =	shalt  }
0x75: {  	_ =	shalt  }
0x76: {  	_ =	shalt  }
0x77: {  	_ =	shalt  }
0x78: {  	_ =	shalt  }
0x79: {  	_ =	shalt  }
0x7a: {  	_ =	shalt  }
0x7b: {  	_ =	shalt  }
0x7c: {  	_ =	shalt  }
0x7d: {  	_ =	shalt  }
0x7e: {  	_ =	shalt  }
0x7f: {  	_ =	shalt  }
0x80: {  	_ =	shalt  }
0x81: {  	_ =	shalt  }
0x82: {  	_ =	shalt  }
0x83: {  	_ =	shalt  }
0x84: {  	_ =	shalt  }
0x85: {  	_ =	shalt  }
0x86: {  	_ =	shalt  }
0x87: {  	_ =	shalt  }
.Lfunc_end0:
.L_simem_size_0:
called_computation_lowered:
.L_overlay_start_0:
0x88: {  	s2 =	sld [smem:$0x3FD9]  }
0x89: {  	s3 =	sld [smem:$0x3FFE];
	_ =	sdelay $0x1  }
0x8a: {  	s1 =	srdreg.scid  }
0x8b: {  	s0 =	sand.u32 $0x1, s1  }
0x8c: {  	s17 =	sshll.u32 s0, $0xA;
	s2 =	sadd.s32 s3, s2  }
0x8d: {  	s2 =	sadd.s32 s2, s17  }
0x8e: {  	[smem:$0x3FC6] =	sst s2  }
0x8f: {  	_ = 	snop  }
0x90: {  	s2 =	sld [smem:$0x3FD0];
	(tm) =	ssettm $0x1  }
0x91: {  	s18 =	sld [smem:$0x3FFB];
	_ =	sdelay $0x3  }
0x92: {  	_ =	strace s18  }
0x93: {  	s3 =	sld [smem:$0x3FFC];
	_ =	sdelay $0x3  }
0x94: {  	_ =	strace s3  }
0x95: {  	s3 =	sld [smem:$0x3FFD];
	_ =	sdelay $0x3  }
0x96: {  	_ =	strace s3  }
0x97: {  	_ =	strace $0x8FFFFFFF  }
0x98: {  	s19 =	sld [smem:$0x3FDB];
	_ =	sdelay $0x1  }
0x99: {  	s4 =	simm.s32 $_scs_section_size  }
0x9a: {  	s5 =	simm.s32 $_size__tile_overlayer_lowered;
	s6 =	simm.s32 $_tile_overlayer_lowered  }
0x9b: {  	s22 =	simm.s32 $0x1BFF;
	s21 =	sshll.u32 s6, $0x1;
	s3 =	sadd.s32 s4, s19  }
0x9c: {  	s7 =	simm.s32 $0x0;
	s20 =	sshll.u32 s5, $0x1;
	s5 =	sadd.s32 s21, s3  }
0x9d: {  	[timem:s7], [sflag:s22] =	dma.local [hbm:s5], s20  }
0x9e: {  	_ =	swait.ge [sflag:s22], s20  }
0x9f: {  	s4 =	ssub.s32 $0x0, s20;
	[sflag:s22] =	ssyncset.done $0x0  }
0xa0: {  	[sflag:s22] =	ssyncadd.s32 s4;
	_ =	sdelay $0x1  }
0xa1: {  	s23 =	simm.s32 $0x1B8B  }
0xa2: {  	_ =	swait.ge [sflag:s23], $0x1  }
0xa3: {  	[sflag:s23] =	ssyncset.done $0x0  }
0xa4: {  	s25 =	simm.s32 $0x1B8E;
	s24 =	sld [smem:$0x3FFE];
	[sflag:s23] =	ssyncadd.s32 $0xFFFFFFFF  }
0xa5: {  	s26 =	simm.s32 $execute0_lowered;
	[smem:$0x3FD2] =	sst s25  }
0xa6: {  	s5 =	sshll.u32 s26, $0x1;
	_ =	strace $0x80000046;
	[dreg:$0x1] =	wrdreg $0xFFFFFFFF  }
0xa7: {  	s28 =	simm.s32 $_size_execute0_lowered;
	s3 =	sadd.s32 s3, s5;
	[dreg:$0x0] =	wrdreg $0x0  }
0xa8: {  	s5 =	sshll.u32 s28, $0x1;
	[dreg:$0x2] =	wrdreg s3  }
0xa9: {  	[dreg:$0x3] =	wrdreg s5  }
0xaa: {  	[dreg:$0x4] =	wrdreg $0xC0  }
0xab: {  	_ =	task [dreg:s7], $0x5FFFF  }
0xac: {  	[dreg:$0x1] =	wrdreg $0xFFFFFFFF  }
0xad: {  	[dreg:$0x0] =	wrdreg $0x60  }
0xae: {  	[dreg:$0x2] =	wrdreg s24  }
0xaf: {  	[dreg:$0x3] =	wrdreg s2  }
0xb0: {  	[dreg:$0x4] =	wrdreg $0x9  }
0xb1: {  	_ =	task.clear_ibuf [dreg:s7], $0x5FFFF;
	_ =	strace $0x90000046  }
0xb2: {  	s29 =	simm.s32 $0x9;
	_ =	strace $0x80000048  }
0xb3: {  	_ =	swait.ge [sflag:s29], $0x1  }
0xb4: {  	[sflag:s29] =	ssyncadd.s32 $0xFFFFFFFF  }
0xb5: {  	_ =	strace $0x90000048  }
0xb6: {  	_ =	sfence  }
0xb7: {  	s30 =	sld [smem:$0x0];
	_ =	sdelay $0x2  }
0xb8: {  	s31 =	sshll.u32 s1, $0xD;
	s1 =	sshrl.u32 s1, $0x2  }
0xb9: {  	s3 =	sand.u32 $0x4000, s31;
	s1 =	sadd.s32 s1, s30  }
0xba: {  	s0 =	sor.u32 s3, s0;
	s1 =	sshll.u32 s1, $0x11  }
0xbb: {  	s0 =	sor.u32 s1, s0  }
0xbc: {  	s0 =	sadd.s32 $0x8F2B, s0  }
0xbd: {  	[sflag:s0] =	ssyncadd.remote.s32 $0x1  }
0xbe: {  	_ =	sfence.sel $0xFFFF  }
0xbf: {  	[dreg:$0x0] =	wrdreg $0xFFFFFFFF;
	(pc) =	sbr.abs _section_cstart, $3  }
0xc0: {  	[dreg:$0x1] =	wrdreg $0xFFFFFFFF  }
0xc1: {  	_ =	task.clear_ibuf [dreg:s7], $0x2FFFF;
	_ =	strace $0x9FFFFFFF  }
0xc2: {  	(tm) =	ssettm $0x7FFFFFFF  }
0xc3: {  	_ =	shalt  }
tec
execute0_lowered:
.L_overlay_start_1:
0x0: {  	(tag) =	ssettag $0x1  }
0x1: {  	s2 =	rddreg [dreg:$0x0]  }
0x2: {  	s6 =	rddreg [dreg:$0x1]  }
0x3: {  	s0 =	rddreg [dreg:$0x2];
	s1 =	stileid.u32  }
0x4: {  	s5 =	srdreg.scid;
	s4 =	smul.u32 $0x54000, s1  }
0x5: {  	s3 =	simm.s32 $0x0;
	s5 =	sand.u32 $0x1, s5;
	s7 =	smul.u32 $0x5400, s1  }
0x6: {  	[smem:$0x7FF] =	sst s3;
	s8 =	ssub.s32 $0x2, s5;
	s9 =	smul.u32 $0x2A00, s5  }
0x7: {  	_ =	strace $0x80000047;
	s5 =	smul.u32 $0x2A000, s5;
	s10 =	sshrl.u32 s8, $0x1  }
0x8: {  	s11 =	sadd.s32 s4, s2;
	s31 =	ssub.s32 s8, s10;
	s7 =	sadd.s32 s9, s7  }
0x9: {  	s5 =	sadd.s32 s5, s11;
	s8 =	simm.s32 $0x200;
	s9 =	simm.s32 $0x1  }
0xa: {  	s10 =	simm.s32 $0x0;
	s4 =	smax.u32 s31, $0x1;
	s7 =	sshrl.u32 s7, $0x3  }
0xb: {  	s5 =	sadd.s32 $0x31600, s5;
	s6 =	sadd.s32 s7, s6;
	s7 =	simm.s32 $0x2  }
.LBB2_1:
0xc: {  	s11 =	sadd.s32 $0x0, s6  }
0xd: {  	[tilespmem:s3], [sflag:$0x2] =	stream.linear.gather [hbm4b:s11+s3], $0x200, $0x38;
	[tilespmem:$0x10200] =	vst v63  }
0xe: {  	_ =	swait.ge [sflag:s7], $0x200  }
0xf: {  	[sflag:s7] =	ssyncset.done $0x0  }
0x10: {  	[sflag:s7] =	ssyncadd.s32 $0xFFFFFE00  }
0x11: {  	[tilespmem:s8], [sflag:$0x1] =	stream.indirect.gather [hbm4b:s2+s8], $0x80, s3, s8, $0xb8;
	[tilespmem:$0x10200] =	vst v63  }
0x12: {  	_ =	swait.ge [sflag:s9], $0x10000  }
0x13: {  	[sflag:s9] =	ssyncset.done $0x0  }
0x14: {  	[sflag:s9] =	ssyncadd.s32 $0xFFFF0000  }
0x15: {  	[hbm4b:s5+s3] =	stream.linear.scatter [tilespmem:s8], [sflag:$0x2], $0x10000, $0x38;
	[tilespmem:$0x10200] =	vst v63  }
0x16: {  	s12 =	simm.s32 $0x40;
	_ =	swait.ge [sflag:s7], $0x10000  }
0x17: {  	s13 =	simm.s32 $0x80;
	s11 =	sadd.s32 $0x2000, s5;
	[sflag:s7] =	ssyncset.done $0x0  }
.LBB2_2:
0x18: {  	s14 =	sadd.s32 s12, s6  }
0x19: {  	[sflag:s7] =	ssyncadd.s32 $0xFFFF0000;
	s12 =	smov.u32 s13;
	s15 =	sadd.s32 $0x40, s13  }
0x1a: {  	[tilespmem:s3], [sflag:$0x2] =	stream.linear.gather [hbm4b:s14+s3], $0x200, $0x38;
	[tilespmem:$0x10200] =	vst v63  }
0x1b: {  	p0 =	sne.s32 s13, $0x500;
	_ =	swait.ge [sflag:s7], $0x200  }
0x1c: {  	[sflag:s7] =	ssyncset.done $0x0  }
0x1d: {  	[sflag:s7] =	ssyncadd.s32 $0xFFFFFE00  }
0x1e: {  	[tilespmem:s8], [sflag:$0x1] =	stream.indirect.gather [hbm4b:s2+s8], $0x80, s3, s8, $0xb8;
	[tilespmem:$0x10200] =	vst v63  }
0x1f: {  	_ =	swait.ge [sflag:s9], $0x10000  }
.Ltmp0:
0x20: {  	[sflag:s9] =	ssyncset.done $0x0;
	(pc) =	sbr.rel @p0 .LBB2_2-.Ltmp0, $4  }
0x21: {  	[sflag:s9] =	ssyncadd.s32 $0xFFFF0000  }
0x22: {  	[hbm4b:s11+s3] =	stream.linear.scatter [tilespmem:s8], [sflag:$0x2], $0x10000, $0x38;
	[tilespmem:$0x10200] =	vst v63  }
0x23: {  	_ =	swait.ge [sflag:s7], $0x10000  }
0x24: {  	s13 =	smov.u32 s15;
	s11 =	sadd.s32 $0x2000, s11;
	[sflag:s7] =	ssyncset.done $0x0  }
0x25: {  	s12 =	sadd.s32 s12, s6;
	[sflag:s7] =	ssyncadd.s32 $0xFFFF0000  }
0x26: {  	[tilespmem:s3], [sflag:$0x2] =	stream.linear.gather [hbm4b:s12+s3], $0x200, $0x38;
	[tilespmem:$0x10200] =	vst v63  }
0x27: {  	_ =	swait.ge [sflag:s7], $0x200  }
0x28: {  	[sflag:s7] =	ssyncset.done $0x0  }
0x29: {  	[sflag:s7] =	ssyncadd.s32 $0xFFFFFE00  }
0x2a: {  	[tilespmem:s8], [sflag:$0x1] =	stream.indirect.gather [hbm4b:s2+s8], $0x80, s3, s8, $0xb8;
	[tilespmem:$0x10200] =	vst v63  }
0x2b: {  	s10 =	sadd.s32 $0x1, s10;
	_ =	swait.ge [sflag:s9], $0x10000  }
0x2c: {  	p0 =	sne.s32 s10, s4;
	[sflag:s9] =	ssyncset.done $0x0  }
.Ltmp1:
0x2d: {  	[sflag:s9] =	ssyncadd.s32 $0xFFFF0000;
	(pc) =	sbr.rel @p0 .LBB2_1-.Ltmp1, $4  }
0x2e: {  	[hbm4b:s11+s3] =	stream.linear.scatter [tilespmem:s8], [sflag:$0x2], $0x10000, $0x38;
	[tilespmem:$0x10200] =	vst v63  }
0x2f: {  	_ =	swait.ge [sflag:s7], $0x10000  }
0x30: {  	[sflag:s7] =	ssyncset.done $0x0  }
0x31: {  	[sflag:s7] =	ssyncadd.s32 $0xFFFF0000  }
0x32: {  	_ =	sfence.sel $0x180000  }
0x33: {  	[bflag:$0x0] =	sbarrier.arrive $0xFFFF  }
0x34: {  	p0 =	sne.s32 s1, $0x0;
	_ =	strace $0x90000047  }
0x35: {  	s0 =	sadd.s32 @!p0 $0x100000, s0;
	[bflag:$0x2] =	sbarrier.arrive $0xFFFF  }
0x36: {  	[sflag:s0] =	ssyncadd.tile.s32 @!p0 $0x1;
	_ =	shalt  }
.Lfunc_end2:
_tile_overlayer_lowered:
.L_overlay_start_2:
0x37: {  	(tag) =	ssettag $0x2  }
0x38: {  	s0 =	rddreg [dreg:$0x0];
	s2 =	stileid.u32  }
0x39: {  	s1 =	rddreg [dreg:$0x1];
	p0 =	sne.s32 s2, $0x0  }
0x3a: {  	s3 =	rddreg [dreg:$0x2];
	[bflag:$0x3] =	sbarrier.arrive $0xFFFF;
	s2 =	simm.s32 @!p0 $0x1C02  }
0x3b: {  	[timem:s3], [sflag:s2] =	dma.local @!p0 [hbm:s0], s1  }
0x3c: {  	s0 =	simm.s32 @!p0 $0x2  }
0x3d: {  	_ =	swait.ge @!p0 [sflag:s0], s1  }
0x3e: {  	s1 =	ssub.s32 @!p0 $0x0, s1;
	[sflag:s0] =	ssyncset.done @!p0 $0x0  }
0x3f: {  	[sflag:s0] =	ssyncadd.s32 @!p0 s1  }
0x40: {  	[bflag:$0x3] =	sbarrier.arrive $0xFFFF  }
0x41: {  	_ =	shalt  }

</sc_bundles>
